<compile_context>
chip_gen: v7x
topology: tpu7x:2x2x1
jax: 0.10.2.dev20260603
libtpu: 0.0.44.dev20260713+nightly
codegen_flags: <defaults>
</compile_context>

<pallas_src>
import functools

import jax
import jax.numpy as jnp
from jax import lax
from jax.experimental import pallas as pl
from jax.experimental.pallas import tpu as pltpu
from jax.experimental.pallas import tpu_sc as plsc

_B = 16384
_K = 8192
_D = 32
_TBL = 256
_RC = 32
_NC = _K // _RC
_NCH = _NC // 2


def _codes_body(z2_ref, e2_ref, zbt_ref, cb2_ref, codes_ref):
    z2v = z2_ref[...]
    zbt = zbt_ref[...]
    iota_r = lax.broadcasted_iota(jnp.int32, (_RC, _TBL), 0)

    def chunk_dot(c):
        cb_c = cb2_ref[pl.ds(c * _RC, _RC), :]
        return lax.dot_general(cb_c, zbt, (((1,), (0,)), ((), ())),
                               preferred_element_type=jnp.float32)

    def chunk_dist(c, ze2c):
        e2c = e2_ref[pl.ds(c * _RC, _RC), :]
        return (z2v + e2c) - ze2c

    def window(c_lo):
        def upd(c, v, M, C):
            msk = v < M
            return jnp.where(msk, v, M), jnp.where(msk, c, C)

        M = jnp.full((_RC, _TBL), jnp.inf, jnp.float32)
        C = jnp.zeros((_RC, _TBL), jnp.int32)
        for i in range(_NCH):
            c = c_lo + i
            M, C = upd(c, chunk_dist(c, chunk_dot(c)), M, C)

        Kg = _RC * C + iota_r
        rc = _RC
        while rc > 1:
            h = rc // 2
            Ma, Mb, Ka, Kb = M[:h], M[h:rc], Kg[:h], Kg[h:rc]
            t = (Ma < Mb) | ((Ma == Mb) & (Ka < Kb))
            M = jnp.where(t, Ma, Mb)
            Kg = jnp.where(t, Ka, Kb)
            rc = h
        return M, Kg

    m0, k0 = window(0)
    m1, k1 = window(_NCH)
    a = m0.astype(jnp.bfloat16).astype(jnp.float32)
    codes_ref[...] = jnp.where(a <= m1, k0, k1).reshape(_TBL)


def _compute_codes(z2r, e2c, zbt, cb2):
    return pl.pallas_call(
        _codes_body,
        grid=(_B // _TBL,),
        in_specs=[
            pl.BlockSpec((1, _TBL), lambda i: (0, i)),
            pl.BlockSpec((_K, 1), lambda i: (0, 0)),
            pl.BlockSpec((_D, _TBL), lambda i: (0, i)),
            pl.BlockSpec((_K, _D), lambda i: (0, 0)),
        ],
        out_specs=pl.BlockSpec((_TBL,), lambda i: (i,)),
        out_shape=jax.ShapeDtypeStruct((_B,), jnp.int32),
    )(z2r, e2c, zbt, cb2)


_NW = 32
_BPW = _B // _NW
_CH = 128


def _gather_body(table_hbm, idx_hbm, out_hbm, idx_v, rows_v, sem):
    wid = lax.axis_index("s") * 2 + lax.axis_index("c")
    base = wid * _BPW
    pltpu.sync_copy(idx_hbm.at[pl.ds(base, _BPW)], idx_v)
    copies = [
        pltpu.async_copy(
            table_hbm.at[idx_v.at[pl.ds(j * _CH, _CH)]],
            rows_v.at[pl.ds(j * _CH, _CH)],
            sem,
        )
        for j in range(_BPW // _CH)
    ]
    for c in copies:
        c.wait()
    pltpu.sync_copy(rows_v, out_hbm.at[pl.ds(base, _BPW)])


@functools.cache
def _gather_rows():
    return pl.kernel(
        _gather_body,
        out_type=jax.ShapeDtypeStruct((_B, _D), jnp.float32),
        mesh=plsc.VectorSubcoreMesh(core_axis_name="c", subcore_axis_name="s"),
        scratch_types=[
            pltpu.VMEM((_BPW,), jnp.int32),
            pltpu.VMEM((_BPW, _D), jnp.float32),
            pltpu.SemaphoreType.DMA,
        ],
        compiler_params=pltpu.CompilerParams(use_tc_tiling_on_sc=False),
    )


def kernel(z_e, codebook):
    z2r = jnp.sum(z_e ** 2, axis=1)[None, :]
    e2c = jnp.sum(codebook ** 2, axis=1, keepdims=True)
    zbt = z_e.T.astype(jnp.bfloat16)
    cb2 = (2.0 * codebook).astype(jnp.bfloat16)
    codes = _compute_codes(z2r, e2c, zbt, cb2)
    z_q = _gather_rows()(codebook, codes)
    return (z_q, codes)

# --- scband reference (transcript-rebuilt; emitter-appended) ---
"""Pipeline reference for scband-vector-quantizer-74423193305695 (READ-ONLY COPY).

The authoritative reference and input builder live on the scoring server;
editing this copy changes nothing except your own understanding.
"""

import jax, jax.numpy as jnp
import numpy as np

CODEBOOK_SIZE = 8192
DIM = 32
B = 16384


def setup_inputs(seed: int = 0) -> dict:
    key = jax.random.key(seed)
    k1, k2 = jax.random.split(key)
    z_e = jax.random.normal(k1, (B, DIM), dtype=jnp.float32)
    lim = 1.0 / CODEBOOK_SIZE
    codebook = jax.random.uniform(k2, (CODEBOOK_SIZE, DIM), minval=-lim, maxval=lim, dtype=jnp.float32)
    return {"z_e": z_e, "codebook": codebook}


def reference(z_e, codebook):
    # dist(b,k) = ||z_e_b||^2 + ||e_k||^2 - 2 <z_e_b, e_k>
    z2 = jnp.sum(z_e ** 2, axis=1, keepdims=True)          # (B, 1)
    e2 = jnp.sum(codebook ** 2, axis=1)[None, :]            # (1, K)
    ze = z_e @ codebook.T                                   # (B, K)
    dist = z2 + e2 - 2.0 * ze
    codes = jnp.argmin(dist, axis=1)                        # (B,) int
    z_q = jnp.take(codebook, codes, axis=0)                 # (B, D) gather
    return (z_q, codes)

if __name__ == "__main__":
    import jax
    _d = setup_inputs()
    print(jax.jit(kernel)(*tuple(_d.values())))

</pallas_src>

<mosaic_0001>
#map = affine_map<(d0, d1) -> (0, 0)>
#map1 = affine_map<(d0, d1) -> (0)>
module attributes {stable_mosaic.version = 14 : i64} {
  func.func @_gather_body(%arg0: i32, %arg1: i32, %arg2: memref<8192x32xf32, #tpu.memory_space<hbm>>, %arg3: memref<16384xi32, #tpu.memory_space<hbm>>, %arg4: memref<16384x32xf32, #tpu.memory_space<hbm>>, %arg5: memref<512xi32, #tpu.memory_space<vmem>>, %arg6: memref<512x32xf32, #tpu.memory_space<vmem>>, %arg7: memref<!tpu.dma_semaphore, #tpu.memory_space<semaphore_mem>>) attributes {dimension_semantics = [#tpu.dimension_semantics<core_parallel>, #tpu.dimension_semantics<subcore_parallel>], iteration_bounds = array<i64: 2, 16>, scalar_prefetch = 0 : i64, scratch_operands = 3 : i64, tpu.core_type = #tpu.core_type<sc_vector_subcore>, window_params = [{transform_indices = #map}, {transform_indices = #map1}, {transform_indices = #map}]} {
    %mul3A = arith.constant 2 : i32
    %mul3A_0 = arith.muli %arg1, %mul3A : i32
    %add3A = arith.addi %mul3A_0, %arg0 : i32
    %mul3A_1 = arith.constant 512 : i32
    %mul3A_2 = arith.muli %add3A, %mul3A_1 : i32
    "tpu.region"() ({
      %run_scoped3A = tpu.sem_alloc : memref<!tpu.dma_semaphore, #tpu.memory_space<semaphore_mem>>
      %dma_start3A_65 = tpu.memref_slice %arg3[%mul3A_2] : memref<16384xi32, #tpu.memory_space<hbm>> -> memref<512xi32, #tpu.memory_space<hbm>>
      %dma_start3A_66 = tpu.memref_slice %arg3[%mul3A_2] : memref<16384xi32, #tpu.memory_space<hbm>> -> memref<512xi32, #tpu.memory_space<hbm>>
      tpu.enqueue_dma source(%dma_start3A_66 : memref<512xi32, #tpu.memory_space<hbm>>) target(%arg5 : memref<512xi32, #tpu.memory_space<vmem>>) target_semaphore(%run_scoped3A : memref<!tpu.dma_semaphore, #tpu.memory_space<semaphore_mem>>)
      %dma_wait3A_67 = tpu.memref_slice %arg3[%mul3A_2] : memref<16384xi32, #tpu.memory_space<hbm>> -> memref<512xi32, #tpu.memory_space<hbm>>
      %dma_wait3A_68 = tpu.memref_slice %arg3[%mul3A_2] : memref<16384xi32, #tpu.memory_space<hbm>> -> memref<512xi32, #tpu.memory_space<hbm>>
      tpu.wait_dma2 semaphore(%run_scoped3A : memref<!tpu.dma_semaphore, #tpu.memory_space<semaphore_mem>>) src(%dma_wait3A_68 : memref<512xi32, #tpu.memory_space<hbm>>) dst(%arg5 : memref<512xi32, #tpu.memory_space<vmem>>)
      tpu.yield
    }) : () -> ()
    %dma_start3A = arith.constant 0 : i32
    %dma_start3A_3 = arith.constant 0 : i32
    %dma_start3A_4 = tpu.memref_slice %arg6[%dma_start3A, %dma_start3A_3] : memref<512x32xf32, #tpu.memory_space<vmem>> -> memref<128x32xf32, #tpu.memory_space<vmem>>
    %dma_start3A_5 = arith.constant 0 : i32
    %dma_start3A_6 = tpu.memref_slice %arg5[%dma_start3A_5] : memref<512xi32, #tpu.memory_space<vmem>> -> memref<128xi32, #tpu.memory_space<vmem>>
    %dma_start3A_7 = arith.constant 0 : i32
    %dma_start3A_8 = arith.constant 0 : i32
    %dma_start3A_9 = tpu.memref_slice %arg2[%dma_start3A_7, %dma_start3A_8] : memref<8192x32xf32, #tpu.memory_space<hbm>> -> memref<8192x32xf32, #tpu.memory_space<hbm>>
    tpu.enqueue_indirect_dma source(%dma_start3A_9 : memref<8192x32xf32, #tpu.memory_space<hbm>>) target(%dma_start3A_4 : memref<128x32xf32, #tpu.memory_space<vmem>>) offsets(%dma_start3A_6 : memref<128xi32, #tpu.memory_space<vmem>>) semaphore(%arg7 : memref<!tpu.dma_semaphore, #tpu.memory_space<semaphore_mem>>)
    %dma_start3A_10 = arith.constant 128 : i32
    %dma_start3A_11 = arith.constant 0 : i32
    %dma_start3A_12 = tpu.memref_slice %arg6[%dma_start3A_10, %dma_start3A_11] : memref<512x32xf32, #tpu.memory_space<vmem>> -> memref<128x32xf32, #tpu.memory_space<vmem>>
    %dma_start3A_13 = arith.constant 128 : i32
    %dma_start3A_14 = tpu.memref_slice %arg5[%dma_start3A_13] : memref<512xi32, #tpu.memory_space<vmem>> -> memref<128xi32, #tpu.memory_space<vmem>>
    %dma_start3A_15 = arith.constant 0 : i32
    %dma_start3A_16 = arith.constant 0 : i32
    %dma_start3A_17 = tpu.memref_slice %arg2[%dma_start3A_15, %dma_start3A_16] : memref<8192x32xf32, #tpu.memory_space<hbm>> -> memref<8192x32xf32, #tpu.memory_space<hbm>>
    tpu.enqueue_indirect_dma source(%dma_start3A_17 : memref<8192x32xf32, #tpu.memory_space<hbm>>) target(%dma_start3A_12 : memref<128x32xf32, #tpu.memory_space<vmem>>) offsets(%dma_start3A_14 : memref<128xi32, #tpu.memory_space<vmem>>) semaphore(%arg7 : memref<!tpu.dma_semaphore, #tpu.memory_space<semaphore_mem>>)
    %dma_start3A_18 = arith.constant 256 : i32
    %dma_start3A_19 = arith.constant 0 : i32
    %dma_start3A_20 = tpu.memref_slice %arg6[%dma_start3A_18, %dma_start3A_19] : memref<512x32xf32, #tpu.memory_space<vmem>> -> memref<128x32xf32, #tpu.memory_space<vmem>>
    %dma_start3A_21 = arith.constant 256 : i32
    %dma_start3A_22 = tpu.memref_slice %arg5[%dma_start3A_21] : memref<512xi32, #tpu.memory_space<vmem>> -> memref<128xi32, #tpu.memory_space<vmem>>
    %dma_start3A_23 = arith.constant 0 : i32
    %dma_start3A_24 = arith.constant 0 : i32
    %dma_start3A_25 = tpu.memref_slice %arg2[%dma_start3A_23, %dma_start3A_24] : memref<8192x32xf32, #tpu.memory_space<hbm>> -> memref<8192x32xf32, #tpu.memory_space<hbm>>
    tpu.enqueue_indirect_dma source(%dma_start3A_25 : memref<8192x32xf32, #tpu.memory_space<hbm>>) target(%dma_start3A_20 : memref<128x32xf32, #tpu.memory_space<vmem>>) offsets(%dma_start3A_22 : memref<128xi32, #tpu.memory_space<vmem>>) semaphore(%arg7 : memref<!tpu.dma_semaphore, #tpu.memory_space<semaphore_mem>>)
    %dma_start3A_26 = arith.constant 384 : i32
    %dma_start3A_27 = arith.constant 0 : i32
    %dma_start3A_28 = tpu.memref_slice %arg6[%dma_start3A_26, %dma_start3A_27] : memref<512x32xf32, #tpu.memory_space<vmem>> -> memref<128x32xf32, #tpu.memory_space<vmem>>
    %dma_start3A_29 = arith.constant 384 : i32
    %dma_start3A_30 = tpu.memref_slice %arg5[%dma_start3A_29] : memref<512xi32, #tpu.memory_space<vmem>> -> memref<128xi32, #tpu.memory_space<vmem>>
    %dma_start3A_31 = arith.constant 0 : i32
    %dma_start3A_32 = arith.constant 0 : i32
    %dma_start3A_33 = tpu.memref_slice %arg2[%dma_start3A_31, %dma_start3A_32] : memref<8192x32xf32, #tpu.memory_space<hbm>> -> memref<8192x32xf32, #tpu.memory_space<hbm>>
    tpu.enqueue_indirect_dma source(%dma_start3A_33 : memref<8192x32xf32, #tpu.memory_space<hbm>>) target(%dma_start3A_28 : memref<128x32xf32, #tpu.memory_space<vmem>>) offsets(%dma_start3A_30 : memref<128xi32, #tpu.memory_space<vmem>>) semaphore(%arg7 : memref<!tpu.dma_semaphore, #tpu.memory_space<semaphore_mem>>)
    %dma_wait3A = arith.constant 0 : i32
    %dma_wait3A_34 = arith.constant 0 : i32
    %dma_wait3A_35 = tpu.memref_slice %arg6[%dma_wait3A, %dma_wait3A_34] : memref<512x32xf32, #tpu.memory_space<vmem>> -> memref<128x32xf32, #tpu.memory_space<vmem>>
    %dma_wait3A_36 = arith.constant 0 : i32
    %dma_wait3A_37 = tpu.memref_slice %arg5[%dma_wait3A_36] : memref<512xi32, #tpu.memory_space<vmem>> -> memref<128xi32, #tpu.memory_space<vmem>>
    %dma_wait3A_38 = arith.constant 0 : i32
    %dma_wait3A_39 = arith.constant 0 : i32
    %dma_wait3A_40 = tpu.memref_slice %arg2[%dma_wait3A_38, %dma_wait3A_39] : memref<8192x32xf32, #tpu.memory_space<hbm>> -> memref<8192x32xf32, #tpu.memory_space<hbm>>
    tpu.wait_indirect_dma semaphore(%arg7 : memref<!tpu.dma_semaphore, #tpu.memory_space<semaphore_mem>>) src(%dma_wait3A_40 : memref<8192x32xf32, #tpu.memory_space<hbm>>) dst(%dma_wait3A_35 : memref<128x32xf32, #tpu.memory_space<vmem>>)
    %dma_wait3A_41 = arith.constant 128 : i32
    %dma_wait3A_42 = arith.constant 0 : i32
    %dma_wait3A_43 = tpu.memref_slice %arg6[%dma_wait3A_41, %dma_wait3A_42] : memref<512x32xf32, #tpu.memory_space<vmem>> -> memref<128x32xf32, #tpu.memory_space<vmem>>
    %dma_wait3A_44 = arith.constant 128 : i32
    %dma_wait3A_45 = tpu.memref_slice %arg5[%dma_wait3A_44] : memref<512xi32, #tpu.memory_space<vmem>> -> memref<128xi32, #tpu.memory_space<vmem>>
    %dma_wait3A_46 = arith.constant 0 : i32
    %dma_wait3A_47 = arith.constant 0 : i32
    %dma_wait3A_48 = tpu.memref_slice %arg2[%dma_wait3A_46, %dma_wait3A_47] : memref<8192x32xf32, #tpu.memory_space<hbm>> -> memref<8192x32xf32, #tpu.memory_space<hbm>>
    tpu.wait_indirect_dma semaphore(%arg7 : memref<!tpu.dma_semaphore, #tpu.memory_space<semaphore_mem>>) src(%dma_wait3A_48 : memref<8192x32xf32, #tpu.memory_space<hbm>>) dst(%dma_wait3A_43 : memref<128x32xf32, #tpu.memory_space<vmem>>)
    %dma_wait3A_49 = arith.constant 256 : i32
    %dma_wait3A_50 = arith.constant 0 : i32
    %dma_wait3A_51 = tpu.memref_slice %arg6[%dma_wait3A_49, %dma_wait3A_50] : memref<512x32xf32, #tpu.memory_space<vmem>> -> memref<128x32xf32, #tpu.memory_space<vmem>>
    %dma_wait3A_52 = arith.constant 256 : i32
    %dma_wait3A_53 = tpu.memref_slice %arg5[%dma_wait3A_52] : memref<512xi32, #tpu.memory_space<vmem>> -> memref<128xi32, #tpu.memory_space<vmem>>
    %dma_wait3A_54 = arith.constant 0 : i32
    %dma_wait3A_55 = arith.constant 0 : i32
    %dma_wait3A_56 = tpu.memref_slice %arg2[%dma_wait3A_54, %dma_wait3A_55] : memref<8192x32xf32, #tpu.memory_space<hbm>> -> memref<8192x32xf32, #tpu.memory_space<hbm>>
    tpu.wait_indirect_dma semaphore(%arg7 : memref<!tpu.dma_semaphore, #tpu.memory_space<semaphore_mem>>) src(%dma_wait3A_56 : memref<8192x32xf32, #tpu.memory_space<hbm>>) dst(%dma_wait3A_51 : memref<128x32xf32, #tpu.memory_space<vmem>>)
    %dma_wait3A_57 = arith.constant 384 : i32
    %dma_wait3A_58 = arith.constant 0 : i32
    %dma_wait3A_59 = tpu.memref_slice %arg6[%dma_wait3A_57, %dma_wait3A_58] : memref<512x32xf32, #tpu.memory_space<vmem>> -> memref<128x32xf32, #tpu.memory_space<vmem>>
    %dma_wait3A_60 = arith.constant 384 : i32
    %dma_wait3A_61 = tpu.memref_slice %arg5[%dma_wait3A_60] : memref<512xi32, #tpu.memory_space<vmem>> -> memref<128xi32, #tpu.memory_space<vmem>>
    %dma_wait3A_62 = arith.constant 0 : i32
    %dma_wait3A_63 = arith.constant 0 : i32
    %dma_wait3A_64 = tpu.memref_slice %arg2[%dma_wait3A_62, %dma_wait3A_63] : memref<8192x32xf32, #tpu.memory_space<hbm>> -> memref<8192x32xf32, #tpu.memory_space<hbm>>
    tpu.wait_indirect_dma semaphore(%arg7 : memref<!tpu.dma_semaphore, #tpu.memory_space<semaphore_mem>>) src(%dma_wait3A_64 : memref<8192x32xf32, #tpu.memory_space<hbm>>) dst(%dma_wait3A_59 : memref<128x32xf32, #tpu.memory_space<vmem>>)
    "tpu.region"() ({
      %run_scoped3A = tpu.sem_alloc : memref<!tpu.dma_semaphore, #tpu.memory_space<semaphore_mem>>
      %dma_start3A_65 = arith.constant 0 : i32
      %dma_start3A_66 = tpu.memref_slice %arg4[%mul3A_2, %dma_start3A_65] : memref<16384x32xf32, #tpu.memory_space<hbm>> -> memref<512x32xf32, #tpu.memory_space<hbm>>
      %dma_start3A_67 = arith.constant 0 : i32
      %dma_start3A_68 = tpu.memref_slice %arg4[%mul3A_2, %dma_start3A_67] : memref<16384x32xf32, #tpu.memory_space<hbm>> -> memref<512x32xf32, #tpu.memory_space<hbm>>
      tpu.enqueue_dma source(%arg6 : memref<512x32xf32, #tpu.memory_space<vmem>>) target(%dma_start3A_68 : memref<512x32xf32, #tpu.memory_space<hbm>>) target_semaphore(%run_scoped3A : memref<!tpu.dma_semaphore, #tpu.memory_space<semaphore_mem>>)
      %dma_wait3A_69 = arith.constant 0 : i32
      %dma_wait3A_70 = tpu.memref_slice %arg4[%mul3A_2, %dma_wait3A_69] : memref<16384x32xf32, #tpu.memory_space<hbm>> -> memref<512x32xf32, #tpu.memory_space<hbm>>
      %dma_wait3A_71 = arith.constant 0 : i32
      %dma_wait3A_72 = tpu.memref_slice %arg4[%mul3A_2, %dma_wait3A_71] : memref<16384x32xf32, #tpu.memory_space<hbm>> -> memref<512x32xf32, #tpu.memory_space<hbm>>
      tpu.wait_dma2 semaphore(%run_scoped3A : memref<!tpu.dma_semaphore, #tpu.memory_space<semaphore_mem>>) src(%arg6 : memref<512x32xf32, #tpu.memory_space<vmem>>) dst(%dma_wait3A_72 : memref<512x32xf32, #tpu.memory_space<hbm>>)
      tpu.yield
    }) : () -> ()
    return
  }
}

module attributes {stable_mosaic.version = 14 : i64} {
  func.func @_codes_body(%arg0: i32, %arg1: memref<1x256xf32, #tpu.memory_space<vmem>>, %arg2: memref<8192x1xf32, #tpu.memory_space<vmem>>, %arg3: memref<32x256xbf16, #tpu.memory_space<vmem>>, %arg4: memref<8192x32xbf16, #tpu.memory_space<vmem>>, %arg5: memref<256xi32, #tpu.memory_space<vmem>>) attributes {dimension_semantics = [#tpu.dimension_semantics<arbitrary>], iteration_bounds = array<i64: 64>, scalar_prefetch = 0 : i64, scratch_operands = 0 : i64, tpu.core_type = #tpu.core_type<tc>, window_params = [{transform_indices = @transform_0, window_bounds = array<i64: 1, 256>}, {pipeline_mode = #tpu.pipeline_mode<synchronous>, transform_indices = @transform_1, window_bounds = array<i64: 8192, 1>}, {transform_indices = @transform_2, window_bounds = array<i64: 32, 256>}, {pipeline_mode = #tpu.pipeline_mode<synchronous>, transform_indices = @transform_3, window_bounds = array<i64: 8192, 32>}, {transform_indices = @transform_4, window_bounds = array<i64: 256>}]} {
    %get3A = arith.constant 0 : index
    %get3A_0 = arith.constant 0 : index
    %get3A_1 = vector.load %arg1[%get3A, %get3A_0] : memref<1x256xf32, #tpu.memory_space<vmem>>, vector<1x256xf32>
    %get3A_2 = arith.constant 0 : index
    %get3A_3 = arith.constant 0 : index
    %get3A_4 = vector.load %arg3[%get3A_2, %get3A_3] : memref<32x256xbf16, #tpu.memory_space<vmem>>, vector<32x256xbf16>
    %iota3A = tpu.iota {dimensions = array<i32: 0>} : vector<32x256xi32>
    %broadcast_in_dim3A = arith.constant 0x7F800000 : f32
    %broadcast_in_dim3A_5 = vector.broadcast %broadcast_in_dim3A : f32 to vector<32x256xf32>
    %broadcast_in_dim3A_6 = arith.constant 0 : i32
    %broadcast_in_dim3A_7 = vector.broadcast %broadcast_in_dim3A_6 : i32 to vector<32x256xi32>
    %get3A_8 = arith.constant 0 : index
    %get3A_9 = arith.constant 0 : index
    %get3A_10 = vector.load %arg4[%get3A_8, %get3A_9] : memref<8192x32xbf16, #tpu.memory_space<vmem>>, vector<32x32xbf16>
    %dot_general3A = arith.constant dense<0.000000e+00> : vector<32x256xf32>
    %dot_general3A_11 = tpu.matmul %get3A_10, %get3A_4, %dot_general3A {dimension_numbers = #tpu.dot_dimension_numbers<[1], [0], [0], [1], [0, 0, 1, 1], [], []>, transpose_lhs_hint = false} : vector<32x32xbf16>, vector<32x256xbf16>, vector<32x256xf32> -> vector<32x256xf32>
    %get3A_12 = arith.constant 0 : index
    %get3A_13 = arith.constant 0 : index
    %get3A_14 = vector.load %arg2[%get3A_12, %get3A_13] : memref<8192x1xf32, #tpu.memory_space<vmem>>, vector<32x1xf32>
    %add3A = vector.broadcast %get3A_1 : vector<1x256xf32> to vector<32x256xf32>
    %add3A_15 = vector.broadcast %get3A_14 : vector<32x1xf32> to vector<32x256xf32>
    %add3A_16 = arith.addf %add3A, %add3A_15 : vector<32x256xf32>
    %sub3A = arith.subf %add3A_16, %dot_general3A_11 : vector<32x256xf32>
    %lt3A = arith.cmpf olt, %sub3A, %broadcast_in_dim3A_5 : vector<32x256xf32>
    %select_n3A = arith.select %lt3A, %sub3A, %broadcast_in_dim3A_5 : vector<32x256xi1>, vector<32x256xf32>
    %jit3A = arith.constant 0 : i32
    %broadcast_in_dim3A_17 = vector.broadcast %jit3A : i32 to vector<32x256xi32>
    %select_n3A_18 = arith.select %lt3A, %broadcast_in_dim3A_17, %broadcast_in_dim3A_7 : vector<32x256xi1>, vector<32x256xi32>
    %get3A_19 = arith.constant 32 : index
    %get3A_20 = arith.constant 0 : index
    %get3A_21 = vector.load %arg4[%get3A_19, %get3A_20] : memref<8192x32xbf16, #tpu.memory_space<vmem>>, vector<32x32xbf16>
    %dot_general3A_22 = arith.constant dense<0.000000e+00> : vector<32x256xf32>
    %dot_general3A_23 = tpu.matmul %get3A_21, %get3A_4, %dot_general3A_22 {dimension_numbers = #tpu.dot_dimension_numbers<[1], [0], [0], [1], [0, 0, 1, 1], [], []>, transpose_lhs_hint = false} : vector<32x32xbf16>, vector<32x256xbf16>, vector<32x256xf32> -> vector<32x256xf32>
    %get3A_24 = arith.constant 32 : index
    %get3A_25 = arith.constant 0 : index
    %get3A_26 = vector.load %arg2[%get3A_24, %get3A_25] : memref<8192x1xf32, #tpu.memory_space<vmem>>, vector<32x1xf32>
    %add3A_27 = vector.broadcast %get3A_1 : vector<1x256xf32> to vector<32x256xf32>
    %add3A_28 = vector.broadcast %get3A_26 : vector<32x1xf32> to vector<32x256xf32>
    %add3A_29 = arith.addf %add3A_27, %add3A_28 : vector<32x256xf32>
    %sub3A_30 = arith.subf %add3A_29, %dot_general3A_23 : vector<32x256xf32>
    %lt3A_31 = arith.cmpf olt, %sub3A_30, %select_n3A : vector<32x256xf32>
    %select_n3A_32 = arith.select %lt3A_31, %sub3A_30, %select_n3A : vector<32x256xi1>, vector<32x256xf32>
    %jit3A_33 = arith.constant 1 : i32
    %broadcast_in_dim3A_34 = vector.broadcast %jit3A_33 : i32 to vector<32x256xi32>
    %select_n3A_35 = arith.select %lt3A_31, %broadcast_in_dim3A_34, %select_n3A_18 : vector<32x256xi1>, vector<32x256xi32>
    %get3A_36 = arith.constant 64 : index
    %get3A_37 = arith.constant 0 : index
    %get3A_38 = vector.load %arg4[%get3A_36, %get3A_37] : memref<8192x32xbf16, #tpu.memory_space<vmem>>, vector<32x32xbf16>
    %dot_general3A_39 = arith.constant dense<0.000000e+00> : vector<32x256xf32>
    %dot_general3A_40 = tpu.matmul %get3A_38, %get3A_4, %dot_general3A_39 {dimension_numbers = #tpu.dot_dimension_numbers<[1], [0], [0], [1], [0, 0, 1, 1], [], []>, transpose_lhs_hint = false} : vector<32x32xbf16>, vector<32x256xbf16>, vector<32x256xf32> -> vector<32x256xf32>
    %get3A_41 = arith.constant 64 : index
    %get3A_42 = arith.constant 0 : index
    %get3A_43 = vector.load %arg2[%get3A_41, %get3A_42] : memref<8192x1xf32, #tpu.memory_space<vmem>>, vector<32x1xf32>
    %add3A_44 = vector.broadcast %get3A_1 : vector<1x256xf32> to vector<32x256xf32>
    %add3A_45 = vector.broadcast %get3A_43 : vector<32x1xf32> to vector<32x256xf32>
    %add3A_46 = arith.addf %add3A_44, %add3A_45 : vector<32x256xf32>
    %sub3A_47 = arith.subf %add3A_46, %dot_general3A_40 : vector<32x256xf32>
    %lt3A_48 = arith.cmpf olt, %sub3A_47, %select_n3A_32 : vector<32x256xf32>
    %select_n3A_49 = arith.select %lt3A_48, %sub3A_47, %select_n3A_32 : vector<32x256xi1>, vector<32x256xf32>
    %jit3A_50 = arith.constant 2 : i32
    %broadcast_in_dim3A_51 = vector.broadcast %jit3A_50 : i32 to vector<32x256xi32>
    %select_n3A_52 = arith.select %lt3A_48, %broadcast_in_dim3A_51, %select_n3A_35 : vector<32x256xi1>, vector<32x256xi32>
    %get3A_53 = arith.constant 96 : index
    %get3A_54 = arith.constant 0 : index
    %get3A_55 = vector.load %arg4[%get3A_53, %get3A_54] : memref<8192x32xbf16, #tpu.memory_space<vmem>>, vector<32x32xbf16>
    %dot_general3A_56 = arith.constant dense<0.000000e+00> : vector<32x256xf32>
    %dot_general3A_57 = tpu.matmul %get3A_55, %get3A_4, %dot_general3A_56 {dimension_numbers = #tpu.dot_dimension_numbers<[1], [0], [0], [1], [0, 0, 1, 1], [], []>, transpose_lhs_hint = false} : vector<32x32xbf16>, vector<32x256xbf16>, vector<32x256xf32> -> vector<32x256xf32>
    %get3A_58 = arith.constant 96 : index
    %get3A_59 = arith.constant 0 : index
    %get3A_60 = vector.load %arg2[%get3A_58, %get3A_59] : memref<8192x1xf32, #tpu.memory_space<vmem>>, vector<32x1xf32>
    %add3A_61 = vector.broadcast %get3A_1 : vector<1x256xf32> to vector<32x256xf32>
    %add3A_62 = vector.broadcast %get3A_60 : vector<32x1xf32> to vector<32x256xf32>
    %add3A_63 = arith.addf %add3A_61, %add3A_62 : vector<32x256xf32>
    %sub3A_64 = arith.subf %add3A_63, %dot_general3A_57 : vector<32x256xf32>
    %lt3A_65 = arith.cmpf olt, %sub3A_64, %select_n3A_49 : vector<32x256xf32>
    %select_n3A_66 = arith.select %lt3A_65, %sub3A_64, %select_n3A_49 : vector<32x256xi1>, vector<32x256xf32>
    %jit3A_67 = arith.constant 3 : i32
    %broadcast_in_dim3A_68 = vector.broadcast %jit3A_67 : i32 to vector<32x256xi32>
    %select_n3A_69 = arith.select %lt3A_65, %broadcast_in_dim3A_68, %select_n3A_52 : vector<32x256xi1>, vector<32x256xi32>
    %get3A_70 = arith.constant 128 : index
    %get3A_71 = arith.constant 0 : index
    %get3A_72 = vector.load %arg4[%get3A_70, %get3A_71] : memref<8192x32xbf16, #tpu.memory_space<vmem>>, vector<32x32xbf16>
    %dot_general3A_73 = arith.constant dense<0.000000e+00> : vector<32x256xf32>
    %dot_general3A_74 = tpu.matmul %get3A_72, %get3A_4, %dot_general3A_73 {dimension_numbers = #tpu.dot_dimension_numbers<[1], [0], [0], [1], [0, 0, 1, 1], [], []>, transpose_lhs_hint = false} : vector<32x32xbf16>, vector<32x256xbf16>, vector<32x256xf32> -> vector<32x256xf32>
    %get3A_75 = arith.constant 128 : index
    %get3A_76 = arith.constant 0 : index
    %get3A_77 = vector.load %arg2[%get3A_75, %get3A_76] : memref<8192x1xf32, #tpu.memory_space<vmem>>, vector<32x1xf32>
    %add3A_78 = vector.broadcast %get3A_1 : vector<1x256xf32> to vector<32x256xf32>
    %add3A_79 = vector.broadcast %get3A_77 : vector<32x1xf32> to vector<32x256xf32>
    %add3A_80 = arith.addf %add3A_78, %add3A_79 : vector<32x256xf32>
    %sub3A_81 = arith.subf %add3A_80, %dot_general3A_74 : vector<32x256xf32>
    %lt3A_82 = arith.cmpf olt, %sub3A_81, %select_n3A_66 : vector<32x256xf32>
    %select_n3A_83 = arith.select %lt3A_82, %sub3A_81, %select_n3A_66 : vector<32x256xi1>, vector<32x256xf32>
    %jit3A_84 = arith.constant 4 : i32
    %broadcast_in_dim3A_85 = vector.broadcast %jit3A_84 : i32 to vector<32x256xi32>
    %select_n3A_86 = arith.select %lt3A_82, %broadcast_in_dim3A_85, %select_n3A_69 : vector<32x256xi1>, vector<32x256xi32>
    %get3A_87 = arith.constant 160 : index
    %get3A_88 = arith.constant 0 : index
    %get3A_89 = vector.load %arg4[%get3A_87, %get3A_88] : memref<8192x32xbf16, #tpu.memory_space<vmem>>, vector<32x32xbf16>
    %dot_general3A_90 = arith.constant dense<0.000000e+00> : vector<32x256xf32>
    %dot_general3A_91 = tpu.matmul %get3A_89, %get3A_4, %dot_general3A_90 {dimension_numbers = #tpu.dot_dimension_numbers<[1], [0], [0], [1], [0, 0, 1, 1], [], []>, transpose_lhs_hint = false} : vector<32x32xbf16>, vector<32x256xbf16>, vector<32x256xf32> -> vector<32x256xf32>
    %get3A_92 = arith.constant 160 : index
    %get3A_93 = arith.constant 0 : index
    %get3A_94 = vector.load %arg2[%get3A_92, %get3A_93] : memref<8192x1xf32, #tpu.memory_space<vmem>>, vector<32x1xf32>
    %add3A_95 = vector.broadcast %get3A_1 : vector<1x256xf32> to vector<32x256xf32>
    %add3A_96 = vector.broadcast %get3A_94 : vector<32x1xf32> to vector<32x256xf32>
    %add3A_97 = arith.addf %add3A_95, %add3A_96 : vector<32x256xf32>
    %sub3A_98 = arith.subf %add3A_97, %dot_general3A_91 : vector<32x256xf32>
    %lt3A_99 = arith.cmpf olt, %sub3A_98, %select_n3A_83 : vector<32x256xf32>
    %select_n3A_100 = arith.select %lt3A_99, %sub3A_98, %select_n3A_83 : vector<32x256xi1>, vector<32x256xf32>
    %jit3A_101 = arith.constant 5 : i32
    %broadcast_in_dim3A_102 = vector.broadcast %jit3A_101 : i32 to vector<32x256xi32>
    %select_n3A_103 = arith.select %lt3A_99, %broadcast_in_dim3A_102, %select_n3A_86 : vector<32x256xi1>, vector<32x256xi32>
    %get3A_104 = arith.constant 192 : index
    %get3A_105 = arith.constant 0 : index
    %get3A_106 = vector.load %arg4[%get3A_104, %get3A_105] : memref<8192x32xbf16, #tpu.memory_space<vmem>>, vector<32x32xbf16>
    %dot_general3A_107 = arith.constant dense<0.000000e+00> : vector<32x256xf32>
    %dot_general3A_108 = tpu.matmul %get3A_106, %get3A_4, %dot_general3A_107 {dimension_numbers = #tpu.dot_dimension_numbers<[1], [0], [0], [1], [0, 0, 1, 1], [], []>, transpose_lhs_hint = false} : vector<32x32xbf16>, vector<32x256xbf16>, vector<32x256xf32> -> vector<32x256xf32>
    %get3A_109 = arith.constant 192 : index
    %get3A_110 = arith.constant 0 : index
    %get3A_111 = vector.load %arg2[%get3A_109, %get3A_110] : memref<8192x1xf32, #tpu.memory_space<vmem>>, vector<32x1xf32>
    %add3A_112 = vector.broadcast %get3A_1 : vector<1x256xf32> to vector<32x256xf32>
    %add3A_113 = vector.broadcast %get3A_111 : vector<32x1xf32> to vector<32x256xf32>
    %add3A_114 = arith.addf %add3A_112, %add3A_113 : vector<32x256xf32>
    %sub3A_115 = arith.subf %add3A_114, %dot_general3A_108 : vector<32x256xf32>
    %lt3A_116 = arith.cmpf olt, %sub3A_115, %select_n3A_100 : vector<32x256xf32>
    %select_n3A_117 = arith.select %lt3A_116, %sub3A_115, %select_n3A_100 : vector<32x256xi1>, vector<32x256xf32>
    %jit3A_118 = arith.constant 6 : i32
    %broadcast_in_dim3A_119 = vector.broadcast %jit3A_118 : i32 to vector<32x256xi32>
    %select_n3A_120 = arith.select %lt3A_116, %broadcast_in_dim3A_119, %select_n3A_103 : vector<32x256xi1>, vector<32x256xi32>
    %get3A_121 = arith.constant 224 : index
    %get3A_122 = arith.constant 0 : index
    %get3A_123 = vector.load %arg4[%get3A_121, %get3A_122] : memref<8192x32xbf16, #tpu.memory_space<vmem>>, vector<32x32xbf16>
    %dot_general3A_124 = arith.constant dense<0.000000e+00> : vector<32x256xf32>
    %dot_general3A_125 = tpu.matmul %get3A_123, %get3A_4, %dot_general3A_124 {dimension_numbers = #tpu.dot_dimension_numbers<[1], [0], [0], [1], [0, 0, 1, 1], [], []>, transpose_lhs_hint = false} : vector<32x32xbf16>, vector<32x256xbf16>, vector<32x256xf32> -> vector<32x256xf32>
    %get3A_126 = arith.constant 224 : index
    %get3A_127 = arith.constant 0 : index
    %get3A_128 = vector.load %arg2[%get3A_126, %get3A_127] : memref<8192x1xf32, #tpu.memory_space<vmem>>, vector<32x1xf32>
    %add3A_129 = vector.broadcast %get3A_1 : vector<1x256xf32> to vector<32x256xf32>
    %add3A_130 = vector.broadcast %get3A_128 : vector<32x1xf32> to vector<32x256xf32>
    %add3A_131 = arith.addf %add3A_129, %add3A_130 : vector<32x256xf32>
    %sub3A_132 = arith.subf %add3A_131, %dot_general3A_125 : vector<32x256xf32>
    %lt3A_133 = arith.cmpf olt, %sub3A_132, %select_n3A_117 : vector<32x256xf32>
    %select_n3A_134 = arith.select %lt3A_133, %sub3A_132, %select_n3A_117 : vector<32x256xi1>, vector<32x256xf32>
    %jit3A_135 = arith.constant 7 : i32
    %broadcast_in_dim3A_136 = vector.broadcast %jit3A_135 : i32 to vector<32x256xi32>
    %select_n3A_137 = arith.select %lt3A_133, %broadcast_in_dim3A_136, %select_n3A_120 : vector<32x256xi1>, vector<32x256xi32>
    %get3A_138 = arith.constant 256 : index
    %get3A_139 = arith.constant 0 : index
    %get3A_140 = vector.load %arg4[%get3A_138, %get3A_139] : memref<8192x32xbf16, #tpu.memory_space<vmem>>, vector<32x32xbf16>
    %dot_general3A_141 = arith.constant dense<0.000000e+00> : vector<32x256xf32>
    %dot_general3A_142 = tpu.matmul %get3A_140, %get3A_4, %dot_general3A_141 {dimension_numbers = #tpu.dot_dimension_numbers<[1], [0], [0], [1], [0, 0, 1, 1], [], []>, transpose_lhs_hint = false} : vector<32x32xbf16>, vector<32x256xbf16>, vector<32x256xf32> -> vector<32x256xf32>
    %get3A_143 = arith.constant 256 : index
    %get3A_144 = arith.constant 0 : index
    %get3A_145 = vector.load %arg2[%get3A_143, %get3A_144] : memref<8192x1xf32, #tpu.memory_space<vmem>>, vector<32x1xf32>
    %add3A_146 = vector.broadcast %get3A_1 : vector<1x256xf32> to vector<32x256xf32>
    %add3A_147 = vector.broadcast %get3A_145 : vector<32x1xf32> to vector<32x256xf32>
    %add3A_148 = arith.addf %add3A_146, %add3A_147 : vector<32x256xf32>
    %sub3A_149 = arith.subf %add3A_148, %dot_general3A_142 : vector<32x256xf32>
    %lt3A_150 = arith.cmpf olt, %sub3A_149, %select_n3A_134 : vector<32x256xf32>
    %select_n3A_151 = arith.select %lt3A_150, %sub3A_149, %select_n3A_134 : vector<32x256xi1>, vector<32x256xf32>
    %jit3A_152 = arith.constant 8 : i32
    %broadcast_in_dim3A_153 = vector.broadcast %jit3A_152 : i32 to vector<32x256xi32>
    %select_n3A_154 = arith.select %lt3A_150, %broadcast_in_dim3A_153, %select_n3A_137 : vector<32x256xi1>, vector<32x256xi32>
    %get3A_155 = arith.constant 288 : index
    %get3A_156 = arith.constant 0 : index
    %get3A_157 = vector.load %arg4[%get3A_155, %get3A_156] : memref<8192x32xbf16, #tpu.memory_space<vmem>>, vector<32x32xbf16>
    %dot_general3A_158 = arith.constant dense<0.000000e+00> : vector<32x256xf32>
    %dot_general3A_159 = tpu.matmul %get3A_157, %get3A_4, %dot_general3A_158 {dimension_numbers = #tpu.dot_dimension_numbers<[1], [0], [0], [1], [0, 0, 1, 1], [], []>, transpose_lhs_hint = false} : vector<32x32xbf16>, vector<32x256xbf16>, vector<32x256xf32> -> vector<32x256xf32>
    %get3A_160 = arith.constant 288 : index
    %get3A_161 = arith.constant 0 : index
    %get3A_162 = vector.load %arg2[%get3A_160, %get3A_161] : memref<8192x1xf32, #tpu.memory_space<vmem>>, vector<32x1xf32>
    %add3A_163 = vector.broadcast %get3A_1 : vector<1x256xf32> to vector<32x256xf32>
    %add3A_164 = vector.broadcast %get3A_162 : vector<32x1xf32> to vector<32x256xf32>
    %add3A_165 = arith.addf %add3A_163, %add3A_164 : vector<32x256xf32>
    %sub3A_166 = arith.subf %add3A_165, %dot_general3A_159 : vector<32x256xf32>
    %lt3A_167 = arith.cmpf olt, %sub3A_166, %select_n3A_151 : vector<32x256xf32>
    %select_n3A_168 = arith.select %lt3A_167, %sub3A_166, %select_n3A_151 : vector<32x256xi1>, vector<32x256xf32>
    %jit3A_169 = arith.constant 9 : i32
    %broadcast_in_dim3A_170 = vector.broadcast %jit3A_169 : i32 to vector<32x256xi32>
    %select_n3A_171 = arith.select %lt3A_167, %broadcast_in_dim3A_170, %select_n3A_154 : vector<32x256xi1>, vector<32x256xi32>
    %get3A_172 = arith.constant 320 : index
    %get3A_173 = arith.constant 0 : index
    %get3A_174 = vector.load %arg4[%get3A_172, %get3A_173] : memref<8192x32xbf16, #tpu.memory_space<vmem>>, vector<32x32xbf16>
    %dot_general3A_175 = arith.constant dense<0.000000e+00> : vector<32x256xf32>
    %dot_general3A_176 = tpu.matmul %get3A_174, %get3A_4, %dot_general3A_175 {dimension_numbers = #tpu.dot_dimension_numbers<[1], [0], [0], [1], [0, 0, 1, 1], [], []>, transpose_lhs_hint = false} : vector<32x32xbf16>, vector<32x256xbf16>, vector<32x256xf32> -> vector<32x256xf32>
    %get3A_177 = arith.constant 320 : index
    %get3A_178 = arith.constant 0 : index
    %get3A_179 = vector.load %arg2[%get3A_177, %get3A_178] : memref<8192x1xf32, #tpu.memory_space<vmem>>, vector<32x1xf32>
    %add3A_180 = vector.broadcast %get3A_1 : vector<1x256xf32> to vector<32x256xf32>
    %add3A_181 = vector.broadcast %get3A_179 : vector<32x1xf32> to vector<32x256xf32>
    %add3A_182 = arith.addf %add3A_180, %add3A_181 : vector<32x256xf32>
    %sub3A_183 = arith.subf %add3A_182, %dot_general3A_176 : vector<32x256xf32>
    %lt3A_184 = arith.cmpf olt, %sub3A_183, %select_n3A_168 : vector<32x256xf32>
    %select_n3A_185 = arith.select %lt3A_184, %sub3A_183, %select_n3A_168 : vector<32x256xi1>, vector<32x256xf32>
    %jit3A_186 = arith.constant 10 : i32
    %broadcast_in_dim3A_187 = vector.broadcast %jit3A_186 : i32 to vector<32x256xi32>
    %select_n3A_188 = arith.select %lt3A_184, %broadcast_in_dim3A_187, %select_n3A_171 : vector<32x256xi1>, vector<32x256xi32>
    %get3A_189 = arith.constant 352 : index
    %get3A_190 = arith.constant 0 : index
    %get3A_191 = vector.load %arg4[%get3A_189, %get3A_190] : memref<8192x32xbf16, #tpu.memory_space<vmem>>, vector<32x32xbf16>
    %dot_general3A_192 = arith.constant dense<0.000000e+00> : vector<32x256xf32>
    %dot_general3A_193 = tpu.matmul %get3A_191, %get3A_4, %dot_general3A_192 {dimension_numbers = #tpu.dot_dimension_numbers<[1], [0], [0], [1], [0, 0, 1, 1], [], []>, transpose_lhs_hint = false} : vector<32x32xbf16>, vector<32x256xbf16>, vector<32x256xf32> -> vector<32x256xf32>
    %get3A_194 = arith.constant 352 : index
    %get3A_195 = arith.constant 0 : index
    %get3A_196 = vector.load %arg2[%get3A_194, %get3A_195] : memref<8192x1xf32, #tpu.memory_space<vmem>>, vector<32x1xf32>
    %add3A_197 = vector.broadcast %get3A_1 : vector<1x256xf32> to vector<32x256xf32>
    %add3A_198 = vector.broadcast %get3A_196 : vector<32x1xf32> to vector<32x256xf32>
    %add3A_199 = arith.addf %add3A_197, %add3A_198 : vector<32x256xf32>
    %sub3A_200 = arith.subf %add3A_199, %dot_general3A_193 : vector<32x256xf32>
    %lt3A_201 = arith.cmpf olt, %sub3A_200, %select_n3A_185 : vector<32x256xf32>
    %select_n3A_202 = arith.select %lt3A_201, %sub3A_200, %select_n3A_185 : vector<32x256xi1>, vector<32x256xf32>
    %jit3A_203 = arith.constant 11 : i32
    %broadcast_in_dim3A_204 = vector.broadcast %jit3A_203 : i32 to vector<32x256xi32>
    %select_n3A_205 = arith.select %lt3A_201, %broadcast_in_dim3A_204, %select_n3A_188 : vector<32x256xi1>, vector<32x256xi32>
    %get3A_206 = arith.constant 384 : index
    %get3A_207 = arith.constant 0 : index
    %get3A_208 = vector.load %arg4[%get3A_206, %get3A_207] : memref<8192x32xbf16, #tpu.memory_space<vmem>>, vector<32x32xbf16>
    %dot_general3A_209 = arith.constant dense<0.000000e+00> : vector<32x256xf32>
    %dot_general3A_210 = tpu.matmul %get3A_208, %get3A_4, %dot_general3A_209 {dimension_numbers = #tpu.dot_dimension_numbers<[1], [0], [0], [1], [0, 0, 1, 1], [], []>, transpose_lhs_hint = false} : vector<32x32xbf16>, vector<32x256xbf16>, vector<32x256xf32> -> vector<32x256xf32>
    %get3A_211 = arith.constant 384 : index
    %get3A_212 = arith.constant 0 : index
    %get3A_213 = vector.load %arg2[%get3A_211, %get3A_212] : memref<8192x1xf32, #tpu.memory_space<vmem>>, vector<32x1xf32>
    %add3A_214 = vector.broadcast %get3A_1 : vector<1x256xf32> to vector<32x256xf32>
    %add3A_215 = vector.broadcast %get3A_213 : vector<32x1xf32> to vector<32x256xf32>
    %add3A_216 = arith.addf %add3A_214, %add3A_215 : vector<32x256xf32>
    %sub3A_217 = arith.subf %add3A_216, %dot_general3A_210 : vector<32x256xf32>
    %lt3A_218 = arith.cmpf olt, %sub3A_217, %select_n3A_202 : vector<32x256xf32>
    %select_n3A_219 = arith.select %lt3A_218, %sub3A_217, %select_n3A_202 : vector<32x256xi1>, vector<32x256xf32>
    %jit3A_220 = arith.constant 12 : i32
    %broadcast_in_dim3A_221 = vector.broadcast %jit3A_220 : i32 to vector<32x256xi32>
    %select_n3A_222 = arith.select %lt3A_218, %broadcast_in_dim3A_221, %select_n3A_205 : vector<32x256xi1>, vector<32x256xi32>
    %get3A_223 = arith.constant 416 : index
    %get3A_224 = arith.constant 0 : index
    %get3A_225 = vector.load %arg4[%get3A_223, %get3A_224] : memref<8192x32xbf16, #tpu.memory_space<vmem>>, vector<32x32xbf16>
    %dot_general3A_226 = arith.constant dense<0.000000e+00> : vector<32x256xf32>
    %dot_general3A_227 = tpu.matmul %get3A_225, %get3A_4, %dot_general3A_226 {dimension_numbers = #tpu.dot_dimension_numbers<[1], [0], [0], [1], [0, 0, 1, 1], [], []>, transpose_lhs_hint = false} : vector<32x32xbf16>, vector<32x256xbf16>, vector<32x256xf32> -> vector<32x256xf32>
    %get3A_228 = arith.constant 416 : index
    %get3A_229 = arith.constant 0 : index
    %get3A_230 = vector.load %arg2[%get3A_228, %get3A_229] : memref<8192x1xf32, #tpu.memory_space<vmem>>, vector<32x1xf32>
    %add3A_231 = vector.broadcast %get3A_1 : vector<1x256xf32> to vector<32x256xf32>
    %add3A_232 = vector.broadcast %get3A_230 : vector<32x1xf32> to vector<32x256xf32>
    %add3A_233 = arith.addf %add3A_231, %add3A_232 : vector<32x256xf32>
    %sub3A_234 = arith.subf %add3A_233, %dot_general3A_227 : vector<32x256xf32>
    %lt3A_235 = arith.cmpf olt, %sub3A_234, %select_n3A_219 : vector<32x256xf32>
    %select_n3A_236 = arith.select %lt3A_235, %sub3A_234, %select_n3A_219 : vector<32x256xi1>, vector<32x256xf32>
    %jit3A_237 = arith.constant 13 : i32
    %broadcast_in_dim3A_238 = vector.broadcast %jit3A_237 : i32 to vector<32x256xi32>
    %select_n3A_239 = arith.select %lt3A_235, %broadcast_in_dim3A_238, %select_n3A_222 : vector<32x256xi1>, vector<32x256xi32>
    %get3A_240 = arith.constant 448 : index
    %get3A_241 = arith.constant 0 : index
    %get3A_242 = vector.load %arg4[%get3A_240, %get3A_241] : memref<8192x32xbf16, #tpu.memory_space<vmem>>, vector<32x32xbf16>
    %dot_general3A_243 = arith.constant dense<0.000000e+00> : vector<32x256xf32>
    %dot_general3A_244 = tpu.matmul %get3A_242, %get3A_4, %dot_general3A_243 {dimension_numbers = #tpu.dot_dimension_numbers<[1], [0], [0], [1], [0, 0, 1, 1], [], []>, transpose_lhs_hint = false} : vector<32x32xbf16>, vector<32x256xbf16>, vector<32x256xf32> -> vector<32x256xf32>
    %get3A_245 = arith.constant 448 : index
    %get3A_246 = arith.constant 0 : index
    %get3A_247 = vector.load %arg2[%get3A_245, %get3A_246] : memref<8192x1xf32, #tpu.memory_space<vmem>>, vector<32x1xf32>
    %add3A_248 = vector.broadcast %get3A_1 : vector<1x256xf32> to vector<32x256xf32>
    %add3A_249 = vector.broadcast %get3A_247 : vector<32x1xf32> to vector<32x256xf32>
    %add3A_250 = arith.addf %add3A_248, %add3A_249 : vector<32x256xf32>
    %sub3A_251 = arith.subf %add3A_250, %dot_general3A_244 : vector<32x256xf32>
    %lt3A_252 = arith.cmpf olt, %sub3A_251, %select_n3A_236 : vector<32x256xf32>
    %select_n3A_253 = arith.select %lt3A_252, %sub3A_251, %select_n3A_236 : vector<32x256xi1>, vector<32x256xf32>
    %jit3A_254 = arith.constant 14 : i32
    %broadcast_in_dim3A_255 = vector.broadcast %jit3A_254 : i32 to vector<32x256xi32>
    %select_n3A_256 = arith.select %lt3A_252, %broadcast_in_dim3A_255, %select_n3A_239 : vector<32x256xi1>, vector<32x256xi32>
    %get3A_257 = arith.constant 480 : index
    %get3A_258 = arith.constant 0 : index
    %get3A_259 = vector.load %arg4[%get3A_257, %get3A_258] : memref<8192x32xbf16, #tpu.memory_space<vmem>>, vector<32x32xbf16>
    %dot_general3A_260 = arith.constant dense<0.000000e+00> : vector<32x256xf32>
    %dot_general3A_261 = tpu.matmul %get3A_259, %get3A_4, %dot_general3A_260 {dimension_numbers = #tpu.dot_dimension_numbers<[1], [0], [0], [1], [0, 0, 1, 1], [], []>, transpose_lhs_hint = false} : vector<32x32xbf16>, vector<32x256xbf16>, vector<32x256xf32> -> vector<32x256xf32>
    %get3A_262 = arith.constant 480 : index
    %get3A_263 = arith.constant 0 : index
    %get3A_264 = vector.load %arg2[%get3A_262, %get3A_263] : memref<8192x1xf32, #tpu.memory_space<vmem>>, vector<32x1xf32>
    %add3A_265 = vector.broadcast %get3A_1 : vector<1x256xf32> to vector<32x256xf32>
    %add3A_266 = vector.broadcast %get3A_264 : vector<32x1xf32> to vector<32x256xf32>
    %add3A_267 = arith.addf %add3A_265, %add3A_266 : vector<32x256xf32>
    %sub3A_268 = arith.subf %add3A_267, %dot_general3A_261 : vector<32x256xf32>
    %lt3A_269 = arith.cmpf olt, %sub3A_268, %select_n3A_253 : vector<32x256xf32>
    %select_n3A_270 = arith.select %lt3A_269, %sub3A_268, %select_n3A_253 : vector<32x256xi1>, vector<32x256xf32>
    %jit3A_271 = arith.constant 15 : i32
    %broadcast_in_dim3A_272 = vector.broadcast %jit3A_271 : i32 to vector<32x256xi32>
    %select_n3A_273 = arith.select %lt3A_269, %broadcast_in_dim3A_272, %select_n3A_256 : vector<32x256xi1>, vector<32x256xi32>
    %get3A_274 = arith.constant 512 : index
    %get3A_275 = arith.constant 0 : index
    %get3A_276 = vector.load %arg4[%get3A_274, %get3A_275] : memref<8192x32xbf16, #tpu.memory_space<vmem>>, vector<32x32xbf16>
    %dot_general3A_277 = arith.constant dense<0.000000e+00> : vector<32x256xf32>
    %dot_general3A_278 = tpu.matmul %get3A_276, %get3A_4, %dot_general3A_277 {dimension_numbers = #tpu.dot_dimension_numbers<[1], [0], [0], [1], [0, 0, 1, 1], [], []>, transpose_lhs_hint = false} : vector<32x32xbf16>, vector<32x256xbf16>, vector<32x256xf32> -> vector<32x256xf32>
    %get3A_279 = arith.constant 512 : index
    %get3A_280 = arith.constant 0 : index
    %get3A_281 = vector.load %arg2[%get3A_279, %get3A_280] : memref<8192x1xf32, #tpu.memory_space<vmem>>, vector<32x1xf32>
    %add3A_282 = vector.broadcast %get3A_1 : vector<1x256xf32> to vector<32x256xf32>
    %add3A_283 = vector.broadcast %get3A_281 : vector<32x1xf32> to vector<32x256xf32>
    %add3A_284 = arith.addf %add3A_282, %add3A_283 : vector<32x256xf32>
    %sub3A_285 = arith.subf %add3A_284, %dot_general3A_278 : vector<32x256xf32>
    %lt3A_286 = arith.cmpf olt, %sub3A_285, %select_n3A_270 : vector<32x256xf32>
    %select_n3A_287 = arith.select %lt3A_286, %sub3A_285, %select_n3A_270 : vector<32x256xi1>, vector<32x256xf32>
    %jit3A_288 = arith.constant 16 : i32
    %broadcast_in_dim3A_289 = vector.broadcast %jit3A_288 : i32 to vector<32x256xi32>
    %select_n3A_290 = arith.select %lt3A_286, %broadcast_in_dim3A_289, %select_n3A_273 : vector<32x256xi1>, vector<32x256xi32>
    %get3A_291 = arith.constant 544 : index
    %get3A_292 = arith.constant 0 : index
    %get3A_293 = vector.load %arg4[%get3A_291, %get3A_292] : memref<8192x32xbf16, #tpu.memory_space<vmem>>, vector<32x32xbf16>
    %dot_general3A_294 = arith.constant dense<0.000000e+00> : vector<32x256xf32>
    %dot_general3A_295 = tpu.matmul %get3A_293, %get3A_4, %dot_general3A_294 {dimension_numbers = #tpu.dot_dimension_numbers<[1], [0], [0], [1], [0, 0, 1, 1], [], []>, transpose_lhs_hint = false} : vector<32x32xbf16>, vector<32x256xbf16>, vector<32x256xf32> -> vector<32x256xf32>
    %get3A_296 = arith.constant 544 : index
    %get3A_297 = arith.constant 0 : index
    %get3A_298 = vector.load %arg2[%get3A_296, %get3A_297] : memref<8192x1xf32, #tpu.memory_space<vmem>>, vector<32x1xf32>
    %add3A_299 = vector.broadcast %get3A_1 : vector<1x256xf32> to vector<32x256xf32>
    %add3A_300 = vector.broadcast %get3A_298 : vector<32x1xf32> to vector<32x256xf32>
    %add3A_301 = arith.addf %add3A_299, %add3A_300 : vector<32x256xf32>
    %sub3A_302 = arith.subf %add3A_301, %dot_general3A_295 : vector<32x256xf32>
    %lt3A_303 = arith.cmpf olt, %sub3A_302, %select_n3A_287 : vector<32x256xf32>
    %select_n3A_304 = arith.select %lt3A_303, %sub3A_302, %select_n3A_287 : vector<32x256xi1>, vector<32x256xf32>
    %jit3A_305 = arith.constant 17 : i32
    %broadcast_in_dim3A_306 = vector.broadcast %jit3A_305 : i32 to vector<32x256xi32>
    %select_n3A_307 = arith.select %lt3A_303, %broadcast_in_dim3A_306, %select_n3A_290 : vector<32x256xi1>, vector<32x256xi32>
    %get3A_308 = arith.constant 576 : index
    %get3A_309 = arith.constant 0 : index
    %get3A_310 = vector.load %arg4[%get3A_308, %get3A_309] : memref<8192x32xbf16, #tpu.memory_space<vmem>>, vector<32x32xbf16>
    %dot_general3A_311 = arith.constant dense<0.000000e+00> : vector<32x256xf32>
    %dot_general3A_312 = tpu.matmul %get3A_310, %get3A_4, %dot_general3A_311 {dimension_numbers = #tpu.dot_dimension_numbers<[1], [0], [0], [1], [0, 0, 1, 1], [], []>, transpose_lhs_hint = false} : vector<32x32xbf16>, vector<32x256xbf16>, vector<32x256xf32> -> vector<32x256xf32>
    %get3A_313 = arith.constant 576 : index
    %get3A_314 = arith.constant 0 : index
    %get3A_315 = vector.load %arg2[%get3A_313, %get3A_314] : memref<8192x1xf32, #tpu.memory_space<vmem>>, vector<32x1xf32>
    %add3A_316 = vector.broadcast %get3A_1 : vector<1x256xf32> to vector<32x256xf32>
    %add3A_317 = vector.broadcast %get3A_315 : vector<32x1xf32> to vector<32x256xf32>
    %add3A_318 = arith.addf %add3A_316, %add3A_317 : vector<32x256xf32>
    %sub3A_319 = arith.subf %add3A_318, %dot_general3A_312 : vector<32x256xf32>
    %lt3A_320 = arith.cmpf olt, %sub3A_319, %select_n3A_304 : vector<32x256xf32>
    %select_n3A_321 = arith.select %lt3A_320, %sub3A_319, %select_n3A_304 : vector<32x256xi1>, vector<32x256xf32>
    %jit3A_322 = arith.constant 18 : i32
    %broadcast_in_dim3A_323 = vector.broadcast %jit3A_322 : i32 to vector<32x256xi32>
    %select_n3A_324 = arith.select %lt3A_320, %broadcast_in_dim3A_323, %select_n3A_307 : vector<32x256xi1>, vector<32x256xi32>
    %get3A_325 = arith.constant 608 : index
    %get3A_326 = arith.constant 0 : index
    %get3A_327 = vector.load %arg4[%get3A_325, %get3A_326] : memref<8192x32xbf16, #tpu.memory_space<vmem>>, vector<32x32xbf16>
    %dot_general3A_328 = arith.constant dense<0.000000e+00> : vector<32x256xf32>
    %dot_general3A_329 = tpu.matmul %get3A_327, %get3A_4, %dot_general3A_328 {dimension_numbers = #tpu.dot_dimension_numbers<[1], [0], [0], [1], [0, 0, 1, 1], [], []>, transpose_lhs_hint = false} : vector<32x32xbf16>, vector<32x256xbf16>, vector<32x256xf32> -> vector<32x256xf32>
    %get3A_330 = arith.constant 608 : index
    %get3A_331 = arith.constant 0 : index
    %get3A_332 = vector.load %arg2[%get3A_330, %get3A_331] : memref<8192x1xf32, #tpu.memory_space<vmem>>, vector<32x1xf32>
    %add3A_333 = vector.broadcast %get3A_1 : vector<1x256xf32> to vector<32x256xf32>
    %add3A_334 = vector.broadcast %get3A_332 : vector<32x1xf32> to vector<32x256xf32>
    %add3A_335 = arith.addf %add3A_333, %add3A_334 : vector<32x256xf32>
    %sub3A_336 = arith.subf %add3A_335, %dot_general3A_329 : vector<32x256xf32>
    %lt3A_337 = arith.cmpf olt, %sub3A_336, %select_n3A_321 : vector<32x256xf32>
    %select_n3A_338 = arith.select %lt3A_337, %sub3A_336, %select_n3A_321 : vector<32x256xi1>, vector<32x256xf32>
    %jit3A_339 = arith.constant 19 : i32
    %broadcast_in_dim3A_340 = vector.broadcast %jit3A_339 : i32 to vector<32x256xi32>
    %select_n3A_341 = arith.select %lt3A_337, %broadcast_in_dim3A_340, %select_n3A_324 : vector<32x256xi1>, vector<32x256xi32>
    %get3A_342 = arith.constant 640 : index
    %get3A_343 = arith.constant 0 : index
    %get3A_344 = vector.load %arg4[%get3A_342, %get3A_343] : memref<8192x32xbf16, #tpu.memory_space<vmem>>, vector<32x32xbf16>
    %dot_general3A_345 = arith.constant dense<0.000000e+00> : vector<32x256xf32>
    %dot_general3A_346 = tpu.matmul %get3A_344, %get3A_4, %dot_general3A_345 {dimension_numbers = #tpu.dot_dimension_numbers<[1], [0], [0], [1], [0, 0, 1, 1], [], []>, transpose_lhs_hint = false} : vector<32x32xbf16>, vector<32x256xbf16>, vector<32x256xf32> -> vector<32x256xf32>
    %get3A_347 = arith.constant 640 : index
    %get3A_348 = arith.constant 0 : index
    %get3A_349 = vector.load %arg2[%get3A_347, %get3A_348] : memref<8192x1xf32, #tpu.memory_space<vmem>>, vector<32x1xf32>
    %add3A_350 = vector.broadcast %get3A_1 : vector<1x256xf32> to vector<32x256xf32>
    %add3A_351 = vector.broadcast %get3A_349 : vector<32x1xf32> to vector<32x256xf32>
    %add3A_352 = arith.addf %add3A_350, %add3A_351 : vector<32x256xf32>
    %sub3A_353 = arith.subf %add3A_352, %dot_general3A_346 : vector<32x256xf32>
    %lt3A_354 = arith.cmpf olt, %sub3A_353, %select_n3A_338 : vector<32x256xf32>
    %select_n3A_355 = arith.select %lt3A_354, %sub3A_353, %select_n3A_338 : vector<32x256xi1>, vector<32x256xf32>
    %jit3A_356 = arith.constant 20 : i32
    %broadcast_in_dim3A_357 = vector.broadcast %jit3A_356 : i32 to vector<32x256xi32>
    %select_n3A_358 = arith.select %lt3A_354, %broadcast_in_dim3A_357, %select_n3A_341 : vector<32x256xi1>, vector<32x256xi32>
    %get3A_359 = arith.constant 672 : index
    %get3A_360 = arith.constant 0 : index
    %get3A_361 = vector.load %arg4[%get3A_359, %get3A_360] : memref<8192x32xbf16, #tpu.memory_space<vmem>>, vector<32x32xbf16>
    %dot_general3A_362 = arith.constant dense<0.000000e+00> : vector<32x256xf32>
    %dot_general3A_363 = tpu.matmul %get3A_361, %get3A_4, %dot_general3A_362 {dimension_numbers = #tpu.dot_dimension_numbers<[1], [0], [0], [1], [0, 0, 1, 1], [], []>, transpose_lhs_hint = false} : vector<32x32xbf16>, vector<32x256xbf16>, vector<32x256xf32> -> vector<32x256xf32>
    %get3A_364 = arith.constant 672 : index
    %get3A_365 = arith.constant 0 : index
    %get3A_366 = vector.load %arg2[%get3A_364, %get3A_365] : memref<8192x1xf32, #tpu.memory_space<vmem>>, vector<32x1xf32>
    %add3A_367 = vector.broadcast %get3A_1 : vector<1x256xf32> to vector<32x256xf32>
    %add3A_368 = vector.broadcast %get3A_366 : vector<32x1xf32> to vector<32x256xf32>
    %add3A_369 = arith.addf %add3A_367, %add3A_368 : vector<32x256xf32>
    %sub3A_370 = arith.subf %add3A_369, %dot_general3A_363 : vector<32x256xf32>
    %lt3A_371 = arith.cmpf olt, %sub3A_370, %select_n3A_355 : vector<32x256xf32>
    %select_n3A_372 = arith.select %lt3A_371, %sub3A_370, %select_n3A_355 : vector<32x256xi1>, vector<32x256xf32>
    %jit3A_373 = arith.constant 21 : i32
    %broadcast_in_dim3A_374 = vector.broadcast %jit3A_373 : i32 to vector<32x256xi32>
    %select_n3A_375 = arith.select %lt3A_371, %broadcast_in_dim3A_374, %select_n3A_358 : vector<32x256xi1>, vector<32x256xi32>
    %get3A_376 = arith.constant 704 : index
    %get3A_377 = arith.constant 0 : index
    %get3A_378 = vector.load %arg4[%get3A_376, %get3A_377] : memref<8192x32xbf16, #tpu.memory_space<vmem>>, vector<32x32xbf16>
    %dot_general3A_379 = arith.constant dense<0.000000e+00> : vector<32x256xf32>
    %dot_general3A_380 = tpu.matmul %get3A_378, %get3A_4, %dot_general3A_379 {dimension_numbers = #tpu.dot_dimension_numbers<[1], [0], [0], [1], [0, 0, 1, 1], [], []>, transpose_lhs_hint = false} : vector<32x32xbf16>, vector<32x256xbf16>, vector<32x256xf32> -> vector<32x256xf32>
    %get3A_381 = arith.constant 704 : index
    %get3A_382 = arith.constant 0 : index
    %get3A_383 = vector.load %arg2[%get3A_381, %get3A_382] : memref<8192x1xf32, #tpu.memory_space<vmem>>, vector<32x1xf32>
    %add3A_384 = vector.broadcast %get3A_1 : vector<1x256xf32> to vector<32x256xf32>
    %add3A_385 = vector.broadcast %get3A_383 : vector<32x1xf32> to vector<32x256xf32>
    %add3A_386 = arith.addf %add3A_384, %add3A_385 : vector<32x256xf32>
    %sub3A_387 = arith.subf %add3A_386, %dot_general3A_380 : vector<32x256xf32>
    %lt3A_388 = arith.cmpf olt, %sub3A_387, %select_n3A_372 : vector<32x256xf32>
    %select_n3A_389 = arith.select %lt3A_388, %sub3A_387, %select_n3A_372 : vector<32x256xi1>, vector<32x256xf32>
    %jit3A_390 = arith.constant 22 : i32
    %broadcast_in_dim3A_391 = vector.broadcast %jit3A_390 : i32 to vector<32x256xi32>
    %select_n3A_392 = arith.select %lt3A_388, %broadcast_in_dim3A_391, %select_n3A_375 : vector<32x256xi1>, vector<32x256xi32>
    %get3A_393 = arith.constant 736 : index
    %get3A_394 = arith.constant 0 : index
    %get3A_395 = vector.load %arg4[%get3A_393, %get3A_394] : memref<8192x32xbf16, #tpu.memory_space<vmem>>, vector<32x32xbf16>
    %dot_general3A_396 = arith.constant dense<0.000000e+00> : vector<32x256xf32>
    %dot_general3A_397 = tpu.matmul %get3A_395, %get3A_4, %dot_general3A_396 {dimension_numbers = #tpu.dot_dimension_numbers<[1], [0], [0], [1], [0, 0, 1, 1], [], []>, transpose_lhs_hint = false} : vector<32x32xbf16>, vector<32x256xbf16>, vector<32x256xf32> -> vector<32x256xf32>
    %get3A_398 = arith.constant 736 : index
    %get3A_399 = arith.constant 0 : index
    %get3A_400 = vector.load %arg2[%get3A_398, %get3A_399] : memref<8192x1xf32, #tpu.memory_space<vmem>>, vector<32x1xf32>
    %add3A_401 = vector.broadcast %get3A_1 : vector<1x256xf32> to vector<32x256xf32>
    %add3A_402 = vector.broadcast %get3A_400 : vector<32x1xf32> to vector<32x256xf32>
    %add3A_403 = arith.addf %add3A_401, %add3A_402 : vector<32x256xf32>
    %sub3A_404 = arith.subf %add3A_403, %dot_general3A_397 : vector<32x256xf32>
    %lt3A_405 = arith.cmpf olt, %sub3A_404, %select_n3A_389 : vector<32x256xf32>
    %select_n3A_406 = arith.select %lt3A_405, %sub3A_404, %select_n3A_389 : vector<32x256xi1>, vector<32x256xf32>
    %jit3A_407 = arith.constant 23 : i32
    %broadcast_in_dim3A_408 = vector.broadcast %jit3A_407 : i32 to vector<32x256xi32>
    %select_n3A_409 = arith.select %lt3A_405, %broadcast_in_dim3A_408, %select_n3A_392 : vector<32x256xi1>, vector<32x256xi32>
    %get3A_410 = arith.constant 768 : index
    %get3A_411 = arith.constant 0 : index
    %get3A_412 = vector.load %arg4[%get3A_410, %get3A_411] : memref<8192x32xbf16, #tpu.memory_space<vmem>>, vector<32x32xbf16>
    %dot_general3A_413 = arith.constant dense<0.000000e+00> : vector<32x256xf32>
    %dot_general3A_414 = tpu.matmul %get3A_412, %get3A_4, %dot_general3A_413 {dimension_numbers = #tpu.dot_dimension_numbers<[1], [0], [0], [1], [0, 0, 1, 1], [], []>, transpose_lhs_hint = false} : vector<32x32xbf16>, vector<32x256xbf16>, vector<32x256xf32> -> vector<32x256xf32>
    %get3A_415 = arith.constant 768 : index
    %get3A_416 = arith.constant 0 : index
    %get3A_417 = vector.load %arg2[%get3A_415, %get3A_416] : memref<8192x1xf32, #tpu.memory_space<vmem>>, vector<32x1xf32>
    %add3A_418 = vector.broadcast %get3A_1 : vector<1x256xf32> to vector<32x256xf32>
    %add3A_419 = vector.broadcast %get3A_417 : vector<32x1xf32> to vector<32x256xf32>
    %add3A_420 = arith.addf %add3A_418, %add3A_419 : vector<32x256xf32>
    %sub3A_421 = arith.subf %add3A_420, %dot_general3A_414 : vector<32x256xf32>
    %lt3A_422 = arith.cmpf olt, %sub3A_421, %select_n3A_406 : vector<32x256xf32>
    %select_n3A_423 = arith.select %lt3A_422, %sub3A_421, %select_n3A_406 : vector<32x256xi1>, vector<32x256xf32>
    %jit3A_424 = arith.constant 24 : i32
    %broadcast_in_dim3A_425 = vector.broadcast %jit3A_424 : i32 to vector<32x256xi32>
    %select_n3A_426 = arith.select %lt3A_422, %broadcast_in_dim3A_425, %select_n3A_409 : vector<32x256xi1>, vector<32x256xi32>
    %get3A_427 = arith.constant 800 : index
    %get3A_428 = arith.constant 0 : index
    %get3A_429 = vector.load %arg4[%get3A_427, %get3A_428] : memref<8192x32xbf16, #tpu.memory_space<vmem>>, vector<32x32xbf16>
    %dot_general3A_430 = arith.constant dense<0.000000e+00> : vector<32x256xf32>
    %dot_general3A_431 = tpu.matmul %get3A_429, %get3A_4, %dot_general3A_430 {dimension_numbers = #tpu.dot_dimension_numbers<[1], [0], [0], [1], [0, 0, 1, 1], [], []>, transpose_lhs_hint = false} : vector<32x32xbf16>, vector<32x256xbf16>, vector<32x256xf32> -> vector<32x256xf32>
    %get3A_432 = arith.constant 800 : index
    %get3A_433 = arith.constant 0 : index
    %get3A_434 = vector.load %arg2[%get3A_432, %get3A_433] : memref<8192x1xf32, #tpu.memory_space<vmem>>, vector<32x1xf32>
    %add3A_435 = vector.broadcast %get3A_1 : vector<1x256xf32> to vector<32x256xf32>
    %add3A_436 = vector.broadcast %get3A_434 : vector<32x1xf32> to vector<32x256xf32>
    %add3A_437 = arith.addf %add3A_435, %add3A_436 : vector<32x256xf32>
    %sub3A_438 = arith.subf %add3A_437, %dot_general3A_431 : vector<32x256xf32>
    %lt3A_439 = arith.cmpf olt, %sub3A_438, %select_n3A_423 : vector<32x256xf32>
    %select_n3A_440 = arith.select %lt3A_439, %sub3A_438, %select_n3A_423 : vector<32x256xi1>, vector<32x256xf32>
    %jit3A_441 = arith.constant 25 : i32
    %broadcast_in_dim3A_442 = vector.broadcast %jit3A_441 : i32 to vector<32x256xi32>
    %select_n3A_443 = arith.select %lt3A_439, %broadcast_in_dim3A_442, %select_n3A_426 : vector<32x256xi1>, vector<32x256xi32>
    %get3A_444 = arith.constant 832 : index
    %get3A_445 = arith.constant 0 : index
    %get3A_446 = vector.load %arg4[%get3A_444, %get3A_445] : memref<8192x32xbf16, #tpu.memory_space<vmem>>, vector<32x32xbf16>
    %dot_general3A_447 = arith.constant dense<0.000000e+00> : vector<32x256xf32>
    %dot_general3A_448 = tpu.matmul %get3A_446, %get3A_4, %dot_general3A_447 {dimension_numbers = #tpu.dot_dimension_numbers<[1], [0], [0], [1], [0, 0, 1, 1], [], []>, transpose_lhs_hint = false} : vector<32x32xbf16>, vector<32x256xbf16>, vector<32x256xf32> -> vector<32x256xf32>
    %get3A_449 = arith.constant 832 : index
    %get3A_450 = arith.constant 0 : index
    %get3A_451 = vector.load %arg2[%get3A_449, %get3A_450] : memref<8192x1xf32, #tpu.memory_space<vmem>>, vector<32x1xf32>
    %add3A_452 = vector.broadcast %get3A_1 : vector<1x256xf32> to vector<32x256xf32>
    %add3A_453 = vector.broadcast %get3A_451 : vector<32x1xf32> to vector<32x256xf32>
    %add3A_454 = arith.addf %add3A_452, %add3A_453 : vector<32x256xf32>
    %sub3A_455 = arith.subf %add3A_454, %dot_general3A_448 : vector<32x256xf32>
    %lt3A_456 = arith.cmpf olt, %sub3A_455, %select_n3A_440 : vector<32x256xf32>
    %select_n3A_457 = arith.select %lt3A_456, %sub3A_455, %select_n3A_440 : vector<32x256xi1>, vector<32x256xf32>
    %jit3A_458 = arith.constant 26 : i32
    %broadcast_in_dim3A_459 = vector.broadcast %jit3A_458 : i32 to vector<32x256xi32>
    %select_n3A_460 = arith.select %lt3A_456, %broadcast_in_dim3A_459, %select_n3A_443 : vector<32x256xi1>, vector<32x256xi32>
    %get3A_461 = arith.constant 864 : index
    %get3A_462 = arith.constant 0 : index
    %get3A_463 = vector.load %arg4[%get3A_461, %get3A_462] : memref<8192x32xbf16, #tpu.memory_space<vmem>>, vector<32x32xbf16>
    %dot_general3A_464 = arith.constant dense<0.000000e+00> : vector<32x256xf32>
    %dot_general3A_465 = tpu.matmul %get3A_463, %get3A_4, %dot_general3A_464 {dimension_numbers = #tpu.dot_dimension_numbers<[1], [0], [0], [1], [0, 0, 1, 1], [], []>, transpose_lhs_hint = false} : vector<32x32xbf16>, vector<32x256xbf16>, vector<32x256xf32> -> vector<32x256xf32>
    %get3A_466 = arith.constant 864 : index
    %get3A_467 = arith.constant 0 : index
    %get3A_468 = vector.load %arg2[%get3A_466, %get3A_467] : memref<8192x1xf32, #tpu.memory_space<vmem>>, vector<32x1xf32>
    %add3A_469 = vector.broadcast %get3A_1 : vector<1x256xf32> to vector<32x256xf32>
    %add3A_470 = vector.broadcast %get3A_468 : vector<32x1xf32> to vector<32x256xf32>
    %add3A_471 = arith.addf %add3A_469, %add3A_470 : vector<32x256xf32>
    %sub3A_472 = arith.subf %add3A_471, %dot_general3A_465 : vector<32x256xf32>
    %lt3A_473 = arith.cmpf olt, %sub3A_472, %select_n3A_457 : vector<32x256xf32>
    %select_n3A_474 = arith.select %lt3A_473, %sub3A_472, %select_n3A_457 : vector<32x256xi1>, vector<32x256xf32>
    %jit3A_475 = arith.constant 27 : i32
    %broadcast_in_dim3A_476 = vector.broadcast %jit3A_475 : i32 to vector<32x256xi32>
    %select_n3A_477 = arith.select %lt3A_473, %broadcast_in_dim3A_476, %select_n3A_460 : vector<32x256xi1>, vector<32x256xi32>
    %get3A_478 = arith.constant 896 : index
    %get3A_479 = arith.constant 0 : index
    %get3A_480 = vector.load %arg4[%get3A_478, %get3A_479] : memref<8192x32xbf16, #tpu.memory_space<vmem>>, vector<32x32xbf16>
    %dot_general3A_481 = arith.constant dense<0.000000e+00> : vector<32x256xf32>
    %dot_general3A_482 = tpu.matmul %get3A_480, %get3A_4, %dot_general3A_481 {dimension_numbers = #tpu.dot_dimension_numbers<[1], [0], [0], [1], [0, 0, 1, 1], [], []>, transpose_lhs_hint = false} : vector<32x32xbf16>, vector<32x256xbf16>, vector<32x256xf32> -> vector<32x256xf32>
    %get3A_483 = arith.constant 896 : index
    %get3A_484 = arith.constant 0 : index
    %get3A_485 = vector.load %arg2[%get3A_483, %get3A_484] : memref<8192x1xf32, #tpu.memory_space<vmem>>, vector<32x1xf32>
    %add3A_486 = vector.broadcast %get3A_1 : vector<1x256xf32> to vector<32x256xf32>
    %add3A_487 = vector.broadcast %get3A_485 : vector<32x1xf32> to vector<32x256xf32>
    %add3A_488 = arith.addf %add3A_486, %add3A_487 : vector<32x256xf32>
    %sub3A_489 = arith.subf %add3A_488, %dot_general3A_482 : vector<32x256xf32>
    %lt3A_490 = arith.cmpf olt, %sub3A_489, %select_n3A_474 : vector<32x256xf32>
    %select_n3A_491 = arith.select %lt3A_490, %sub3A_489, %select_n3A_474 : vector<32x256xi1>, vector<32x256xf32>
    %jit3A_492 = arith.constant 28 : i32
    %broadcast_in_dim3A_493 = vector.broadcast %jit3A_492 : i32 to vector<32x256xi32>
    %select_n3A_494 = arith.select %lt3A_490, %broadcast_in_dim3A_493, %select_n3A_477 : vector<32x256xi1>, vector<32x256xi32>
    %get3A_495 = arith.constant 928 : index
    %get3A_496 = arith.constant 0 : index
    %get3A_497 = vector.load %arg4[%get3A_495, %get3A_496] : memref<8192x32xbf16, #tpu.memory_space<vmem>>, vector<32x32xbf16>
    %dot_general3A_498 = arith.constant dense<0.000000e+00> : vector<32x256xf32>
    %dot_general3A_499 = tpu.matmul %get3A_497, %get3A_4, %dot_general3A_498 {dimension_numbers = #tpu.dot_dimension_numbers<[1], [0], [0], [1], [0, 0, 1, 1], [], []>, transpose_lhs_hint = false} : vector<32x32xbf16>, vector<32x256xbf16>, vector<32x256xf32> -> vector<32x256xf32>
    %get3A_500 = arith.constant 928 : index
    %get3A_501 = arith.constant 0 : index
    %get3A_502 = vector.load %arg2[%get3A_500, %get3A_501] : memref<8192x1xf32, #tpu.memory_space<vmem>>, vector<32x1xf32>
    %add3A_503 = vector.broadcast %get3A_1 : vector<1x256xf32> to vector<32x256xf32>
    %add3A_504 = vector.broadcast %get3A_502 : vector<32x1xf32> to vector<32x256xf32>
    %add3A_505 = arith.addf %add3A_503, %add3A_504 : vector<32x256xf32>
    %sub3A_506 = arith.subf %add3A_505, %dot_general3A_499 : vector<32x256xf32>
    %lt3A_507 = arith.cmpf olt, %sub3A_506, %select_n3A_491 : vector<32x256xf32>
    %select_n3A_508 = arith.select %lt3A_507, %sub3A_506, %select_n3A_491 : vector<32x256xi1>, vector<32x256xf32>
    %jit3A_509 = arith.constant 29 : i32
    %broadcast_in_dim3A_510 = vector.broadcast %jit3A_509 : i32 to vector<32x256xi32>
    %select_n3A_511 = arith.select %lt3A_507, %broadcast_in_dim3A_510, %select_n3A_494 : vector<32x256xi1>, vector<32x256xi32>
    %get3A_512 = arith.constant 960 : index
    %get3A_513 = arith.constant 0 : index
    %get3A_514 = vector.load %arg4[%get3A_512, %get3A_513] : memref<8192x32xbf16, #tpu.memory_space<vmem>>, vector<32x32xbf16>
    %dot_general3A_515 = arith.constant dense<0.000000e+00> : vector<32x256xf32>
    %dot_general3A_516 = tpu.matmul %get3A_514, %get3A_4, %dot_general3A_515 {dimension_numbers = #tpu.dot_dimension_numbers<[1], [0], [0], [1], [0, 0, 1, 1], [], []>, transpose_lhs_hint = false} : vector<32x32xbf16>, vector<32x256xbf16>, vector<32x256xf32> -> vector<32x256xf32>
    %get3A_517 = arith.constant 960 : index
    %get3A_518 = arith.constant 0 : index
    %get3A_519 = vector.load %arg2[%get3A_517, %get3A_518] : memref<8192x1xf32, #tpu.memory_space<vmem>>, vector<32x1xf32>
    %add3A_520 = vector.broadcast %get3A_1 : vector<1x256xf32> to vector<32x256xf32>
    %add3A_521 = vector.broadcast %get3A_519 : vector<32x1xf32> to vector<32x256xf32>
    %add3A_522 = arith.addf %add3A_520, %add3A_521 : vector<32x256xf32>
    %sub3A_523 = arith.subf %add3A_522, %dot_general3A_516 : vector<32x256xf32>
    %lt3A_524 = arith.cmpf olt, %sub3A_523, %select_n3A_508 : vector<32x256xf32>
    %select_n3A_525 = arith.select %lt3A_524, %sub3A_523, %select_n3A_508 : vector<32x256xi1>, vector<32x256xf32>
    %jit3A_526 = arith.constant 30 : i32
    %broadcast_in_dim3A_527 = vector.broadcast %jit3A_526 : i32 to vector<32x256xi32>
    %select_n3A_528 = arith.select %lt3A_524, %broadcast_in_dim3A_527, %select_n3A_511 : vector<32x256xi1>, vector<32x256xi32>
    %get3A_529 = arith.constant 992 : index
    %get3A_530 = arith.constant 0 : index
    %get3A_531 = vector.load %arg4[%get3A_529, %get3A_530] : memref<8192x32xbf16, #tpu.memory_space<vmem>>, vector<32x32xbf16>
    %dot_general3A_532 = arith.constant dense<0.000000e+00> : vector<32x256xf32>
    %dot_general3A_533 = tpu.matmul %get3A_531, %get3A_4, %dot_general3A_532 {dimension_numbers = #tpu.dot_dimension_numbers<[1], [0], [0], [1], [0, 0, 1, 1], [], []>, transpose_lhs_hint = false} : vector<32x32xbf16>, vector<32x256xbf16>, vector<32x256xf32> -> vector<32x256xf32>
    %get3A_534 = arith.constant 992 : index
    %get3A_535 = arith.constant 0 : index
    %get3A_536 = vector.load %arg2[%get3A_534, %get3A_535] : memref<8192x1xf32, #tpu.memory_space<vmem>>, vector<32x1xf32>
    %add3A_537 = vector.broadcast %get3A_1 : vector<1x256xf32> to vector<32x256xf32>
    %add3A_538 = vector.broadcast %get3A_536 : vector<32x1xf32> to vector<32x256xf32>
    %add3A_539 = arith.addf %add3A_537, %add3A_538 : vector<32x256xf32>
    %sub3A_540 = arith.subf %add3A_539, %dot_general3A_533 : vector<32x256xf32>
    %lt3A_541 = arith.cmpf olt, %sub3A_540, %select_n3A_525 : vector<32x256xf32>
    %select_n3A_542 = arith.select %lt3A_541, %sub3A_540, %select_n3A_525 : vector<32x256xi1>, vector<32x256xf32>
    %jit3A_543 = arith.constant 31 : i32
    %broadcast_in_dim3A_544 = vector.broadcast %jit3A_543 : i32 to vector<32x256xi32>
    %select_n3A_545 = arith.select %lt3A_541, %broadcast_in_dim3A_544, %select_n3A_528 : vector<32x256xi1>, vector<32x256xi32>
    %get3A_546 = arith.constant 1024 : index
    %get3A_547 = arith.constant 0 : index
    %get3A_548 = vector.load %arg4[%get3A_546, %get3A_547] : memref<8192x32xbf16, #tpu.memory_space<vmem>>, vector<32x32xbf16>
    %dot_general3A_549 = arith.constant dense<0.000000e+00> : vector<32x256xf32>
    %dot_general3A_550 = tpu.matmul %get3A_548, %get3A_4, %dot_general3A_549 {dimension_numbers = #tpu.dot_dimension_numbers<[1], [0], [0], [1], [0, 0, 1, 1], [], []>, transpose_lhs_hint = false} : vector<32x32xbf16>, vector<32x256xbf16>, vector<32x256xf32> -> vector<32x256xf32>
    %get3A_551 = arith.constant 1024 : index
    %get3A_552 = arith.constant 0 : index
    %get3A_553 = vector.load %arg2[%get3A_551, %get3A_552] : memref<8192x1xf32, #tpu.memory_space<vmem>>, vector<32x1xf32>
    %add3A_554 = vector.broadcast %get3A_1 : vector<1x256xf32> to vector<32x256xf32>
    %add3A_555 = vector.broadcast %get3A_553 : vector<32x1xf32> to vector<32x256xf32>
    %add3A_556 = arith.addf %add3A_554, %add3A_555 : vector<32x256xf32>
    %sub3A_557 = arith.subf %add3A_556, %dot_general3A_550 : vector<32x256xf32>
    %lt3A_558 = arith.cmpf olt, %sub3A_557, %select_n3A_542 : vector<32x256xf32>
    %select_n3A_559 = arith.select %lt3A_558, %sub3A_557, %select_n3A_542 : vector<32x256xi1>, vector<32x256xf32>
    %jit3A_560 = arith.constant 32 : i32
    %broadcast_in_dim3A_561 = vector.broadcast %jit3A_560 : i32 to vector<32x256xi32>
    %select_n3A_562 = arith.select %lt3A_558, %broadcast_in_dim3A_561, %select_n3A_545 : vector<32x256xi1>, vector<32x256xi32>
    %get3A_563 = arith.constant 1056 : index
    %get3A_564 = arith.constant 0 : index
    %get3A_565 = vector.load %arg4[%get3A_563, %get3A_564] : memref<8192x32xbf16, #tpu.memory_space<vmem>>, vector<32x32xbf16>
    %dot_general3A_566 = arith.constant dense<0.000000e+00> : vector<32x256xf32>
    %dot_general3A_567 = tpu.matmul %get3A_565, %get3A_4, %dot_general3A_566 {dimension_numbers = #tpu.dot_dimension_numbers<[1], [0], [0], [1], [0, 0, 1, 1], [], []>, transpose_lhs_hint = false} : vector<32x32xbf16>, vector<32x256xbf16>, vector<32x256xf32> -> vector<32x256xf32>
    %get3A_568 = arith.constant 1056 : index
    %get3A_569 = arith.constant 0 : index
    %get3A_570 = vector.load %arg2[%get3A_568, %get3A_569] : memref<8192x1xf32, #tpu.memory_space<vmem>>, vector<32x1xf32>
    %add3A_571 = vector.broadcast %get3A_1 : vector<1x256xf32> to vector<32x256xf32>
    %add3A_572 = vector.broadcast %get3A_570 : vector<32x1xf32> to vector<32x256xf32>
    %add3A_573 = arith.addf %add3A_571, %add3A_572 : vector<32x256xf32>
    %sub3A_574 = arith.subf %add3A_573, %dot_general3A_567 : vector<32x256xf32>
    %lt3A_575 = arith.cmpf olt, %sub3A_574, %select_n3A_559 : vector<32x256xf32>
    %select_n3A_576 = arith.select %lt3A_575, %sub3A_574, %select_n3A_559 : vector<32x256xi1>, vector<32x256xf32>
    %jit3A_577 = arith.constant 33 : i32
    %broadcast_in_dim3A_578 = vector.broadcast %jit3A_577 : i32 to vector<32x256xi32>
    %select_n3A_579 = arith.select %lt3A_575, %broadcast_in_dim3A_578, %select_n3A_562 : vector<32x256xi1>, vector<32x256xi32>
    %get3A_580 = arith.constant 1088 : index
    %get3A_581 = arith.constant 0 : index
    %get3A_582 = vector.load %arg4[%get3A_580, %get3A_581] : memref<8192x32xbf16, #tpu.memory_space<vmem>>, vector<32x32xbf16>
    %dot_general3A_583 = arith.constant dense<0.000000e+00> : vector<32x256xf32>
    %dot_general3A_584 = tpu.matmul %get3A_582, %get3A_4, %dot_general3A_583 {dimension_numbers = #tpu.dot_dimension_numbers<[1], [0], [0], [1], [0, 0, 1, 1], [], []>, transpose_lhs_hint = false} : vector<32x32xbf16>, vector<32x256xbf16>, vector<32x256xf32> -> vector<32x256xf32>
    %get3A_585 = arith.constant 1088 : index
    %get3A_586 = arith.constant 0 : index
    %get3A_587 = vector.load %arg2[%get3A_585, %get3A_586] : memref<8192x1xf32, #tpu.memory_space<vmem>>, vector<32x1xf32>
    %add3A_588 = vector.broadcast %get3A_1 : vector<1x256xf32> to vector<32x256xf32>
    %add3A_589 = vector.broadcast %get3A_587 : vector<32x1xf32> to vector<32x256xf32>
    %add3A_590 = arith.addf %add3A_588, %add3A_589 : vector<32x256xf32>
    %sub3A_591 = arith.subf %add3A_590, %dot_general3A_584 : vector<32x256xf32>
    %lt3A_592 = arith.cmpf olt, %sub3A_591, %select_n3A_576 : vector<32x256xf32>
    %select_n3A_593 = arith.select %lt3A_592, %sub3A_591, %select_n3A_576 : vector<32x256xi1>, vector<32x256xf32>
    %jit3A_594 = arith.constant 34 : i32
    %broadcast_in_dim3A_595 = vector.broadcast %jit3A_594 : i32 to vector<32x256xi32>
    %select_n3A_596 = arith.select %lt3A_592, %broadcast_in_dim3A_595, %select_n3A_579 : vector<32x256xi1>, vector<32x256xi32>
    %get3A_597 = arith.constant 1120 : index
    %get3A_598 = arith.constant 0 : index
    %get3A_599 = vector.load %arg4[%get3A_597, %get3A_598] : memref<8192x32xbf16, #tpu.memory_space<vmem>>, vector<32x32xbf16>
    %dot_general3A_600 = arith.constant dense<0.000000e+00> : vector<32x256xf32>
    %dot_general3A_601 = tpu.matmul %get3A_599, %get3A_4, %dot_general3A_600 {dimension_numbers = #tpu.dot_dimension_numbers<[1], [0], [0], [1], [0, 0, 1, 1], [], []>, transpose_lhs_hint = false} : vector<32x32xbf16>, vector<32x256xbf16>, vector<32x256xf32> -> vector<32x256xf32>
    %get3A_602 = arith.constant 1120 : index
    %get3A_603 = arith.constant 0 : index
    %get3A_604 = vector.load %arg2[%get3A_602, %get3A_603] : memref<8192x1xf32, #tpu.memory_space<vmem>>, vector<32x1xf32>
    %add3A_605 = vector.broadcast %get3A_1 : vector<1x256xf32> to vector<32x256xf32>
    %add3A_606 = vector.broadcast %get3A_604 : vector<32x1xf32> to vector<32x256xf32>
    %add3A_607 = arith.addf %add3A_605, %add3A_606 : vector<32x256xf32>
    %sub3A_608 = arith.subf %add3A_607, %dot_general3A_601 : vector<32x256xf32>
    %lt3A_609 = arith.cmpf olt, %sub3A_608, %select_n3A_593 : vector<32x256xf32>
    %select_n3A_610 = arith.select %lt3A_609, %sub3A_608, %select_n3A_593 : vector<32x256xi1>, vector<32x256xf32>
    %jit3A_611 = arith.constant 35 : i32
    %broadcast_in_dim3A_612 = vector.broadcast %jit3A_611 : i32 to vector<32x256xi32>
    %select_n3A_613 = arith.select %lt3A_609, %broadcast_in_dim3A_612, %select_n3A_596 : vector<32x256xi1>, vector<32x256xi32>
    %get3A_614 = arith.constant 1152 : index
    %get3A_615 = arith.constant 0 : index
    %get3A_616 = vector.load %arg4[%get3A_614, %get3A_615] : memref<8192x32xbf16, #tpu.memory_space<vmem>>, vector<32x32xbf16>
    %dot_general3A_617 = arith.constant dense<0.000000e+00> : vector<32x256xf32>
    %dot_general3A_618 = tpu.matmul %get3A_616, %get3A_4, %dot_general3A_617 {dimension_numbers = #tpu.dot_dimension_numbers<[1], [0], [0], [1], [0, 0, 1, 1], [], []>, transpose_lhs_hint = false} : vector<32x32xbf16>, vector<32x256xbf16>, vector<32x256xf32> -> vector<32x256xf32>
    %get3A_619 = arith.constant 1152 : index
    %get3A_620 = arith.constant 0 : index
    %get3A_621 = vector.load %arg2[%get3A_619, %get3A_620] : memref<8192x1xf32, #tpu.memory_space<vmem>>, vector<32x1xf32>
    %add3A_622 = vector.broadcast %get3A_1 : vector<1x256xf32> to vector<32x256xf32>
    %add3A_623 = vector.broadcast %get3A_621 : vector<32x1xf32> to vector<32x256xf32>
    %add3A_624 = arith.addf %add3A_622, %add3A_623 : vector<32x256xf32>
    %sub3A_625 = arith.subf %add3A_624, %dot_general3A_618 : vector<32x256xf32>
    %lt3A_626 = arith.cmpf olt, %sub3A_625, %select_n3A_610 : vector<32x256xf32>
    %select_n3A_627 = arith.select %lt3A_626, %sub3A_625, %select_n3A_610 : vector<32x256xi1>, vector<32x256xf32>
    %jit3A_628 = arith.constant 36 : i32
    %broadcast_in_dim3A_629 = vector.broadcast %jit3A_628 : i32 to vector<32x256xi32>
    %select_n3A_630 = arith.select %lt3A_626, %broadcast_in_dim3A_629, %select_n3A_613 : vector<32x256xi1>, vector<32x256xi32>
    %get3A_631 = arith.constant 1184 : index
    %get3A_632 = arith.constant 0 : index
    %get3A_633 = vector.load %arg4[%get3A_631, %get3A_632] : memref<8192x32xbf16, #tpu.memory_space<vmem>>, vector<32x32xbf16>
    %dot_general3A_634 = arith.constant dense<0.000000e+00> : vector<32x256xf32>
    %dot_general3A_635 = tpu.matmul %get3A_633, %get3A_4, %dot_general3A_634 {dimension_numbers = #tpu.dot_dimension_numbers<[1], [0], [0], [1], [0, 0, 1, 1], [], []>, transpose_lhs_hint = false} : vector<32x32xbf16>, vector<32x256xbf16>, vector<32x256xf32> -> vector<32x256xf32>
    %get3A_636 = arith.constant 1184 : index
    %get3A_637 = arith.constant 0 : index
    %get3A_638 = vector.load %arg2[%get3A_636, %get3A_637] : memref<8192x1xf32, #tpu.memory_space<vmem>>, vector<32x1xf32>
    %add3A_639 = vector.broadcast %get3A_1 : vector<1x256xf32> to vector<32x256xf32>
    %add3A_640 = vector.broadcast %get3A_638 : vector<32x1xf32> to vector<32x256xf32>
    %add3A_641 = arith.addf %add3A_639, %add3A_640 : vector<32x256xf32>
    %sub3A_642 = arith.subf %add3A_641, %dot_general3A_635 : vector<32x256xf32>
    %lt3A_643 = arith.cmpf olt, %sub3A_642, %select_n3A_627 : vector<32x256xf32>
    %select_n3A_644 = arith.select %lt3A_643, %sub3A_642, %select_n3A_627 : vector<32x256xi1>, vector<32x256xf32>
    %jit3A_645 = arith.constant 37 : i32
    %broadcast_in_dim3A_646 = vector.broadcast %jit3A_645 : i32 to vector<32x256xi32>
    %select_n3A_647 = arith.select %lt3A_643, %broadcast_in_dim3A_646, %select_n3A_630 : vector<32x256xi1>, vector<32x256xi32>
    %get3A_648 = arith.constant 1216 : index
    %get3A_649 = arith.constant 0 : index
    %get3A_650 = vector.load %arg4[%get3A_648, %get3A_649] : memref<8192x32xbf16, #tpu.memory_space<vmem>>, vector<32x32xbf16>
    %dot_general3A_651 = arith.constant dense<0.000000e+00> : vector<32x256xf32>
    %dot_general3A_652 = tpu.matmul %get3A_650, %get3A_4, %dot_general3A_651 {dimension_numbers = #tpu.dot_dimension_numbers<[1], [0], [0], [1], [0, 0, 1, 1], [], []>, transpose_lhs_hint = false} : vector<32x32xbf16>, vector<32x256xbf16>, vector<32x256xf32> -> vector<32x256xf32>
    %get3A_653 = arith.constant 1216 : index
    %get3A_654 = arith.constant 0 : index
    %get3A_655 = vector.load %arg2[%get3A_653, %get3A_654] : memref<8192x1xf32, #tpu.memory_space<vmem>>, vector<32x1xf32>
    %add3A_656 = vector.broadcast %get3A_1 : vector<1x256xf32> to vector<32x256xf32>
    %add3A_657 = vector.broadcast %get3A_655 : vector<32x1xf32> to vector<32x256xf32>
    %add3A_658 = arith.addf %add3A_656, %add3A_657 : vector<32x256xf32>
    %sub3A_659 = arith.subf %add3A_658, %dot_general3A_652 : vector<32x256xf32>
    %lt3A_660 = arith.cmpf olt, %sub3A_659, %select_n3A_644 : vector<32x256xf32>
    %select_n3A_661 = arith.select %lt3A_660, %sub3A_659, %select_n3A_644 : vector<32x256xi1>, vector<32x256xf32>
    %jit3A_662 = arith.constant 38 : i32
    %broadcast_in_dim3A_663 = vector.broadcast %jit3A_662 : i32 to vector<32x256xi32>
    %select_n3A_664 = arith.select %lt3A_660, %broadcast_in_dim3A_663, %select_n3A_647 : vector<32x256xi1>, vector<32x256xi32>
    %get3A_665 = arith.constant 1248 : index
    %get3A_666 = arith.constant 0 : index
    %get3A_667 = vector.load %arg4[%get3A_665, %get3A_666] : memref<8192x32xbf16, #tpu.memory_space<vmem>>, vector<32x32xbf16>
    %dot_general3A_668 = arith.constant dense<0.000000e+00> : vector<32x256xf32>
    %dot_general3A_669 = tpu.matmul %get3A_667, %get3A_4, %dot_general3A_668 {dimension_numbers = #tpu.dot_dimension_numbers<[1], [0], [0], [1], [0, 0, 1, 1], [], []>, transpose_lhs_hint = false} : vector<32x32xbf16>, vector<32x256xbf16>, vector<32x256xf32> -> vector<32x256xf32>
    %get3A_670 = arith.constant 1248 : index
    %get3A_671 = arith.constant 0 : index
    %get3A_672 = vector.load %arg2[%get3A_670, %get3A_671] : memref<8192x1xf32, #tpu.memory_space<vmem>>, vector<32x1xf32>
    %add3A_673 = vector.broadcast %get3A_1 : vector<1x256xf32> to vector<32x256xf32>
    %add3A_674 = vector.broadcast %get3A_672 : vector<32x1xf32> to vector<32x256xf32>
    %add3A_675 = arith.addf %add3A_673, %add3A_674 : vector<32x256xf32>
    %sub3A_676 = arith.subf %add3A_675, %dot_general3A_669 : vector<32x256xf32>
    %lt3A_677 = arith.cmpf olt, %sub3A_676, %select_n3A_661 : vector<32x256xf32>
    %select_n3A_678 = arith.select %lt3A_677, %sub3A_676, %select_n3A_661 : vector<32x256xi1>, vector<32x256xf32>
    %jit3A_679 = arith.constant 39 : i32
    %broadcast_in_dim3A_680 = vector.broadcast %jit3A_679 : i32 to vector<32x256xi32>
    %select_n3A_681 = arith.select %lt3A_677, %broadcast_in_dim3A_680, %select_n3A_664 : vector<32x256xi1>, vector<32x256xi32>
    %get3A_682 = arith.constant 1280 : index
    %get3A_683 = arith.constant 0 : index
    %get3A_684 = vector.load %arg4[%get3A_682, %get3A_683] : memref<8192x32xbf16, #tpu.memory_space<vmem>>, vector<32x32xbf16>
    %dot_general3A_685 = arith.constant dense<0.000000e+00> : vector<32x256xf32>
    %dot_general3A_686 = tpu.matmul %get3A_684, %get3A_4, %dot_general3A_685 {dimension_numbers = #tpu.dot_dimension_numbers<[1], [0], [0], [1], [0, 0, 1, 1], [], []>, transpose_lhs_hint = false} : vector<32x32xbf16>, vector<32x256xbf16>, vector<32x256xf32> -> vector<32x256xf32>
    %get3A_687 = arith.constant 1280 : index
    %get3A_688 = arith.constant 0 : index
    %get3A_689 = vector.load %arg2[%get3A_687, %get3A_688] : memref<8192x1xf32, #tpu.memory_space<vmem>>, vector<32x1xf32>
    %add3A_690 = vector.broadcast %get3A_1 : vector<1x256xf32> to vector<32x256xf32>
    %add3A_691 = vector.broadcast %get3A_689 : vector<32x1xf32> to vector<32x256xf32>
    %add3A_692 = arith.addf %add3A_690, %add3A_691 : vector<32x256xf32>
    %sub3A_693 = arith.subf %add3A_692, %dot_general3A_686 : vector<32x256xf32>
    %lt3A_694 = arith.cmpf olt, %sub3A_693, %select_n3A_678 : vector<32x256xf32>
    %select_n3A_695 = arith.select %lt3A_694, %sub3A_693, %select_n3A_678 : vector<32x256xi1>, vector<32x256xf32>
    %jit3A_696 = arith.constant 40 : i32
    %broadcast_in_dim3A_697 = vector.broadcast %jit3A_696 : i32 to vector<32x256xi32>
    %select_n3A_698 = arith.select %lt3A_694, %broadcast_in_dim3A_697, %select_n3A_681 : vector<32x256xi1>, vector<32x256xi32>
    %get3A_699 = arith.constant 1312 : index
    %get3A_700 = arith.constant 0 : index
    %get3A_701 = vector.load %arg4[%get3A_699, %get3A_700] : memref<8192x32xbf16, #tpu.memory_space<vmem>>, vector<32x32xbf16>
    %dot_general3A_702 = arith.constant dense<0.000000e+00> : vector<32x256xf32>
    %dot_general3A_703 = tpu.matmul %get3A_701, %get3A_4, %dot_general3A_702 {dimension_numbers = #tpu.dot_dimension_numbers<[1], [0], [0], [1], [0, 0, 1, 1], [], []>, transpose_lhs_hint = false} : vector<32x32xbf16>, vector<32x256xbf16>, vector<32x256xf32> -> vector<32x256xf32>
    %get3A_704 = arith.constant 1312 : index
    %get3A_705 = arith.constant 0 : index
    %get3A_706 = vector.load %arg2[%get3A_704, %get3A_705] : memref<8192x1xf32, #tpu.memory_space<vmem>>, vector<32x1xf32>
    %add3A_707 = vector.broadcast %get3A_1 : vector<1x256xf32> to vector<32x256xf32>
    %add3A_708 = vector.broadcast %get3A_706 : vector<32x1xf32> to vector<32x256xf32>
    %add3A_709 = arith.addf %add3A_707, %add3A_708 : vector<32x256xf32>
    %sub3A_710 = arith.subf %add3A_709, %dot_general3A_703 : vector<32x256xf32>
    %lt3A_711 = arith.cmpf olt, %sub3A_710, %select_n3A_695 : vector<32x256xf32>
    %select_n3A_712 = arith.select %lt3A_711, %sub3A_710, %select_n3A_695 : vector<32x256xi1>, vector<32x256xf32>
    %jit3A_713 = arith.constant 41 : i32
    %broadcast_in_dim3A_714 = vector.broadcast %jit3A_713 : i32 to vector<32x256xi32>
    %select_n3A_715 = arith.select %lt3A_711, %broadcast_in_dim3A_714, %select_n3A_698 : vector<32x256xi1>, vector<32x256xi32>
    %get3A_716 = arith.constant 1344 : index
    %get3A_717 = arith.constant 0 : index
    %get3A_718 = vector.load %arg4[%get3A_716, %get3A_717] : memref<8192x32xbf16, #tpu.memory_space<vmem>>, vector<32x32xbf16>
    %dot_general3A_719 = arith.constant dense<0.000000e+00> : vector<32x256xf32>
    %dot_general3A_720 = tpu.matmul %get3A_718, %get3A_4, %dot_general3A_719 {dimension_numbers = #tpu.dot_dimension_numbers<[1], [0], [0], [1], [0, 0, 1, 1], [], []>, transpose_lhs_hint = false} : vector<32x32xbf16>, vector<32x256xbf16>, vector<32x256xf32> -> vector<32x256xf32>
    %get3A_721 = arith.constant 1344 : index
    %get3A_722 = arith.constant 0 : index
    %get3A_723 = vector.load %arg2[%get3A_721, %get3A_722] : memref<8192x1xf32, #tpu.memory_space<vmem>>, vector<32x1xf32>
    %add3A_724 = vector.broadcast %get3A_1 : vector<1x256xf32> to vector<32x256xf32>
    %add3A_725 = vector.broadcast %get3A_723 : vector<32x1xf32> to vector<32x256xf32>
    %add3A_726 = arith.addf %add3A_724, %add3A_725 : vector<32x256xf32>
    %sub3A_727 = arith.subf %add3A_726, %dot_general3A_720 : vector<32x256xf32>
    %lt3A_728 = arith.cmpf olt, %sub3A_727, %select_n3A_712 : vector<32x256xf32>
    %select_n3A_729 = arith.select %lt3A_728, %sub3A_727, %select_n3A_712 : vector<32x256xi1>, vector<32x256xf32>
    %jit3A_730 = arith.constant 42 : i32
    %broadcast_in_dim3A_731 = vector.broadcast %jit3A_730 : i32 to vector<32x256xi32>
    %select_n3A_732 = arith.select %lt3A_728, %broadcast_in_dim3A_731, %select_n3A_715 : vector<32x256xi1>, vector<32x256xi32>
    %get3A_733 = arith.constant 1376 : index
    %get3A_734 = arith.constant 0 : index
    %get3A_735 = vector.load %arg4[%get3A_733, %get3A_734] : memref<8192x32xbf16, #tpu.memory_space<vmem>>, vector<32x32xbf16>
    %dot_general3A_736 = arith.constant dense<0.000000e+00> : vector<32x256xf32>
    %dot_general3A_737 = tpu.matmul %get3A_735, %get3A_4, %dot_general3A_736 {dimension_numbers = #tpu.dot_dimension_numbers<[1], [0], [0], [1], [0, 0, 1, 1], [], []>, transpose_lhs_hint = false} : vector<32x32xbf16>, vector<32x256xbf16>, vector<32x256xf32> -> vector<32x256xf32>
    %get3A_738 = arith.constant 1376 : index
    %get3A_739 = arith.constant 0 : index
    %get3A_740 = vector.load %arg2[%get3A_738, %get3A_739] : memref<8192x1xf32, #tpu.memory_space<vmem>>, vector<32x1xf32>
    %add3A_741 = vector.broadcast %get3A_1 : vector<1x256xf32> to vector<32x256xf32>
    %add3A_742 = vector.broadcast %get3A_740 : vector<32x1xf32> to vector<32x256xf32>
    %add3A_743 = arith.addf %add3A_741, %add3A_742 : vector<32x256xf32>
    %sub3A_744 = arith.subf %add3A_743, %dot_general3A_737 : vector<32x256xf32>
    %lt3A_745 = arith.cmpf olt, %sub3A_744, %select_n3A_729 : vector<32x256xf32>
    %select_n3A_746 = arith.select %lt3A_745, %sub3A_744, %select_n3A_729 : vector<32x256xi1>, vector<32x256xf32>
    %jit3A_747 = arith.constant 43 : i32
    %broadcast_in_dim3A_748 = vector.broadcast %jit3A_747 : i32 to vector<32x256xi32>
    %select_n3A_749 = arith.select %lt3A_745, %broadcast_in_dim3A_748, %select_n3A_732 : vector<32x256xi1>, vector<32x256xi32>
    %get3A_750 = arith.constant 1408 : index
    %get3A_751 = arith.constant 0 : index
    %get3A_752 = vector.load %arg4[%get3A_750, %get3A_751] : memref<8192x32xbf16, #tpu.memory_space<vmem>>, vector<32x32xbf16>
    %dot_general3A_753 = arith.constant dense<0.000000e+00> : vector<32x256xf32>
    %dot_general3A_754 = tpu.matmul %get3A_752, %get3A_4, %dot_general3A_753 {dimension_numbers = #tpu.dot_dimension_numbers<[1], [0], [0], [1], [0, 0, 1, 1], [], []>, transpose_lhs_hint = false} : vector<32x32xbf16>, vector<32x256xbf16>, vector<32x256xf32> -> vector<32x256xf32>
    %get3A_755 = arith.constant 1408 : index
    %get3A_756 = arith.constant 0 : index
    %get3A_757 = vector.load %arg2[%get3A_755, %get3A_756] : memref<8192x1xf32, #tpu.memory_space<vmem>>, vector<32x1xf32>
    %add3A_758 = vector.broadcast %get3A_1 : vector<1x256xf32> to vector<32x256xf32>
    %add3A_759 = vector.broadcast %get3A_757 : vector<32x1xf32> to vector<32x256xf32>
    %add3A_760 = arith.addf %add3A_758, %add3A_759 : vector<32x256xf32>
    %sub3A_761 = arith.subf %add3A_760, %dot_general3A_754 : vector<32x256xf32>
    %lt3A_762 = arith.cmpf olt, %sub3A_761, %select_n3A_746 : vector<32x256xf32>
    %select_n3A_763 = arith.select %lt3A_762, %sub3A_761, %select_n3A_746 : vector<32x256xi1>, vector<32x256xf32>
    %jit3A_764 = arith.constant 44 : i32
    %broadcast_in_dim3A_765 = vector.broadcast %jit3A_764 : i32 to vector<32x256xi32>
    %select_n3A_766 = arith.select %lt3A_762, %broadcast_in_dim3A_765, %select_n3A_749 : vector<32x256xi1>, vector<32x256xi32>
    %get3A_767 = arith.constant 1440 : index
    %get3A_768 = arith.constant 0 : index
    %get3A_769 = vector.load %arg4[%get3A_767, %get3A_768] : memref<8192x32xbf16, #tpu.memory_space<vmem>>, vector<32x32xbf16>
    %dot_general3A_770 = arith.constant dense<0.000000e+00> : vector<32x256xf32>
    %dot_general3A_771 = tpu.matmul %get3A_769, %get3A_4, %dot_general3A_770 {dimension_numbers = #tpu.dot_dimension_numbers<[1], [0], [0], [1], [0, 0, 1, 1], [], []>, transpose_lhs_hint = false} : vector<32x32xbf16>, vector<32x256xbf16>, vector<32x256xf32> -> vector<32x256xf32>
    %get3A_772 = arith.constant 1440 : index
    %get3A_773 = arith.constant 0 : index
    %get3A_774 = vector.load %arg2[%get3A_772, %get3A_773] : memref<8192x1xf32, #tpu.memory_space<vmem>>, vector<32x1xf32>
    %add3A_775 = vector.broadcast %get3A_1 : vector<1x256xf32> to vector<32x256xf32>
    %add3A_776 = vector.broadcast %get3A_774 : vector<32x1xf32> to vector<32x256xf32>
    %add3A_777 = arith.addf %add3A_775, %add3A_776 : vector<32x256xf32>
    %sub3A_778 = arith.subf %add3A_777, %dot_general3A_771 : vector<32x256xf32>
    %lt3A_779 = arith.cmpf olt, %sub3A_778, %select_n3A_763 : vector<32x256xf32>
    %select_n3A_780 = arith.select %lt3A_779, %sub3A_778, %select_n3A_763 : vector<32x256xi1>, vector<32x256xf32>
    %jit3A_781 = arith.constant 45 : i32
    %broadcast_in_dim3A_782 = vector.broadcast %jit3A_781 : i32 to vector<32x256xi32>
    %select_n3A_783 = arith.select %lt3A_779, %broadcast_in_dim3A_782, %select_n3A_766 : vector<32x256xi1>, vector<32x256xi32>
    %get3A_784 = arith.constant 1472 : index
    %get3A_785 = arith.constant 0 : index
    %get3A_786 = vector.load %arg4[%get3A_784, %get3A_785] : memref<8192x32xbf16, #tpu.memory_space<vmem>>, vector<32x32xbf16>
    %dot_general3A_787 = arith.constant dense<0.000000e+00> : vector<32x256xf32>
    %dot_general3A_788 = tpu.matmul %get3A_786, %get3A_4, %dot_general3A_787 {dimension_numbers = #tpu.dot_dimension_numbers<[1], [0], [0], [1], [0, 0, 1, 1], [], []>, transpose_lhs_hint = false} : vector<32x32xbf16>, vector<32x256xbf16>, vector<32x256xf32> -> vector<32x256xf32>
    %get3A_789 = arith.constant 1472 : index
    %get3A_790 = arith.constant 0 : index
    %get3A_791 = vector.load %arg2[%get3A_789, %get3A_790] : memref<8192x1xf32, #tpu.memory_space<vmem>>, vector<32x1xf32>
    %add3A_792 = vector.broadcast %get3A_1 : vector<1x256xf32> to vector<32x256xf32>
    %add3A_793 = vector.broadcast %get3A_791 : vector<32x1xf32> to vector<32x256xf32>
    %add3A_794 = arith.addf %add3A_792, %add3A_793 : vector<32x256xf32>
    %sub3A_795 = arith.subf %add3A_794, %dot_general3A_788 : vector<32x256xf32>
    %lt3A_796 = arith.cmpf olt, %sub3A_795, %select_n3A_780 : vector<32x256xf32>
    %select_n3A_797 = arith.select %lt3A_796, %sub3A_795, %select_n3A_780 : vector<32x256xi1>, vector<32x256xf32>
    %jit3A_798 = arith.constant 46 : i32
    %broadcast_in_dim3A_799 = vector.broadcast %jit3A_798 : i32 to vector<32x256xi32>
    %select_n3A_800 = arith.select %lt3A_796, %broadcast_in_dim3A_799, %select_n3A_783 : vector<32x256xi1>, vector<32x256xi32>
    %get3A_801 = arith.constant 1504 : index
    %get3A_802 = arith.constant 0 : index
    %get3A_803 = vector.load %arg4[%get3A_801, %get3A_802] : memref<8192x32xbf16, #tpu.memory_space<vmem>>, vector<32x32xbf16>
    %dot_general3A_804 = arith.constant dense<0.000000e+00> : vector<32x256xf32>
    %dot_general3A_805 = tpu.matmul %get3A_803, %get3A_4, %dot_general3A_804 {dimension_numbers = #tpu.dot_dimension_numbers<[1], [0], [0], [1], [0, 0, 1, 1], [], []>, transpose_lhs_hint = false} : vector<32x32xbf16>, vector<32x256xbf16>, vector<32x256xf32> -> vector<32x256xf32>
    %get3A_806 = arith.constant 1504 : index
    %get3A_807 = arith.constant 0 : index
    %get3A_808 = vector.load %arg2[%get3A_806, %get3A_807] : memref<8192x1xf32, #tpu.memory_space<vmem>>, vector<32x1xf32>
    %add3A_809 = vector.broadcast %get3A_1 : vector<1x256xf32> to vector<32x256xf32>
    %add3A_810 = vector.broadcast %get3A_808 : vector<32x1xf32> to vector<32x256xf32>
    %add3A_811 = arith.addf %add3A_809, %add3A_810 : vector<32x256xf32>
    %sub3A_812 = arith.subf %add3A_811, %dot_general3A_805 : vector<32x256xf32>
    %lt3A_813 = arith.cmpf olt, %sub3A_812, %select_n3A_797 : vector<32x256xf32>
    %select_n3A_814 = arith.select %lt3A_813, %sub3A_812, %select_n3A_797 : vector<32x256xi1>, vector<32x256xf32>
    %jit3A_815 = arith.constant 47 : i32
    %broadcast_in_dim3A_816 = vector.broadcast %jit3A_815 : i32 to vector<32x256xi32>
    %select_n3A_817 = arith.select %lt3A_813, %broadcast_in_dim3A_816, %select_n3A_800 : vector<32x256xi1>, vector<32x256xi32>
    %get3A_818 = arith.constant 1536 : index
    %get3A_819 = arith.constant 0 : index
    %get3A_820 = vector.load %arg4[%get3A_818, %get3A_819] : memref<8192x32xbf16, #tpu.memory_space<vmem>>, vector<32x32xbf16>
    %dot_general3A_821 = arith.constant dense<0.000000e+00> : vector<32x256xf32>
    %dot_general3A_822 = tpu.matmul %get3A_820, %get3A_4, %dot_general3A_821 {dimension_numbers = #tpu.dot_dimension_numbers<[1], [0], [0], [1], [0, 0, 1, 1], [], []>, transpose_lhs_hint = false} : vector<32x32xbf16>, vector<32x256xbf16>, vector<32x256xf32> -> vector<32x256xf32>
    %get3A_823 = arith.constant 1536 : index
    %get3A_824 = arith.constant 0 : index
    %get3A_825 = vector.load %arg2[%get3A_823, %get3A_824] : memref<8192x1xf32, #tpu.memory_space<vmem>>, vector<32x1xf32>
    %add3A_826 = vector.broadcast %get3A_1 : vector<1x256xf32> to vector<32x256xf32>
    %add3A_827 = vector.broadcast %get3A_825 : vector<32x1xf32> to vector<32x256xf32>
    %add3A_828 = arith.addf %add3A_826, %add3A_827 : vector<32x256xf32>
    %sub3A_829 = arith.subf %add3A_828, %dot_general3A_822 : vector<32x256xf32>
    %lt3A_830 = arith.cmpf olt, %sub3A_829, %select_n3A_814 : vector<32x256xf32>
    %select_n3A_831 = arith.select %lt3A_830, %sub3A_829, %select_n3A_814 : vector<32x256xi1>, vector<32x256xf32>
    %jit3A_832 = arith.constant 48 : i32
    %broadcast_in_dim3A_833 = vector.broadcast %jit3A_832 : i32 to vector<32x256xi32>
    %select_n3A_834 = arith.select %lt3A_830, %broadcast_in_dim3A_833, %select_n3A_817 : vector<32x256xi1>, vector<32x256xi32>
    %get3A_835 = arith.constant 1568 : index
    %get3A_836 = arith.constant 0 : index
    %get3A_837 = vector.load %arg4[%get3A_835, %get3A_836] : memref<8192x32xbf16, #tpu.memory_space<vmem>>, vector<32x32xbf16>
    %dot_general3A_838 = arith.constant dense<0.000000e+00> : vector<32x256xf32>
    %dot_general3A_839 = tpu.matmul %get3A_837, %get3A_4, %dot_general3A_838 {dimension_numbers = #tpu.dot_dimension_numbers<[1], [0], [0], [1], [0, 0, 1, 1], [], []>, transpose_lhs_hint = false} : vector<32x32xbf16>, vector<32x256xbf16>, vector<32x256xf32> -> vector<32x256xf32>
    %get3A_840 = arith.constant 1568 : index
    %get3A_841 = arith.constant 0 : index
    %get3A_842 = vector.load %arg2[%get3A_840, %get3A_841] : memref<8192x1xf32, #tpu.memory_space<vmem>>, vector<32x1xf32>
    %add3A_843 = vector.broadcast %get3A_1 : vector<1x256xf32> to vector<32x256xf32>
    %add3A_844 = vector.broadcast %get3A_842 : vector<32x1xf32> to vector<32x256xf32>
    %add3A_845 = arith.addf %add3A_843, %add3A_844 : vector<32x256xf32>
    %sub3A_846 = arith.subf %add3A_845, %dot_general3A_839 : vector<32x256xf32>
    %lt3A_847 = arith.cmpf olt, %sub3A_846, %select_n3A_831 : vector<32x256xf32>
    %select_n3A_848 = arith.select %lt3A_847, %sub3A_846, %select_n3A_831 : vector<32x256xi1>, vector<32x256xf32>
    %jit3A_849 = arith.constant 49 : i32
    %broadcast_in_dim3A_850 = vector.broadcast %jit3A_849 : i32 to vector<32x256xi32>
    %select_n3A_851 = arith.select %lt3A_847, %broadcast_in_dim3A_850, %select_n3A_834 : vector<32x256xi1>, vector<32x256xi32>
    %get3A_852 = arith.constant 1600 : index
    %get3A_853 = arith.constant 0 : index
    %get3A_854 = vector.load %arg4[%get3A_852, %get3A_853] : memref<8192x32xbf16, #tpu.memory_space<vmem>>, vector<32x32xbf16>
    %dot_general3A_855 = arith.constant dense<0.000000e+00> : vector<32x256xf32>
    %dot_general3A_856 = tpu.matmul %get3A_854, %get3A_4, %dot_general3A_855 {dimension_numbers = #tpu.dot_dimension_numbers<[1], [0], [0], [1], [0, 0, 1, 1], [], []>, transpose_lhs_hint = false} : vector<32x32xbf16>, vector<32x256xbf16>, vector<32x256xf32> -> vector<32x256xf32>
    %get3A_857 = arith.constant 1600 : index
    %get3A_858 = arith.constant 0 : index
    %get3A_859 = vector.load %arg2[%get3A_857, %get3A_858] : memref<8192x1xf32, #tpu.memory_space<vmem>>, vector<32x1xf32>
    %add3A_860 = vector.broadcast %get3A_1 : vector<1x256xf32> to vector<32x256xf32>
    %add3A_861 = vector.broadcast %get3A_859 : vector<32x1xf32> to vector<32x256xf32>
    %add3A_862 = arith.addf %add3A_860, %add3A_861 : vector<32x256xf32>
    %sub3A_863 = arith.subf %add3A_862, %dot_general3A_856 : vector<32x256xf32>
    %lt3A_864 = arith.cmpf olt, %sub3A_863, %select_n3A_848 : vector<32x256xf32>
    %select_n3A_865 = arith.select %lt3A_864, %sub3A_863, %select_n3A_848 : vector<32x256xi1>, vector<32x256xf32>
    %jit3A_866 = arith.constant 50 : i32
    %broadcast_in_dim3A_867 = vector.broadcast %jit3A_866 : i32 to vector<32x256xi32>
    %select_n3A_868 = arith.select %lt3A_864, %broadcast_in_dim3A_867, %select_n3A_851 : vector<32x256xi1>, vector<32x256xi32>
    %get3A_869 = arith.constant 1632 : index
    %get3A_870 = arith.constant 0 : index
    %get3A_871 = vector.load %arg4[%get3A_869, %get3A_870] : memref<8192x32xbf16, #tpu.memory_space<vmem>>, vector<32x32xbf16>
    %dot_general3A_872 = arith.constant dense<0.000000e+00> : vector<32x256xf32>
    %dot_general3A_873 = tpu.matmul %get3A_871, %get3A_4, %dot_general3A_872 {dimension_numbers = #tpu.dot_dimension_numbers<[1], [0], [0], [1], [0, 0, 1, 1], [], []>, transpose_lhs_hint = false} : vector<32x32xbf16>, vector<32x256xbf16>, vector<32x256xf32> -> vector<32x256xf32>
    %get3A_874 = arith.constant 1632 : index
    %get3A_875 = arith.constant 0 : index
    %get3A_876 = vector.load %arg2[%get3A_874, %get3A_875] : memref<8192x1xf32, #tpu.memory_space<vmem>>, vector<32x1xf32>
    %add3A_877 = vector.broadcast %get3A_1 : vector<1x256xf32> to vector<32x256xf32>
    %add3A_878 = vector.broadcast %get3A_876 : vector<32x1xf32> to vector<32x256xf32>
    %add3A_879 = arith.addf %add3A_877, %add3A_878 : vector<32x256xf32>
    %sub3A_880 = arith.subf %add3A_879, %dot_general3A_873 : vector<32x256xf32>
    %lt3A_881 = arith.cmpf olt, %sub3A_880, %select_n3A_865 : vector<32x256xf32>
    %select_n3A_882 = arith.select %lt3A_881, %sub3A_880, %select_n3A_865 : vector<32x256xi1>, vector<32x256xf32>
    %jit3A_883 = arith.constant 51 : i32
    %broadcast_in_dim3A_884 = vector.broadcast %jit3A_883 : i32 to vector<32x256xi32>
    %select_n3A_885 = arith.select %lt3A_881, %broadcast_in_dim3A_884, %select_n3A_868 : vector<32x256xi1>, vector<32x256xi32>
    %get3A_886 = arith.constant 1664 : index
    %get3A_887 = arith.constant 0 : index
    %get3A_888 = vector.load %arg4[%get3A_886, %get3A_887] : memref<8192x32xbf16, #tpu.memory_space<vmem>>, vector<32x32xbf16>
    %dot_general3A_889 = arith.constant dense<0.000000e+00> : vector<32x256xf32>
    %dot_general3A_890 = tpu.matmul %get3A_888, %get3A_4, %dot_general3A_889 {dimension_numbers = #tpu.dot_dimension_numbers<[1], [0], [0], [1], [0, 0, 1, 1], [], []>, transpose_lhs_hint = false} : vector<32x32xbf16>, vector<32x256xbf16>, vector<32x256xf32> -> vector<32x256xf32>
    %get3A_891 = arith.constant 1664 : index
    %get3A_892 = arith.constant 0 : index
    %get3A_893 = vector.load %arg2[%get3A_891, %get3A_892] : memref<8192x1xf32, #tpu.memory_space<vmem>>, vector<32x1xf32>
    %add3A_894 = vector.broadcast %get3A_1 : vector<1x256xf32> to vector<32x256xf32>
    %add3A_895 = vector.broadcast %get3A_893 : vector<32x1xf32> to vector<32x256xf32>
    %add3A_896 = arith.addf %add3A_894, %add3A_895 : vector<32x256xf32>
    %sub3A_897 = arith.subf %add3A_896, %dot_general3A_890 : vector<32x256xf32>
    %lt3A_898 = arith.cmpf olt, %sub3A_897, %select_n3A_882 : vector<32x256xf32>
    %select_n3A_899 = arith.select %lt3A_898, %sub3A_897, %select_n3A_882 : vector<32x256xi1>, vector<32x256xf32>
    %jit3A_900 = arith.constant 52 : i32
    %broadcast_in_dim3A_901 = vector.broadcast %jit3A_900 : i32 to vector<32x256xi32>
    %select_n3A_902 = arith.select %lt3A_898, %broadcast_in_dim3A_901, %select_n3A_885 : vector<32x256xi1>, vector<32x256xi32>
    %get3A_903 = arith.constant 1696 : index
    %get3A_904 = arith.constant 0 : index
    %get3A_905 = vector.load %arg4[%get3A_903, %get3A_904] : memref<8192x32xbf16, #tpu.memory_space<vmem>>, vector<32x32xbf16>
    %dot_general3A_906 = arith.constant dense<0.000000e+00> : vector<32x256xf32>
    %dot_general3A_907 = tpu.matmul %get3A_905, %get3A_4, %dot_general3A_906 {dimension_numbers = #tpu.dot_dimension_numbers<[1], [0], [0], [1], [0, 0, 1, 1], [], []>, transpose_lhs_hint = false} : vector<32x32xbf16>, vector<32x256xbf16>, vector<32x256xf32> -> vector<32x256xf32>
    %get3A_908 = arith.constant 1696 : index
    %get3A_909 = arith.constant 0 : index
    %get3A_910 = vector.load %arg2[%get3A_908, %get3A_909] : memref<8192x1xf32, #tpu.memory_space<vmem>>, vector<32x1xf32>
    %add3A_911 = vector.broadcast %get3A_1 : vector<1x256xf32> to vector<32x256xf32>
    %add3A_912 = vector.broadcast %get3A_910 : vector<32x1xf32> to vector<32x256xf32>
    %add3A_913 = arith.addf %add3A_911, %add3A_912 : vector<32x256xf32>
    %sub3A_914 = arith.subf %add3A_913, %dot_general3A_907 : vector<32x256xf32>
    %lt3A_915 = arith.cmpf olt, %sub3A_914, %select_n3A_899 : vector<32x256xf32>
    %select_n3A_916 = arith.select %lt3A_915, %sub3A_914, %select_n3A_899 : vector<32x256xi1>, vector<32x256xf32>
    %jit3A_917 = arith.constant 53 : i32
    %broadcast_in_dim3A_918 = vector.broadcast %jit3A_917 : i32 to vector<32x256xi32>
    %select_n3A_919 = arith.select %lt3A_915, %broadcast_in_dim3A_918, %select_n3A_902 : vector<32x256xi1>, vector<32x256xi32>
    %get3A_920 = arith.constant 1728 : index
    %get3A_921 = arith.constant 0 : index
    %get3A_922 = vector.load %arg4[%get3A_920, %get3A_921] : memref<8192x32xbf16, #tpu.memory_space<vmem>>, vector<32x32xbf16>
    %dot_general3A_923 = arith.constant dense<0.000000e+00> : vector<32x256xf32>
    %dot_general3A_924 = tpu.matmul %get3A_922, %get3A_4, %dot_general3A_923 {dimension_numbers = #tpu.dot_dimension_numbers<[1], [0], [0], [1], [0, 0, 1, 1], [], []>, transpose_lhs_hint = false} : vector<32x32xbf16>, vector<32x256xbf16>, vector<32x256xf32> -> vector<32x256xf32>
    %get3A_925 = arith.constant 1728 : index
    %get3A_926 = arith.constant 0 : index
    %get3A_927 = vector.load %arg2[%get3A_925, %get3A_926] : memref<8192x1xf32, #tpu.memory_space<vmem>>, vector<32x1xf32>
    %add3A_928 = vector.broadcast %get3A_1 : vector<1x256xf32> to vector<32x256xf32>
    %add3A_929 = vector.broadcast %get3A_927 : vector<32x1xf32> to vector<32x256xf32>
    %add3A_930 = arith.addf %add3A_928, %add3A_929 : vector<32x256xf32>
    %sub3A_931 = arith.subf %add3A_930, %dot_general3A_924 : vector<32x256xf32>
    %lt3A_932 = arith.cmpf olt, %sub3A_931, %select_n3A_916 : vector<32x256xf32>
    %select_n3A_933 = arith.select %lt3A_932, %sub3A_931, %select_n3A_916 : vector<32x256xi1>, vector<32x256xf32>
    %jit3A_934 = arith.constant 54 : i32
    %broadcast_in_dim3A_935 = vector.broadcast %jit3A_934 : i32 to vector<32x256xi32>
    %select_n3A_936 = arith.select %lt3A_932, %broadcast_in_dim3A_935, %select_n3A_919 : vector<32x256xi1>, vector<32x256xi32>
    %get3A_937 = arith.constant 1760 : index
    %get3A_938 = arith.constant 0 : index
    %get3A_939 = vector.load %arg4[%get3A_937, %get3A_938] : memref<8192x32xbf16, #tpu.memory_space<vmem>>, vector<32x32xbf16>
    %dot_general3A_940 = arith.constant dense<0.000000e+00> : vector<32x256xf32>
    %dot_general3A_941 = tpu.matmul %get3A_939, %get3A_4, %dot_general3A_940 {dimension_numbers = #tpu.dot_dimension_numbers<[1], [0], [0], [1], [0, 0, 1, 1], [], []>, transpose_lhs_hint = false} : vector<32x32xbf16>, vector<32x256xbf16>, vector<32x256xf32> -> vector<32x256xf32>
    %get3A_942 = arith.constant 1760 : index
    %get3A_943 = arith.constant 0 : index
    %get3A_944 = vector.load %arg2[%get3A_942, %get3A_943] : memref<8192x1xf32, #tpu.memory_space<vmem>>, vector<32x1xf32>
    %add3A_945 = vector.broadcast %get3A_1 : vector<1x256xf32> to vector<32x256xf32>
    %add3A_946 = vector.broadcast %get3A_944 : vector<32x1xf32> to vector<32x256xf32>
    %add3A_947 = arith.addf %add3A_945, %add3A_946 : vector<32x256xf32>
    %sub3A_948 = arith.subf %add3A_947, %dot_general3A_941 : vector<32x256xf32>
    %lt3A_949 = arith.cmpf olt, %sub3A_948, %select_n3A_933 : vector<32x256xf32>
    %select_n3A_950 = arith.select %lt3A_949, %sub3A_948, %select_n3A_933 : vector<32x256xi1>, vector<32x256xf32>
    %jit3A_951 = arith.constant 55 : i32
    %broadcast_in_dim3A_952 = vector.broadcast %jit3A_951 : i32 to vector<32x256xi32>
    %select_n3A_953 = arith.select %lt3A_949, %broadcast_in_dim3A_952, %select_n3A_936 : vector<32x256xi1>, vector<32x256xi32>
    %get3A_954 = arith.constant 1792 : index
    %get3A_955 = arith.constant 0 : index
    %get3A_956 = vector.load %arg4[%get3A_954, %get3A_955] : memref<8192x32xbf16, #tpu.memory_space<vmem>>, vector<32x32xbf16>
    %dot_general3A_957 = arith.constant dense<0.000000e+00> : vector<32x256xf32>
    %dot_general3A_958 = tpu.matmul %get3A_956, %get3A_4, %dot_general3A_957 {dimension_numbers = #tpu.dot_dimension_numbers<[1], [0], [0], [1], [0, 0, 1, 1], [], []>, transpose_lhs_hint = false} : vector<32x32xbf16>, vector<32x256xbf16>, vector<32x256xf32> -> vector<32x256xf32>
    %get3A_959 = arith.constant 1792 : index
    %get3A_960 = arith.constant 0 : index
    %get3A_961 = vector.load %arg2[%get3A_959, %get3A_960] : memref<8192x1xf32, #tpu.memory_space<vmem>>, vector<32x1xf32>
    %add3A_962 = vector.broadcast %get3A_1 : vector<1x256xf32> to vector<32x256xf32>
    %add3A_963 = vector.broadcast %get3A_961 : vector<32x1xf32> to vector<32x256xf32>
    %add3A_964 = arith.addf %add3A_962, %add3A_963 : vector<32x256xf32>
    %sub3A_965 = arith.subf %add3A_964, %dot_general3A_958 : vector<32x256xf32>
    %lt3A_966 = arith.cmpf olt, %sub3A_965, %select_n3A_950 : vector<32x256xf32>
    %select_n3A_967 = arith.select %lt3A_966, %sub3A_965, %select_n3A_950 : vector<32x256xi1>, vector<32x256xf32>
    %jit3A_968 = arith.constant 56 : i32
    %broadcast_in_dim3A_969 = vector.broadcast %jit3A_968 : i32 to vector<32x256xi32>
    %select_n3A_970 = arith.select %lt3A_966, %broadcast_in_dim3A_969, %select_n3A_953 : vector<32x256xi1>, vector<32x256xi32>
    %get3A_971 = arith.constant 1824 : index
    %get3A_972 = arith.constant 0 : index
    %get3A_973 = vector.load %arg4[%get3A_971, %get3A_972] : memref<8192x32xbf16, #tpu.memory_space<vmem>>, vector<32x32xbf16>
    %dot_general3A_974 = arith.constant dense<0.000000e+00> : vector<32x256xf32>
    %dot_general3A_975 = tpu.matmul %get3A_973, %get3A_4, %dot_general3A_974 {dimension_numbers = #tpu.dot_dimension_numbers<[1], [0], [0], [1], [0, 0, 1, 1], [], []>, transpose_lhs_hint = false} : vector<32x32xbf16>, vector<32x256xbf16>, vector<32x256xf32> -> vector<32x256xf32>
    %get3A_976 = arith.constant 1824 : index
    %get3A_977 = arith.constant 0 : index
    %get3A_978 = vector.load %arg2[%get3A_976, %get3A_977] : memref<8192x1xf32, #tpu.memory_space<vmem>>, vector<32x1xf32>
    %add3A_979 = vector.broadcast %get3A_1 : vector<1x256xf32> to vector<32x256xf32>
    %add3A_980 = vector.broadcast %get3A_978 : vector<32x1xf32> to vector<32x256xf32>
    %add3A_981 = arith.addf %add3A_979, %add3A_980 : vector<32x256xf32>
    %sub3A_982 = arith.subf %add3A_981, %dot_general3A_975 : vector<32x256xf32>
    %lt3A_983 = arith.cmpf olt, %sub3A_982, %select_n3A_967 : vector<32x256xf32>
    %select_n3A_984 = arith.select %lt3A_983, %sub3A_982, %select_n3A_967 : vector<32x256xi1>, vector<32x256xf32>
    %jit3A_985 = arith.constant 57 : i32
    %broadcast_in_dim3A_986 = vector.broadcast %jit3A_985 : i32 to vector<32x256xi32>
    %select_n3A_987 = arith.select %lt3A_983, %broadcast_in_dim3A_986, %select_n3A_970 : vector<32x256xi1>, vector<32x256xi32>
    %get3A_988 = arith.constant 1856 : index
    %get3A_989 = arith.constant 0 : index
    %get3A_990 = vector.load %arg4[%get3A_988, %get3A_989] : memref<8192x32xbf16, #tpu.memory_space<vmem>>, vector<32x32xbf16>
    %dot_general3A_991 = arith.constant dense<0.000000e+00> : vector<32x256xf32>
    %dot_general3A_992 = tpu.matmul %get3A_990, %get3A_4, %dot_general3A_991 {dimension_numbers = #tpu.dot_dimension_numbers<[1], [0], [0], [1], [0, 0, 1, 1], [], []>, transpose_lhs_hint = false} : vector<32x32xbf16>, vector<32x256xbf16>, vector<32x256xf32> -> vector<32x256xf32>
    %get3A_993 = arith.constant 1856 : index
    %get3A_994 = arith.constant 0 : index
    %get3A_995 = vector.load %arg2[%get3A_993, %get3A_994] : memref<8192x1xf32, #tpu.memory_space<vmem>>, vector<32x1xf32>
    %add3A_996 = vector.broadcast %get3A_1 : vector<1x256xf32> to vector<32x256xf32>
    %add3A_997 = vector.broadcast %get3A_995 : vector<32x1xf32> to vector<32x256xf32>
    %add3A_998 = arith.addf %add3A_996, %add3A_997 : vector<32x256xf32>
    %sub3A_999 = arith.subf %add3A_998, %dot_general3A_992 : vector<32x256xf32>
    %lt3A_1000 = arith.cmpf olt, %sub3A_999, %select_n3A_984 : vector<32x256xf32>
    %select_n3A_1001 = arith.select %lt3A_1000, %sub3A_999, %select_n3A_984 : vector<32x256xi1>, vector<32x256xf32>
    %jit3A_1002 = arith.constant 58 : i32
    %broadcast_in_dim3A_1003 = vector.broadcast %jit3A_1002 : i32 to vector<32x256xi32>
    %select_n3A_1004 = arith.select %lt3A_1000, %broadcast_in_dim3A_1003, %select_n3A_987 : vector<32x256xi1>, vector<32x256xi32>
    %get3A_1005 = arith.constant 1888 : index
    %get3A_1006 = arith.constant 0 : index
    %get3A_1007 = vector.load %arg4[%get3A_1005, %get3A_1006] : memref<8192x32xbf16, #tpu.memory_space<vmem>>, vector<32x32xbf16>
    %dot_general3A_1008 = arith.constant dense<0.000000e+00> : vector<32x256xf32>
    %dot_general3A_1009 = tpu.matmul %get3A_1007, %get3A_4, %dot_general3A_1008 {dimension_numbers = #tpu.dot_dimension_numbers<[1], [0], [0], [1], [0, 0, 1, 1], [], []>, transpose_lhs_hint = false} : vector<32x32xbf16>, vector<32x256xbf16>, vector<32x256xf32> -> vector<32x256xf32>
    %get3A_1010 = arith.constant 1888 : index
    %get3A_1011 = arith.constant 0 : index
    %get3A_1012 = vector.load %arg2[%get3A_1010, %get3A_1011] : memref<8192x1xf32, #tpu.memory_space<vmem>>, vector<32x1xf32>
    %add3A_1013 = vector.broadcast %get3A_1 : vector<1x256xf32> to vector<32x256xf32>
    %add3A_1014 = vector.broadcast %get3A_1012 : vector<32x1xf32> to vector<32x256xf32>
    %add3A_1015 = arith.addf %add3A_1013, %add3A_1014 : vector<32x256xf32>
    %sub3A_1016 = arith.subf %add3A_1015, %dot_general3A_1009 : vector<32x256xf32>
    %lt3A_1017 = arith.cmpf olt, %sub3A_1016, %select_n3A_1001 : vector<32x256xf32>
    %select_n3A_1018 = arith.select %lt3A_1017, %sub3A_1016, %select_n3A_1001 : vector<32x256xi1>, vector<32x256xf32>
    %jit3A_1019 = arith.constant 59 : i32
    %broadcast_in_dim3A_1020 = vector.broadcast %jit3A_1019 : i32 to vector<32x256xi32>
    %select_n3A_1021 = arith.select %lt3A_1017, %broadcast_in_dim3A_1020, %select_n3A_1004 : vector<32x256xi1>, vector<32x256xi32>
    %get3A_1022 = arith.constant 1920 : index
    %get3A_1023 = arith.constant 0 : index
    %get3A_1024 = vector.load %arg4[%get3A_1022, %get3A_1023] : memref<8192x32xbf16, #tpu.memory_space<vmem>>, vector<32x32xbf16>
    %dot_general3A_1025 = arith.constant dense<0.000000e+00> : vector<32x256xf32>
    %dot_general3A_1026 = tpu.matmul %get3A_1024, %get3A_4, %dot_general3A_1025 {dimension_numbers = #tpu.dot_dimension_numbers<[1], [0], [0], [1], [0, 0, 1, 1], [], []>, transpose_lhs_hint = false} : vector<32x32xbf16>, vector<32x256xbf16>, vector<32x256xf32> -> vector<32x256xf32>
    %get3A_1027 = arith.constant 1920 : index
    %get3A_1028 = arith.constant 0 : index
    %get3A_1029 = vector.load %arg2[%get3A_1027, %get3A_1028] : memref<8192x1xf32, #tpu.memory_space<vmem>>, vector<32x1xf32>
    %add3A_1030 = vector.broadcast %get3A_1 : vector<1x256xf32> to vector<32x256xf32>
    %add3A_1031 = vector.broadcast %get3A_1029 : vector<32x1xf32> to vector<32x256xf32>
    %add3A_1032 = arith.addf %add3A_1030, %add3A_1031 : vector<32x256xf32>
    %sub3A_1033 = arith.subf %add3A_1032, %dot_general3A_1026 : vector<32x256xf32>
    %lt3A_1034 = arith.cmpf olt, %sub3A_1033, %select_n3A_1018 : vector<32x256xf32>
    %select_n3A_1035 = arith.select %lt3A_1034, %sub3A_1033, %select_n3A_1018 : vector<32x256xi1>, vector<32x256xf32>
    %jit3A_1036 = arith.constant 60 : i32
    %broadcast_in_dim3A_1037 = vector.broadcast %jit3A_1036 : i32 to vector<32x256xi32>
    %select_n3A_1038 = arith.select %lt3A_1034, %broadcast_in_dim3A_1037, %select_n3A_1021 : vector<32x256xi1>, vector<32x256xi32>
    %get3A_1039 = arith.constant 1952 : index
    %get3A_1040 = arith.constant 0 : index
    %get3A_1041 = vector.load %arg4[%get3A_1039, %get3A_1040] : memref<8192x32xbf16, #tpu.memory_space<vmem>>, vector<32x32xbf16>
    %dot_general3A_1042 = arith.constant dense<0.000000e+00> : vector<32x256xf32>
    %dot_general3A_1043 = tpu.matmul %get3A_1041, %get3A_4, %dot_general3A_1042 {dimension_numbers = #tpu.dot_dimension_numbers<[1], [0], [0], [1], [0, 0, 1, 1], [], []>, transpose_lhs_hint = false} : vector<32x32xbf16>, vector<32x256xbf16>, vector<32x256xf32> -> vector<32x256xf32>
    %get3A_1044 = arith.constant 1952 : index
    %get3A_1045 = arith.constant 0 : index
    %get3A_1046 = vector.load %arg2[%get3A_1044, %get3A_1045] : memref<8192x1xf32, #tpu.memory_space<vmem>>, vector<32x1xf32>
    %add3A_1047 = vector.broadcast %get3A_1 : vector<1x256xf32> to vector<32x256xf32>
    %add3A_1048 = vector.broadcast %get3A_1046 : vector<32x1xf32> to vector<32x256xf32>
    %add3A_1049 = arith.addf %add3A_1047, %add3A_1048 : vector<32x256xf32>
    %sub3A_1050 = arith.subf %add3A_1049, %dot_general3A_1043 : vector<32x256xf32>
    %lt3A_1051 = arith.cmpf olt, %sub3A_1050, %select_n3A_1035 : vector<32x256xf32>
    %select_n3A_1052 = arith.select %lt3A_1051, %sub3A_1050, %select_n3A_1035 : vector<32x256xi1>, vector<32x256xf32>
    %jit3A_1053 = arith.constant 61 : i32
    %broadcast_in_dim3A_1054 = vector.broadcast %jit3A_1053 : i32 to vector<32x256xi32>
    %select_n3A_1055 = arith.select %lt3A_1051, %broadcast_in_dim3A_1054, %select_n3A_1038 : vector<32x256xi1>, vector<32x256xi32>
    %get3A_1056 = arith.constant 1984 : index
    %get3A_1057 = arith.constant 0 : index
    %get3A_1058 = vector.load %arg4[%get3A_1056, %get3A_1057] : memref<8192x32xbf16, #tpu.memory_space<vmem>>, vector<32x32xbf16>
    %dot_general3A_1059 = arith.constant dense<0.000000e+00> : vector<32x256xf32>
    %dot_general3A_1060 = tpu.matmul %get3A_1058, %get3A_4, %dot_general3A_1059 {dimension_numbers = #tpu.dot_dimension_numbers<[1], [0], [0], [1], [0, 0, 1, 1], [], []>, transpose_lhs_hint = false} : vector<32x32xbf16>, vector<32x256xbf16>, vector<32x256xf32> -> vector<32x256xf32>
    %get3A_1061 = arith.constant 1984 : index
    %get3A_1062 = arith.constant 0 : index
    %get3A_1063 = vector.load %arg2[%get3A_1061, %get3A_1062] : memref<8192x1xf32, #tpu.memory_space<vmem>>, vector<32x1xf32>
    %add3A_1064 = vector.broadcast %get3A_1 : vector<1x256xf32> to vector<32x256xf32>
    %add3A_1065 = vector.broadcast %get3A_1063 : vector<32x1xf32> to vector<32x256xf32>
    %add3A_1066 = arith.addf %add3A_1064, %add3A_1065 : vector<32x256xf32>
    %sub3A_1067 = arith.subf %add3A_1066, %dot_general3A_1060 : vector<32x256xf32>
    %lt3A_1068 = arith.cmpf olt, %sub3A_1067, %select_n3A_1052 : vector<32x256xf32>
    %select_n3A_1069 = arith.select %lt3A_1068, %sub3A_1067, %select_n3A_1052 : vector<32x256xi1>, vector<32x256xf32>
    %jit3A_1070 = arith.constant 62 : i32
    %broadcast_in_dim3A_1071 = vector.broadcast %jit3A_1070 : i32 to vector<32x256xi32>
    %select_n3A_1072 = arith.select %lt3A_1068, %broadcast_in_dim3A_1071, %select_n3A_1055 : vector<32x256xi1>, vector<32x256xi32>
    %get3A_1073 = arith.constant 2016 : index
    %get3A_1074 = arith.constant 0 : index
    %get3A_1075 = vector.load %arg4[%get3A_1073, %get3A_1074] : memref<8192x32xbf16, #tpu.memory_space<vmem>>, vector<32x32xbf16>
    %dot_general3A_1076 = arith.constant dense<0.000000e+00> : vector<32x256xf32>
    %dot_general3A_1077 = tpu.matmul %get3A_1075, %get3A_4, %dot_general3A_1076 {dimension_numbers = #tpu.dot_dimension_numbers<[1], [0], [0], [1], [0, 0, 1, 1], [], []>, transpose_lhs_hint = false} : vector<32x32xbf16>, vector<32x256xbf16>, vector<32x256xf32> -> vector<32x256xf32>
    %get3A_1078 = arith.constant 2016 : index
    %get3A_1079 = arith.constant 0 : index
    %get3A_1080 = vector.load %arg2[%get3A_1078, %get3A_1079] : memref<8192x1xf32, #tpu.memory_space<vmem>>, vector<32x1xf32>
    %add3A_1081 = vector.broadcast %get3A_1 : vector<1x256xf32> to vector<32x256xf32>
    %add3A_1082 = vector.broadcast %get3A_1080 : vector<32x1xf32> to vector<32x256xf32>
    %add3A_1083 = arith.addf %add3A_1081, %add3A_1082 : vector<32x256xf32>
    %sub3A_1084 = arith.subf %add3A_1083, %dot_general3A_1077 : vector<32x256xf32>
    %lt3A_1085 = arith.cmpf olt, %sub3A_1084, %select_n3A_1069 : vector<32x256xf32>
    %select_n3A_1086 = arith.select %lt3A_1085, %sub3A_1084, %select_n3A_1069 : vector<32x256xi1>, vector<32x256xf32>
    %jit3A_1087 = arith.constant 63 : i32
    %broadcast_in_dim3A_1088 = vector.broadcast %jit3A_1087 : i32 to vector<32x256xi32>
    %select_n3A_1089 = arith.select %lt3A_1085, %broadcast_in_dim3A_1088, %select_n3A_1072 : vector<32x256xi1>, vector<32x256xi32>
    %get3A_1090 = arith.constant 2048 : index
    %get3A_1091 = arith.constant 0 : index
    %get3A_1092 = vector.load %arg4[%get3A_1090, %get3A_1091] : memref<8192x32xbf16, #tpu.memory_space<vmem>>, vector<32x32xbf16>
    %dot_general3A_1093 = arith.constant dense<0.000000e+00> : vector<32x256xf32>
    %dot_general3A_1094 = tpu.matmul %get3A_1092, %get3A_4, %dot_general3A_1093 {dimension_numbers = #tpu.dot_dimension_numbers<[1], [0], [0], [1], [0, 0, 1, 1], [], []>, transpose_lhs_hint = false} : vector<32x32xbf16>, vector<32x256xbf16>, vector<32x256xf32> -> vector<32x256xf32>
    %get3A_1095 = arith.constant 2048 : index
    %get3A_1096 = arith.constant 0 : index
    %get3A_1097 = vector.load %arg2[%get3A_1095, %get3A_1096] : memref<8192x1xf32, #tpu.memory_space<vmem>>, vector<32x1xf32>
    %add3A_1098 = vector.broadcast %get3A_1 : vector<1x256xf32> to vector<32x256xf32>
    %add3A_1099 = vector.broadcast %get3A_1097 : vector<32x1xf32> to vector<32x256xf32>
    %add3A_1100 = arith.addf %add3A_1098, %add3A_1099 : vector<32x256xf32>
    %sub3A_1101 = arith.subf %add3A_1100, %dot_general3A_1094 : vector<32x256xf32>
    %lt3A_1102 = arith.cmpf olt, %sub3A_1101, %select_n3A_1086 : vector<32x256xf32>
    %select_n3A_1103 = arith.select %lt3A_1102, %sub3A_1101, %select_n3A_1086 : vector<32x256xi1>, vector<32x256xf32>
    %jit3A_1104 = arith.constant 64 : i32
    %broadcast_in_dim3A_1105 = vector.broadcast %jit3A_1104 : i32 to vector<32x256xi32>
    %select_n3A_1106 = arith.select %lt3A_1102, %broadcast_in_dim3A_1105, %select_n3A_1089 : vector<32x256xi1>, vector<32x256xi32>
    %get3A_1107 = arith.constant 2080 : index
    %get3A_1108 = arith.constant 0 : index
    %get3A_1109 = vector.load %arg4[%get3A_1107, %get3A_1108] : memref<8192x32xbf16, #tpu.memory_space<vmem>>, vector<32x32xbf16>
    %dot_general3A_1110 = arith.constant dense<0.000000e+00> : vector<32x256xf32>
    %dot_general3A_1111 = tpu.matmul %get3A_1109, %get3A_4, %dot_general3A_1110 {dimension_numbers = #tpu.dot_dimension_numbers<[1], [0], [0], [1], [0, 0, 1, 1], [], []>, transpose_lhs_hint = false} : vector<32x32xbf16>, vector<32x256xbf16>, vector<32x256xf32> -> vector<32x256xf32>
    %get3A_1112 = arith.constant 2080 : index
    %get3A_1113 = arith.constant 0 : index
    %get3A_1114 = vector.load %arg2[%get3A_1112, %get3A_1113] : memref<8192x1xf32, #tpu.memory_space<vmem>>, vector<32x1xf32>
    %add3A_1115 = vector.broadcast %get3A_1 : vector<1x256xf32> to vector<32x256xf32>
    %add3A_1116 = vector.broadcast %get3A_1114 : vector<32x1xf32> to vector<32x256xf32>
    %add3A_1117 = arith.addf %add3A_1115, %add3A_1116 : vector<32x256xf32>
    %sub3A_1118 = arith.subf %add3A_1117, %dot_general3A_1111 : vector<32x256xf32>
    %lt3A_1119 = arith.cmpf olt, %sub3A_1118, %select_n3A_1103 : vector<32x256xf32>
    %select_n3A_1120 = arith.select %lt3A_1119, %sub3A_1118, %select_n3A_1103 : vector<32x256xi1>, vector<32x256xf32>
    %jit3A_1121 = arith.constant 65 : i32
    %broadcast_in_dim3A_1122 = vector.broadcast %jit3A_1121 : i32 to vector<32x256xi32>
    %select_n3A_1123 = arith.select %lt3A_1119, %broadcast_in_dim3A_1122, %select_n3A_1106 : vector<32x256xi1>, vector<32x256xi32>
    %get3A_1124 = arith.constant 2112 : index
    %get3A_1125 = arith.constant 0 : index
    %get3A_1126 = vector.load %arg4[%get3A_1124, %get3A_1125] : memref<8192x32xbf16, #tpu.memory_space<vmem>>, vector<32x32xbf16>
    %dot_general3A_1127 = arith.constant dense<0.000000e+00> : vector<32x256xf32>
    %dot_general3A_1128 = tpu.matmul %get3A_1126, %get3A_4, %dot_general3A_1127 {dimension_numbers = #tpu.dot_dimension_numbers<[1], [0], [0], [1], [0, 0, 1, 1], [], []>, transpose_lhs_hint = false} : vector<32x32xbf16>, vector<32x256xbf16>, vector<32x256xf32> -> vector<32x256xf32>
    %get3A_1129 = arith.constant 2112 : index
    %get3A_1130 = arith.constant 0 : index
    %get3A_1131 = vector.load %arg2[%get3A_1129, %get3A_1130] : memref<8192x1xf32, #tpu.memory_space<vmem>>, vector<32x1xf32>
    %add3A_1132 = vector.broadcast %get3A_1 : vector<1x256xf32> to vector<32x256xf32>
    %add3A_1133 = vector.broadcast %get3A_1131 : vector<32x1xf32> to vector<32x256xf32>
    %add3A_1134 = arith.addf %add3A_1132, %add3A_1133 : vector<32x256xf32>
    %sub3A_1135 = arith.subf %add3A_1134, %dot_general3A_1128 : vector<32x256xf32>
    %lt3A_1136 = arith.cmpf olt, %sub3A_1135, %select_n3A_1120 : vector<32x256xf32>
    %select_n3A_1137 = arith.select %lt3A_1136, %sub3A_1135, %select_n3A_1120 : vector<32x256xi1>, vector<32x256xf32>
    %jit3A_1138 = arith.constant 66 : i32
    %broadcast_in_dim3A_1139 = vector.broadcast %jit3A_1138 : i32 to vector<32x256xi32>
    %select_n3A_1140 = arith.select %lt3A_1136, %broadcast_in_dim3A_1139, %select_n3A_1123 : vector<32x256xi1>, vector<32x256xi32>
    %get3A_1141 = arith.constant 2144 : index
    %get3A_1142 = arith.constant 0 : index
    %get3A_1143 = vector.load %arg4[%get3A_1141, %get3A_1142] : memref<8192x32xbf16, #tpu.memory_space<vmem>>, vector<32x32xbf16>
    %dot_general3A_1144 = arith.constant dense<0.000000e+00> : vector<32x256xf32>
    %dot_general3A_1145 = tpu.matmul %get3A_1143, %get3A_4, %dot_general3A_1144 {dimension_numbers = #tpu.dot_dimension_numbers<[1], [0], [0], [1], [0, 0, 1, 1], [], []>, transpose_lhs_hint = false} : vector<32x32xbf16>, vector<32x256xbf16>, vector<32x256xf32> -> vector<32x256xf32>
    %get3A_1146 = arith.constant 2144 : index
    %get3A_1147 = arith.constant 0 : index
    %get3A_1148 = vector.load %arg2[%get3A_1146, %get3A_1147] : memref<8192x1xf32, #tpu.memory_space<vmem>>, vector<32x1xf32>
    %add3A_1149 = vector.broadcast %get3A_1 : vector<1x256xf32> to vector<32x256xf32>
    %add3A_1150 = vector.broadcast %get3A_1148 : vector<32x1xf32> to vector<32x256xf32>
    %add3A_1151 = arith.addf %add3A_1149, %add3A_1150 : vector<32x256xf32>
    %sub3A_1152 = arith.subf %add3A_1151, %dot_general3A_1145 : vector<32x256xf32>
    %lt3A_1153 = arith.cmpf olt, %sub3A_1152, %select_n3A_1137 : vector<32x256xf32>
    %select_n3A_1154 = arith.select %lt3A_1153, %sub3A_1152, %select_n3A_1137 : vector<32x256xi1>, vector<32x256xf32>
    %jit3A_1155 = arith.constant 67 : i32
    %broadcast_in_dim3A_1156 = vector.broadcast %jit3A_1155 : i32 to vector<32x256xi32>
    %select_n3A_1157 = arith.select %lt3A_1153, %broadcast_in_dim3A_1156, %select_n3A_1140 : vector<32x256xi1>, vector<32x256xi32>
    %get3A_1158 = arith.constant 2176 : index
    %get3A_1159 = arith.constant 0 : index
    %get3A_1160 = vector.load %arg4[%get3A_1158, %get3A_1159] : memref<8192x32xbf16, #tpu.memory_space<vmem>>, vector<32x32xbf16>
    %dot_general3A_1161 = arith.constant dense<0.000000e+00> : vector<32x256xf32>
    %dot_general3A_1162 = tpu.matmul %get3A_1160, %get3A_4, %dot_general3A_1161 {dimension_numbers = #tpu.dot_dimension_numbers<[1], [0], [0], [1], [0, 0, 1, 1], [], []>, transpose_lhs_hint = false} : vector<32x32xbf16>, vector<32x256xbf16>, vector<32x256xf32> -> vector<32x256xf32>
    %get3A_1163 = arith.constant 2176 : index
    %get3A_1164 = arith.constant 0 : index
    %get3A_1165 = vector.load %arg2[%get3A_1163, %get3A_1164] : memref<8192x1xf32, #tpu.memory_space<vmem>>, vector<32x1xf32>
    %add3A_1166 = vector.broadcast %get3A_1 : vector<1x256xf32> to vector<32x256xf32>
    %add3A_1167 = vector.broadcast %get3A_1165 : vector<32x1xf32> to vector<32x256xf32>
    %add3A_1168 = arith.addf %add3A_1166, %add3A_1167 : vector<32x256xf32>
    %sub3A_1169 = arith.subf %add3A_1168, %dot_general3A_1162 : vector<32x256xf32>
    %lt3A_1170 = arith.cmpf olt, %sub3A_1169, %select_n3A_1154 : vector<32x256xf32>
    %select_n3A_1171 = arith.select %lt3A_1170, %sub3A_1169, %select_n3A_1154 : vector<32x256xi1>, vector<32x256xf32>
    %jit3A_1172 = arith.constant 68 : i32
    %broadcast_in_dim3A_1173 = vector.broadcast %jit3A_1172 : i32 to vector<32x256xi32>
    %select_n3A_1174 = arith.select %lt3A_1170, %broadcast_in_dim3A_1173, %select_n3A_1157 : vector<32x256xi1>, vector<32x256xi32>
    %get3A_1175 = arith.constant 2208 : index
    %get3A_1176 = arith.constant 0 : index
    %get3A_1177 = vector.load %arg4[%get3A_1175, %get3A_1176] : memref<8192x32xbf16, #tpu.memory_space<vmem>>, vector<32x32xbf16>
    %dot_general3A_1178 = arith.constant dense<0.000000e+00> : vector<32x256xf32>
    %dot_general3A_1179 = tpu.matmul %get3A_1177, %get3A_4, %dot_general3A_1178 {dimension_numbers = #tpu.dot_dimension_numbers<[1], [0], [0], [1], [0, 0, 1, 1], [], []>, transpose_lhs_hint = false} : vector<32x32xbf16>, vector<32x256xbf16>, vector<32x256xf32> -> vector<32x256xf32>
    %get3A_1180 = arith.constant 2208 : index
    %get3A_1181 = arith.constant 0 : index
    %get3A_1182 = vector.load %arg2[%get3A_1180, %get3A_1181] : memref<8192x1xf32, #tpu.memory_space<vmem>>, vector<32x1xf32>
    %add3A_1183 = vector.broadcast %get3A_1 : vector<1x256xf32> to vector<32x256xf32>
    %add3A_1184 = vector.broadcast %get3A_1182 : vector<32x1xf32> to vector<32x256xf32>
    %add3A_1185 = arith.addf %add3A_1183, %add3A_1184 : vector<32x256xf32>
    %sub3A_1186 = arith.subf %add3A_1185, %dot_general3A_1179 : vector<32x256xf32>
    %lt3A_1187 = arith.cmpf olt, %sub3A_1186, %select_n3A_1171 : vector<32x256xf32>
    %select_n3A_1188 = arith.select %lt3A_1187, %sub3A_1186, %select_n3A_1171 : vector<32x256xi1>, vector<32x256xf32>
    %jit3A_1189 = arith.constant 69 : i32
    %broadcast_in_dim3A_1190 = vector.broadcast %jit3A_1189 : i32 to vector<32x256xi32>
    %select_n3A_1191 = arith.select %lt3A_1187, %broadcast_in_dim3A_1190, %select_n3A_1174 : vector<32x256xi1>, vector<32x256xi32>
    %get3A_1192 = arith.constant 2240 : index
    %get3A_1193 = arith.constant 0 : index
    %get3A_1194 = vector.load %arg4[%get3A_1192, %get3A_1193] : memref<8192x32xbf16, #tpu.memory_space<vmem>>, vector<32x32xbf16>
    %dot_general3A_1195 = arith.constant dense<0.000000e+00> : vector<32x256xf32>
    %dot_general3A_1196 = tpu.matmul %get3A_1194, %get3A_4, %dot_general3A_1195 {dimension_numbers = #tpu.dot_dimension_numbers<[1], [0], [0], [1], [0, 0, 1, 1], [], []>, transpose_lhs_hint = false} : vector<32x32xbf16>, vector<32x256xbf16>, vector<32x256xf32> -> vector<32x256xf32>
    %get3A_1197 = arith.constant 2240 : index
    %get3A_1198 = arith.constant 0 : index
    %get3A_1199 = vector.load %arg2[%get3A_1197, %get3A_1198] : memref<8192x1xf32, #tpu.memory_space<vmem>>, vector<32x1xf32>
    %add3A_1200 = vector.broadcast %get3A_1 : vector<1x256xf32> to vector<32x256xf32>
    %add3A_1201 = vector.broadcast %get3A_1199 : vector<32x1xf32> to vector<32x256xf32>
    %add3A_1202 = arith.addf %add3A_1200, %add3A_1201 : vector<32x256xf32>
    %sub3A_1203 = arith.subf %add3A_1202, %dot_general3A_1196 : vector<32x256xf32>
    %lt3A_1204 = arith.cmpf olt, %sub3A_1203, %select_n3A_1188 : vector<32x256xf32>
    %select_n3A_1205 = arith.select %lt3A_1204, %sub3A_1203, %select_n3A_1188 : vector<32x256xi1>, vector<32x256xf32>
    %jit3A_1206 = arith.constant 70 : i32
    %broadcast_in_dim3A_1207 = vector.broadcast %jit3A_1206 : i32 to vector<32x256xi32>
    %select_n3A_1208 = arith.select %lt3A_1204, %broadcast_in_dim3A_1207, %select_n3A_1191 : vector<32x256xi1>, vector<32x256xi32>
    %get3A_1209 = arith.constant 2272 : index
    %get3A_1210 = arith.constant 0 : index
    %get3A_1211 = vector.load %arg4[%get3A_1209, %get3A_1210] : memref<8192x32xbf16, #tpu.memory_space<vmem>>, vector<32x32xbf16>
    %dot_general3A_1212 = arith.constant dense<0.000000e+00> : vector<32x256xf32>
    %dot_general3A_1213 = tpu.matmul %get3A_1211, %get3A_4, %dot_general3A_1212 {dimension_numbers = #tpu.dot_dimension_numbers<[1], [0], [0], [1], [0, 0, 1, 1], [], []>, transpose_lhs_hint = false} : vector<32x32xbf16>, vector<32x256xbf16>, vector<32x256xf32> -> vector<32x256xf32>
    %get3A_1214 = arith.constant 2272 : index
    %get3A_1215 = arith.constant 0 : index
    %get3A_1216 = vector.load %arg2[%get3A_1214, %get3A_1215] : memref<8192x1xf32, #tpu.memory_space<vmem>>, vector<32x1xf32>
    %add3A_1217 = vector.broadcast %get3A_1 : vector<1x256xf32> to vector<32x256xf32>
    %add3A_1218 = vector.broadcast %get3A_1216 : vector<32x1xf32> to vector<32x256xf32>
    %add3A_1219 = arith.addf %add3A_1217, %add3A_1218 : vector<32x256xf32>
    %sub3A_1220 = arith.subf %add3A_1219, %dot_general3A_1213 : vector<32x256xf32>
    %lt3A_1221 = arith.cmpf olt, %sub3A_1220, %select_n3A_1205 : vector<32x256xf32>
    %select_n3A_1222 = arith.select %lt3A_1221, %sub3A_1220, %select_n3A_1205 : vector<32x256xi1>, vector<32x256xf32>
    %jit3A_1223 = arith.constant 71 : i32
    %broadcast_in_dim3A_1224 = vector.broadcast %jit3A_1223 : i32 to vector<32x256xi32>
    %select_n3A_1225 = arith.select %lt3A_1221, %broadcast_in_dim3A_1224, %select_n3A_1208 : vector<32x256xi1>, vector<32x256xi32>
    %get3A_1226 = arith.constant 2304 : index
    %get3A_1227 = arith.constant 0 : index
    %get3A_1228 = vector.load %arg4[%get3A_1226, %get3A_1227] : memref<8192x32xbf16, #tpu.memory_space<vmem>>, vector<32x32xbf16>
    %dot_general3A_1229 = arith.constant dense<0.000000e+00> : vector<32x256xf32>
    %dot_general3A_1230 = tpu.matmul %get3A_1228, %get3A_4, %dot_general3A_1229 {dimension_numbers = #tpu.dot_dimension_numbers<[1], [0], [0], [1], [0, 0, 1, 1], [], []>, transpose_lhs_hint = false} : vector<32x32xbf16>, vector<32x256xbf16>, vector<32x256xf32> -> vector<32x256xf32>
    %get3A_1231 = arith.constant 2304 : index
    %get3A_1232 = arith.constant 0 : index
    %get3A_1233 = vector.load %arg2[%get3A_1231, %get3A_1232] : memref<8192x1xf32, #tpu.memory_space<vmem>>, vector<32x1xf32>
    %add3A_1234 = vector.broadcast %get3A_1 : vector<1x256xf32> to vector<32x256xf32>
    %add3A_1235 = vector.broadcast %get3A_1233 : vector<32x1xf32> to vector<32x256xf32>
    %add3A_1236 = arith.addf %add3A_1234, %add3A_1235 : vector<32x256xf32>
    %sub3A_1237 = arith.subf %add3A_1236, %dot_general3A_1230 : vector<32x256xf32>
    %lt3A_1238 = arith.cmpf olt, %sub3A_1237, %select_n3A_1222 : vector<32x256xf32>
    %select_n3A_1239 = arith.select %lt3A_1238, %sub3A_1237, %select_n3A_1222 : vector<32x256xi1>, vector<32x256xf32>
    %jit3A_1240 = arith.constant 72 : i32
    %broadcast_in_dim3A_1241 = vector.broadcast %jit3A_1240 : i32 to vector<32x256xi32>
    %select_n3A_1242 = arith.select %lt3A_1238, %broadcast_in_dim3A_1241, %select_n3A_1225 : vector<32x256xi1>, vector<32x256xi32>
    %get3A_1243 = arith.constant 2336 : index
    %get3A_1244 = arith.constant 0 : index
    %get3A_1245 = vector.load %arg4[%get3A_1243, %get3A_1244] : memref<8192x32xbf16, #tpu.memory_space<vmem>>, vector<32x32xbf16>
    %dot_general3A_1246 = arith.constant dense<0.000000e+00> : vector<32x256xf32>
    %dot_general3A_1247 = tpu.matmul %get3A_1245, %get3A_4, %dot_general3A_1246 {dimension_numbers = #tpu.dot_dimension_numbers<[1], [0], [0], [1], [0, 0, 1, 1], [], []>, transpose_lhs_hint = false} : vector<32x32xbf16>, vector<32x256xbf16>, vector<32x256xf32> -> vector<32x256xf32>
    %get3A_1248 = arith.constant 2336 : index
    %get3A_1249 = arith.constant 0 : index
    %get3A_1250 = vector.load %arg2[%get3A_1248, %get3A_1249] : memref<8192x1xf32, #tpu.memory_space<vmem>>, vector<32x1xf32>
    %add3A_1251 = vector.broadcast %get3A_1 : vector<1x256xf32> to vector<32x256xf32>
    %add3A_1252 = vector.broadcast %get3A_1250 : vector<32x1xf32> to vector<32x256xf32>
    %add3A_1253 = arith.addf %add3A_1251, %add3A_1252 : vector<32x256xf32>
    %sub3A_1254 = arith.subf %add3A_1253, %dot_general3A_1247 : vector<32x256xf32>
    %lt3A_1255 = arith.cmpf olt, %sub3A_1254, %select_n3A_1239 : vector<32x256xf32>
    %select_n3A_1256 = arith.select %lt3A_1255, %sub3A_1254, %select_n3A_1239 : vector<32x256xi1>, vector<32x256xf32>
    %jit3A_1257 = arith.constant 73 : i32
    %broadcast_in_dim3A_1258 = vector.broadcast %jit3A_1257 : i32 to vector<32x256xi32>
    %select_n3A_1259 = arith.select %lt3A_1255, %broadcast_in_dim3A_1258, %select_n3A_1242 : vector<32x256xi1>, vector<32x256xi32>
    %get3A_1260 = arith.constant 2368 : index
    %get3A_1261 = arith.constant 0 : index
    %get3A_1262 = vector.load %arg4[%get3A_1260, %get3A_1261] : memref<8192x32xbf16, #tpu.memory_space<vmem>>, vector<32x32xbf16>
    %dot_general3A_1263 = arith.constant dense<0.000000e+00> : vector<32x256xf32>
    %dot_general3A_1264 = tpu.matmul %get3A_1262, %get3A_4, %dot_general3A_1263 {dimension_numbers = #tpu.dot_dimension_numbers<[1], [0], [0], [1], [0, 0, 1, 1], [], []>, transpose_lhs_hint = false} : vector<32x32xbf16>, vector<32x256xbf16>, vector<32x256xf32> -> vector<32x256xf32>
    %get3A_1265 = arith.constant 2368 : index
    %get3A_1266 = arith.constant 0 : index
    %get3A_1267 = vector.load %arg2[%get3A_1265, %get3A_1266] : memref<8192x1xf32, #tpu.memory_space<vmem>>, vector<32x1xf32>
    %add3A_1268 = vector.broadcast %get3A_1 : vector<1x256xf32> to vector<32x256xf32>
    %add3A_1269 = vector.broadcast %get3A_1267 : vector<32x1xf32> to vector<32x256xf32>
    %add3A_1270 = arith.addf %add3A_1268, %add3A_1269 : vector<32x256xf32>
    %sub3A_1271 = arith.subf %add3A_1270, %dot_general3A_1264 : vector<32x256xf32>
    %lt3A_1272 = arith.cmpf olt, %sub3A_1271, %select_n3A_1256 : vector<32x256xf32>
    %select_n3A_1273 = arith.select %lt3A_1272, %sub3A_1271, %select_n3A_1256 : vector<32x256xi1>, vector<32x256xf32>
    %jit3A_1274 = arith.constant 74 : i32
    %broadcast_in_dim3A_1275 = vector.broadcast %jit3A_1274 : i32 to vector<32x256xi32>
    %select_n3A_1276 = arith.select %lt3A_1272, %broadcast_in_dim3A_1275, %select_n3A_1259 : vector<32x256xi1>, vector<32x256xi32>
    %get3A_1277 = arith.constant 2400 : index
    %get3A_1278 = arith.constant 0 : index
    %get3A_1279 = vector.load %arg4[%get3A_1277, %get3A_1278] : memref<8192x32xbf16, #tpu.memory_space<vmem>>, vector<32x32xbf16>
    %dot_general3A_1280 = arith.constant dense<0.000000e+00> : vector<32x256xf32>
    %dot_general3A_1281 = tpu.matmul %get3A_1279, %get3A_4, %dot_general3A_1280 {dimension_numbers = #tpu.dot_dimension_numbers<[1], [0], [0], [1], [0, 0, 1, 1], [], []>, transpose_lhs_hint = false} : vector<32x32xbf16>, vector<32x256xbf16>, vector<32x256xf32> -> vector<32x256xf32>
    %get3A_1282 = arith.constant 2400 : index
    %get3A_1283 = arith.constant 0 : index
    %get3A_1284 = vector.load %arg2[%get3A_1282, %get3A_1283] : memref<8192x1xf32, #tpu.memory_space<vmem>>, vector<32x1xf32>
    %add3A_1285 = vector.broadcast %get3A_1 : vector<1x256xf32> to vector<32x256xf32>
    %add3A_1286 = vector.broadcast %get3A_1284 : vector<32x1xf32> to vector<32x256xf32>
    %add3A_1287 = arith.addf %add3A_1285, %add3A_1286 : vector<32x256xf32>
    %sub3A_1288 = arith.subf %add3A_1287, %dot_general3A_1281 : vector<32x256xf32>
    %lt3A_1289 = arith.cmpf olt, %sub3A_1288, %select_n3A_1273 : vector<32x256xf32>
    %select_n3A_1290 = arith.select %lt3A_1289, %sub3A_1288, %select_n3A_1273 : vector<32x256xi1>, vector<32x256xf32>
    %jit3A_1291 = arith.constant 75 : i32
    %broadcast_in_dim3A_1292 = vector.broadcast %jit3A_1291 : i32 to vector<32x256xi32>
    %select_n3A_1293 = arith.select %lt3A_1289, %broadcast_in_dim3A_1292, %select_n3A_1276 : vector<32x256xi1>, vector<32x256xi32>
    %get3A_1294 = arith.constant 2432 : index
    %get3A_1295 = arith.constant 0 : index
    %get3A_1296 = vector.load %arg4[%get3A_1294, %get3A_1295] : memref<8192x32xbf16, #tpu.memory_space<vmem>>, vector<32x32xbf16>
    %dot_general3A_1297 = arith.constant dense<0.000000e+00> : vector<32x256xf32>
    %dot_general3A_1298 = tpu.matmul %get3A_1296, %get3A_4, %dot_general3A_1297 {dimension_numbers = #tpu.dot_dimension_numbers<[1], [0], [0], [1], [0, 0, 1, 1], [], []>, transpose_lhs_hint = false} : vector<32x32xbf16>, vector<32x256xbf16>, vector<32x256xf32> -> vector<32x256xf32>
    %get3A_1299 = arith.constant 2432 : index
    %get3A_1300 = arith.constant 0 : index
    %get3A_1301 = vector.load %arg2[%get3A_1299, %get3A_1300] : memref<8192x1xf32, #tpu.memory_space<vmem>>, vector<32x1xf32>
    %add3A_1302 = vector.broadcast %get3A_1 : vector<1x256xf32> to vector<32x256xf32>
    %add3A_1303 = vector.broadcast %get3A_1301 : vector<32x1xf32> to vector<32x256xf32>
    %add3A_1304 = arith.addf %add3A_1302, %add3A_1303 : vector<32x256xf32>
    %sub3A_1305 = arith.subf %add3A_1304, %dot_general3A_1298 : vector<32x256xf32>
    %lt3A_1306 = arith.cmpf olt, %sub3A_1305, %select_n3A_1290 : vector<32x256xf32>
    %select_n3A_1307 = arith.select %lt3A_1306, %sub3A_1305, %select_n3A_1290 : vector<32x256xi1>, vector<32x256xf32>
    %jit3A_1308 = arith.constant 76 : i32
    %broadcast_in_dim3A_1309 = vector.broadcast %jit3A_1308 : i32 to vector<32x256xi32>
    %select_n3A_1310 = arith.select %lt3A_1306, %broadcast_in_dim3A_1309, %select_n3A_1293 : vector<32x256xi1>, vector<32x256xi32>
    %get3A_1311 = arith.constant 2464 : index
    %get3A_1312 = arith.constant 0 : index
    %get3A_1313 = vector.load %arg4[%get3A_1311, %get3A_1312] : memref<8192x32xbf16, #tpu.memory_space<vmem>>, vector<32x32xbf16>
    %dot_general3A_1314 = arith.constant dense<0.000000e+00> : vector<32x256xf32>
    %dot_general3A_1315 = tpu.matmul %get3A_1313, %get3A_4, %dot_general3A_1314 {dimension_numbers = #tpu.dot_dimension_numbers<[1], [0], [0], [1], [0, 0, 1, 1], [], []>, transpose_lhs_hint = false} : vector<32x32xbf16>, vector<32x256xbf16>, vector<32x256xf32> -> vector<32x256xf32>
    %get3A_1316 = arith.constant 2464 : index
    %get3A_1317 = arith.constant 0 : index
    %get3A_1318 = vector.load %arg2[%get3A_1316, %get3A_1317] : memref<8192x1xf32, #tpu.memory_space<vmem>>, vector<32x1xf32>
    %add3A_1319 = vector.broadcast %get3A_1 : vector<1x256xf32> to vector<32x256xf32>
    %add3A_1320 = vector.broadcast %get3A_1318 : vector<32x1xf32> to vector<32x256xf32>
    %add3A_1321 = arith.addf %add3A_1319, %add3A_1320 : vector<32x256xf32>
    %sub3A_1322 = arith.subf %add3A_1321, %dot_general3A_1315 : vector<32x256xf32>
    %lt3A_1323 = arith.cmpf olt, %sub3A_1322, %select_n3A_1307 : vector<32x256xf32>
    %select_n3A_1324 = arith.select %lt3A_1323, %sub3A_1322, %select_n3A_1307 : vector<32x256xi1>, vector<32x256xf32>
    %jit3A_1325 = arith.constant 77 : i32
    %broadcast_in_dim3A_1326 = vector.broadcast %jit3A_1325 : i32 to vector<32x256xi32>
    %select_n3A_1327 = arith.select %lt3A_1323, %broadcast_in_dim3A_1326, %select_n3A_1310 : vector<32x256xi1>, vector<32x256xi32>
    %get3A_1328 = arith.constant 2496 : index
    %get3A_1329 = arith.constant 0 : index
    %get3A_1330 = vector.load %arg4[%get3A_1328, %get3A_1329] : memref<8192x32xbf16, #tpu.memory_space<vmem>>, vector<32x32xbf16>
    %dot_general3A_1331 = arith.constant dense<0.000000e+00> : vector<32x256xf32>
    %dot_general3A_1332 = tpu.matmul %get3A_1330, %get3A_4, %dot_general3A_1331 {dimension_numbers = #tpu.dot_dimension_numbers<[1], [0], [0], [1], [0, 0, 1, 1], [], []>, transpose_lhs_hint = false} : vector<32x32xbf16>, vector<32x256xbf16>, vector<32x256xf32> -> vector<32x256xf32>
    %get3A_1333 = arith.constant 2496 : index
    %get3A_1334 = arith.constant 0 : index
    %get3A_1335 = vector.load %arg2[%get3A_1333, %get3A_1334] : memref<8192x1xf32, #tpu.memory_space<vmem>>, vector<32x1xf32>
    %add3A_1336 = vector.broadcast %get3A_1 : vector<1x256xf32> to vector<32x256xf32>
    %add3A_1337 = vector.broadcast %get3A_1335 : vector<32x1xf32> to vector<32x256xf32>
    %add3A_1338 = arith.addf %add3A_1336, %add3A_1337 : vector<32x256xf32>
    %sub3A_1339 = arith.subf %add3A_1338, %dot_general3A_1332 : vector<32x256xf32>
    %lt3A_1340 = arith.cmpf olt, %sub3A_1339, %select_n3A_1324 : vector<32x256xf32>
    %select_n3A_1341 = arith.select %lt3A_1340, %sub3A_1339, %select_n3A_1324 : vector<32x256xi1>, vector<32x256xf32>
    %jit3A_1342 = arith.constant 78 : i32
    %broadcast_in_dim3A_1343 = vector.broadcast %jit3A_1342 : i32 to vector<32x256xi32>
    %select_n3A_1344 = arith.select %lt3A_1340, %broadcast_in_dim3A_1343, %select_n3A_1327 : vector<32x256xi1>, vector<32x256xi32>
    %get3A_1345 = arith.constant 2528 : index
    %get3A_1346 = arith.constant 0 : index
    %get3A_1347 = vector.load %arg4[%get3A_1345, %get3A_1346] : memref<8192x32xbf16, #tpu.memory_space<vmem>>, vector<32x32xbf16>
    %dot_general3A_1348 = arith.constant dense<0.000000e+00> : vector<32x256xf32>
    %dot_general3A_1349 = tpu.matmul %get3A_1347, %get3A_4, %dot_general3A_1348 {dimension_numbers = #tpu.dot_dimension_numbers<[1], [0], [0], [1], [0, 0, 1, 1], [], []>, transpose_lhs_hint = false} : vector<32x32xbf16>, vector<32x256xbf16>, vector<32x256xf32> -> vector<32x256xf32>
    %get3A_1350 = arith.constant 2528 : index
    %get3A_1351 = arith.constant 0 : index
    %get3A_1352 = vector.load %arg2[%get3A_1350, %get3A_1351] : memref<8192x1xf32, #tpu.memory_space<vmem>>, vector<32x1xf32>
    %add3A_1353 = vector.broadcast %get3A_1 : vector<1x256xf32> to vector<32x256xf32>
    %add3A_1354 = vector.broadcast %get3A_1352 : vector<32x1xf32> to vector<32x256xf32>
    %add3A_1355 = arith.addf %add3A_1353, %add3A_1354 : vector<32x256xf32>
    %sub3A_1356 = arith.subf %add3A_1355, %dot_general3A_1349 : vector<32x256xf32>
    %lt3A_1357 = arith.cmpf olt, %sub3A_1356, %select_n3A_1341 : vector<32x256xf32>
    %select_n3A_1358 = arith.select %lt3A_1357, %sub3A_1356, %select_n3A_1341 : vector<32x256xi1>, vector<32x256xf32>
    %jit3A_1359 = arith.constant 79 : i32
    %broadcast_in_dim3A_1360 = vector.broadcast %jit3A_1359 : i32 to vector<32x256xi32>
    %select_n3A_1361 = arith.select %lt3A_1357, %broadcast_in_dim3A_1360, %select_n3A_1344 : vector<32x256xi1>, vector<32x256xi32>
    %get3A_1362 = arith.constant 2560 : index
    %get3A_1363 = arith.constant 0 : index
    %get3A_1364 = vector.load %arg4[%get3A_1362, %get3A_1363] : memref<8192x32xbf16, #tpu.memory_space<vmem>>, vector<32x32xbf16>
    %dot_general3A_1365 = arith.constant dense<0.000000e+00> : vector<32x256xf32>
    %dot_general3A_1366 = tpu.matmul %get3A_1364, %get3A_4, %dot_general3A_1365 {dimension_numbers = #tpu.dot_dimension_numbers<[1], [0], [0], [1], [0, 0, 1, 1], [], []>, transpose_lhs_hint = false} : vector<32x32xbf16>, vector<32x256xbf16>, vector<32x256xf32> -> vector<32x256xf32>
    %get3A_1367 = arith.constant 2560 : index
    %get3A_1368 = arith.constant 0 : index
    %get3A_1369 = vector.load %arg2[%get3A_1367, %get3A_1368] : memref<8192x1xf32, #tpu.memory_space<vmem>>, vector<32x1xf32>
    %add3A_1370 = vector.broadcast %get3A_1 : vector<1x256xf32> to vector<32x256xf32>
    %add3A_1371 = vector.broadcast %get3A_1369 : vector<32x1xf32> to vector<32x256xf32>
    %add3A_1372 = arith.addf %add3A_1370, %add3A_1371 : vector<32x256xf32>
    %sub3A_1373 = arith.subf %add3A_1372, %dot_general3A_1366 : vector<32x256xf32>
    %lt3A_1374 = arith.cmpf olt, %sub3A_1373, %select_n3A_1358 : vector<32x256xf32>
    %select_n3A_1375 = arith.select %lt3A_1374, %sub3A_1373, %select_n3A_1358 : vector<32x256xi1>, vector<32x256xf32>
    %jit3A_1376 = arith.constant 80 : i32
    %broadcast_in_dim3A_1377 = vector.broadcast %jit3A_1376 : i32 to vector<32x256xi32>
    %select_n3A_1378 = arith.select %lt3A_1374, %broadcast_in_dim3A_1377, %select_n3A_1361 : vector<32x256xi1>, vector<32x256xi32>
    %get3A_1379 = arith.constant 2592 : index
    %get3A_1380 = arith.constant 0 : index
    %get3A_1381 = vector.load %arg4[%get3A_1379, %get3A_1380] : memref<8192x32xbf16, #tpu.memory_space<vmem>>, vector<32x32xbf16>
    %dot_general3A_1382 = arith.constant dense<0.000000e+00> : vector<32x256xf32>
    %dot_general3A_1383 = tpu.matmul %get3A_1381, %get3A_4, %dot_general3A_1382 {dimension_numbers = #tpu.dot_dimension_numbers<[1], [0], [0], [1], [0, 0, 1, 1], [], []>, transpose_lhs_hint = false} : vector<32x32xbf16>, vector<32x256xbf16>, vector<32x256xf32> -> vector<32x256xf32>
    %get3A_1384 = arith.constant 2592 : index
    %get3A_1385 = arith.constant 0 : index
    %get3A_1386 = vector.load %arg2[%get3A_1384, %get3A_1385] : memref<8192x1xf32, #tpu.memory_space<vmem>>, vector<32x1xf32>
    %add3A_1387 = vector.broadcast %get3A_1 : vector<1x256xf32> to vector<32x256xf32>
    %add3A_1388 = vector.broadcast %get3A_1386 : vector<32x1xf32> to vector<32x256xf32>
    %add3A_1389 = arith.addf %add3A_1387, %add3A_1388 : vector<32x256xf32>
    %sub3A_1390 = arith.subf %add3A_1389, %dot_general3A_1383 : vector<32x256xf32>
    %lt3A_1391 = arith.cmpf olt, %sub3A_1390, %select_n3A_1375 : vector<32x256xf32>
    %select_n3A_1392 = arith.select %lt3A_1391, %sub3A_1390, %select_n3A_1375 : vector<32x256xi1>, vector<32x256xf32>
    %jit3A_1393 = arith.constant 81 : i32
    %broadcast_in_dim3A_1394 = vector.broadcast %jit3A_1393 : i32 to vector<32x256xi32>
    %select_n3A_1395 = arith.select %lt3A_1391, %broadcast_in_dim3A_1394, %select_n3A_1378 : vector<32x256xi1>, vector<32x256xi32>
    %get3A_1396 = arith.constant 2624 : index
    %get3A_1397 = arith.constant 0 : index
    %get3A_1398 = vector.load %arg4[%get3A_1396, %get3A_1397] : memref<8192x32xbf16, #tpu.memory_space<vmem>>, vector<32x32xbf16>
    %dot_general3A_1399 = arith.constant dense<0.000000e+00> : vector<32x256xf32>
    %dot_general3A_1400 = tpu.matmul %get3A_1398, %get3A_4, %dot_general3A_1399 {dimension_numbers = #tpu.dot_dimension_numbers<[1], [0], [0], [1], [0, 0, 1, 1], [], []>, transpose_lhs_hint = false} : vector<32x32xbf16>, vector<32x256xbf16>, vector<32x256xf32> -> vector<32x256xf32>
    %get3A_1401 = arith.constant 2624 : index
    %get3A_1402 = arith.constant 0 : index
    %get3A_1403 = vector.load %arg2[%get3A_1401, %get3A_1402] : memref<8192x1xf32, #tpu.memory_space<vmem>>, vector<32x1xf32>
    %add3A_1404 = vector.broadcast %get3A_1 : vector<1x256xf32> to vector<32x256xf32>
    %add3A_1405 = vector.broadcast %get3A_1403 : vector<32x1xf32> to vector<32x256xf32>
    %add3A_1406 = arith.addf %add3A_1404, %add3A_1405 : vector<32x256xf32>
    %sub3A_1407 = arith.subf %add3A_1406, %dot_general3A_1400 : vector<32x256xf32>
    %lt3A_1408 = arith.cmpf olt, %sub3A_1407, %select_n3A_1392 : vector<32x256xf32>
    %select_n3A_1409 = arith.select %lt3A_1408, %sub3A_1407, %select_n3A_1392 : vector<32x256xi1>, vector<32x256xf32>
    %jit3A_1410 = arith.constant 82 : i32
    %broadcast_in_dim3A_1411 = vector.broadcast %jit3A_1410 : i32 to vector<32x256xi32>
    %select_n3A_1412 = arith.select %lt3A_1408, %broadcast_in_dim3A_1411, %select_n3A_1395 : vector<32x256xi1>, vector<32x256xi32>
    %get3A_1413 = arith.constant 2656 : index
    %get3A_1414 = arith.constant 0 : index
    %get3A_1415 = vector.load %arg4[%get3A_1413, %get3A_1414] : memref<8192x32xbf16, #tpu.memory_space<vmem>>, vector<32x32xbf16>
    %dot_general3A_1416 = arith.constant dense<0.000000e+00> : vector<32x256xf32>
    %dot_general3A_1417 = tpu.matmul %get3A_1415, %get3A_4, %dot_general3A_1416 {dimension_numbers = #tpu.dot_dimension_numbers<[1], [0], [0], [1], [0, 0, 1, 1], [], []>, transpose_lhs_hint = false} : vector<32x32xbf16>, vector<32x256xbf16>, vector<32x256xf32> -> vector<32x256xf32>
    %get3A_1418 = arith.constant 2656 : index
    %get3A_1419 = arith.constant 0 : index
    %get3A_1420 = vector.load %arg2[%get3A_1418, %get3A_1419] : memref<8192x1xf32, #tpu.memory_space<vmem>>, vector<32x1xf32>
    %add3A_1421 = vector.broadcast %get3A_1 : vector<1x256xf32> to vector<32x256xf32>
    %add3A_1422 = vector.broadcast %get3A_1420 : vector<32x1xf32> to vector<32x256xf32>
    %add3A_1423 = arith.addf %add3A_1421, %add3A_1422 : vector<32x256xf32>
    %sub3A_1424 = arith.subf %add3A_1423, %dot_general3A_1417 : vector<32x256xf32>
    %lt3A_1425 = arith.cmpf olt, %sub3A_1424, %select_n3A_1409 : vector<32x256xf32>
    %select_n3A_1426 = arith.select %lt3A_1425, %sub3A_1424, %select_n3A_1409 : vector<32x256xi1>, vector<32x256xf32>
    %jit3A_1427 = arith.constant 83 : i32
    %broadcast_in_dim3A_1428 = vector.broadcast %jit3A_1427 : i32 to vector<32x256xi32>
    %select_n3A_1429 = arith.select %lt3A_1425, %broadcast_in_dim3A_1428, %select_n3A_1412 : vector<32x256xi1>, vector<32x256xi32>
    %get3A_1430 = arith.constant 2688 : index
    %get3A_1431 = arith.constant 0 : index
    %get3A_1432 = vector.load %arg4[%get3A_1430, %get3A_1431] : memref<8192x32xbf16, #tpu.memory_space<vmem>>, vector<32x32xbf16>
    %dot_general3A_1433 = arith.constant dense<0.000000e+00> : vector<32x256xf32>
    %dot_general3A_1434 = tpu.matmul %get3A_1432, %get3A_4, %dot_general3A_1433 {dimension_numbers = #tpu.dot_dimension_numbers<[1], [0], [0], [1], [0, 0, 1, 1], [], []>, transpose_lhs_hint = false} : vector<32x32xbf16>, vector<32x256xbf16>, vector<32x256xf32> -> vector<32x256xf32>
    %get3A_1435 = arith.constant 2688 : index
    %get3A_1436 = arith.constant 0 : index
    %get3A_1437 = vector.load %arg2[%get3A_1435, %get3A_1436] : memref<8192x1xf32, #tpu.memory_space<vmem>>, vector<32x1xf32>
    %add3A_1438 = vector.broadcast %get3A_1 : vector<1x256xf32> to vector<32x256xf32>
    %add3A_1439 = vector.broadcast %get3A_1437 : vector<32x1xf32> to vector<32x256xf32>
    %add3A_1440 = arith.addf %add3A_1438, %add3A_1439 : vector<32x256xf32>
    %sub3A_1441 = arith.subf %add3A_1440, %dot_general3A_1434 : vector<32x256xf32>
    %lt3A_1442 = arith.cmpf olt, %sub3A_1441, %select_n3A_1426 : vector<32x256xf32>
    %select_n3A_1443 = arith.select %lt3A_1442, %sub3A_1441, %select_n3A_1426 : vector<32x256xi1>, vector<32x256xf32>
    %jit3A_1444 = arith.constant 84 : i32
    %broadcast_in_dim3A_1445 = vector.broadcast %jit3A_1444 : i32 to vector<32x256xi32>
    %select_n3A_1446 = arith.select %lt3A_1442, %broadcast_in_dim3A_1445, %select_n3A_1429 : vector<32x256xi1>, vector<32x256xi32>
    %get3A_1447 = arith.constant 2720 : index
    %get3A_1448 = arith.constant 0 : index
    %get3A_1449 = vector.load %arg4[%get3A_1447, %get3A_1448] : memref<8192x32xbf16, #tpu.memory_space<vmem>>, vector<32x32xbf16>
    %dot_general3A_1450 = arith.constant dense<0.000000e+00> : vector<32x256xf32>
    %dot_general3A_1451 = tpu.matmul %get3A_1449, %get3A_4, %dot_general3A_1450 {dimension_numbers = #tpu.dot_dimension_numbers<[1], [0], [0], [1], [0, 0, 1, 1], [], []>, transpose_lhs_hint = false} : vector<32x32xbf16>, vector<32x256xbf16>, vector<32x256xf32> -> vector<32x256xf32>
    %get3A_1452 = arith.constant 2720 : index
    %get3A_1453 = arith.constant 0 : index
    %get3A_1454 = vector.load %arg2[%get3A_1452, %get3A_1453] : memref<8192x1xf32, #tpu.memory_space<vmem>>, vector<32x1xf32>
    %add3A_1455 = vector.broadcast %get3A_1 : vector<1x256xf32> to vector<32x256xf32>
    %add3A_1456 = vector.broadcast %get3A_1454 : vector<32x1xf32> to vector<32x256xf32>
    %add3A_1457 = arith.addf %add3A_1455, %add3A_1456 : vector<32x256xf32>
    %sub3A_1458 = arith.subf %add3A_1457, %dot_general3A_1451 : vector<32x256xf32>
    %lt3A_1459 = arith.cmpf olt, %sub3A_1458, %select_n3A_1443 : vector<32x256xf32>
    %select_n3A_1460 = arith.select %lt3A_1459, %sub3A_1458, %select_n3A_1443 : vector<32x256xi1>, vector<32x256xf32>
    %jit3A_1461 = arith.constant 85 : i32
    %broadcast_in_dim3A_1462 = vector.broadcast %jit3A_1461 : i32 to vector<32x256xi32>
    %select_n3A_1463 = arith.select %lt3A_1459, %broadcast_in_dim3A_1462, %select_n3A_1446 : vector<32x256xi1>, vector<32x256xi32>
    %get3A_1464 = arith.constant 2752 : index
    %get3A_1465 = arith.constant 0 : index
    %get3A_1466 = vector.load %arg4[%get3A_1464, %get3A_1465] : memref<8192x32xbf16, #tpu.memory_space<vmem>>, vector<32x32xbf16>
    %dot_general3A_1467 = arith.constant dense<0.000000e+00> : vector<32x256xf32>
    %dot_general3A_1468 = tpu.matmul %get3A_1466, %get3A_4, %dot_general3A_1467 {dimension_numbers = #tpu.dot_dimension_numbers<[1], [0], [0], [1], [0, 0, 1, 1], [], []>, transpose_lhs_hint = false} : vector<32x32xbf16>, vector<32x256xbf16>, vector<32x256xf32> -> vector<32x256xf32>
    %get3A_1469 = arith.constant 2752 : index
    %get3A_1470 = arith.constant 0 : index
    %get3A_1471 = vector.load %arg2[%get3A_1469, %get3A_1470] : memref<8192x1xf32, #tpu.memory_space<vmem>>, vector<32x1xf32>
    %add3A_1472 = vector.broadcast %get3A_1 : vector<1x256xf32> to vector<32x256xf32>
    %add3A_1473 = vector.broadcast %get3A_1471 : vector<32x1xf32> to vector<32x256xf32>
    %add3A_1474 = arith.addf %add3A_1472, %add3A_1473 : vector<32x256xf32>
    %sub3A_1475 = arith.subf %add3A_1474, %dot_general3A_1468 : vector<32x256xf32>
    %lt3A_1476 = arith.cmpf olt, %sub3A_1475, %select_n3A_1460 : vector<32x256xf32>
    %select_n3A_1477 = arith.select %lt3A_1476, %sub3A_1475, %select_n3A_1460 : vector<32x256xi1>, vector<32x256xf32>
    %jit3A_1478 = arith.constant 86 : i32
    %broadcast_in_dim3A_1479 = vector.broadcast %jit3A_1478 : i32 to vector<32x256xi32>
    %select_n3A_1480 = arith.select %lt3A_1476, %broadcast_in_dim3A_1479, %select_n3A_1463 : vector<32x256xi1>, vector<32x256xi32>
    %get3A_1481 = arith.constant 2784 : index
    %get3A_1482 = arith.constant 0 : index
    %get3A_1483 = vector.load %arg4[%get3A_1481, %get3A_1482] : memref<8192x32xbf16, #tpu.memory_space<vmem>>, vector<32x32xbf16>
    %dot_general3A_1484 = arith.constant dense<0.000000e+00> : vector<32x256xf32>
    %dot_general3A_1485 = tpu.matmul %get3A_1483, %get3A_4, %dot_general3A_1484 {dimension_numbers = #tpu.dot_dimension_numbers<[1], [0], [0], [1], [0, 0, 1, 1], [], []>, transpose_lhs_hint = false} : vector<32x32xbf16>, vector<32x256xbf16>, vector<32x256xf32> -> vector<32x256xf32>
    %get3A_1486 = arith.constant 2784 : index
    %get3A_1487 = arith.constant 0 : index
    %get3A_1488 = vector.load %arg2[%get3A_1486, %get3A_1487] : memref<8192x1xf32, #tpu.memory_space<vmem>>, vector<32x1xf32>
    %add3A_1489 = vector.broadcast %get3A_1 : vector<1x256xf32> to vector<32x256xf32>
    %add3A_1490 = vector.broadcast %get3A_1488 : vector<32x1xf32> to vector<32x256xf32>
    %add3A_1491 = arith.addf %add3A_1489, %add3A_1490 : vector<32x256xf32>
    %sub3A_1492 = arith.subf %add3A_1491, %dot_general3A_1485 : vector<32x256xf32>
    %lt3A_1493 = arith.cmpf olt, %sub3A_1492, %select_n3A_1477 : vector<32x256xf32>
    %select_n3A_1494 = arith.select %lt3A_1493, %sub3A_1492, %select_n3A_1477 : vector<32x256xi1>, vector<32x256xf32>
    %jit3A_1495 = arith.constant 87 : i32
    %broadcast_in_dim3A_1496 = vector.broadcast %jit3A_1495 : i32 to vector<32x256xi32>
    %select_n3A_1497 = arith.select %lt3A_1493, %broadcast_in_dim3A_1496, %select_n3A_1480 : vector<32x256xi1>, vector<32x256xi32>
    %get3A_1498 = arith.constant 2816 : index
    %get3A_1499 = arith.constant 0 : index
    %get3A_1500 = vector.load %arg4[%get3A_1498, %get3A_1499] : memref<8192x32xbf16, #tpu.memory_space<vmem>>, vector<32x32xbf16>
    %dot_general3A_1501 = arith.constant dense<0.000000e+00> : vector<32x256xf32>
    %dot_general3A_1502 = tpu.matmul %get3A_1500, %get3A_4, %dot_general3A_1501 {dimension_numbers = #tpu.dot_dimension_numbers<[1], [0], [0], [1], [0, 0, 1, 1], [], []>, transpose_lhs_hint = false} : vector<32x32xbf16>, vector<32x256xbf16>, vector<32x256xf32> -> vector<32x256xf32>
    %get3A_1503 = arith.constant 2816 : index
    %get3A_1504 = arith.constant 0 : index
    %get3A_1505 = vector.load %arg2[%get3A_1503, %get3A_1504] : memref<8192x1xf32, #tpu.memory_space<vmem>>, vector<32x1xf32>
    %add3A_1506 = vector.broadcast %get3A_1 : vector<1x256xf32> to vector<32x256xf32>
    %add3A_1507 = vector.broadcast %get3A_1505 : vector<32x1xf32> to vector<32x256xf32>
    %add3A_1508 = arith.addf %add3A_1506, %add3A_1507 : vector<32x256xf32>
    %sub3A_1509 = arith.subf %add3A_1508, %dot_general3A_1502 : vector<32x256xf32>
    %lt3A_1510 = arith.cmpf olt, %sub3A_1509, %select_n3A_1494 : vector<32x256xf32>
    %select_n3A_1511 = arith.select %lt3A_1510, %sub3A_1509, %select_n3A_1494 : vector<32x256xi1>, vector<32x256xf32>
    %jit3A_1512 = arith.constant 88 : i32
    %broadcast_in_dim3A_1513 = vector.broadcast %jit3A_1512 : i32 to vector<32x256xi32>
    %select_n3A_1514 = arith.select %lt3A_1510, %broadcast_in_dim3A_1513, %select_n3A_1497 : vector<32x256xi1>, vector<32x256xi32>
    %get3A_1515 = arith.constant 2848 : index
    %get3A_1516 = arith.constant 0 : index
    %get3A_1517 = vector.load %arg4[%get3A_1515, %get3A_1516] : memref<8192x32xbf16, #tpu.memory_space<vmem>>, vector<32x32xbf16>
    %dot_general3A_1518 = arith.constant dense<0.000000e+00> : vector<32x256xf32>
    %dot_general3A_1519 = tpu.matmul %get3A_1517, %get3A_4, %dot_general3A_1518 {dimension_numbers = #tpu.dot_dimension_numbers<[1], [0], [0], [1], [0, 0, 1, 1], [], []>, transpose_lhs_hint = false} : vector<32x32xbf16>, vector<32x256xbf16>, vector<32x256xf32> -> vector<32x256xf32>
    %get3A_1520 = arith.constant 2848 : index
    %get3A_1521 = arith.constant 0 : index
    %get3A_1522 = vector.load %arg2[%get3A_1520, %get3A_1521] : memref<8192x1xf32, #tpu.memory_space<vmem>>, vector<32x1xf32>
    %add3A_1523 = vector.broadcast %get3A_1 : vector<1x256xf32> to vector<32x256xf32>
    %add3A_1524 = vector.broadcast %get3A_1522 : vector<32x1xf32> to vector<32x256xf32>
    %add3A_1525 = arith.addf %add3A_1523, %add3A_1524 : vector<32x256xf32>
    %sub3A_1526 = arith.subf %add3A_1525, %dot_general3A_1519 : vector<32x256xf32>
    %lt3A_1527 = arith.cmpf olt, %sub3A_1526, %select_n3A_1511 : vector<32x256xf32>
    %select_n3A_1528 = arith.select %lt3A_1527, %sub3A_1526, %select_n3A_1511 : vector<32x256xi1>, vector<32x256xf32>
    %jit3A_1529 = arith.constant 89 : i32
    %broadcast_in_dim3A_1530 = vector.broadcast %jit3A_1529 : i32 to vector<32x256xi32>
    %select_n3A_1531 = arith.select %lt3A_1527, %broadcast_in_dim3A_1530, %select_n3A_1514 : vector<32x256xi1>, vector<32x256xi32>
    %get3A_1532 = arith.constant 2880 : index
    %get3A_1533 = arith.constant 0 : index
    %get3A_1534 = vector.load %arg4[%get3A_1532, %get3A_1533] : memref<8192x32xbf16, #tpu.memory_space<vmem>>, vector<32x32xbf16>
    %dot_general3A_1535 = arith.constant dense<0.000000e+00> : vector<32x256xf32>
    %dot_general3A_1536 = tpu.matmul %get3A_1534, %get3A_4, %dot_general3A_1535 {dimension_numbers = #tpu.dot_dimension_numbers<[1], [0], [0], [1], [0, 0, 1, 1], [], []>, transpose_lhs_hint = false} : vector<32x32xbf16>, vector<32x256xbf16>, vector<32x256xf32> -> vector<32x256xf32>
    %get3A_1537 = arith.constant 2880 : index
    %get3A_1538 = arith.constant 0 : index
    %get3A_1539 = vector.load %arg2[%get3A_1537, %get3A_1538] : memref<8192x1xf32, #tpu.memory_space<vmem>>, vector<32x1xf32>
    %add3A_1540 = vector.broadcast %get3A_1 : vector<1x256xf32> to vector<32x256xf32>
    %add3A_1541 = vector.broadcast %get3A_1539 : vector<32x1xf32> to vector<32x256xf32>
    %add3A_1542 = arith.addf %add3A_1540, %add3A_1541 : vector<32x256xf32>
    %sub3A_1543 = arith.subf %add3A_1542, %dot_general3A_1536 : vector<32x256xf32>
    %lt3A_1544 = arith.cmpf olt, %sub3A_1543, %select_n3A_1528 : vector<32x256xf32>
    %select_n3A_1545 = arith.select %lt3A_1544, %sub3A_1543, %select_n3A_1528 : vector<32x256xi1>, vector<32x256xf32>
    %jit3A_1546 = arith.constant 90 : i32
    %broadcast_in_dim3A_1547 = vector.broadcast %jit3A_1546 : i32 to vector<32x256xi32>
    %select_n3A_1548 = arith.select %lt3A_1544, %broadcast_in_dim3A_1547, %select_n3A_1531 : vector<32x256xi1>, vector<32x256xi32>
    %get3A_1549 = arith.constant 2912 : index
    %get3A_1550 = arith.constant 0 : index
    %get3A_1551 = vector.load %arg4[%get3A_1549, %get3A_1550] : memref<8192x32xbf16, #tpu.memory_space<vmem>>, vector<32x32xbf16>
    %dot_general3A_1552 = arith.constant dense<0.000000e+00> : vector<32x256xf32>
    %dot_general3A_1553 = tpu.matmul %get3A_1551, %get3A_4, %dot_general3A_1552 {dimension_numbers = #tpu.dot_dimension_numbers<[1], [0], [0], [1], [0, 0, 1, 1], [], []>, transpose_lhs_hint = false} : vector<32x32xbf16>, vector<32x256xbf16>, vector<32x256xf32> -> vector<32x256xf32>
    %get3A_1554 = arith.constant 2912 : index
    %get3A_1555 = arith.constant 0 : index
    %get3A_1556 = vector.load %arg2[%get3A_1554, %get3A_1555] : memref<8192x1xf32, #tpu.memory_space<vmem>>, vector<32x1xf32>
    %add3A_1557 = vector.broadcast %get3A_1 : vector<1x256xf32> to vector<32x256xf32>
    %add3A_1558 = vector.broadcast %get3A_1556 : vector<32x1xf32> to vector<32x256xf32>
    %add3A_1559 = arith.addf %add3A_1557, %add3A_1558 : vector<32x256xf32>
    %sub3A_1560 = arith.subf %add3A_1559, %dot_general3A_1553 : vector<32x256xf32>
    %lt3A_1561 = arith.cmpf olt, %sub3A_1560, %select_n3A_1545 : vector<32x256xf32>
    %select_n3A_1562 = arith.select %lt3A_1561, %sub3A_1560, %select_n3A_1545 : vector<32x256xi1>, vector<32x256xf32>
    %jit3A_1563 = arith.constant 91 : i32
    %broadcast_in_dim3A_1564 = vector.broadcast %jit3A_1563 : i32 to vector<32x256xi32>
    %select_n3A_1565 = arith.select %lt3A_1561, %broadcast_in_dim3A_1564, %select_n3A_1548 : vector<32x256xi1>, vector<32x256xi32>
    %get3A_1566 = arith.constant 2944 : index
    %get3A_1567 = arith.constant 0 : index
    %get3A_1568 = vector.load %arg4[%get3A_1566, %get3A_1567] : memref<8192x32xbf16, #tpu.memory_space<vmem>>, vector<32x32xbf16>
    %dot_general3A_1569 = arith.constant dense<0.000000e+00> : vector<32x256xf32>
    %dot_general3A_1570 = tpu.matmul %get3A_1568, %get3A_4, %dot_general3A_1569 {dimension_numbers = #tpu.dot_dimension_numbers<[1], [0], [0], [1], [0, 0, 1, 1], [], []>, transpose_lhs_hint = false} : vector<32x32xbf16>, vector<32x256xbf16>, vector<32x256xf32> -> vector<32x256xf32>
    %get3A_1571 = arith.constant 2944 : index
    %get3A_1572 = arith.constant 0 : index
    %get3A_1573 = vector.load %arg2[%get3A_1571, %get3A_1572] : memref<8192x1xf32, #tpu.memory_space<vmem>>, vector<32x1xf32>
    %add3A_1574 = vector.broadcast %get3A_1 : vector<1x256xf32> to vector<32x256xf32>
    %add3A_1575 = vector.broadcast %get3A_1573 : vector<32x1xf32> to vector<32x256xf32>
    %add3A_1576 = arith.addf %add3A_1574, %add3A_1575 : vector<32x256xf32>
    %sub3A_1577 = arith.subf %add3A_1576, %dot_general3A_1570 : vector<32x256xf32>
    %lt3A_1578 = arith.cmpf olt, %sub3A_1577, %select_n3A_1562 : vector<32x256xf32>
    %select_n3A_1579 = arith.select %lt3A_1578, %sub3A_1577, %select_n3A_1562 : vector<32x256xi1>, vector<32x256xf32>
    %jit3A_1580 = arith.constant 92 : i32
    %broadcast_in_dim3A_1581 = vector.broadcast %jit3A_1580 : i32 to vector<32x256xi32>
    %select_n3A_1582 = arith.select %lt3A_1578, %broadcast_in_dim3A_1581, %select_n3A_1565 : vector<32x256xi1>, vector<32x256xi32>
    %get3A_1583 = arith.constant 2976 : index
    %get3A_1584 = arith.constant 0 : index
    %get3A_1585 = vector.load %arg4[%get3A_1583, %get3A_1584] : memref<8192x32xbf16, #tpu.memory_space<vmem>>, vector<32x32xbf16>
    %dot_general3A_1586 = arith.constant dense<0.000000e+00> : vector<32x256xf32>
    %dot_general3A_1587 = tpu.matmul %get3A_1585, %get3A_4, %dot_general3A_1586 {dimension_numbers = #tpu.dot_dimension_numbers<[1], [0], [0], [1], [0, 0, 1, 1], [], []>, transpose_lhs_hint = false} : vector<32x32xbf16>, vector<32x256xbf16>, vector<32x256xf32> -> vector<32x256xf32>
    %get3A_1588 = arith.constant 2976 : index
    %get3A_1589 = arith.constant 0 : index
    %get3A_1590 = vector.load %arg2[%get3A_1588, %get3A_1589] : memref<8192x1xf32, #tpu.memory_space<vmem>>, vector<32x1xf32>
    %add3A_1591 = vector.broadcast %get3A_1 : vector<1x256xf32> to vector<32x256xf32>
    %add3A_1592 = vector.broadcast %get3A_1590 : vector<32x1xf32> to vector<32x256xf32>
    %add3A_1593 = arith.addf %add3A_1591, %add3A_1592 : vector<32x256xf32>
    %sub3A_1594 = arith.subf %add3A_1593, %dot_general3A_1587 : vector<32x256xf32>
    %lt3A_1595 = arith.cmpf olt, %sub3A_1594, %select_n3A_1579 : vector<32x256xf32>
    %select_n3A_1596 = arith.select %lt3A_1595, %sub3A_1594, %select_n3A_1579 : vector<32x256xi1>, vector<32x256xf32>
    %jit3A_1597 = arith.constant 93 : i32
    %broadcast_in_dim3A_1598 = vector.broadcast %jit3A_1597 : i32 to vector<32x256xi32>
    %select_n3A_1599 = arith.select %lt3A_1595, %broadcast_in_dim3A_1598, %select_n3A_1582 : vector<32x256xi1>, vector<32x256xi32>
    %get3A_1600 = arith.constant 3008 : index
    %get3A_1601 = arith.constant 0 : index
    %get3A_1602 = vector.load %arg4[%get3A_1600, %get3A_1601] : memref<8192x32xbf16, #tpu.memory_space<vmem>>, vector<32x32xbf16>
    %dot_general3A_1603 = arith.constant dense<0.000000e+00> : vector<32x256xf32>
    %dot_general3A_1604 = tpu.matmul %get3A_1602, %get3A_4, %dot_general3A_1603 {dimension_numbers = #tpu.dot_dimension_numbers<[1], [0], [0], [1], [0, 0, 1, 1], [], []>, transpose_lhs_hint = false} : vector<32x32xbf16>, vector<32x256xbf16>, vector<32x256xf32> -> vector<32x256xf32>
    %get3A_1605 = arith.constant 3008 : index
    %get3A_1606 = arith.constant 0 : index
    %get3A_1607 = vector.load %arg2[%get3A_1605, %get3A_1606] : memref<8192x1xf32, #tpu.memory_space<vmem>>, vector<32x1xf32>
    %add3A_1608 = vector.broadcast %get3A_1 : vector<1x256xf32> to vector<32x256xf32>
    %add3A_1609 = vector.broadcast %get3A_1607 : vector<32x1xf32> to vector<32x256xf32>
    %add3A_1610 = arith.addf %add3A_1608, %add3A_1609 : vector<32x256xf32>
    %sub3A_1611 = arith.subf %add3A_1610, %dot_general3A_1604 : vector<32x256xf32>
    %lt3A_1612 = arith.cmpf olt, %sub3A_1611, %select_n3A_1596 : vector<32x256xf32>
    %select_n3A_1613 = arith.select %lt3A_1612, %sub3A_1611, %select_n3A_1596 : vector<32x256xi1>, vector<32x256xf32>
    %jit3A_1614 = arith.constant 94 : i32
    %broadcast_in_dim3A_1615 = vector.broadcast %jit3A_1614 : i32 to vector<32x256xi32>
    %select_n3A_1616 = arith.select %lt3A_1612, %broadcast_in_dim3A_1615, %select_n3A_1599 : vector<32x256xi1>, vector<32x256xi32>
    %get3A_1617 = arith.constant 3040 : index
    %get3A_1618 = arith.constant 0 : index
    %get3A_1619 = vector.load %arg4[%get3A_1617, %get3A_1618] : memref<8192x32xbf16, #tpu.memory_space<vmem>>, vector<32x32xbf16>
    %dot_general3A_1620 = arith.constant dense<0.000000e+00> : vector<32x256xf32>
    %dot_general3A_1621 = tpu.matmul %get3A_1619, %get3A_4, %dot_general3A_1620 {dimension_numbers = #tpu.dot_dimension_numbers<[1], [0], [0], [1], [0, 0, 1, 1], [], []>, transpose_lhs_hint = false} : vector<32x32xbf16>, vector<32x256xbf16>, vector<32x256xf32> -> vector<32x256xf32>
    %get3A_1622 = arith.constant 3040 : index
    %get3A_1623 = arith.constant 0 : index
    %get3A_1624 = vector.load %arg2[%get3A_1622, %get3A_1623] : memref<8192x1xf32, #tpu.memory_space<vmem>>, vector<32x1xf32>
    %add3A_1625 = vector.broadcast %get3A_1 : vector<1x256xf32> to vector<32x256xf32>
    %add3A_1626 = vector.broadcast %get3A_1624 : vector<32x1xf32> to vector<32x256xf32>
    %add3A_1627 = arith.addf %add3A_1625, %add3A_1626 : vector<32x256xf32>
    %sub3A_1628 = arith.subf %add3A_1627, %dot_general3A_1621 : vector<32x256xf32>
    %lt3A_1629 = arith.cmpf olt, %sub3A_1628, %select_n3A_1613 : vector<32x256xf32>
    %select_n3A_1630 = arith.select %lt3A_1629, %sub3A_1628, %select_n3A_1613 : vector<32x256xi1>, vector<32x256xf32>
    %jit3A_1631 = arith.constant 95 : i32
    %broadcast_in_dim3A_1632 = vector.broadcast %jit3A_1631 : i32 to vector<32x256xi32>
    %select_n3A_1633 = arith.select %lt3A_1629, %broadcast_in_dim3A_1632, %select_n3A_1616 : vector<32x256xi1>, vector<32x256xi32>
    %get3A_1634 = arith.constant 3072 : index
    %get3A_1635 = arith.constant 0 : index
    %get3A_1636 = vector.load %arg4[%get3A_1634, %get3A_1635] : memref<8192x32xbf16, #tpu.memory_space<vmem>>, vector<32x32xbf16>
    %dot_general3A_1637 = arith.constant dense<0.000000e+00> : vector<32x256xf32>
    %dot_general3A_1638 = tpu.matmul %get3A_1636, %get3A_4, %dot_general3A_1637 {dimension_numbers = #tpu.dot_dimension_numbers<[1], [0], [0], [1], [0, 0, 1, 1], [], []>, transpose_lhs_hint = false} : vector<32x32xbf16>, vector<32x256xbf16>, vector<32x256xf32> -> vector<32x256xf32>
    %get3A_1639 = arith.constant 3072 : index
    %get3A_1640 = arith.constant 0 : index
    %get3A_1641 = vector.load %arg2[%get3A_1639, %get3A_1640] : memref<8192x1xf32, #tpu.memory_space<vmem>>, vector<32x1xf32>
    %add3A_1642 = vector.broadcast %get3A_1 : vector<1x256xf32> to vector<32x256xf32>
    %add3A_1643 = vector.broadcast %get3A_1641 : vector<32x1xf32> to vector<32x256xf32>
    %add3A_1644 = arith.addf %add3A_1642, %add3A_1643 : vector<32x256xf32>
    %sub3A_1645 = arith.subf %add3A_1644, %dot_general3A_1638 : vector<32x256xf32>
    %lt3A_1646 = arith.cmpf olt, %sub3A_1645, %select_n3A_1630 : vector<32x256xf32>
    %select_n3A_1647 = arith.select %lt3A_1646, %sub3A_1645, %select_n3A_1630 : vector<32x256xi1>, vector<32x256xf32>
    %jit3A_1648 = arith.constant 96 : i32
    %broadcast_in_dim3A_1649 = vector.broadcast %jit3A_1648 : i32 to vector<32x256xi32>
    %select_n3A_1650 = arith.select %lt3A_1646, %broadcast_in_dim3A_1649, %select_n3A_1633 : vector<32x256xi1>, vector<32x256xi32>
    %get3A_1651 = arith.constant 3104 : index
    %get3A_1652 = arith.constant 0 : index
    %get3A_1653 = vector.load %arg4[%get3A_1651, %get3A_1652] : memref<8192x32xbf16, #tpu.memory_space<vmem>>, vector<32x32xbf16>
    %dot_general3A_1654 = arith.constant dense<0.000000e+00> : vector<32x256xf32>
    %dot_general3A_1655 = tpu.matmul %get3A_1653, %get3A_4, %dot_general3A_1654 {dimension_numbers = #tpu.dot_dimension_numbers<[1], [0], [0], [1], [0, 0, 1, 1], [], []>, transpose_lhs_hint = false} : vector<32x32xbf16>, vector<32x256xbf16>, vector<32x256xf32> -> vector<32x256xf32>
    %get3A_1656 = arith.constant 3104 : index
    %get3A_1657 = arith.constant 0 : index
    %get3A_1658 = vector.load %arg2[%get3A_1656, %get3A_1657] : memref<8192x1xf32, #tpu.memory_space<vmem>>, vector<32x1xf32>
    %add3A_1659 = vector.broadcast %get3A_1 : vector<1x256xf32> to vector<32x256xf32>
    %add3A_1660 = vector.broadcast %get3A_1658 : vector<32x1xf32> to vector<32x256xf32>
    %add3A_1661 = arith.addf %add3A_1659, %add3A_1660 : vector<32x256xf32>
    %sub3A_1662 = arith.subf %add3A_1661, %dot_general3A_1655 : vector<32x256xf32>
    %lt3A_1663 = arith.cmpf olt, %sub3A_1662, %select_n3A_1647 : vector<32x256xf32>
    %select_n3A_1664 = arith.select %lt3A_1663, %sub3A_1662, %select_n3A_1647 : vector<32x256xi1>, vector<32x256xf32>
    %jit3A_1665 = arith.constant 97 : i32
    %broadcast_in_dim3A_1666 = vector.broadcast %jit3A_1665 : i32 to vector<32x256xi32>
    %select_n3A_1667 = arith.select %lt3A_1663, %broadcast_in_dim3A_1666, %select_n3A_1650 : vector<32x256xi1>, vector<32x256xi32>
    %get3A_1668 = arith.constant 3136 : index
    %get3A_1669 = arith.constant 0 : index
    %get3A_1670 = vector.load %arg4[%get3A_1668, %get3A_1669] : memref<8192x32xbf16, #tpu.memory_space<vmem>>, vector<32x32xbf16>
    %dot_general3A_1671 = arith.constant dense<0.000000e+00> : vector<32x256xf32>
    %dot_general3A_1672 = tpu.matmul %get3A_1670, %get3A_4, %dot_general3A_1671 {dimension_numbers = #tpu.dot_dimension_numbers<[1], [0], [0], [1], [0, 0, 1, 1], [], []>, transpose_lhs_hint = false} : vector<32x32xbf16>, vector<32x256xbf16>, vector<32x256xf32> -> vector<32x256xf32>
    %get3A_1673 = arith.constant 3136 : index
    %get3A_1674 = arith.constant 0 : index
    %get3A_1675 = vector.load %arg2[%get3A_1673, %get3A_1674] : memref<8192x1xf32, #tpu.memory_space<vmem>>, vector<32x1xf32>
    %add3A_1676 = vector.broadcast %get3A_1 : vector<1x256xf32> to vector<32x256xf32>
    %add3A_1677 = vector.broadcast %get3A_1675 : vector<32x1xf32> to vector<32x256xf32>
    %add3A_1678 = arith.addf %add3A_1676, %add3A_1677 : vector<32x256xf32>
    %sub3A_1679 = arith.subf %add3A_1678, %dot_general3A_1672 : vector<32x256xf32>
    %lt3A_1680 = arith.cmpf olt, %sub3A_1679, %select_n3A_1664 : vector<32x256xf32>
    %select_n3A_1681 = arith.select %lt3A_1680, %sub3A_1679, %select_n3A_1664 : vector<32x256xi1>, vector<32x256xf32>
    %jit3A_1682 = arith.constant 98 : i32
    %broadcast_in_dim3A_1683 = vector.broadcast %jit3A_1682 : i32 to vector<32x256xi32>
    %select_n3A_1684 = arith.select %lt3A_1680, %broadcast_in_dim3A_1683, %select_n3A_1667 : vector<32x256xi1>, vector<32x256xi32>
    %get3A_1685 = arith.constant 3168 : index
    %get3A_1686 = arith.constant 0 : index
    %get3A_1687 = vector.load %arg4[%get3A_1685, %get3A_1686] : memref<8192x32xbf16, #tpu.memory_space<vmem>>, vector<32x32xbf16>
    %dot_general3A_1688 = arith.constant dense<0.000000e+00> : vector<32x256xf32>
    %dot_general3A_1689 = tpu.matmul %get3A_1687, %get3A_4, %dot_general3A_1688 {dimension_numbers = #tpu.dot_dimension_numbers<[1], [0], [0], [1], [0, 0, 1, 1], [], []>, transpose_lhs_hint = false} : vector<32x32xbf16>, vector<32x256xbf16>, vector<32x256xf32> -> vector<32x256xf32>
    %get3A_1690 = arith.constant 3168 : index
    %get3A_1691 = arith.constant 0 : index
    %get3A_1692 = vector.load %arg2[%get3A_1690, %get3A_1691] : memref<8192x1xf32, #tpu.memory_space<vmem>>, vector<32x1xf32>
    %add3A_1693 = vector.broadcast %get3A_1 : vector<1x256xf32> to vector<32x256xf32>
    %add3A_1694 = vector.broadcast %get3A_1692 : vector<32x1xf32> to vector<32x256xf32>
    %add3A_1695 = arith.addf %add3A_1693, %add3A_1694 : vector<32x256xf32>
    %sub3A_1696 = arith.subf %add3A_1695, %dot_general3A_1689 : vector<32x256xf32>
    %lt3A_1697 = arith.cmpf olt, %sub3A_1696, %select_n3A_1681 : vector<32x256xf32>
    %select_n3A_1698 = arith.select %lt3A_1697, %sub3A_1696, %select_n3A_1681 : vector<32x256xi1>, vector<32x256xf32>
    %jit3A_1699 = arith.constant 99 : i32
    %broadcast_in_dim3A_1700 = vector.broadcast %jit3A_1699 : i32 to vector<32x256xi32>
    %select_n3A_1701 = arith.select %lt3A_1697, %broadcast_in_dim3A_1700, %select_n3A_1684 : vector<32x256xi1>, vector<32x256xi32>
    %get3A_1702 = arith.constant 3200 : index
    %get3A_1703 = arith.constant 0 : index
    %get3A_1704 = vector.load %arg4[%get3A_1702, %get3A_1703] : memref<8192x32xbf16, #tpu.memory_space<vmem>>, vector<32x32xbf16>
    %dot_general3A_1705 = arith.constant dense<0.000000e+00> : vector<32x256xf32>
    %dot_general3A_1706 = tpu.matmul %get3A_1704, %get3A_4, %dot_general3A_1705 {dimension_numbers = #tpu.dot_dimension_numbers<[1], [0], [0], [1], [0, 0, 1, 1], [], []>, transpose_lhs_hint = false} : vector<32x32xbf16>, vector<32x256xbf16>, vector<32x256xf32> -> vector<32x256xf32>
    %get3A_1707 = arith.constant 3200 : index
    %get3A_1708 = arith.constant 0 : index
    %get3A_1709 = vector.load %arg2[%get3A_1707, %get3A_1708] : memref<8192x1xf32, #tpu.memory_space<vmem>>, vector<32x1xf32>
    %add3A_1710 = vector.broadcast %get3A_1 : vector<1x256xf32> to vector<32x256xf32>
    %add3A_1711 = vector.broadcast %get3A_1709 : vector<32x1xf32> to vector<32x256xf32>
    %add3A_1712 = arith.addf %add3A_1710, %add3A_1711 : vector<32x256xf32>
    %sub3A_1713 = arith.subf %add3A_1712, %dot_general3A_1706 : vector<32x256xf32>
    %lt3A_1714 = arith.cmpf olt, %sub3A_1713, %select_n3A_1698 : vector<32x256xf32>
    %select_n3A_1715 = arith.select %lt3A_1714, %sub3A_1713, %select_n3A_1698 : vector<32x256xi1>, vector<32x256xf32>
    %jit3A_1716 = arith.constant 100 : i32
    %broadcast_in_dim3A_1717 = vector.broadcast %jit3A_1716 : i32 to vector<32x256xi32>
    %select_n3A_1718 = arith.select %lt3A_1714, %broadcast_in_dim3A_1717, %select_n3A_1701 : vector<32x256xi1>, vector<32x256xi32>
    %get3A_1719 = arith.constant 3232 : index
    %get3A_1720 = arith.constant 0 : index
    %get3A_1721 = vector.load %arg4[%get3A_1719, %get3A_1720] : memref<8192x32xbf16, #tpu.memory_space<vmem>>, vector<32x32xbf16>
    %dot_general3A_1722 = arith.constant dense<0.000000e+00> : vector<32x256xf32>
    %dot_general3A_1723 = tpu.matmul %get3A_1721, %get3A_4, %dot_general3A_1722 {dimension_numbers = #tpu.dot_dimension_numbers<[1], [0], [0], [1], [0, 0, 1, 1], [], []>, transpose_lhs_hint = false} : vector<32x32xbf16>, vector<32x256xbf16>, vector<32x256xf32> -> vector<32x256xf32>
    %get3A_1724 = arith.constant 3232 : index
    %get3A_1725 = arith.constant 0 : index
    %get3A_1726 = vector.load %arg2[%get3A_1724, %get3A_1725] : memref<8192x1xf32, #tpu.memory_space<vmem>>, vector<32x1xf32>
    %add3A_1727 = vector.broadcast %get3A_1 : vector<1x256xf32> to vector<32x256xf32>
    %add3A_1728 = vector.broadcast %get3A_1726 : vector<32x1xf32> to vector<32x256xf32>
    %add3A_1729 = arith.addf %add3A_1727, %add3A_1728 : vector<32x256xf32>
    %sub3A_1730 = arith.subf %add3A_1729, %dot_general3A_1723 : vector<32x256xf32>
    %lt3A_1731 = arith.cmpf olt, %sub3A_1730, %select_n3A_1715 : vector<32x256xf32>
    %select_n3A_1732 = arith.select %lt3A_1731, %sub3A_1730, %select_n3A_1715 : vector<32x256xi1>, vector<32x256xf32>
    %jit3A_1733 = arith.constant 101 : i32
    %broadcast_in_dim3A_1734 = vector.broadcast %jit3A_1733 : i32 to vector<32x256xi32>
    %select_n3A_1735 = arith.select %lt3A_1731, %broadcast_in_dim3A_1734, %select_n3A_1718 : vector<32x256xi1>, vector<32x256xi32>
    %get3A_1736 = arith.constant 3264 : index
    %get3A_1737 = arith.constant 0 : index
    %get3A_1738 = vector.load %arg4[%get3A_1736, %get3A_1737] : memref<8192x32xbf16, #tpu.memory_space<vmem>>, vector<32x32xbf16>
    %dot_general3A_1739 = arith.constant dense<0.000000e+00> : vector<32x256xf32>
    %dot_general3A_1740 = tpu.matmul %get3A_1738, %get3A_4, %dot_general3A_1739 {dimension_numbers = #tpu.dot_dimension_numbers<[1], [0], [0], [1], [0, 0, 1, 1], [], []>, transpose_lhs_hint = false} : vector<32x32xbf16>, vector<32x256xbf16>, vector<32x256xf32> -> vector<32x256xf32>
    %get3A_1741 = arith.constant 3264 : index
    %get3A_1742 = arith.constant 0 : index
    %get3A_1743 = vector.load %arg2[%get3A_1741, %get3A_1742] : memref<8192x1xf32, #tpu.memory_space<vmem>>, vector<32x1xf32>
    %add3A_1744 = vector.broadcast %get3A_1 : vector<1x256xf32> to vector<32x256xf32>
    %add3A_1745 = vector.broadcast %get3A_1743 : vector<32x1xf32> to vector<32x256xf32>
    %add3A_1746 = arith.addf %add3A_1744, %add3A_1745 : vector<32x256xf32>
    %sub3A_1747 = arith.subf %add3A_1746, %dot_general3A_1740 : vector<32x256xf32>
    %lt3A_1748 = arith.cmpf olt, %sub3A_1747, %select_n3A_1732 : vector<32x256xf32>
    %select_n3A_1749 = arith.select %lt3A_1748, %sub3A_1747, %select_n3A_1732 : vector<32x256xi1>, vector<32x256xf32>
    %jit3A_1750 = arith.constant 102 : i32
    %broadcast_in_dim3A_1751 = vector.broadcast %jit3A_1750 : i32 to vector<32x256xi32>
    %select_n3A_1752 = arith.select %lt3A_1748, %broadcast_in_dim3A_1751, %select_n3A_1735 : vector<32x256xi1>, vector<32x256xi32>
    %get3A_1753 = arith.constant 3296 : index
    %get3A_1754 = arith.constant 0 : index
    %get3A_1755 = vector.load %arg4[%get3A_1753, %get3A_1754] : memref<8192x32xbf16, #tpu.memory_space<vmem>>, vector<32x32xbf16>
    %dot_general3A_1756 = arith.constant dense<0.000000e+00> : vector<32x256xf32>
    %dot_general3A_1757 = tpu.matmul %get3A_1755, %get3A_4, %dot_general3A_1756 {dimension_numbers = #tpu.dot_dimension_numbers<[1], [0], [0], [1], [0, 0, 1, 1], [], []>, transpose_lhs_hint = false} : vector<32x32xbf16>, vector<32x256xbf16>, vector<32x256xf32> -> vector<32x256xf32>
    %get3A_1758 = arith.constant 3296 : index
    %get3A_1759 = arith.constant 0 : index
    %get3A_1760 = vector.load %arg2[%get3A_1758, %get3A_1759] : memref<8192x1xf32, #tpu.memory_space<vmem>>, vector<32x1xf32>
    %add3A_1761 = vector.broadcast %get3A_1 : vector<1x256xf32> to vector<32x256xf32>
    %add3A_1762 = vector.broadcast %get3A_1760 : vector<32x1xf32> to vector<32x256xf32>
    %add3A_1763 = arith.addf %add3A_1761, %add3A_1762 : vector<32x256xf32>
    %sub3A_1764 = arith.subf %add3A_1763, %dot_general3A_1757 : vector<32x256xf32>
    %lt3A_1765 = arith.cmpf olt, %sub3A_1764, %select_n3A_1749 : vector<32x256xf32>
    %select_n3A_1766 = arith.select %lt3A_1765, %sub3A_1764, %select_n3A_1749 : vector<32x256xi1>, vector<32x256xf32>
    %jit3A_1767 = arith.constant 103 : i32
    %broadcast_in_dim3A_1768 = vector.broadcast %jit3A_1767 : i32 to vector<32x256xi32>
    %select_n3A_1769 = arith.select %lt3A_1765, %broadcast_in_dim3A_1768, %select_n3A_1752 : vector<32x256xi1>, vector<32x256xi32>
    %get3A_1770 = arith.constant 3328 : index
    %get3A_1771 = arith.constant 0 : index
    %get3A_1772 = vector.load %arg4[%get3A_1770, %get3A_1771] : memref<8192x32xbf16, #tpu.memory_space<vmem>>, vector<32x32xbf16>
    %dot_general3A_1773 = arith.constant dense<0.000000e+00> : vector<32x256xf32>
    %dot_general3A_1774 = tpu.matmul %get3A_1772, %get3A_4, %dot_general3A_1773 {dimension_numbers = #tpu.dot_dimension_numbers<[1], [0], [0], [1], [0, 0, 1, 1], [], []>, transpose_lhs_hint = false} : vector<32x32xbf16>, vector<32x256xbf16>, vector<32x256xf32> -> vector<32x256xf32>
    %get3A_1775 = arith.constant 3328 : index
    %get3A_1776 = arith.constant 0 : index
    %get3A_1777 = vector.load %arg2[%get3A_1775, %get3A_1776] : memref<8192x1xf32, #tpu.memory_space<vmem>>, vector<32x1xf32>
    %add3A_1778 = vector.broadcast %get3A_1 : vector<1x256xf32> to vector<32x256xf32>
    %add3A_1779 = vector.broadcast %get3A_1777 : vector<32x1xf32> to vector<32x256xf32>
    %add3A_1780 = arith.addf %add3A_1778, %add3A_1779 : vector<32x256xf32>
    %sub3A_1781 = arith.subf %add3A_1780, %dot_general3A_1774 : vector<32x256xf32>
    %lt3A_1782 = arith.cmpf olt, %sub3A_1781, %select_n3A_1766 : vector<32x256xf32>
    %select_n3A_1783 = arith.select %lt3A_1782, %sub3A_1781, %select_n3A_1766 : vector<32x256xi1>, vector<32x256xf32>
    %jit3A_1784 = arith.constant 104 : i32
    %broadcast_in_dim3A_1785 = vector.broadcast %jit3A_1784 : i32 to vector<32x256xi32>
    %select_n3A_1786 = arith.select %lt3A_1782, %broadcast_in_dim3A_1785, %select_n3A_1769 : vector<32x256xi1>, vector<32x256xi32>
    %get3A_1787 = arith.constant 3360 : index
    %get3A_1788 = arith.constant 0 : index
    %get3A_1789 = vector.load %arg4[%get3A_1787, %get3A_1788] : memref<8192x32xbf16, #tpu.memory_space<vmem>>, vector<32x32xbf16>
    %dot_general3A_1790 = arith.constant dense<0.000000e+00> : vector<32x256xf32>
    %dot_general3A_1791 = tpu.matmul %get3A_1789, %get3A_4, %dot_general3A_1790 {dimension_numbers = #tpu.dot_dimension_numbers<[1], [0], [0], [1], [0, 0, 1, 1], [], []>, transpose_lhs_hint = false} : vector<32x32xbf16>, vector<32x256xbf16>, vector<32x256xf32> -> vector<32x256xf32>
    %get3A_1792 = arith.constant 3360 : index
    %get3A_1793 = arith.constant 0 : index
    %get3A_1794 = vector.load %arg2[%get3A_1792, %get3A_1793] : memref<8192x1xf32, #tpu.memory_space<vmem>>, vector<32x1xf32>
    %add3A_1795 = vector.broadcast %get3A_1 : vector<1x256xf32> to vector<32x256xf32>
    %add3A_1796 = vector.broadcast %get3A_1794 : vector<32x1xf32> to vector<32x256xf32>
    %add3A_1797 = arith.addf %add3A_1795, %add3A_1796 : vector<32x256xf32>
    %sub3A_1798 = arith.subf %add3A_1797, %dot_general3A_1791 : vector<32x256xf32>
    %lt3A_1799 = arith.cmpf olt, %sub3A_1798, %select_n3A_1783 : vector<32x256xf32>
    %select_n3A_1800 = arith.select %lt3A_1799, %sub3A_1798, %select_n3A_1783 : vector<32x256xi1>, vector<32x256xf32>
    %jit3A_1801 = arith.constant 105 : i32
    %broadcast_in_dim3A_1802 = vector.broadcast %jit3A_1801 : i32 to vector<32x256xi32>
    %select_n3A_1803 = arith.select %lt3A_1799, %broadcast_in_dim3A_1802, %select_n3A_1786 : vector<32x256xi1>, vector<32x256xi32>
    %get3A_1804 = arith.constant 3392 : index
    %get3A_1805 = arith.constant 0 : index
    %get3A_1806 = vector.load %arg4[%get3A_1804, %get3A_1805] : memref<8192x32xbf16, #tpu.memory_space<vmem>>, vector<32x32xbf16>
    %dot_general3A_1807 = arith.constant dense<0.000000e+00> : vector<32x256xf32>
    %dot_general3A_1808 = tpu.matmul %get3A_1806, %get3A_4, %dot_general3A_1807 {dimension_numbers = #tpu.dot_dimension_numbers<[1], [0], [0], [1], [0, 0, 1, 1], [], []>, transpose_lhs_hint = false} : vector<32x32xbf16>, vector<32x256xbf16>, vector<32x256xf32> -> vector<32x256xf32>
    %get3A_1809 = arith.constant 3392 : index
    %get3A_1810 = arith.constant 0 : index
    %get3A_1811 = vector.load %arg2[%get3A_1809, %get3A_1810] : memref<8192x1xf32, #tpu.memory_space<vmem>>, vector<32x1xf32>
    %add3A_1812 = vector.broadcast %get3A_1 : vector<1x256xf32> to vector<32x256xf32>
    %add3A_1813 = vector.broadcast %get3A_1811 : vector<32x1xf32> to vector<32x256xf32>
    %add3A_1814 = arith.addf %add3A_1812, %add3A_1813 : vector<32x256xf32>
    %sub3A_1815 = arith.subf %add3A_1814, %dot_general3A_1808 : vector<32x256xf32>
    %lt3A_1816 = arith.cmpf olt, %sub3A_1815, %select_n3A_1800 : vector<32x256xf32>
    %select_n3A_1817 = arith.select %lt3A_1816, %sub3A_1815, %select_n3A_1800 : vector<32x256xi1>, vector<32x256xf32>
    %jit3A_1818 = arith.constant 106 : i32
    %broadcast_in_dim3A_1819 = vector.broadcast %jit3A_1818 : i32 to vector<32x256xi32>
    %select_n3A_1820 = arith.select %lt3A_1816, %broadcast_in_dim3A_1819, %select_n3A_1803 : vector<32x256xi1>, vector<32x256xi32>
    %get3A_1821 = arith.constant 3424 : index
    %get3A_1822 = arith.constant 0 : index
    %get3A_1823 = vector.load %arg4[%get3A_1821, %get3A_1822] : memref<8192x32xbf16, #tpu.memory_space<vmem>>, vector<32x32xbf16>
    %dot_general3A_1824 = arith.constant dense<0.000000e+00> : vector<32x256xf32>
    %dot_general3A_1825 = tpu.matmul %get3A_1823, %get3A_4, %dot_general3A_1824 {dimension_numbers = #tpu.dot_dimension_numbers<[1], [0], [0], [1], [0, 0, 1, 1], [], []>, transpose_lhs_hint = false} : vector<32x32xbf16>, vector<32x256xbf16>, vector<32x256xf32> -> vector<32x256xf32>
    %get3A_1826 = arith.constant 3424 : index
    %get3A_1827 = arith.constant 0 : index
    %get3A_1828 = vector.load %arg2[%get3A_1826, %get3A_1827] : memref<8192x1xf32, #tpu.memory_space<vmem>>, vector<32x1xf32>
    %add3A_1829 = vector.broadcast %get3A_1 : vector<1x256xf32> to vector<32x256xf32>
    %add3A_1830 = vector.broadcast %get3A_1828 : vector<32x1xf32> to vector<32x256xf32>
    %add3A_1831 = arith.addf %add3A_1829, %add3A_1830 : vector<32x256xf32>
    %sub3A_1832 = arith.subf %add3A_1831, %dot_general3A_1825 : vector<32x256xf32>
    %lt3A_1833 = arith.cmpf olt, %sub3A_1832, %select_n3A_1817 : vector<32x256xf32>
    %select_n3A_1834 = arith.select %lt3A_1833, %sub3A_1832, %select_n3A_1817 : vector<32x256xi1>, vector<32x256xf32>
    %jit3A_1835 = arith.constant 107 : i32
    %broadcast_in_dim3A_1836 = vector.broadcast %jit3A_1835 : i32 to vector<32x256xi32>
    %select_n3A_1837 = arith.select %lt3A_1833, %broadcast_in_dim3A_1836, %select_n3A_1820 : vector<32x256xi1>, vector<32x256xi32>
    %get3A_1838 = arith.constant 3456 : index
    %get3A_1839 = arith.constant 0 : index
    %get3A_1840 = vector.load %arg4[%get3A_1838, %get3A_1839] : memref<8192x32xbf16, #tpu.memory_space<vmem>>, vector<32x32xbf16>
    %dot_general3A_1841 = arith.constant dense<0.000000e+00> : vector<32x256xf32>
    %dot_general3A_1842 = tpu.matmul %get3A_1840, %get3A_4, %dot_general3A_1841 {dimension_numbers = #tpu.dot_dimension_numbers<[1], [0], [0], [1], [0, 0, 1, 1], [], []>, transpose_lhs_hint = false} : vector<32x32xbf16>, vector<32x256xbf16>, vector<32x256xf32> -> vector<32x256xf32>
    %get3A_1843 = arith.constant 3456 : index
    %get3A_1844 = arith.constant 0 : index
    %get3A_1845 = vector.load %arg2[%get3A_1843, %get3A_1844] : memref<8192x1xf32, #tpu.memory_space<vmem>>, vector<32x1xf32>
    %add3A_1846 = vector.broadcast %get3A_1 : vector<1x256xf32> to vector<32x256xf32>
    %add3A_1847 = vector.broadcast %get3A_1845 : vector<32x1xf32> to vector<32x256xf32>
    %add3A_1848 = arith.addf %add3A_1846, %add3A_1847 : vector<32x256xf32>
    %sub3A_1849 = arith.subf %add3A_1848, %dot_general3A_1842 : vector<32x256xf32>
    %lt3A_1850 = arith.cmpf olt, %sub3A_1849, %select_n3A_1834 : vector<32x256xf32>
    %select_n3A_1851 = arith.select %lt3A_1850, %sub3A_1849, %select_n3A_1834 : vector<32x256xi1>, vector<32x256xf32>
    %jit3A_1852 = arith.constant 108 : i32
    %broadcast_in_dim3A_1853 = vector.broadcast %jit3A_1852 : i32 to vector<32x256xi32>
    %select_n3A_1854 = arith.select %lt3A_1850, %broadcast_in_dim3A_1853, %select_n3A_1837 : vector<32x256xi1>, vector<32x256xi32>
    %get3A_1855 = arith.constant 3488 : index
    %get3A_1856 = arith.constant 0 : index
    %get3A_1857 = vector.load %arg4[%get3A_1855, %get3A_1856] : memref<8192x32xbf16, #tpu.memory_space<vmem>>, vector<32x32xbf16>
    %dot_general3A_1858 = arith.constant dense<0.000000e+00> : vector<32x256xf32>
    %dot_general3A_1859 = tpu.matmul %get3A_1857, %get3A_4, %dot_general3A_1858 {dimension_numbers = #tpu.dot_dimension_numbers<[1], [0], [0], [1], [0, 0, 1, 1], [], []>, transpose_lhs_hint = false} : vector<32x32xbf16>, vector<32x256xbf16>, vector<32x256xf32> -> vector<32x256xf32>
    %get3A_1860 = arith.constant 3488 : index
    %get3A_1861 = arith.constant 0 : index
    %get3A_1862 = vector.load %arg2[%get3A_1860, %get3A_1861] : memref<8192x1xf32, #tpu.memory_space<vmem>>, vector<32x1xf32>
    %add3A_1863 = vector.broadcast %get3A_1 : vector<1x256xf32> to vector<32x256xf32>
    %add3A_1864 = vector.broadcast %get3A_1862 : vector<32x1xf32> to vector<32x256xf32>
    %add3A_1865 = arith.addf %add3A_1863, %add3A_1864 : vector<32x256xf32>
    %sub3A_1866 = arith.subf %add3A_1865, %dot_general3A_1859 : vector<32x256xf32>
    %lt3A_1867 = arith.cmpf olt, %sub3A_1866, %select_n3A_1851 : vector<32x256xf32>
    %select_n3A_1868 = arith.select %lt3A_1867, %sub3A_1866, %select_n3A_1851 : vector<32x256xi1>, vector<32x256xf32>
    %jit3A_1869 = arith.constant 109 : i32
    %broadcast_in_dim3A_1870 = vector.broadcast %jit3A_1869 : i32 to vector<32x256xi32>
    %select_n3A_1871 = arith.select %lt3A_1867, %broadcast_in_dim3A_1870, %select_n3A_1854 : vector<32x256xi1>, vector<32x256xi32>
    %get3A_1872 = arith.constant 3520 : index
    %get3A_1873 = arith.constant 0 : index
    %get3A_1874 = vector.load %arg4[%get3A_1872, %get3A_1873] : memref<8192x32xbf16, #tpu.memory_space<vmem>>, vector<32x32xbf16>
    %dot_general3A_1875 = arith.constant dense<0.000000e+00> : vector<32x256xf32>
    %dot_general3A_1876 = tpu.matmul %get3A_1874, %get3A_4, %dot_general3A_1875 {dimension_numbers = #tpu.dot_dimension_numbers<[1], [0], [0], [1], [0, 0, 1, 1], [], []>, transpose_lhs_hint = false} : vector<32x32xbf16>, vector<32x256xbf16>, vector<32x256xf32> -> vector<32x256xf32>
    %get3A_1877 = arith.constant 3520 : index
    %get3A_1878 = arith.constant 0 : index
    %get3A_1879 = vector.load %arg2[%get3A_1877, %get3A_1878] : memref<8192x1xf32, #tpu.memory_space<vmem>>, vector<32x1xf32>
    %add3A_1880 = vector.broadcast %get3A_1 : vector<1x256xf32> to vector<32x256xf32>
    %add3A_1881 = vector.broadcast %get3A_1879 : vector<32x1xf32> to vector<32x256xf32>
    %add3A_1882 = arith.addf %add3A_1880, %add3A_1881 : vector<32x256xf32>
    %sub3A_1883 = arith.subf %add3A_1882, %dot_general3A_1876 : vector<32x256xf32>
    %lt3A_1884 = arith.cmpf olt, %sub3A_1883, %select_n3A_1868 : vector<32x256xf32>
    %select_n3A_1885 = arith.select %lt3A_1884, %sub3A_1883, %select_n3A_1868 : vector<32x256xi1>, vector<32x256xf32>
    %jit3A_1886 = arith.constant 110 : i32
    %broadcast_in_dim3A_1887 = vector.broadcast %jit3A_1886 : i32 to vector<32x256xi32>
    %select_n3A_1888 = arith.select %lt3A_1884, %broadcast_in_dim3A_1887, %select_n3A_1871 : vector<32x256xi1>, vector<32x256xi32>
    %get3A_1889 = arith.constant 3552 : index
    %get3A_1890 = arith.constant 0 : index
    %get3A_1891 = vector.load %arg4[%get3A_1889, %get3A_1890] : memref<8192x32xbf16, #tpu.memory_space<vmem>>, vector<32x32xbf16>
    %dot_general3A_1892 = arith.constant dense<0.000000e+00> : vector<32x256xf32>
    %dot_general3A_1893 = tpu.matmul %get3A_1891, %get3A_4, %dot_general3A_1892 {dimension_numbers = #tpu.dot_dimension_numbers<[1], [0], [0], [1], [0, 0, 1, 1], [], []>, transpose_lhs_hint = false} : vector<32x32xbf16>, vector<32x256xbf16>, vector<32x256xf32> -> vector<32x256xf32>
    %get3A_1894 = arith.constant 3552 : index
    %get3A_1895 = arith.constant 0 : index
    %get3A_1896 = vector.load %arg2[%get3A_1894, %get3A_1895] : memref<8192x1xf32, #tpu.memory_space<vmem>>, vector<32x1xf32>
    %add3A_1897 = vector.broadcast %get3A_1 : vector<1x256xf32> to vector<32x256xf32>
    %add3A_1898 = vector.broadcast %get3A_1896 : vector<32x1xf32> to vector<32x256xf32>
    %add3A_1899 = arith.addf %add3A_1897, %add3A_1898 : vector<32x256xf32>
    %sub3A_1900 = arith.subf %add3A_1899, %dot_general3A_1893 : vector<32x256xf32>
    %lt3A_1901 = arith.cmpf olt, %sub3A_1900, %select_n3A_1885 : vector<32x256xf32>
    %select_n3A_1902 = arith.select %lt3A_1901, %sub3A_1900, %select_n3A_1885 : vector<32x256xi1>, vector<32x256xf32>
    %jit3A_1903 = arith.constant 111 : i32
    %broadcast_in_dim3A_1904 = vector.broadcast %jit3A_1903 : i32 to vector<32x256xi32>
    %select_n3A_1905 = arith.select %lt3A_1901, %broadcast_in_dim3A_1904, %select_n3A_1888 : vector<32x256xi1>, vector<32x256xi32>
    %get3A_1906 = arith.constant 3584 : index
    %get3A_1907 = arith.constant 0 : index
    %get3A_1908 = vector.load %arg4[%get3A_1906, %get3A_1907] : memref<8192x32xbf16, #tpu.memory_space<vmem>>, vector<32x32xbf16>
    %dot_general3A_1909 = arith.constant dense<0.000000e+00> : vector<32x256xf32>
    %dot_general3A_1910 = tpu.matmul %get3A_1908, %get3A_4, %dot_general3A_1909 {dimension_numbers = #tpu.dot_dimension_numbers<[1], [0], [0], [1], [0, 0, 1, 1], [], []>, transpose_lhs_hint = false} : vector<32x32xbf16>, vector<32x256xbf16>, vector<32x256xf32> -> vector<32x256xf32>
    %get3A_1911 = arith.constant 3584 : index
    %get3A_1912 = arith.constant 0 : index
    %get3A_1913 = vector.load %arg2[%get3A_1911, %get3A_1912] : memref<8192x1xf32, #tpu.memory_space<vmem>>, vector<32x1xf32>
    %add3A_1914 = vector.broadcast %get3A_1 : vector<1x256xf32> to vector<32x256xf32>
    %add3A_1915 = vector.broadcast %get3A_1913 : vector<32x1xf32> to vector<32x256xf32>
    %add3A_1916 = arith.addf %add3A_1914, %add3A_1915 : vector<32x256xf32>
    %sub3A_1917 = arith.subf %add3A_1916, %dot_general3A_1910 : vector<32x256xf32>
    %lt3A_1918 = arith.cmpf olt, %sub3A_1917, %select_n3A_1902 : vector<32x256xf32>
    %select_n3A_1919 = arith.select %lt3A_1918, %sub3A_1917, %select_n3A_1902 : vector<32x256xi1>, vector<32x256xf32>
    %jit3A_1920 = arith.constant 112 : i32
    %broadcast_in_dim3A_1921 = vector.broadcast %jit3A_1920 : i32 to vector<32x256xi32>
    %select_n3A_1922 = arith.select %lt3A_1918, %broadcast_in_dim3A_1921, %select_n3A_1905 : vector<32x256xi1>, vector<32x256xi32>
    %get3A_1923 = arith.constant 3616 : index
    %get3A_1924 = arith.constant 0 : index
    %get3A_1925 = vector.load %arg4[%get3A_1923, %get3A_1924] : memref<8192x32xbf16, #tpu.memory_space<vmem>>, vector<32x32xbf16>
    %dot_general3A_1926 = arith.constant dense<0.000000e+00> : vector<32x256xf32>
    %dot_general3A_1927 = tpu.matmul %get3A_1925, %get3A_4, %dot_general3A_1926 {dimension_numbers = #tpu.dot_dimension_numbers<[1], [0], [0], [1], [0, 0, 1, 1], [], []>, transpose_lhs_hint = false} : vector<32x32xbf16>, vector<32x256xbf16>, vector<32x256xf32> -> vector<32x256xf32>
    %get3A_1928 = arith.constant 3616 : index
    %get3A_1929 = arith.constant 0 : index
    %get3A_1930 = vector.load %arg2[%get3A_1928, %get3A_1929] : memref<8192x1xf32, #tpu.memory_space<vmem>>, vector<32x1xf32>
    %add3A_1931 = vector.broadcast %get3A_1 : vector<1x256xf32> to vector<32x256xf32>
    %add3A_1932 = vector.broadcast %get3A_1930 : vector<32x1xf32> to vector<32x256xf32>
    %add3A_1933 = arith.addf %add3A_1931, %add3A_1932 : vector<32x256xf32>
    %sub3A_1934 = arith.subf %add3A_1933, %dot_general3A_1927 : vector<32x256xf32>
    %lt3A_1935 = arith.cmpf olt, %sub3A_1934, %select_n3A_1919 : vector<32x256xf32>
    %select_n3A_1936 = arith.select %lt3A_1935, %sub3A_1934, %select_n3A_1919 : vector<32x256xi1>, vector<32x256xf32>
    %jit3A_1937 = arith.constant 113 : i32
    %broadcast_in_dim3A_1938 = vector.broadcast %jit3A_1937 : i32 to vector<32x256xi32>
    %select_n3A_1939 = arith.select %lt3A_1935, %broadcast_in_dim3A_1938, %select_n3A_1922 : vector<32x256xi1>, vector<32x256xi32>
    %get3A_1940 = arith.constant 3648 : index
    %get3A_1941 = arith.constant 0 : index
    %get3A_1942 = vector.load %arg4[%get3A_1940, %get3A_1941] : memref<8192x32xbf16, #tpu.memory_space<vmem>>, vector<32x32xbf16>
    %dot_general3A_1943 = arith.constant dense<0.000000e+00> : vector<32x256xf32>
    %dot_general3A_1944 = tpu.matmul %get3A_1942, %get3A_4, %dot_general3A_1943 {dimension_numbers = #tpu.dot_dimension_numbers<[1], [0], [0], [1], [0, 0, 1, 1], [], []>, transpose_lhs_hint = false} : vector<32x32xbf16>, vector<32x256xbf16>, vector<32x256xf32> -> vector<32x256xf32>
    %get3A_1945 = arith.constant 3648 : index
    %get3A_1946 = arith.constant 0 : index
    %get3A_1947 = vector.load %arg2[%get3A_1945, %get3A_1946] : memref<8192x1xf32, #tpu.memory_space<vmem>>, vector<32x1xf32>
    %add3A_1948 = vector.broadcast %get3A_1 : vector<1x256xf32> to vector<32x256xf32>
    %add3A_1949 = vector.broadcast %get3A_1947 : vector<32x1xf32> to vector<32x256xf32>
    %add3A_1950 = arith.addf %add3A_1948, %add3A_1949 : vector<32x256xf32>
    %sub3A_1951 = arith.subf %add3A_1950, %dot_general3A_1944 : vector<32x256xf32>
    %lt3A_1952 = arith.cmpf olt, %sub3A_1951, %select_n3A_1936 : vector<32x256xf32>
    %select_n3A_1953 = arith.select %lt3A_1952, %sub3A_1951, %select_n3A_1936 : vector<32x256xi1>, vector<32x256xf32>
    %jit3A_1954 = arith.constant 114 : i32
    %broadcast_in_dim3A_1955 = vector.broadcast %jit3A_1954 : i32 to vector<32x256xi32>
    %select_n3A_1956 = arith.select %lt3A_1952, %broadcast_in_dim3A_1955, %select_n3A_1939 : vector<32x256xi1>, vector<32x256xi32>
    %get3A_1957 = arith.constant 3680 : index
    %get3A_1958 = arith.constant 0 : index
    %get3A_1959 = vector.load %arg4[%get3A_1957, %get3A_1958] : memref<8192x32xbf16, #tpu.memory_space<vmem>>, vector<32x32xbf16>
    %dot_general3A_1960 = arith.constant dense<0.000000e+00> : vector<32x256xf32>
    %dot_general3A_1961 = tpu.matmul %get3A_1959, %get3A_4, %dot_general3A_1960 {dimension_numbers = #tpu.dot_dimension_numbers<[1], [0], [0], [1], [0, 0, 1, 1], [], []>, transpose_lhs_hint = false} : vector<32x32xbf16>, vector<32x256xbf16>, vector<32x256xf32> -> vector<32x256xf32>
    %get3A_1962 = arith.constant 3680 : index
    %get3A_1963 = arith.constant 0 : index
    %get3A_1964 = vector.load %arg2[%get3A_1962, %get3A_1963] : memref<8192x1xf32, #tpu.memory_space<vmem>>, vector<32x1xf32>
    %add3A_1965 = vector.broadcast %get3A_1 : vector<1x256xf32> to vector<32x256xf32>
    %add3A_1966 = vector.broadcast %get3A_1964 : vector<32x1xf32> to vector<32x256xf32>
    %add3A_1967 = arith.addf %add3A_1965, %add3A_1966 : vector<32x256xf32>
    %sub3A_1968 = arith.subf %add3A_1967, %dot_general3A_1961 : vector<32x256xf32>
    %lt3A_1969 = arith.cmpf olt, %sub3A_1968, %select_n3A_1953 : vector<32x256xf32>
    %select_n3A_1970 = arith.select %lt3A_1969, %sub3A_1968, %select_n3A_1953 : vector<32x256xi1>, vector<32x256xf32>
    %jit3A_1971 = arith.constant 115 : i32
    %broadcast_in_dim3A_1972 = vector.broadcast %jit3A_1971 : i32 to vector<32x256xi32>
    %select_n3A_1973 = arith.select %lt3A_1969, %broadcast_in_dim3A_1972, %select_n3A_1956 : vector<32x256xi1>, vector<32x256xi32>
    %get3A_1974 = arith.constant 3712 : index
    %get3A_1975 = arith.constant 0 : index
    %get3A_1976 = vector.load %arg4[%get3A_1974, %get3A_1975] : memref<8192x32xbf16, #tpu.memory_space<vmem>>, vector<32x32xbf16>
    %dot_general3A_1977 = arith.constant dense<0.000000e+00> : vector<32x256xf32>
    %dot_general3A_1978 = tpu.matmul %get3A_1976, %get3A_4, %dot_general3A_1977 {dimension_numbers = #tpu.dot_dimension_numbers<[1], [0], [0], [1], [0, 0, 1, 1], [], []>, transpose_lhs_hint = false} : vector<32x32xbf16>, vector<32x256xbf16>, vector<32x256xf32> -> vector<32x256xf32>
    %get3A_1979 = arith.constant 3712 : index
    %get3A_1980 = arith.constant 0 : index
    %get3A_1981 = vector.load %arg2[%get3A_1979, %get3A_1980] : memref<8192x1xf32, #tpu.memory_space<vmem>>, vector<32x1xf32>
    %add3A_1982 = vector.broadcast %get3A_1 : vector<1x256xf32> to vector<32x256xf32>
    %add3A_1983 = vector.broadcast %get3A_1981 : vector<32x1xf32> to vector<32x256xf32>
    %add3A_1984 = arith.addf %add3A_1982, %add3A_1983 : vector<32x256xf32>
    %sub3A_1985 = arith.subf %add3A_1984, %dot_general3A_1978 : vector<32x256xf32>
    %lt3A_1986 = arith.cmpf olt, %sub3A_1985, %select_n3A_1970 : vector<32x256xf32>
    %select_n3A_1987 = arith.select %lt3A_1986, %sub3A_1985, %select_n3A_1970 : vector<32x256xi1>, vector<32x256xf32>
    %jit3A_1988 = arith.constant 116 : i32
    %broadcast_in_dim3A_1989 = vector.broadcast %jit3A_1988 : i32 to vector<32x256xi32>
    %select_n3A_1990 = arith.select %lt3A_1986, %broadcast_in_dim3A_1989, %select_n3A_1973 : vector<32x256xi1>, vector<32x256xi32>
    %get3A_1991 = arith.constant 3744 : index
    %get3A_1992 = arith.constant 0 : index
    %get3A_1993 = vector.load %arg4[%get3A_1991, %get3A_1992] : memref<8192x32xbf16, #tpu.memory_space<vmem>>, vector<32x32xbf16>
    %dot_general3A_1994 = arith.constant dense<0.000000e+00> : vector<32x256xf32>
    %dot_general3A_1995 = tpu.matmul %get3A_1993, %get3A_4, %dot_general3A_1994 {dimension_numbers = #tpu.dot_dimension_numbers<[1], [0], [0], [1], [0, 0, 1, 1], [], []>, transpose_lhs_hint = false} : vector<32x32xbf16>, vector<32x256xbf16>, vector<32x256xf32> -> vector<32x256xf32>
    %get3A_1996 = arith.constant 3744 : index
    %get3A_1997 = arith.constant 0 : index
    %get3A_1998 = vector.load %arg2[%get3A_1996, %get3A_1997] : memref<8192x1xf32, #tpu.memory_space<vmem>>, vector<32x1xf32>
    %add3A_1999 = vector.broadcast %get3A_1 : vector<1x256xf32> to vector<32x256xf32>
    %add3A_2000 = vector.broadcast %get3A_1998 : vector<32x1xf32> to vector<32x256xf32>
    %add3A_2001 = arith.addf %add3A_1999, %add3A_2000 : vector<32x256xf32>
    %sub3A_2002 = arith.subf %add3A_2001, %dot_general3A_1995 : vector<32x256xf32>
    %lt3A_2003 = arith.cmpf olt, %sub3A_2002, %select_n3A_1987 : vector<32x256xf32>
    %select_n3A_2004 = arith.select %lt3A_2003, %sub3A_2002, %select_n3A_1987 : vector<32x256xi1>, vector<32x256xf32>
    %jit3A_2005 = arith.constant 117 : i32
    %broadcast_in_dim3A_2006 = vector.broadcast %jit3A_2005 : i32 to vector<32x256xi32>
    %select_n3A_2007 = arith.select %lt3A_2003, %broadcast_in_dim3A_2006, %select_n3A_1990 : vector<32x256xi1>, vector<32x256xi32>
    %get3A_2008 = arith.constant 3776 : index
    %get3A_2009 = arith.constant 0 : index
    %get3A_2010 = vector.load %arg4[%get3A_2008, %get3A_2009] : memref<8192x32xbf16, #tpu.memory_space<vmem>>, vector<32x32xbf16>
    %dot_general3A_2011 = arith.constant dense<0.000000e+00> : vector<32x256xf32>
    %dot_general3A_2012 = tpu.matmul %get3A_2010, %get3A_4, %dot_general3A_2011 {dimension_numbers = #tpu.dot_dimension_numbers<[1], [0], [0], [1], [0, 0, 1, 1], [], []>, transpose_lhs_hint = false} : vector<32x32xbf16>, vector<32x256xbf16>, vector<32x256xf32> -> vector<32x256xf32>
    %get3A_2013 = arith.constant 3776 : index
    %get3A_2014 = arith.constant 0 : index
    %get3A_2015 = vector.load %arg2[%get3A_2013, %get3A_2014] : memref<8192x1xf32, #tpu.memory_space<vmem>>, vector<32x1xf32>
    %add3A_2016 = vector.broadcast %get3A_1 : vector<1x256xf32> to vector<32x256xf32>
    %add3A_2017 = vector.broadcast %get3A_2015 : vector<32x1xf32> to vector<32x256xf32>
    %add3A_2018 = arith.addf %add3A_2016, %add3A_2017 : vector<32x256xf32>
    %sub3A_2019 = arith.subf %add3A_2018, %dot_general3A_2012 : vector<32x256xf32>
    %lt3A_2020 = arith.cmpf olt, %sub3A_2019, %select_n3A_2004 : vector<32x256xf32>
    %select_n3A_2021 = arith.select %lt3A_2020, %sub3A_2019, %select_n3A_2004 : vector<32x256xi1>, vector<32x256xf32>
    %jit3A_2022 = arith.constant 118 : i32
    %broadcast_in_dim3A_2023 = vector.broadcast %jit3A_2022 : i32 to vector<32x256xi32>
    %select_n3A_2024 = arith.select %lt3A_2020, %broadcast_in_dim3A_2023, %select_n3A_2007 : vector<32x256xi1>, vector<32x256xi32>
    %get3A_2025 = arith.constant 3808 : index
    %get3A_2026 = arith.constant 0 : index
    %get3A_2027 = vector.load %arg4[%get3A_2025, %get3A_2026] : memref<8192x32xbf16, #tpu.memory_space<vmem>>, vector<32x32xbf16>
    %dot_general3A_2028 = arith.constant dense<0.000000e+00> : vector<32x256xf32>
    %dot_general3A_2029 = tpu.matmul %get3A_2027, %get3A_4, %dot_general3A_2028 {dimension_numbers = #tpu.dot_dimension_numbers<[1], [0], [0], [1], [0, 0, 1, 1], [], []>, transpose_lhs_hint = false} : vector<32x32xbf16>, vector<32x256xbf16>, vector<32x256xf32> -> vector<32x256xf32>
    %get3A_2030 = arith.constant 3808 : index
    %get3A_2031 = arith.constant 0 : index
    %get3A_2032 = vector.load %arg2[%get3A_2030, %get3A_2031] : memref<8192x1xf32, #tpu.memory_space<vmem>>, vector<32x1xf32>
    %add3A_2033 = vector.broadcast %get3A_1 : vector<1x256xf32> to vector<32x256xf32>
    %add3A_2034 = vector.broadcast %get3A_2032 : vector<32x1xf32> to vector<32x256xf32>
    %add3A_2035 = arith.addf %add3A_2033, %add3A_2034 : vector<32x256xf32>
    %sub3A_2036 = arith.subf %add3A_2035, %dot_general3A_2029 : vector<32x256xf32>
    %lt3A_2037 = arith.cmpf olt, %sub3A_2036, %select_n3A_2021 : vector<32x256xf32>
    %select_n3A_2038 = arith.select %lt3A_2037, %sub3A_2036, %select_n3A_2021 : vector<32x256xi1>, vector<32x256xf32>
    %jit3A_2039 = arith.constant 119 : i32
    %broadcast_in_dim3A_2040 = vector.broadcast %jit3A_2039 : i32 to vector<32x256xi32>
    %select_n3A_2041 = arith.select %lt3A_2037, %broadcast_in_dim3A_2040, %select_n3A_2024 : vector<32x256xi1>, vector<32x256xi32>
    %get3A_2042 = arith.constant 3840 : index
    %get3A_2043 = arith.constant 0 : index
    %get3A_2044 = vector.load %arg4[%get3A_2042, %get3A_2043] : memref<8192x32xbf16, #tpu.memory_space<vmem>>, vector<32x32xbf16>
    %dot_general3A_2045 = arith.constant dense<0.000000e+00> : vector<32x256xf32>
    %dot_general3A_2046 = tpu.matmul %get3A_2044, %get3A_4, %dot_general3A_2045 {dimension_numbers = #tpu.dot_dimension_numbers<[1], [0], [0], [1], [0, 0, 1, 1], [], []>, transpose_lhs_hint = false} : vector<32x32xbf16>, vector<32x256xbf16>, vector<32x256xf32> -> vector<32x256xf32>
    %get3A_2047 = arith.constant 3840 : index
    %get3A_2048 = arith.constant 0 : index
    %get3A_2049 = vector.load %arg2[%get3A_2047, %get3A_2048] : memref<8192x1xf32, #tpu.memory_space<vmem>>, vector<32x1xf32>
    %add3A_2050 = vector.broadcast %get3A_1 : vector<1x256xf32> to vector<32x256xf32>
    %add3A_2051 = vector.broadcast %get3A_2049 : vector<32x1xf32> to vector<32x256xf32>
    %add3A_2052 = arith.addf %add3A_2050, %add3A_2051 : vector<32x256xf32>
    %sub3A_2053 = arith.subf %add3A_2052, %dot_general3A_2046 : vector<32x256xf32>
    %lt3A_2054 = arith.cmpf olt, %sub3A_2053, %select_n3A_2038 : vector<32x256xf32>
    %select_n3A_2055 = arith.select %lt3A_2054, %sub3A_2053, %select_n3A_2038 : vector<32x256xi1>, vector<32x256xf32>
    %jit3A_2056 = arith.constant 120 : i32
    %broadcast_in_dim3A_2057 = vector.broadcast %jit3A_2056 : i32 to vector<32x256xi32>
    %select_n3A_2058 = arith.select %lt3A_2054, %broadcast_in_dim3A_2057, %select_n3A_2041 : vector<32x256xi1>, vector<32x256xi32>
    %get3A_2059 = arith.constant 3872 : index
    %get3A_2060 = arith.constant 0 : index
    %get3A_2061 = vector.load %arg4[%get3A_2059, %get3A_2060] : memref<8192x32xbf16, #tpu.memory_space<vmem>>, vector<32x32xbf16>
    %dot_general3A_2062 = arith.constant dense<0.000000e+00> : vector<32x256xf32>
    %dot_general3A_2063 = tpu.matmul %get3A_2061, %get3A_4, %dot_general3A_2062 {dimension_numbers = #tpu.dot_dimension_numbers<[1], [0], [0], [1], [0, 0, 1, 1], [], []>, transpose_lhs_hint = false} : vector<32x32xbf16>, vector<32x256xbf16>, vector<32x256xf32> -> vector<32x256xf32>
    %get3A_2064 = arith.constant 3872 : index
    %get3A_2065 = arith.constant 0 : index
    %get3A_2066 = vector.load %arg2[%get3A_2064, %get3A_2065] : memref<8192x1xf32, #tpu.memory_space<vmem>>, vector<32x1xf32>
    %add3A_2067 = vector.broadcast %get3A_1 : vector<1x256xf32> to vector<32x256xf32>
    %add3A_2068 = vector.broadcast %get3A_2066 : vector<32x1xf32> to vector<32x256xf32>
    %add3A_2069 = arith.addf %add3A_2067, %add3A_2068 : vector<32x256xf32>
    %sub3A_2070 = arith.subf %add3A_2069, %dot_general3A_2063 : vector<32x256xf32>
    %lt3A_2071 = arith.cmpf olt, %sub3A_2070, %select_n3A_2055 : vector<32x256xf32>
    %select_n3A_2072 = arith.select %lt3A_2071, %sub3A_2070, %select_n3A_2055 : vector<32x256xi1>, vector<32x256xf32>
    %jit3A_2073 = arith.constant 121 : i32
    %broadcast_in_dim3A_2074 = vector.broadcast %jit3A_2073 : i32 to vector<32x256xi32>
    %select_n3A_2075 = arith.select %lt3A_2071, %broadcast_in_dim3A_2074, %select_n3A_2058 : vector<32x256xi1>, vector<32x256xi32>
    %get3A_2076 = arith.constant 3904 : index
    %get3A_2077 = arith.constant 0 : index
    %get3A_2078 = vector.load %arg4[%get3A_2076, %get3A_2077] : memref<8192x32xbf16, #tpu.memory_space<vmem>>, vector<32x32xbf16>
    %dot_general3A_2079 = arith.constant dense<0.000000e+00> : vector<32x256xf32>
    %dot_general3A_2080 = tpu.matmul %get3A_2078, %get3A_4, %dot_general3A_2079 {dimension_numbers = #tpu.dot_dimension_numbers<[1], [0], [0], [1], [0, 0, 1, 1], [], []>, transpose_lhs_hint = false} : vector<32x32xbf16>, vector<32x256xbf16>, vector<32x256xf32> -> vector<32x256xf32>
    %get3A_2081 = arith.constant 3904 : index
    %get3A_2082 = arith.constant 0 : index
    %get3A_2083 = vector.load %arg2[%get3A_2081, %get3A_2082] : memref<8192x1xf32, #tpu.memory_space<vmem>>, vector<32x1xf32>
    %add3A_2084 = vector.broadcast %get3A_1 : vector<1x256xf32> to vector<32x256xf32>
    %add3A_2085 = vector.broadcast %get3A_2083 : vector<32x1xf32> to vector<32x256xf32>
    %add3A_2086 = arith.addf %add3A_2084, %add3A_2085 : vector<32x256xf32>
    %sub3A_2087 = arith.subf %add3A_2086, %dot_general3A_2080 : vector<32x256xf32>
    %lt3A_2088 = arith.cmpf olt, %sub3A_2087, %select_n3A_2072 : vector<32x256xf32>
    %select_n3A_2089 = arith.select %lt3A_2088, %sub3A_2087, %select_n3A_2072 : vector<32x256xi1>, vector<32x256xf32>
    %jit3A_2090 = arith.constant 122 : i32
    %broadcast_in_dim3A_2091 = vector.broadcast %jit3A_2090 : i32 to vector<32x256xi32>
    %select_n3A_2092 = arith.select %lt3A_2088, %broadcast_in_dim3A_2091, %select_n3A_2075 : vector<32x256xi1>, vector<32x256xi32>
    %get3A_2093 = arith.constant 3936 : index
    %get3A_2094 = arith.constant 0 : index
    %get3A_2095 = vector.load %arg4[%get3A_2093, %get3A_2094] : memref<8192x32xbf16, #tpu.memory_space<vmem>>, vector<32x32xbf16>
    %dot_general3A_2096 = arith.constant dense<0.000000e+00> : vector<32x256xf32>
    %dot_general3A_2097 = tpu.matmul %get3A_2095, %get3A_4, %dot_general3A_2096 {dimension_numbers = #tpu.dot_dimension_numbers<[1], [0], [0], [1], [0, 0, 1, 1], [], []>, transpose_lhs_hint = false} : vector<32x32xbf16>, vector<32x256xbf16>, vector<32x256xf32> -> vector<32x256xf32>
    %get3A_2098 = arith.constant 3936 : index
    %get3A_2099 = arith.constant 0 : index
    %get3A_2100 = vector.load %arg2[%get3A_2098, %get3A_2099] : memref<8192x1xf32, #tpu.memory_space<vmem>>, vector<32x1xf32>
    %add3A_2101 = vector.broadcast %get3A_1 : vector<1x256xf32> to vector<32x256xf32>
    %add3A_2102 = vector.broadcast %get3A_2100 : vector<32x1xf32> to vector<32x256xf32>
    %add3A_2103 = arith.addf %add3A_2101, %add3A_2102 : vector<32x256xf32>
    %sub3A_2104 = arith.subf %add3A_2103, %dot_general3A_2097 : vector<32x256xf32>
    %lt3A_2105 = arith.cmpf olt, %sub3A_2104, %select_n3A_2089 : vector<32x256xf32>
    %select_n3A_2106 = arith.select %lt3A_2105, %sub3A_2104, %select_n3A_2089 : vector<32x256xi1>, vector<32x256xf32>
    %jit3A_2107 = arith.constant 123 : i32
    %broadcast_in_dim3A_2108 = vector.broadcast %jit3A_2107 : i32 to vector<32x256xi32>
    %select_n3A_2109 = arith.select %lt3A_2105, %broadcast_in_dim3A_2108, %select_n3A_2092 : vector<32x256xi1>, vector<32x256xi32>
    %get3A_2110 = arith.constant 3968 : index
    %get3A_2111 = arith.constant 0 : index
    %get3A_2112 = vector.load %arg4[%get3A_2110, %get3A_2111] : memref<8192x32xbf16, #tpu.memory_space<vmem>>, vector<32x32xbf16>
    %dot_general3A_2113 = arith.constant dense<0.000000e+00> : vector<32x256xf32>
    %dot_general3A_2114 = tpu.matmul %get3A_2112, %get3A_4, %dot_general3A_2113 {dimension_numbers = #tpu.dot_dimension_numbers<[1], [0], [0], [1], [0, 0, 1, 1], [], []>, transpose_lhs_hint = false} : vector<32x32xbf16>, vector<32x256xbf16>, vector<32x256xf32> -> vector<32x256xf32>
    %get3A_2115 = arith.constant 3968 : index
    %get3A_2116 = arith.constant 0 : index
    %get3A_2117 = vector.load %arg2[%get3A_2115, %get3A_2116] : memref<8192x1xf32, #tpu.memory_space<vmem>>, vector<32x1xf32>
    %add3A_2118 = vector.broadcast %get3A_1 : vector<1x256xf32> to vector<32x256xf32>
    %add3A_2119 = vector.broadcast %get3A_2117 : vector<32x1xf32> to vector<32x256xf32>
    %add3A_2120 = arith.addf %add3A_2118, %add3A_2119 : vector<32x256xf32>
    %sub3A_2121 = arith.subf %add3A_2120, %dot_general3A_2114 : vector<32x256xf32>
    %lt3A_2122 = arith.cmpf olt, %sub3A_2121, %select_n3A_2106 : vector<32x256xf32>
    %select_n3A_2123 = arith.select %lt3A_2122, %sub3A_2121, %select_n3A_2106 : vector<32x256xi1>, vector<32x256xf32>
    %jit3A_2124 = arith.constant 124 : i32
    %broadcast_in_dim3A_2125 = vector.broadcast %jit3A_2124 : i32 to vector<32x256xi32>
    %select_n3A_2126 = arith.select %lt3A_2122, %broadcast_in_dim3A_2125, %select_n3A_2109 : vector<32x256xi1>, vector<32x256xi32>
    %get3A_2127 = arith.constant 4000 : index
    %get3A_2128 = arith.constant 0 : index
    %get3A_2129 = vector.load %arg4[%get3A_2127, %get3A_2128] : memref<8192x32xbf16, #tpu.memory_space<vmem>>, vector<32x32xbf16>
    %dot_general3A_2130 = arith.constant dense<0.000000e+00> : vector<32x256xf32>
    %dot_general3A_2131 = tpu.matmul %get3A_2129, %get3A_4, %dot_general3A_2130 {dimension_numbers = #tpu.dot_dimension_numbers<[1], [0], [0], [1], [0, 0, 1, 1], [], []>, transpose_lhs_hint = false} : vector<32x32xbf16>, vector<32x256xbf16>, vector<32x256xf32> -> vector<32x256xf32>
    %get3A_2132 = arith.constant 4000 : index
    %get3A_2133 = arith.constant 0 : index
    %get3A_2134 = vector.load %arg2[%get3A_2132, %get3A_2133] : memref<8192x1xf32, #tpu.memory_space<vmem>>, vector<32x1xf32>
    %add3A_2135 = vector.broadcast %get3A_1 : vector<1x256xf32> to vector<32x256xf32>
    %add3A_2136 = vector.broadcast %get3A_2134 : vector<32x1xf32> to vector<32x256xf32>
    %add3A_2137 = arith.addf %add3A_2135, %add3A_2136 : vector<32x256xf32>
    %sub3A_2138 = arith.subf %add3A_2137, %dot_general3A_2131 : vector<32x256xf32>
    %lt3A_2139 = arith.cmpf olt, %sub3A_2138, %select_n3A_2123 : vector<32x256xf32>
    %select_n3A_2140 = arith.select %lt3A_2139, %sub3A_2138, %select_n3A_2123 : vector<32x256xi1>, vector<32x256xf32>
    %jit3A_2141 = arith.constant 125 : i32
    %broadcast_in_dim3A_2142 = vector.broadcast %jit3A_2141 : i32 to vector<32x256xi32>
    %select_n3A_2143 = arith.select %lt3A_2139, %broadcast_in_dim3A_2142, %select_n3A_2126 : vector<32x256xi1>, vector<32x256xi32>
    %get3A_2144 = arith.constant 4032 : index
    %get3A_2145 = arith.constant 0 : index
    %get3A_2146 = vector.load %arg4[%get3A_2144, %get3A_2145] : memref<8192x32xbf16, #tpu.memory_space<vmem>>, vector<32x32xbf16>
    %dot_general3A_2147 = arith.constant dense<0.000000e+00> : vector<32x256xf32>
    %dot_general3A_2148 = tpu.matmul %get3A_2146, %get3A_4, %dot_general3A_2147 {dimension_numbers = #tpu.dot_dimension_numbers<[1], [0], [0], [1], [0, 0, 1, 1], [], []>, transpose_lhs_hint = false} : vector<32x32xbf16>, vector<32x256xbf16>, vector<32x256xf32> -> vector<32x256xf32>
    %get3A_2149 = arith.constant 4032 : index
    %get3A_2150 = arith.constant 0 : index
    %get3A_2151 = vector.load %arg2[%get3A_2149, %get3A_2150] : memref<8192x1xf32, #tpu.memory_space<vmem>>, vector<32x1xf32>
    %add3A_2152 = vector.broadcast %get3A_1 : vector<1x256xf32> to vector<32x256xf32>
    %add3A_2153 = vector.broadcast %get3A_2151 : vector<32x1xf32> to vector<32x256xf32>
    %add3A_2154 = arith.addf %add3A_2152, %add3A_2153 : vector<32x256xf32>
    %sub3A_2155 = arith.subf %add3A_2154, %dot_general3A_2148 : vector<32x256xf32>
    %lt3A_2156 = arith.cmpf olt, %sub3A_2155, %select_n3A_2140 : vector<32x256xf32>
    %select_n3A_2157 = arith.select %lt3A_2156, %sub3A_2155, %select_n3A_2140 : vector<32x256xi1>, vector<32x256xf32>
    %jit3A_2158 = arith.constant 126 : i32
    %broadcast_in_dim3A_2159 = vector.broadcast %jit3A_2158 : i32 to vector<32x256xi32>
    %select_n3A_2160 = arith.select %lt3A_2156, %broadcast_in_dim3A_2159, %select_n3A_2143 : vector<32x256xi1>, vector<32x256xi32>
    %get3A_2161 = arith.constant 4064 : index
    %get3A_2162 = arith.constant 0 : index
    %get3A_2163 = vector.load %arg4[%get3A_2161, %get3A_2162] : memref<8192x32xbf16, #tpu.memory_space<vmem>>, vector<32x32xbf16>
    %dot_general3A_2164 = arith.constant dense<0.000000e+00> : vector<32x256xf32>
    %dot_general3A_2165 = tpu.matmul %get3A_2163, %get3A_4, %dot_general3A_2164 {dimension_numbers = #tpu.dot_dimension_numbers<[1], [0], [0], [1], [0, 0, 1, 1], [], []>, transpose_lhs_hint = false} : vector<32x32xbf16>, vector<32x256xbf16>, vector<32x256xf32> -> vector<32x256xf32>
    %get3A_2166 = arith.constant 4064 : index
    %get3A_2167 = arith.constant 0 : index
    %get3A_2168 = vector.load %arg2[%get3A_2166, %get3A_2167] : memref<8192x1xf32, #tpu.memory_space<vmem>>, vector<32x1xf32>
    %add3A_2169 = vector.broadcast %get3A_1 : vector<1x256xf32> to vector<32x256xf32>
    %add3A_2170 = vector.broadcast %get3A_2168 : vector<32x1xf32> to vector<32x256xf32>
    %add3A_2171 = arith.addf %add3A_2169, %add3A_2170 : vector<32x256xf32>
    %sub3A_2172 = arith.subf %add3A_2171, %dot_general3A_2165 : vector<32x256xf32>
    %lt3A_2173 = arith.cmpf olt, %sub3A_2172, %select_n3A_2157 : vector<32x256xf32>
    %select_n3A_2174 = arith.select %lt3A_2173, %sub3A_2172, %select_n3A_2157 : vector<32x256xi1>, vector<32x256xf32>
    %jit3A_2175 = arith.constant 127 : i32
    %broadcast_in_dim3A_2176 = vector.broadcast %jit3A_2175 : i32 to vector<32x256xi32>
    %select_n3A_2177 = arith.select %lt3A_2173, %broadcast_in_dim3A_2176, %select_n3A_2160 : vector<32x256xi1>, vector<32x256xi32>
    %mul3A = arith.constant 32 : i32
    %mul3A_2178 = vector.broadcast %mul3A : i32 to vector<32x256xi32>
    %mul3A_2179 = arith.muli %mul3A_2178, %select_n3A_2177 : vector<32x256xi32>
    %add3A_2180 = arith.addi %mul3A_2179, %iota3A : vector<32x256xi32>
    %slice3A = vector.extract_strided_slice %select_n3A_2174 {offsets = [0, 0], sizes = [16, 256], strides = [1, 1]} : vector<32x256xf32> to vector<16x256xf32>
    %slice3A_2181 = vector.extract_strided_slice %select_n3A_2174 {offsets = [16, 0], sizes = [16, 256], strides = [1, 1]} : vector<32x256xf32> to vector<16x256xf32>
    %slice3A_2182 = vector.extract_strided_slice %add3A_2180 {offsets = [0, 0], sizes = [16, 256], strides = [1, 1]} : vector<32x256xi32> to vector<16x256xi32>
    %slice3A_2183 = vector.extract_strided_slice %add3A_2180 {offsets = [16, 0], sizes = [16, 256], strides = [1, 1]} : vector<32x256xi32> to vector<16x256xi32>
    %lt3A_2184 = arith.cmpf olt, %slice3A, %slice3A_2181 : vector<16x256xf32>
    %eq3A = arith.cmpf oeq, %slice3A, %slice3A_2181 : vector<16x256xf32>
    %lt3A_2185 = arith.cmpi slt, %slice3A_2182, %slice3A_2183 : vector<16x256xi32>
    %and3A = arith.andi %eq3A, %lt3A_2185 : vector<16x256xi1>
    %or3A = arith.ori %lt3A_2184, %and3A : vector<16x256xi1>
    %select_n3A_2186 = arith.select %or3A, %slice3A, %slice3A_2181 : vector<16x256xi1>, vector<16x256xf32>
    %select_n3A_2187 = arith.select %or3A, %slice3A_2182, %slice3A_2183 : vector<16x256xi1>, vector<16x256xi32>
    %slice3A_2188 = vector.extract_strided_slice %select_n3A_2186 {offsets = [0, 0], sizes = [8, 256], strides = [1, 1]} : vector<16x256xf32> to vector<8x256xf32>
    %slice3A_2189 = vector.extract_strided_slice %select_n3A_2186 {offsets = [8, 0], sizes = [8, 256], strides = [1, 1]} : vector<16x256xf32> to vector<8x256xf32>
    %slice3A_2190 = vector.extract_strided_slice %select_n3A_2187 {offsets = [0, 0], sizes = [8, 256], strides = [1, 1]} : vector<16x256xi32> to vector<8x256xi32>
    %slice3A_2191 = vector.extract_strided_slice %select_n3A_2187 {offsets = [8, 0], sizes = [8, 256], strides = [1, 1]} : vector<16x256xi32> to vector<8x256xi32>
    %lt3A_2192 = arith.cmpf olt, %slice3A_2188, %slice3A_2189 : vector<8x256xf32>
    %eq3A_2193 = arith.cmpf oeq, %slice3A_2188, %slice3A_2189 : vector<8x256xf32>
    %lt3A_2194 = arith.cmpi slt, %slice3A_2190, %slice3A_2191 : vector<8x256xi32>
    %and3A_2195 = arith.andi %eq3A_2193, %lt3A_2194 : vector<8x256xi1>
    %or3A_2196 = arith.ori %lt3A_2192, %and3A_2195 : vector<8x256xi1>
    %select_n3A_2197 = arith.select %or3A_2196, %slice3A_2188, %slice3A_2189 : vector<8x256xi1>, vector<8x256xf32>
    %select_n3A_2198 = arith.select %or3A_2196, %slice3A_2190, %slice3A_2191 : vector<8x256xi1>, vector<8x256xi32>
    %slice3A_2199 = vector.extract_strided_slice %select_n3A_2197 {offsets = [0, 0], sizes = [4, 256], strides = [1, 1]} : vector<8x256xf32> to vector<4x256xf32>
    %slice3A_2200 = vector.extract_strided_slice %select_n3A_2197 {offsets = [4, 0], sizes = [4, 256], strides = [1, 1]} : vector<8x256xf32> to vector<4x256xf32>
    %slice3A_2201 = vector.extract_strided_slice %select_n3A_2198 {offsets = [0, 0], sizes = [4, 256], strides = [1, 1]} : vector<8x256xi32> to vector<4x256xi32>
    %slice3A_2202 = vector.extract_strided_slice %select_n3A_2198 {offsets = [4, 0], sizes = [4, 256], strides = [1, 1]} : vector<8x256xi32> to vector<4x256xi32>
    %lt3A_2203 = arith.cmpf olt, %slice3A_2199, %slice3A_2200 : vector<4x256xf32>
    %eq3A_2204 = arith.cmpf oeq, %slice3A_2199, %slice3A_2200 : vector<4x256xf32>
    %lt3A_2205 = arith.cmpi slt, %slice3A_2201, %slice3A_2202 : vector<4x256xi32>
    %and3A_2206 = arith.andi %eq3A_2204, %lt3A_2205 : vector<4x256xi1>
    %or3A_2207 = arith.ori %lt3A_2203, %and3A_2206 : vector<4x256xi1>
    %select_n3A_2208 = arith.select %or3A_2207, %slice3A_2199, %slice3A_2200 : vector<4x256xi1>, vector<4x256xf32>
    %select_n3A_2209 = arith.select %or3A_2207, %slice3A_2201, %slice3A_2202 : vector<4x256xi1>, vector<4x256xi32>
    %slice3A_2210 = vector.extract_strided_slice %select_n3A_2208 {offsets = [0, 0], sizes = [2, 256], strides = [1, 1]} : vector<4x256xf32> to vector<2x256xf32>
    %slice3A_2211 = vector.extract_strided_slice %select_n3A_2208 {offsets = [2, 0], sizes = [2, 256], strides = [1, 1]} : vector<4x256xf32> to vector<2x256xf32>
    %slice3A_2212 = vector.extract_strided_slice %select_n3A_2209 {offsets = [0, 0], sizes = [2, 256], strides = [1, 1]} : vector<4x256xi32> to vector<2x256xi32>
    %slice3A_2213 = vector.extract_strided_slice %select_n3A_2209 {offsets = [2, 0], sizes = [2, 256], strides = [1, 1]} : vector<4x256xi32> to vector<2x256xi32>
    %lt3A_2214 = arith.cmpf olt, %slice3A_2210, %slice3A_2211 : vector<2x256xf32>
    %eq3A_2215 = arith.cmpf oeq, %slice3A_2210, %slice3A_2211 : vector<2x256xf32>
    %lt3A_2216 = arith.cmpi slt, %slice3A_2212, %slice3A_2213 : vector<2x256xi32>
    %and3A_2217 = arith.andi %eq3A_2215, %lt3A_2216 : vector<2x256xi1>
    %or3A_2218 = arith.ori %lt3A_2214, %and3A_2217 : vector<2x256xi1>
    %select_n3A_2219 = arith.select %or3A_2218, %slice3A_2210, %slice3A_2211 : vector<2x256xi1>, vector<2x256xf32>
    %select_n3A_2220 = arith.select %or3A_2218, %slice3A_2212, %slice3A_2213 : vector<2x256xi1>, vector<2x256xi32>
    %slice3A_2221 = vector.extract_strided_slice %select_n3A_2219 {offsets = [0, 0], sizes = [1, 256], strides = [1, 1]} : vector<2x256xf32> to vector<1x256xf32>
    %slice3A_2222 = vector.extract_strided_slice %select_n3A_2219 {offsets = [1, 0], sizes = [1, 256], strides = [1, 1]} : vector<2x256xf32> to vector<1x256xf32>
    %slice3A_2223 = vector.extract_strided_slice %select_n3A_2220 {offsets = [0, 0], sizes = [1, 256], strides = [1, 1]} : vector<2x256xi32> to vector<1x256xi32>
    %slice3A_2224 = vector.extract_strided_slice %select_n3A_2220 {offsets = [1, 0], sizes = [1, 256], strides = [1, 1]} : vector<2x256xi32> to vector<1x256xi32>
    %lt3A_2225 = arith.cmpf olt, %slice3A_2221, %slice3A_2222 : vector<1x256xf32>
    %eq3A_2226 = arith.cmpf oeq, %slice3A_2221, %slice3A_2222 : vector<1x256xf32>
    %lt3A_2227 = arith.cmpi slt, %slice3A_2223, %slice3A_2224 : vector<1x256xi32>
    %and3A_2228 = arith.andi %eq3A_2226, %lt3A_2227 : vector<1x256xi1>
    %or3A_2229 = arith.ori %lt3A_2225, %and3A_2228 : vector<1x256xi1>
    %select_n3A_2230 = arith.select %or3A_2229, %slice3A_2221, %slice3A_2222 : vector<1x256xi1>, vector<1x256xf32>
    %select_n3A_2231 = arith.select %or3A_2229, %slice3A_2223, %slice3A_2224 : vector<1x256xi1>, vector<1x256xi32>
    %broadcast_in_dim3A_2232 = arith.constant 0x7F800000 : f32
    %broadcast_in_dim3A_2233 = vector.broadcast %broadcast_in_dim3A_2232 : f32 to vector<32x256xf32>
    %broadcast_in_dim3A_2234 = arith.constant 0 : i32
    %broadcast_in_dim3A_2235 = vector.broadcast %broadcast_in_dim3A_2234 : i32 to vector<32x256xi32>
    %get3A_2236 = arith.constant 4096 : index
    %get3A_2237 = arith.constant 0 : index
    %get3A_2238 = vector.load %arg4[%get3A_2236, %get3A_2237] : memref<8192x32xbf16, #tpu.memory_space<vmem>>, vector<32x32xbf16>
    %dot_general3A_2239 = arith.constant dense<0.000000e+00> : vector<32x256xf32>
    %dot_general3A_2240 = tpu.matmul %get3A_2238, %get3A_4, %dot_general3A_2239 {dimension_numbers = #tpu.dot_dimension_numbers<[1], [0], [0], [1], [0, 0, 1, 1], [], []>, transpose_lhs_hint = false} : vector<32x32xbf16>, vector<32x256xbf16>, vector<32x256xf32> -> vector<32x256xf32>
    %get3A_2241 = arith.constant 4096 : index
    %get3A_2242 = arith.constant 0 : index
    %get3A_2243 = vector.load %arg2[%get3A_2241, %get3A_2242] : memref<8192x1xf32, #tpu.memory_space<vmem>>, vector<32x1xf32>
    %add3A_2244 = vector.broadcast %get3A_1 : vector<1x256xf32> to vector<32x256xf32>
    %add3A_2245 = vector.broadcast %get3A_2243 : vector<32x1xf32> to vector<32x256xf32>
    %add3A_2246 = arith.addf %add3A_2244, %add3A_2245 : vector<32x256xf32>
    %sub3A_2247 = arith.subf %add3A_2246, %dot_general3A_2240 : vector<32x256xf32>
    %lt3A_2248 = arith.cmpf olt, %sub3A_2247, %broadcast_in_dim3A_2233 : vector<32x256xf32>
    %select_n3A_2249 = arith.select %lt3A_2248, %sub3A_2247, %broadcast_in_dim3A_2233 : vector<32x256xi1>, vector<32x256xf32>
    %jit3A_2250 = arith.constant 128 : i32
    %broadcast_in_dim3A_2251 = vector.broadcast %jit3A_2250 : i32 to vector<32x256xi32>
    %select_n3A_2252 = arith.select %lt3A_2248, %broadcast_in_dim3A_2251, %broadcast_in_dim3A_2235 : vector<32x256xi1>, vector<32x256xi32>
    %get3A_2253 = arith.constant 4128 : index
    %get3A_2254 = arith.constant 0 : index
    %get3A_2255 = vector.load %arg4[%get3A_2253, %get3A_2254] : memref<8192x32xbf16, #tpu.memory_space<vmem>>, vector<32x32xbf16>
    %dot_general3A_2256 = arith.constant dense<0.000000e+00> : vector<32x256xf32>
    %dot_general3A_2257 = tpu.matmul %get3A_2255, %get3A_4, %dot_general3A_2256 {dimension_numbers = #tpu.dot_dimension_numbers<[1], [0], [0], [1], [0, 0, 1, 1], [], []>, transpose_lhs_hint = false} : vector<32x32xbf16>, vector<32x256xbf16>, vector<32x256xf32> -> vector<32x256xf32>
    %get3A_2258 = arith.constant 4128 : index
    %get3A_2259 = arith.constant 0 : index
    %get3A_2260 = vector.load %arg2[%get3A_2258, %get3A_2259] : memref<8192x1xf32, #tpu.memory_space<vmem>>, vector<32x1xf32>
    %add3A_2261 = vector.broadcast %get3A_1 : vector<1x256xf32> to vector<32x256xf32>
    %add3A_2262 = vector.broadcast %get3A_2260 : vector<32x1xf32> to vector<32x256xf32>
    %add3A_2263 = arith.addf %add3A_2261, %add3A_2262 : vector<32x256xf32>
    %sub3A_2264 = arith.subf %add3A_2263, %dot_general3A_2257 : vector<32x256xf32>
    %lt3A_2265 = arith.cmpf olt, %sub3A_2264, %select_n3A_2249 : vector<32x256xf32>
    %select_n3A_2266 = arith.select %lt3A_2265, %sub3A_2264, %select_n3A_2249 : vector<32x256xi1>, vector<32x256xf32>
    %jit3A_2267 = arith.constant 129 : i32
    %broadcast_in_dim3A_2268 = vector.broadcast %jit3A_2267 : i32 to vector<32x256xi32>
    %select_n3A_2269 = arith.select %lt3A_2265, %broadcast_in_dim3A_2268, %select_n3A_2252 : vector<32x256xi1>, vector<32x256xi32>
    %get3A_2270 = arith.constant 4160 : index
    %get3A_2271 = arith.constant 0 : index
    %get3A_2272 = vector.load %arg4[%get3A_2270, %get3A_2271] : memref<8192x32xbf16, #tpu.memory_space<vmem>>, vector<32x32xbf16>
    %dot_general3A_2273 = arith.constant dense<0.000000e+00> : vector<32x256xf32>
    %dot_general3A_2274 = tpu.matmul %get3A_2272, %get3A_4, %dot_general3A_2273 {dimension_numbers = #tpu.dot_dimension_numbers<[1], [0], [0], [1], [0, 0, 1, 1], [], []>, transpose_lhs_hint = false} : vector<32x32xbf16>, vector<32x256xbf16>, vector<32x256xf32> -> vector<32x256xf32>
    %get3A_2275 = arith.constant 4160 : index
    %get3A_2276 = arith.constant 0 : index
    %get3A_2277 = vector.load %arg2[%get3A_2275, %get3A_2276] : memref<8192x1xf32, #tpu.memory_space<vmem>>, vector<32x1xf32>
    %add3A_2278 = vector.broadcast %get3A_1 : vector<1x256xf32> to vector<32x256xf32>
    %add3A_2279 = vector.broadcast %get3A_2277 : vector<32x1xf32> to vector<32x256xf32>
    %add3A_2280 = arith.addf %add3A_2278, %add3A_2279 : vector<32x256xf32>
    %sub3A_2281 = arith.subf %add3A_2280, %dot_general3A_2274 : vector<32x256xf32>
    %lt3A_2282 = arith.cmpf olt, %sub3A_2281, %select_n3A_2266 : vector<32x256xf32>
    %select_n3A_2283 = arith.select %lt3A_2282, %sub3A_2281, %select_n3A_2266 : vector<32x256xi1>, vector<32x256xf32>
    %jit3A_2284 = arith.constant 130 : i32
    %broadcast_in_dim3A_2285 = vector.broadcast %jit3A_2284 : i32 to vector<32x256xi32>
    %select_n3A_2286 = arith.select %lt3A_2282, %broadcast_in_dim3A_2285, %select_n3A_2269 : vector<32x256xi1>, vector<32x256xi32>
    %get3A_2287 = arith.constant 4192 : index
    %get3A_2288 = arith.constant 0 : index
    %get3A_2289 = vector.load %arg4[%get3A_2287, %get3A_2288] : memref<8192x32xbf16, #tpu.memory_space<vmem>>, vector<32x32xbf16>
    %dot_general3A_2290 = arith.constant dense<0.000000e+00> : vector<32x256xf32>
    %dot_general3A_2291 = tpu.matmul %get3A_2289, %get3A_4, %dot_general3A_2290 {dimension_numbers = #tpu.dot_dimension_numbers<[1], [0], [0], [1], [0, 0, 1, 1], [], []>, transpose_lhs_hint = false} : vector<32x32xbf16>, vector<32x256xbf16>, vector<32x256xf32> -> vector<32x256xf32>
    %get3A_2292 = arith.constant 4192 : index
    %get3A_2293 = arith.constant 0 : index
    %get3A_2294 = vector.load %arg2[%get3A_2292, %get3A_2293] : memref<8192x1xf32, #tpu.memory_space<vmem>>, vector<32x1xf32>
    %add3A_2295 = vector.broadcast %get3A_1 : vector<1x256xf32> to vector<32x256xf32>
    %add3A_2296 = vector.broadcast %get3A_2294 : vector<32x1xf32> to vector<32x256xf32>
    %add3A_2297 = arith.addf %add3A_2295, %add3A_2296 : vector<32x256xf32>
    %sub3A_2298 = arith.subf %add3A_2297, %dot_general3A_2291 : vector<32x256xf32>
    %lt3A_2299 = arith.cmpf olt, %sub3A_2298, %select_n3A_2283 : vector<32x256xf32>
    %select_n3A_2300 = arith.select %lt3A_2299, %sub3A_2298, %select_n3A_2283 : vector<32x256xi1>, vector<32x256xf32>
    %jit3A_2301 = arith.constant 131 : i32
    %broadcast_in_dim3A_2302 = vector.broadcast %jit3A_2301 : i32 to vector<32x256xi32>
    %select_n3A_2303 = arith.select %lt3A_2299, %broadcast_in_dim3A_2302, %select_n3A_2286 : vector<32x256xi1>, vector<32x256xi32>
    %get3A_2304 = arith.constant 4224 : index
    %get3A_2305 = arith.constant 0 : index
    %get3A_2306 = vector.load %arg4[%get3A_2304, %get3A_2305] : memref<8192x32xbf16, #tpu.memory_space<vmem>>, vector<32x32xbf16>
    %dot_general3A_2307 = arith.constant dense<0.000000e+00> : vector<32x256xf32>
    %dot_general3A_2308 = tpu.matmul %get3A_2306, %get3A_4, %dot_general3A_2307 {dimension_numbers = #tpu.dot_dimension_numbers<[1], [0], [0], [1], [0, 0, 1, 1], [], []>, transpose_lhs_hint = false} : vector<32x32xbf16>, vector<32x256xbf16>, vector<32x256xf32> -> vector<32x256xf32>
    %get3A_2309 = arith.constant 4224 : index
    %get3A_2310 = arith.constant 0 : index
    %get3A_2311 = vector.load %arg2[%get3A_2309, %get3A_2310] : memref<8192x1xf32, #tpu.memory_space<vmem>>, vector<32x1xf32>
    %add3A_2312 = vector.broadcast %get3A_1 : vector<1x256xf32> to vector<32x256xf32>
    %add3A_2313 = vector.broadcast %get3A_2311 : vector<32x1xf32> to vector<32x256xf32>
    %add3A_2314 = arith.addf %add3A_2312, %add3A_2313 : vector<32x256xf32>
    %sub3A_2315 = arith.subf %add3A_2314, %dot_general3A_2308 : vector<32x256xf32>
    %lt3A_2316 = arith.cmpf olt, %sub3A_2315, %select_n3A_2300 : vector<32x256xf32>
    %select_n3A_2317 = arith.select %lt3A_2316, %sub3A_2315, %select_n3A_2300 : vector<32x256xi1>, vector<32x256xf32>
    %jit3A_2318 = arith.constant 132 : i32
    %broadcast_in_dim3A_2319 = vector.broadcast %jit3A_2318 : i32 to vector<32x256xi32>
    %select_n3A_2320 = arith.select %lt3A_2316, %broadcast_in_dim3A_2319, %select_n3A_2303 : vector<32x256xi1>, vector<32x256xi32>
    %get3A_2321 = arith.constant 4256 : index
    %get3A_2322 = arith.constant 0 : index
    %get3A_2323 = vector.load %arg4[%get3A_2321, %get3A_2322] : memref<8192x32xbf16, #tpu.memory_space<vmem>>, vector<32x32xbf16>
    %dot_general3A_2324 = arith.constant dense<0.000000e+00> : vector<32x256xf32>
    %dot_general3A_2325 = tpu.matmul %get3A_2323, %get3A_4, %dot_general3A_2324 {dimension_numbers = #tpu.dot_dimension_numbers<[1], [0], [0], [1], [0, 0, 1, 1], [], []>, transpose_lhs_hint = false} : vector<32x32xbf16>, vector<32x256xbf16>, vector<32x256xf32> -> vector<32x256xf32>
    %get3A_2326 = arith.constant 4256 : index
    %get3A_2327 = arith.constant 0 : index
    %get3A_2328 = vector.load %arg2[%get3A_2326, %get3A_2327] : memref<8192x1xf32, #tpu.memory_space<vmem>>, vector<32x1xf32>
    %add3A_2329 = vector.broadcast %get3A_1 : vector<1x256xf32> to vector<32x256xf32>
    %add3A_2330 = vector.broadcast %get3A_2328 : vector<32x1xf32> to vector<32x256xf32>
    %add3A_2331 = arith.addf %add3A_2329, %add3A_2330 : vector<32x256xf32>
    %sub3A_2332 = arith.subf %add3A_2331, %dot_general3A_2325 : vector<32x256xf32>
    %lt3A_2333 = arith.cmpf olt, %sub3A_2332, %select_n3A_2317 : vector<32x256xf32>
    %select_n3A_2334 = arith.select %lt3A_2333, %sub3A_2332, %select_n3A_2317 : vector<32x256xi1>, vector<32x256xf32>
    %jit3A_2335 = arith.constant 133 : i32
    %broadcast_in_dim3A_2336 = vector.broadcast %jit3A_2335 : i32 to vector<32x256xi32>
    %select_n3A_2337 = arith.select %lt3A_2333, %broadcast_in_dim3A_2336, %select_n3A_2320 : vector<32x256xi1>, vector<32x256xi32>
    %get3A_2338 = arith.constant 4288 : index
    %get3A_2339 = arith.constant 0 : index
    %get3A_2340 = vector.load %arg4[%get3A_2338, %get3A_2339] : memref<8192x32xbf16, #tpu.memory_space<vmem>>, vector<32x32xbf16>
    %dot_general3A_2341 = arith.constant dense<0.000000e+00> : vector<32x256xf32>
    %dot_general3A_2342 = tpu.matmul %get3A_2340, %get3A_4, %dot_general3A_2341 {dimension_numbers = #tpu.dot_dimension_numbers<[1], [0], [0], [1], [0, 0, 1, 1], [], []>, transpose_lhs_hint = false} : vector<32x32xbf16>, vector<32x256xbf16>, vector<32x256xf32> -> vector<32x256xf32>
    %get3A_2343 = arith.constant 4288 : index
    %get3A_2344 = arith.constant 0 : index
    %get3A_2345 = vector.load %arg2[%get3A_2343, %get3A_2344] : memref<8192x1xf32, #tpu.memory_space<vmem>>, vector<32x1xf32>
    %add3A_2346 = vector.broadcast %get3A_1 : vector<1x256xf32> to vector<32x256xf32>
    %add3A_2347 = vector.broadcast %get3A_2345 : vector<32x1xf32> to vector<32x256xf32>
    %add3A_2348 = arith.addf %add3A_2346, %add3A_2347 : vector<32x256xf32>
    %sub3A_2349 = arith.subf %add3A_2348, %dot_general3A_2342 : vector<32x256xf32>
    %lt3A_2350 = arith.cmpf olt, %sub3A_2349, %select_n3A_2334 : vector<32x256xf32>
    %select_n3A_2351 = arith.select %lt3A_2350, %sub3A_2349, %select_n3A_2334 : vector<32x256xi1>, vector<32x256xf32>
    %jit3A_2352 = arith.constant 134 : i32
    %broadcast_in_dim3A_2353 = vector.broadcast %jit3A_2352 : i32 to vector<32x256xi32>
    %select_n3A_2354 = arith.select %lt3A_2350, %broadcast_in_dim3A_2353, %select_n3A_2337 : vector<32x256xi1>, vector<32x256xi32>
    %get3A_2355 = arith.constant 4320 : index
    %get3A_2356 = arith.constant 0 : index
    %get3A_2357 = vector.load %arg4[%get3A_2355, %get3A_2356] : memref<8192x32xbf16, #tpu.memory_space<vmem>>, vector<32x32xbf16>
    %dot_general3A_2358 = arith.constant dense<0.000000e+00> : vector<32x256xf32>
    %dot_general3A_2359 = tpu.matmul %get3A_2357, %get3A_4, %dot_general3A_2358 {dimension_numbers = #tpu.dot_dimension_numbers<[1], [0], [0], [1], [0, 0, 1, 1], [], []>, transpose_lhs_hint = false} : vector<32x32xbf16>, vector<32x256xbf16>, vector<32x256xf32> -> vector<32x256xf32>
    %get3A_2360 = arith.constant 4320 : index
    %get3A_2361 = arith.constant 0 : index
    %get3A_2362 = vector.load %arg2[%get3A_2360, %get3A_2361] : memref<8192x1xf32, #tpu.memory_space<vmem>>, vector<32x1xf32>
    %add3A_2363 = vector.broadcast %get3A_1 : vector<1x256xf32> to vector<32x256xf32>
    %add3A_2364 = vector.broadcast %get3A_2362 : vector<32x1xf32> to vector<32x256xf32>
    %add3A_2365 = arith.addf %add3A_2363, %add3A_2364 : vector<32x256xf32>
    %sub3A_2366 = arith.subf %add3A_2365, %dot_general3A_2359 : vector<32x256xf32>
    %lt3A_2367 = arith.cmpf olt, %sub3A_2366, %select_n3A_2351 : vector<32x256xf32>
    %select_n3A_2368 = arith.select %lt3A_2367, %sub3A_2366, %select_n3A_2351 : vector<32x256xi1>, vector<32x256xf32>
    %jit3A_2369 = arith.constant 135 : i32
    %broadcast_in_dim3A_2370 = vector.broadcast %jit3A_2369 : i32 to vector<32x256xi32>
    %select_n3A_2371 = arith.select %lt3A_2367, %broadcast_in_dim3A_2370, %select_n3A_2354 : vector<32x256xi1>, vector<32x256xi32>
    %get3A_2372 = arith.constant 4352 : index
    %get3A_2373 = arith.constant 0 : index
    %get3A_2374 = vector.load %arg4[%get3A_2372, %get3A_2373] : memref<8192x32xbf16, #tpu.memory_space<vmem>>, vector<32x32xbf16>
    %dot_general3A_2375 = arith.constant dense<0.000000e+00> : vector<32x256xf32>
    %dot_general3A_2376 = tpu.matmul %get3A_2374, %get3A_4, %dot_general3A_2375 {dimension_numbers = #tpu.dot_dimension_numbers<[1], [0], [0], [1], [0, 0, 1, 1], [], []>, transpose_lhs_hint = false} : vector<32x32xbf16>, vector<32x256xbf16>, vector<32x256xf32> -> vector<32x256xf32>
    %get3A_2377 = arith.constant 4352 : index
    %get3A_2378 = arith.constant 0 : index
    %get3A_2379 = vector.load %arg2[%get3A_2377, %get3A_2378] : memref<8192x1xf32, #tpu.memory_space<vmem>>, vector<32x1xf32>
    %add3A_2380 = vector.broadcast %get3A_1 : vector<1x256xf32> to vector<32x256xf32>
    %add3A_2381 = vector.broadcast %get3A_2379 : vector<32x1xf32> to vector<32x256xf32>
    %add3A_2382 = arith.addf %add3A_2380, %add3A_2381 : vector<32x256xf32>
    %sub3A_2383 = arith.subf %add3A_2382, %dot_general3A_2376 : vector<32x256xf32>
    %lt3A_2384 = arith.cmpf olt, %sub3A_2383, %select_n3A_2368 : vector<32x256xf32>
    %select_n3A_2385 = arith.select %lt3A_2384, %sub3A_2383, %select_n3A_2368 : vector<32x256xi1>, vector<32x256xf32>
    %jit3A_2386 = arith.constant 136 : i32
    %broadcast_in_dim3A_2387 = vector.broadcast %jit3A_2386 : i32 to vector<32x256xi32>
    %select_n3A_2388 = arith.select %lt3A_2384, %broadcast_in_dim3A_2387, %select_n3A_2371 : vector<32x256xi1>, vector<32x256xi32>
    %get3A_2389 = arith.constant 4384 : index
    %get3A_2390 = arith.constant 0 : index
    %get3A_2391 = vector.load %arg4[%get3A_2389, %get3A_2390] : memref<8192x32xbf16, #tpu.memory_space<vmem>>, vector<32x32xbf16>
    %dot_general3A_2392 = arith.constant dense<0.000000e+00> : vector<32x256xf32>
    %dot_general3A_2393 = tpu.matmul %get3A_2391, %get3A_4, %dot_general3A_2392 {dimension_numbers = #tpu.dot_dimension_numbers<[1], [0], [0], [1], [0, 0, 1, 1], [], []>, transpose_lhs_hint = false} : vector<32x32xbf16>, vector<32x256xbf16>, vector<32x256xf32> -> vector<32x256xf32>
    %get3A_2394 = arith.constant 4384 : index
    %get3A_2395 = arith.constant 0 : index
    %get3A_2396 = vector.load %arg2[%get3A_2394, %get3A_2395] : memref<8192x1xf32, #tpu.memory_space<vmem>>, vector<32x1xf32>
    %add3A_2397 = vector.broadcast %get3A_1 : vector<1x256xf32> to vector<32x256xf32>
    %add3A_2398 = vector.broadcast %get3A_2396 : vector<32x1xf32> to vector<32x256xf32>
    %add3A_2399 = arith.addf %add3A_2397, %add3A_2398 : vector<32x256xf32>
    %sub3A_2400 = arith.subf %add3A_2399, %dot_general3A_2393 : vector<32x256xf32>
    %lt3A_2401 = arith.cmpf olt, %sub3A_2400, %select_n3A_2385 : vector<32x256xf32>
    %select_n3A_2402 = arith.select %lt3A_2401, %sub3A_2400, %select_n3A_2385 : vector<32x256xi1>, vector<32x256xf32>
    %jit3A_2403 = arith.constant 137 : i32
    %broadcast_in_dim3A_2404 = vector.broadcast %jit3A_2403 : i32 to vector<32x256xi32>
    %select_n3A_2405 = arith.select %lt3A_2401, %broadcast_in_dim3A_2404, %select_n3A_2388 : vector<32x256xi1>, vector<32x256xi32>
    %get3A_2406 = arith.constant 4416 : index
    %get3A_2407 = arith.constant 0 : index
    %get3A_2408 = vector.load %arg4[%get3A_2406, %get3A_2407] : memref<8192x32xbf16, #tpu.memory_space<vmem>>, vector<32x32xbf16>
    %dot_general3A_2409 = arith.constant dense<0.000000e+00> : vector<32x256xf32>
    %dot_general3A_2410 = tpu.matmul %get3A_2408, %get3A_4, %dot_general3A_2409 {dimension_numbers = #tpu.dot_dimension_numbers<[1], [0], [0], [1], [0, 0, 1, 1], [], []>, transpose_lhs_hint = false} : vector<32x32xbf16>, vector<32x256xbf16>, vector<32x256xf32> -> vector<32x256xf32>
    %get3A_2411 = arith.constant 4416 : index
    %get3A_2412 = arith.constant 0 : index
    %get3A_2413 = vector.load %arg2[%get3A_2411, %get3A_2412] : memref<8192x1xf32, #tpu.memory_space<vmem>>, vector<32x1xf32>
    %add3A_2414 = vector.broadcast %get3A_1 : vector<1x256xf32> to vector<32x256xf32>
    %add3A_2415 = vector.broadcast %get3A_2413 : vector<32x1xf32> to vector<32x256xf32>
    %add3A_2416 = arith.addf %add3A_2414, %add3A_2415 : vector<32x256xf32>
    %sub3A_2417 = arith.subf %add3A_2416, %dot_general3A_2410 : vector<32x256xf32>
    %lt3A_2418 = arith.cmpf olt, %sub3A_2417, %select_n3A_2402 : vector<32x256xf32>
    %select_n3A_2419 = arith.select %lt3A_2418, %sub3A_2417, %select_n3A_2402 : vector<32x256xi1>, vector<32x256xf32>
    %jit3A_2420 = arith.constant 138 : i32
    %broadcast_in_dim3A_2421 = vector.broadcast %jit3A_2420 : i32 to vector<32x256xi32>
    %select_n3A_2422 = arith.select %lt3A_2418, %broadcast_in_dim3A_2421, %select_n3A_2405 : vector<32x256xi1>, vector<32x256xi32>
    %get3A_2423 = arith.constant 4448 : index
    %get3A_2424 = arith.constant 0 : index
    %get3A_2425 = vector.load %arg4[%get3A_2423, %get3A_2424] : memref<8192x32xbf16, #tpu.memory_space<vmem>>, vector<32x32xbf16>
    %dot_general3A_2426 = arith.constant dense<0.000000e+00> : vector<32x256xf32>
    %dot_general3A_2427 = tpu.matmul %get3A_2425, %get3A_4, %dot_general3A_2426 {dimension_numbers = #tpu.dot_dimension_numbers<[1], [0], [0], [1], [0, 0, 1, 1], [], []>, transpose_lhs_hint = false} : vector<32x32xbf16>, vector<32x256xbf16>, vector<32x256xf32> -> vector<32x256xf32>
    %get3A_2428 = arith.constant 4448 : index
    %get3A_2429 = arith.constant 0 : index
    %get3A_2430 = vector.load %arg2[%get3A_2428, %get3A_2429] : memref<8192x1xf32, #tpu.memory_space<vmem>>, vector<32x1xf32>
    %add3A_2431 = vector.broadcast %get3A_1 : vector<1x256xf32> to vector<32x256xf32>
    %add3A_2432 = vector.broadcast %get3A_2430 : vector<32x1xf32> to vector<32x256xf32>
    %add3A_2433 = arith.addf %add3A_2431, %add3A_2432 : vector<32x256xf32>
    %sub3A_2434 = arith.subf %add3A_2433, %dot_general3A_2427 : vector<32x256xf32>
    %lt3A_2435 = arith.cmpf olt, %sub3A_2434, %select_n3A_2419 : vector<32x256xf32>
    %select_n3A_2436 = arith.select %lt3A_2435, %sub3A_2434, %select_n3A_2419 : vector<32x256xi1>, vector<32x256xf32>
    %jit3A_2437 = arith.constant 139 : i32
    %broadcast_in_dim3A_2438 = vector.broadcast %jit3A_2437 : i32 to vector<32x256xi32>
    %select_n3A_2439 = arith.select %lt3A_2435, %broadcast_in_dim3A_2438, %select_n3A_2422 : vector<32x256xi1>, vector<32x256xi32>
    %get3A_2440 = arith.constant 4480 : index
    %get3A_2441 = arith.constant 0 : index
    %get3A_2442 = vector.load %arg4[%get3A_2440, %get3A_2441] : memref<8192x32xbf16, #tpu.memory_space<vmem>>, vector<32x32xbf16>
    %dot_general3A_2443 = arith.constant dense<0.000000e+00> : vector<32x256xf32>
    %dot_general3A_2444 = tpu.matmul %get3A_2442, %get3A_4, %dot_general3A_2443 {dimension_numbers = #tpu.dot_dimension_numbers<[1], [0], [0], [1], [0, 0, 1, 1], [], []>, transpose_lhs_hint = false} : vector<32x32xbf16>, vector<32x256xbf16>, vector<32x256xf32> -> vector<32x256xf32>
    %get3A_2445 = arith.constant 4480 : index
    %get3A_2446 = arith.constant 0 : index
    %get3A_2447 = vector.load %arg2[%get3A_2445, %get3A_2446] : memref<8192x1xf32, #tpu.memory_space<vmem>>, vector<32x1xf32>
    %add3A_2448 = vector.broadcast %get3A_1 : vector<1x256xf32> to vector<32x256xf32>
    %add3A_2449 = vector.broadcast %get3A_2447 : vector<32x1xf32> to vector<32x256xf32>
    %add3A_2450 = arith.addf %add3A_2448, %add3A_2449 : vector<32x256xf32>
    %sub3A_2451 = arith.subf %add3A_2450, %dot_general3A_2444 : vector<32x256xf32>
    %lt3A_2452 = arith.cmpf olt, %sub3A_2451, %select_n3A_2436 : vector<32x256xf32>
    %select_n3A_2453 = arith.select %lt3A_2452, %sub3A_2451, %select_n3A_2436 : vector<32x256xi1>, vector<32x256xf32>
    %jit3A_2454 = arith.constant 140 : i32
    %broadcast_in_dim3A_2455 = vector.broadcast %jit3A_2454 : i32 to vector<32x256xi32>
    %select_n3A_2456 = arith.select %lt3A_2452, %broadcast_in_dim3A_2455, %select_n3A_2439 : vector<32x256xi1>, vector<32x256xi32>
    %get3A_2457 = arith.constant 4512 : index
    %get3A_2458 = arith.constant 0 : index
    %get3A_2459 = vector.load %arg4[%get3A_2457, %get3A_2458] : memref<8192x32xbf16, #tpu.memory_space<vmem>>, vector<32x32xbf16>
    %dot_general3A_2460 = arith.constant dense<0.000000e+00> : vector<32x256xf32>
    %dot_general3A_2461 = tpu.matmul %get3A_2459, %get3A_4, %dot_general3A_2460 {dimension_numbers = #tpu.dot_dimension_numbers<[1], [0], [0], [1], [0, 0, 1, 1], [], []>, transpose_lhs_hint = false} : vector<32x32xbf16>, vector<32x256xbf16>, vector<32x256xf32> -> vector<32x256xf32>
    %get3A_2462 = arith.constant 4512 : index
    %get3A_2463 = arith.constant 0 : index
    %get3A_2464 = vector.load %arg2[%get3A_2462, %get3A_2463] : memref<8192x1xf32, #tpu.memory_space<vmem>>, vector<32x1xf32>
    %add3A_2465 = vector.broadcast %get3A_1 : vector<1x256xf32> to vector<32x256xf32>
    %add3A_2466 = vector.broadcast %get3A_2464 : vector<32x1xf32> to vector<32x256xf32>
    %add3A_2467 = arith.addf %add3A_2465, %add3A_2466 : vector<32x256xf32>
    %sub3A_2468 = arith.subf %add3A_2467, %dot_general3A_2461 : vector<32x256xf32>
    %lt3A_2469 = arith.cmpf olt, %sub3A_2468, %select_n3A_2453 : vector<32x256xf32>
    %select_n3A_2470 = arith.select %lt3A_2469, %sub3A_2468, %select_n3A_2453 : vector<32x256xi1>, vector<32x256xf32>
    %jit3A_2471 = arith.constant 141 : i32
    %broadcast_in_dim3A_2472 = vector.broadcast %jit3A_2471 : i32 to vector<32x256xi32>
    %select_n3A_2473 = arith.select %lt3A_2469, %broadcast_in_dim3A_2472, %select_n3A_2456 : vector<32x256xi1>, vector<32x256xi32>
    %get3A_2474 = arith.constant 4544 : index
    %get3A_2475 = arith.constant 0 : index
    %get3A_2476 = vector.load %arg4[%get3A_2474, %get3A_2475] : memref<8192x32xbf16, #tpu.memory_space<vmem>>, vector<32x32xbf16>
    %dot_general3A_2477 = arith.constant dense<0.000000e+00> : vector<32x256xf32>
    %dot_general3A_2478 = tpu.matmul %get3A_2476, %get3A_4, %dot_general3A_2477 {dimension_numbers = #tpu.dot_dimension_numbers<[1], [0], [0], [1], [0, 0, 1, 1], [], []>, transpose_lhs_hint = false} : vector<32x32xbf16>, vector<32x256xbf16>, vector<32x256xf32> -> vector<32x256xf32>
    %get3A_2479 = arith.constant 4544 : index
    %get3A_2480 = arith.constant 0 : index
    %get3A_2481 = vector.load %arg2[%get3A_2479, %get3A_2480] : memref<8192x1xf32, #tpu.memory_space<vmem>>, vector<32x1xf32>
    %add3A_2482 = vector.broadcast %get3A_1 : vector<1x256xf32> to vector<32x256xf32>
    %add3A_2483 = vector.broadcast %get3A_2481 : vector<32x1xf32> to vector<32x256xf32>
    %add3A_2484 = arith.addf %add3A_2482, %add3A_2483 : vector<32x256xf32>
    %sub3A_2485 = arith.subf %add3A_2484, %dot_general3A_2478 : vector<32x256xf32>
    %lt3A_2486 = arith.cmpf olt, %sub3A_2485, %select_n3A_2470 : vector<32x256xf32>
    %select_n3A_2487 = arith.select %lt3A_2486, %sub3A_2485, %select_n3A_2470 : vector<32x256xi1>, vector<32x256xf32>
    %jit3A_2488 = arith.constant 142 : i32
    %broadcast_in_dim3A_2489 = vector.broadcast %jit3A_2488 : i32 to vector<32x256xi32>
    %select_n3A_2490 = arith.select %lt3A_2486, %broadcast_in_dim3A_2489, %select_n3A_2473 : vector<32x256xi1>, vector<32x256xi32>
    %get3A_2491 = arith.constant 4576 : index
    %get3A_2492 = arith.constant 0 : index
    %get3A_2493 = vector.load %arg4[%get3A_2491, %get3A_2492] : memref<8192x32xbf16, #tpu.memory_space<vmem>>, vector<32x32xbf16>
    %dot_general3A_2494 = arith.constant dense<0.000000e+00> : vector<32x256xf32>
    %dot_general3A_2495 = tpu.matmul %get3A_2493, %get3A_4, %dot_general3A_2494 {dimension_numbers = #tpu.dot_dimension_numbers<[1], [0], [0], [1], [0, 0, 1, 1], [], []>, transpose_lhs_hint = false} : vector<32x32xbf16>, vector<32x256xbf16>, vector<32x256xf32> -> vector<32x256xf32>
    %get3A_2496 = arith.constant 4576 : index
    %get3A_2497 = arith.constant 0 : index
    %get3A_2498 = vector.load %arg2[%get3A_2496, %get3A_2497] : memref<8192x1xf32, #tpu.memory_space<vmem>>, vector<32x1xf32>
    %add3A_2499 = vector.broadcast %get3A_1 : vector<1x256xf32> to vector<32x256xf32>
    %add3A_2500 = vector.broadcast %get3A_2498 : vector<32x1xf32> to vector<32x256xf32>
    %add3A_2501 = arith.addf %add3A_2499, %add3A_2500 : vector<32x256xf32>
    %sub3A_2502 = arith.subf %add3A_2501, %dot_general3A_2495 : vector<32x256xf32>
    %lt3A_2503 = arith.cmpf olt, %sub3A_2502, %select_n3A_2487 : vector<32x256xf32>
    %select_n3A_2504 = arith.select %lt3A_2503, %sub3A_2502, %select_n3A_2487 : vector<32x256xi1>, vector<32x256xf32>
    %jit3A_2505 = arith.constant 143 : i32
    %broadcast_in_dim3A_2506 = vector.broadcast %jit3A_2505 : i32 to vector<32x256xi32>
    %select_n3A_2507 = arith.select %lt3A_2503, %broadcast_in_dim3A_2506, %select_n3A_2490 : vector<32x256xi1>, vector<32x256xi32>
    %get3A_2508 = arith.constant 4608 : index
    %get3A_2509 = arith.constant 0 : index
    %get3A_2510 = vector.load %arg4[%get3A_2508, %get3A_2509] : memref<8192x32xbf16, #tpu.memory_space<vmem>>, vector<32x32xbf16>
    %dot_general3A_2511 = arith.constant dense<0.000000e+00> : vector<32x256xf32>
    %dot_general3A_2512 = tpu.matmul %get3A_2510, %get3A_4, %dot_general3A_2511 {dimension_numbers = #tpu.dot_dimension_numbers<[1], [0], [0], [1], [0, 0, 1, 1], [], []>, transpose_lhs_hint = false} : vector<32x32xbf16>, vector<32x256xbf16>, vector<32x256xf32> -> vector<32x256xf32>
    %get3A_2513 = arith.constant 4608 : index
    %get3A_2514 = arith.constant 0 : index
    %get3A_2515 = vector.load %arg2[%get3A_2513, %get3A_2514] : memref<8192x1xf32, #tpu.memory_space<vmem>>, vector<32x1xf32>
    %add3A_2516 = vector.broadcast %get3A_1 : vector<1x256xf32> to vector<32x256xf32>
    %add3A_2517 = vector.broadcast %get3A_2515 : vector<32x1xf32> to vector<32x256xf32>
    %add3A_2518 = arith.addf %add3A_2516, %add3A_2517 : vector<32x256xf32>
    %sub3A_2519 = arith.subf %add3A_2518, %dot_general3A_2512 : vector<32x256xf32>
    %lt3A_2520 = arith.cmpf olt, %sub3A_2519, %select_n3A_2504 : vector<32x256xf32>
    %select_n3A_2521 = arith.select %lt3A_2520, %sub3A_2519, %select_n3A_2504 : vector<32x256xi1>, vector<32x256xf32>
    %jit3A_2522 = arith.constant 144 : i32
    %broadcast_in_dim3A_2523 = vector.broadcast %jit3A_2522 : i32 to vector<32x256xi32>
    %select_n3A_2524 = arith.select %lt3A_2520, %broadcast_in_dim3A_2523, %select_n3A_2507 : vector<32x256xi1>, vector<32x256xi32>
    %get3A_2525 = arith.constant 4640 : index
    %get3A_2526 = arith.constant 0 : index
    %get3A_2527 = vector.load %arg4[%get3A_2525, %get3A_2526] : memref<8192x32xbf16, #tpu.memory_space<vmem>>, vector<32x32xbf16>
    %dot_general3A_2528 = arith.constant dense<0.000000e+00> : vector<32x256xf32>
    %dot_general3A_2529 = tpu.matmul %get3A_2527, %get3A_4, %dot_general3A_2528 {dimension_numbers = #tpu.dot_dimension_numbers<[1], [0], [0], [1], [0, 0, 1, 1], [], []>, transpose_lhs_hint = false} : vector<32x32xbf16>, vector<32x256xbf16>, vector<32x256xf32> -> vector<32x256xf32>
    %get3A_2530 = arith.constant 4640 : index
    %get3A_2531 = arith.constant 0 : index
    %get3A_2532 = vector.load %arg2[%get3A_2530, %get3A_2531] : memref<8192x1xf32, #tpu.memory_space<vmem>>, vector<32x1xf32>
    %add3A_2533 = vector.broadcast %get3A_1 : vector<1x256xf32> to vector<32x256xf32>
    %add3A_2534 = vector.broadcast %get3A_2532 : vector<32x1xf32> to vector<32x256xf32>
    %add3A_2535 = arith.addf %add3A_2533, %add3A_2534 : vector<32x256xf32>
    %sub3A_2536 = arith.subf %add3A_2535, %dot_general3A_2529 : vector<32x256xf32>
    %lt3A_2537 = arith.cmpf olt, %sub3A_2536, %select_n3A_2521 : vector<32x256xf32>
    %select_n3A_2538 = arith.select %lt3A_2537, %sub3A_2536, %select_n3A_2521 : vector<32x256xi1>, vector<32x256xf32>
    %jit3A_2539 = arith.constant 145 : i32
    %broadcast_in_dim3A_2540 = vector.broadcast %jit3A_2539 : i32 to vector<32x256xi32>
    %select_n3A_2541 = arith.select %lt3A_2537, %broadcast_in_dim3A_2540, %select_n3A_2524 : vector<32x256xi1>, vector<32x256xi32>
    %get3A_2542 = arith.constant 4672 : index
    %get3A_2543 = arith.constant 0 : index
    %get3A_2544 = vector.load %arg4[%get3A_2542, %get3A_2543] : memref<8192x32xbf16, #tpu.memory_space<vmem>>, vector<32x32xbf16>
    %dot_general3A_2545 = arith.constant dense<0.000000e+00> : vector<32x256xf32>
    %dot_general3A_2546 = tpu.matmul %get3A_2544, %get3A_4, %dot_general3A_2545 {dimension_numbers = #tpu.dot_dimension_numbers<[1], [0], [0], [1], [0, 0, 1, 1], [], []>, transpose_lhs_hint = false} : vector<32x32xbf16>, vector<32x256xbf16>, vector<32x256xf32> -> vector<32x256xf32>
    %get3A_2547 = arith.constant 4672 : index
    %get3A_2548 = arith.constant 0 : index
    %get3A_2549 = vector.load %arg2[%get3A_2547, %get3A_2548] : memref<8192x1xf32, #tpu.memory_space<vmem>>, vector<32x1xf32>
    %add3A_2550 = vector.broadcast %get3A_1 : vector<1x256xf32> to vector<32x256xf32>
    %add3A_2551 = vector.broadcast %get3A_2549 : vector<32x1xf32> to vector<32x256xf32>
    %add3A_2552 = arith.addf %add3A_2550, %add3A_2551 : vector<32x256xf32>
    %sub3A_2553 = arith.subf %add3A_2552, %dot_general3A_2546 : vector<32x256xf32>
    %lt3A_2554 = arith.cmpf olt, %sub3A_2553, %select_n3A_2538 : vector<32x256xf32>
    %select_n3A_2555 = arith.select %lt3A_2554, %sub3A_2553, %select_n3A_2538 : vector<32x256xi1>, vector<32x256xf32>
    %jit3A_2556 = arith.constant 146 : i32
    %broadcast_in_dim3A_2557 = vector.broadcast %jit3A_2556 : i32 to vector<32x256xi32>
    %select_n3A_2558 = arith.select %lt3A_2554, %broadcast_in_dim3A_2557, %select_n3A_2541 : vector<32x256xi1>, vector<32x256xi32>
    %get3A_2559 = arith.constant 4704 : index
    %get3A_2560 = arith.constant 0 : index
    %get3A_2561 = vector.load %arg4[%get3A_2559, %get3A_2560] : memref<8192x32xbf16, #tpu.memory_space<vmem>>, vector<32x32xbf16>
    %dot_general3A_2562 = arith.constant dense<0.000000e+00> : vector<32x256xf32>
    %dot_general3A_2563 = tpu.matmul %get3A_2561, %get3A_4, %dot_general3A_2562 {dimension_numbers = #tpu.dot_dimension_numbers<[1], [0], [0], [1], [0, 0, 1, 1], [], []>, transpose_lhs_hint = false} : vector<32x32xbf16>, vector<32x256xbf16>, vector<32x256xf32> -> vector<32x256xf32>
    %get3A_2564 = arith.constant 4704 : index
    %get3A_2565 = arith.constant 0 : index
    %get3A_2566 = vector.load %arg2[%get3A_2564, %get3A_2565] : memref<8192x1xf32, #tpu.memory_space<vmem>>, vector<32x1xf32>
    %add3A_2567 = vector.broadcast %get3A_1 : vector<1x256xf32> to vector<32x256xf32>
    %add3A_2568 = vector.broadcast %get3A_2566 : vector<32x1xf32> to vector<32x256xf32>
    %add3A_2569 = arith.addf %add3A_2567, %add3A_2568 : vector<32x256xf32>
    %sub3A_2570 = arith.subf %add3A_2569, %dot_general3A_2563 : vector<32x256xf32>
    %lt3A_2571 = arith.cmpf olt, %sub3A_2570, %select_n3A_2555 : vector<32x256xf32>
    %select_n3A_2572 = arith.select %lt3A_2571, %sub3A_2570, %select_n3A_2555 : vector<32x256xi1>, vector<32x256xf32>
    %jit3A_2573 = arith.constant 147 : i32
    %broadcast_in_dim3A_2574 = vector.broadcast %jit3A_2573 : i32 to vector<32x256xi32>
    %select_n3A_2575 = arith.select %lt3A_2571, %broadcast_in_dim3A_2574, %select_n3A_2558 : vector<32x256xi1>, vector<32x256xi32>
    %get3A_2576 = arith.constant 4736 : index
    %get3A_2577 = arith.constant 0 : index
    %get3A_2578 = vector.load %arg4[%get3A_2576, %get3A_2577] : memref<8192x32xbf16, #tpu.memory_space<vmem>>, vector<32x32xbf16>
    %dot_general3A_2579 = arith.constant dense<0.000000e+00> : vector<32x256xf32>
    %dot_general3A_2580 = tpu.matmul %get3A_2578, %get3A_4, %dot_general3A_2579 {dimension_numbers = #tpu.dot_dimension_numbers<[1], [0], [0], [1], [0, 0, 1, 1], [], []>, transpose_lhs_hint = false} : vector<32x32xbf16>, vector<32x256xbf16>, vector<32x256xf32> -> vector<32x256xf32>
    %get3A_2581 = arith.constant 4736 : index
    %get3A_2582 = arith.constant 0 : index
    %get3A_2583 = vector.load %arg2[%get3A_2581, %get3A_2582] : memref<8192x1xf32, #tpu.memory_space<vmem>>, vector<32x1xf32>
    %add3A_2584 = vector.broadcast %get3A_1 : vector<1x256xf32> to vector<32x256xf32>
    %add3A_2585 = vector.broadcast %get3A_2583 : vector<32x1xf32> to vector<32x256xf32>
    %add3A_2586 = arith.addf %add3A_2584, %add3A_2585 : vector<32x256xf32>
    %sub3A_2587 = arith.subf %add3A_2586, %dot_general3A_2580 : vector<32x256xf32>
    %lt3A_2588 = arith.cmpf olt, %sub3A_2587, %select_n3A_2572 : vector<32x256xf32>
    %select_n3A_2589 = arith.select %lt3A_2588, %sub3A_2587, %select_n3A_2572 : vector<32x256xi1>, vector<32x256xf32>
    %jit3A_2590 = arith.constant 148 : i32
    %broadcast_in_dim3A_2591 = vector.broadcast %jit3A_2590 : i32 to vector<32x256xi32>
    %select_n3A_2592 = arith.select %lt3A_2588, %broadcast_in_dim3A_2591, %select_n3A_2575 : vector<32x256xi1>, vector<32x256xi32>
    %get3A_2593 = arith.constant 4768 : index
    %get3A_2594 = arith.constant 0 : index
    %get3A_2595 = vector.load %arg4[%get3A_2593, %get3A_2594] : memref<8192x32xbf16, #tpu.memory_space<vmem>>, vector<32x32xbf16>
    %dot_general3A_2596 = arith.constant dense<0.000000e+00> : vector<32x256xf32>
    %dot_general3A_2597 = tpu.matmul %get3A_2595, %get3A_4, %dot_general3A_2596 {dimension_numbers = #tpu.dot_dimension_numbers<[1], [0], [0], [1], [0, 0, 1, 1], [], []>, transpose_lhs_hint = false} : vector<32x32xbf16>, vector<32x256xbf16>, vector<32x256xf32> -> vector<32x256xf32>
    %get3A_2598 = arith.constant 4768 : index
    %get3A_2599 = arith.constant 0 : index
    %get3A_2600 = vector.load %arg2[%get3A_2598, %get3A_2599] : memref<8192x1xf32, #tpu.memory_space<vmem>>, vector<32x1xf32>
    %add3A_2601 = vector.broadcast %get3A_1 : vector<1x256xf32> to vector<32x256xf32>
    %add3A_2602 = vector.broadcast %get3A_2600 : vector<32x1xf32> to vector<32x256xf32>
    %add3A_2603 = arith.addf %add3A_2601, %add3A_2602 : vector<32x256xf32>
    %sub3A_2604 = arith.subf %add3A_2603, %dot_general3A_2597 : vector<32x256xf32>
    %lt3A_2605 = arith.cmpf olt, %sub3A_2604, %select_n3A_2589 : vector<32x256xf32>
    %select_n3A_2606 = arith.select %lt3A_2605, %sub3A_2604, %select_n3A_2589 : vector<32x256xi1>, vector<32x256xf32>
    %jit3A_2607 = arith.constant 149 : i32
    %broadcast_in_dim3A_2608 = vector.broadcast %jit3A_2607 : i32 to vector<32x256xi32>
    %select_n3A_2609 = arith.select %lt3A_2605, %broadcast_in_dim3A_2608, %select_n3A_2592 : vector<32x256xi1>, vector<32x256xi32>
    %get3A_2610 = arith.constant 4800 : index
    %get3A_2611 = arith.constant 0 : index
    %get3A_2612 = vector.load %arg4[%get3A_2610, %get3A_2611] : memref<8192x32xbf16, #tpu.memory_space<vmem>>, vector<32x32xbf16>
    %dot_general3A_2613 = arith.constant dense<0.000000e+00> : vector<32x256xf32>
    %dot_general3A_2614 = tpu.matmul %get3A_2612, %get3A_4, %dot_general3A_2613 {dimension_numbers = #tpu.dot_dimension_numbers<[1], [0], [0], [1], [0, 0, 1, 1], [], []>, transpose_lhs_hint = false} : vector<32x32xbf16>, vector<32x256xbf16>, vector<32x256xf32> -> vector<32x256xf32>
    %get3A_2615 = arith.constant 4800 : index
    %get3A_2616 = arith.constant 0 : index
    %get3A_2617 = vector.load %arg2[%get3A_2615, %get3A_2616] : memref<8192x1xf32, #tpu.memory_space<vmem>>, vector<32x1xf32>
    %add3A_2618 = vector.broadcast %get3A_1 : vector<1x256xf32> to vector<32x256xf32>
    %add3A_2619 = vector.broadcast %get3A_2617 : vector<32x1xf32> to vector<32x256xf32>
    %add3A_2620 = arith.addf %add3A_2618, %add3A_2619 : vector<32x256xf32>
    %sub3A_2621 = arith.subf %add3A_2620, %dot_general3A_2614 : vector<32x256xf32>
    %lt3A_2622 = arith.cmpf olt, %sub3A_2621, %select_n3A_2606 : vector<32x256xf32>
    %select_n3A_2623 = arith.select %lt3A_2622, %sub3A_2621, %select_n3A_2606 : vector<32x256xi1>, vector<32x256xf32>
    %jit3A_2624 = arith.constant 150 : i32
    %broadcast_in_dim3A_2625 = vector.broadcast %jit3A_2624 : i32 to vector<32x256xi32>
    %select_n3A_2626 = arith.select %lt3A_2622, %broadcast_in_dim3A_2625, %select_n3A_2609 : vector<32x256xi1>, vector<32x256xi32>
    %get3A_2627 = arith.constant 4832 : index
    %get3A_2628 = arith.constant 0 : index
    %get3A_2629 = vector.load %arg4[%get3A_2627, %get3A_2628] : memref<8192x32xbf16, #tpu.memory_space<vmem>>, vector<32x32xbf16>
    %dot_general3A_2630 = arith.constant dense<0.000000e+00> : vector<32x256xf32>
    %dot_general3A_2631 = tpu.matmul %get3A_2629, %get3A_4, %dot_general3A_2630 {dimension_numbers = #tpu.dot_dimension_numbers<[1], [0], [0], [1], [0, 0, 1, 1], [], []>, transpose_lhs_hint = false} : vector<32x32xbf16>, vector<32x256xbf16>, vector<32x256xf32> -> vector<32x256xf32>
    %get3A_2632 = arith.constant 4832 : index
    %get3A_2633 = arith.constant 0 : index
    %get3A_2634 = vector.load %arg2[%get3A_2632, %get3A_2633] : memref<8192x1xf32, #tpu.memory_space<vmem>>, vector<32x1xf32>
    %add3A_2635 = vector.broadcast %get3A_1 : vector<1x256xf32> to vector<32x256xf32>
    %add3A_2636 = vector.broadcast %get3A_2634 : vector<32x1xf32> to vector<32x256xf32>
    %add3A_2637 = arith.addf %add3A_2635, %add3A_2636 : vector<32x256xf32>
    %sub3A_2638 = arith.subf %add3A_2637, %dot_general3A_2631 : vector<32x256xf32>
    %lt3A_2639 = arith.cmpf olt, %sub3A_2638, %select_n3A_2623 : vector<32x256xf32>
    %select_n3A_2640 = arith.select %lt3A_2639, %sub3A_2638, %select_n3A_2623 : vector<32x256xi1>, vector<32x256xf32>
    %jit3A_2641 = arith.constant 151 : i32
    %broadcast_in_dim3A_2642 = vector.broadcast %jit3A_2641 : i32 to vector<32x256xi32>
    %select_n3A_2643 = arith.select %lt3A_2639, %broadcast_in_dim3A_2642, %select_n3A_2626 : vector<32x256xi1>, vector<32x256xi32>
    %get3A_2644 = arith.constant 4864 : index
    %get3A_2645 = arith.constant 0 : index
    %get3A_2646 = vector.load %arg4[%get3A_2644, %get3A_2645] : memref<8192x32xbf16, #tpu.memory_space<vmem>>, vector<32x32xbf16>
    %dot_general3A_2647 = arith.constant dense<0.000000e+00> : vector<32x256xf32>
    %dot_general3A_2648 = tpu.matmul %get3A_2646, %get3A_4, %dot_general3A_2647 {dimension_numbers = #tpu.dot_dimension_numbers<[1], [0], [0], [1], [0, 0, 1, 1], [], []>, transpose_lhs_hint = false} : vector<32x32xbf16>, vector<32x256xbf16>, vector<32x256xf32> -> vector<32x256xf32>
    %get3A_2649 = arith.constant 4864 : index
    %get3A_2650 = arith.constant 0 : index
    %get3A_2651 = vector.load %arg2[%get3A_2649, %get3A_2650] : memref<8192x1xf32, #tpu.memory_space<vmem>>, vector<32x1xf32>
    %add3A_2652 = vector.broadcast %get3A_1 : vector<1x256xf32> to vector<32x256xf32>
    %add3A_2653 = vector.broadcast %get3A_2651 : vector<32x1xf32> to vector<32x256xf32>
    %add3A_2654 = arith.addf %add3A_2652, %add3A_2653 : vector<32x256xf32>
    %sub3A_2655 = arith.subf %add3A_2654, %dot_general3A_2648 : vector<32x256xf32>
    %lt3A_2656 = arith.cmpf olt, %sub3A_2655, %select_n3A_2640 : vector<32x256xf32>
    %select_n3A_2657 = arith.select %lt3A_2656, %sub3A_2655, %select_n3A_2640 : vector<32x256xi1>, vector<32x256xf32>
    %jit3A_2658 = arith.constant 152 : i32
    %broadcast_in_dim3A_2659 = vector.broadcast %jit3A_2658 : i32 to vector<32x256xi32>
    %select_n3A_2660 = arith.select %lt3A_2656, %broadcast_in_dim3A_2659, %select_n3A_2643 : vector<32x256xi1>, vector<32x256xi32>
    %get3A_2661 = arith.constant 4896 : index
    %get3A_2662 = arith.constant 0 : index
    %get3A_2663 = vector.load %arg4[%get3A_2661, %get3A_2662] : memref<8192x32xbf16, #tpu.memory_space<vmem>>, vector<32x32xbf16>
    %dot_general3A_2664 = arith.constant dense<0.000000e+00> : vector<32x256xf32>
    %dot_general3A_2665 = tpu.matmul %get3A_2663, %get3A_4, %dot_general3A_2664 {dimension_numbers = #tpu.dot_dimension_numbers<[1], [0], [0], [1], [0, 0, 1, 1], [], []>, transpose_lhs_hint = false} : vector<32x32xbf16>, vector<32x256xbf16>, vector<32x256xf32> -> vector<32x256xf32>
    %get3A_2666 = arith.constant 4896 : index
    %get3A_2667 = arith.constant 0 : index
    %get3A_2668 = vector.load %arg2[%get3A_2666, %get3A_2667] : memref<8192x1xf32, #tpu.memory_space<vmem>>, vector<32x1xf32>
    %add3A_2669 = vector.broadcast %get3A_1 : vector<1x256xf32> to vector<32x256xf32>
    %add3A_2670 = vector.broadcast %get3A_2668 : vector<32x1xf32> to vector<32x256xf32>
    %add3A_2671 = arith.addf %add3A_2669, %add3A_2670 : vector<32x256xf32>
    %sub3A_2672 = arith.subf %add3A_2671, %dot_general3A_2665 : vector<32x256xf32>
    %lt3A_2673 = arith.cmpf olt, %sub3A_2672, %select_n3A_2657 : vector<32x256xf32>
    %select_n3A_2674 = arith.select %lt3A_2673, %sub3A_2672, %select_n3A_2657 : vector<32x256xi1>, vector<32x256xf32>
    %jit3A_2675 = arith.constant 153 : i32
    %broadcast_in_dim3A_2676 = vector.broadcast %jit3A_2675 : i32 to vector<32x256xi32>
    %select_n3A_2677 = arith.select %lt3A_2673, %broadcast_in_dim3A_2676, %select_n3A_2660 : vector<32x256xi1>, vector<32x256xi32>
    %get3A_2678 = arith.constant 4928 : index
    %get3A_2679 = arith.constant 0 : index
    %get3A_2680 = vector.load %arg4[%get3A_2678, %get3A_2679] : memref<8192x32xbf16, #tpu.memory_space<vmem>>, vector<32x32xbf16>
    %dot_general3A_2681 = arith.constant dense<0.000000e+00> : vector<32x256xf32>
    %dot_general3A_2682 = tpu.matmul %get3A_2680, %get3A_4, %dot_general3A_2681 {dimension_numbers = #tpu.dot_dimension_numbers<[1], [0], [0], [1], [0, 0, 1, 1], [], []>, transpose_lhs_hint = false} : vector<32x32xbf16>, vector<32x256xbf16>, vector<32x256xf32> -> vector<32x256xf32>
    %get3A_2683 = arith.constant 4928 : index
    %get3A_2684 = arith.constant 0 : index
    %get3A_2685 = vector.load %arg2[%get3A_2683, %get3A_2684] : memref<8192x1xf32, #tpu.memory_space<vmem>>, vector<32x1xf32>
    %add3A_2686 = vector.broadcast %get3A_1 : vector<1x256xf32> to vector<32x256xf32>
    %add3A_2687 = vector.broadcast %get3A_2685 : vector<32x1xf32> to vector<32x256xf32>
    %add3A_2688 = arith.addf %add3A_2686, %add3A_2687 : vector<32x256xf32>
    %sub3A_2689 = arith.subf %add3A_2688, %dot_general3A_2682 : vector<32x256xf32>
    %lt3A_2690 = arith.cmpf olt, %sub3A_2689, %select_n3A_2674 : vector<32x256xf32>
    %select_n3A_2691 = arith.select %lt3A_2690, %sub3A_2689, %select_n3A_2674 : vector<32x256xi1>, vector<32x256xf32>
    %jit3A_2692 = arith.constant 154 : i32
    %broadcast_in_dim3A_2693 = vector.broadcast %jit3A_2692 : i32 to vector<32x256xi32>
    %select_n3A_2694 = arith.select %lt3A_2690, %broadcast_in_dim3A_2693, %select_n3A_2677 : vector<32x256xi1>, vector<32x256xi32>
    %get3A_2695 = arith.constant 4960 : index
    %get3A_2696 = arith.constant 0 : index
    %get3A_2697 = vector.load %arg4[%get3A_2695, %get3A_2696] : memref<8192x32xbf16, #tpu.memory_space<vmem>>, vector<32x32xbf16>
    %dot_general3A_2698 = arith.constant dense<0.000000e+00> : vector<32x256xf32>
    %dot_general3A_2699 = tpu.matmul %get3A_2697, %get3A_4, %dot_general3A_2698 {dimension_numbers = #tpu.dot_dimension_numbers<[1], [0], [0], [1], [0, 0, 1, 1], [], []>, transpose_lhs_hint = false} : vector<32x32xbf16>, vector<32x256xbf16>, vector<32x256xf32> -> vector<32x256xf32>
    %get3A_2700 = arith.constant 4960 : index
    %get3A_2701 = arith.constant 0 : index
    %get3A_2702 = vector.load %arg2[%get3A_2700, %get3A_2701] : memref<8192x1xf32, #tpu.memory_space<vmem>>, vector<32x1xf32>
    %add3A_2703 = vector.broadcast %get3A_1 : vector<1x256xf32> to vector<32x256xf32>
    %add3A_2704 = vector.broadcast %get3A_2702 : vector<32x1xf32> to vector<32x256xf32>
    %add3A_2705 = arith.addf %add3A_2703, %add3A_2704 : vector<32x256xf32>
    %sub3A_2706 = arith.subf %add3A_2705, %dot_general3A_2699 : vector<32x256xf32>
    %lt3A_2707 = arith.cmpf olt, %sub3A_2706, %select_n3A_2691 : vector<32x256xf32>
    %select_n3A_2708 = arith.select %lt3A_2707, %sub3A_2706, %select_n3A_2691 : vector<32x256xi1>, vector<32x256xf32>
    %jit3A_2709 = arith.constant 155 : i32
    %broadcast_in_dim3A_2710 = vector.broadcast %jit3A_2709 : i32 to vector<32x256xi32>
    %select_n3A_2711 = arith.select %lt3A_2707, %broadcast_in_dim3A_2710, %select_n3A_2694 : vector<32x256xi1>, vector<32x256xi32>
    %get3A_2712 = arith.constant 4992 : index
    %get3A_2713 = arith.constant 0 : index
    %get3A_2714 = vector.load %arg4[%get3A_2712, %get3A_2713] : memref<8192x32xbf16, #tpu.memory_space<vmem>>, vector<32x32xbf16>
    %dot_general3A_2715 = arith.constant dense<0.000000e+00> : vector<32x256xf32>
    %dot_general3A_2716 = tpu.matmul %get3A_2714, %get3A_4, %dot_general3A_2715 {dimension_numbers = #tpu.dot_dimension_numbers<[1], [0], [0], [1], [0, 0, 1, 1], [], []>, transpose_lhs_hint = false} : vector<32x32xbf16>, vector<32x256xbf16>, vector<32x256xf32> -> vector<32x256xf32>
    %get3A_2717 = arith.constant 4992 : index
    %get3A_2718 = arith.constant 0 : index
    %get3A_2719 = vector.load %arg2[%get3A_2717, %get3A_2718] : memref<8192x1xf32, #tpu.memory_space<vmem>>, vector<32x1xf32>
    %add3A_2720 = vector.broadcast %get3A_1 : vector<1x256xf32> to vector<32x256xf32>
    %add3A_2721 = vector.broadcast %get3A_2719 : vector<32x1xf32> to vector<32x256xf32>
    %add3A_2722 = arith.addf %add3A_2720, %add3A_2721 : vector<32x256xf32>
    %sub3A_2723 = arith.subf %add3A_2722, %dot_general3A_2716 : vector<32x256xf32>
    %lt3A_2724 = arith.cmpf olt, %sub3A_2723, %select_n3A_2708 : vector<32x256xf32>
    %select_n3A_2725 = arith.select %lt3A_2724, %sub3A_2723, %select_n3A_2708 : vector<32x256xi1>, vector<32x256xf32>
    %jit3A_2726 = arith.constant 156 : i32
    %broadcast_in_dim3A_2727 = vector.broadcast %jit3A_2726 : i32 to vector<32x256xi32>
    %select_n3A_2728 = arith.select %lt3A_2724, %broadcast_in_dim3A_2727, %select_n3A_2711 : vector<32x256xi1>, vector<32x256xi32>
    %get3A_2729 = arith.constant 5024 : index
    %get3A_2730 = arith.constant 0 : index
    %get3A_2731 = vector.load %arg4[%get3A_2729, %get3A_2730] : memref<8192x32xbf16, #tpu.memory_space<vmem>>, vector<32x32xbf16>
    %dot_general3A_2732 = arith.constant dense<0.000000e+00> : vector<32x256xf32>
    %dot_general3A_2733 = tpu.matmul %get3A_2731, %get3A_4, %dot_general3A_2732 {dimension_numbers = #tpu.dot_dimension_numbers<[1], [0], [0], [1], [0, 0, 1, 1], [], []>, transpose_lhs_hint = false} : vector<32x32xbf16>, vector<32x256xbf16>, vector<32x256xf32> -> vector<32x256xf32>
    %get3A_2734 = arith.constant 5024 : index
    %get3A_2735 = arith.constant 0 : index
    %get3A_2736 = vector.load %arg2[%get3A_2734, %get3A_2735] : memref<8192x1xf32, #tpu.memory_space<vmem>>, vector<32x1xf32>
    %add3A_2737 = vector.broadcast %get3A_1 : vector<1x256xf32> to vector<32x256xf32>
    %add3A_2738 = vector.broadcast %get3A_2736 : vector<32x1xf32> to vector<32x256xf32>
    %add3A_2739 = arith.addf %add3A_2737, %add3A_2738 : vector<32x256xf32>
    %sub3A_2740 = arith.subf %add3A_2739, %dot_general3A_2733 : vector<32x256xf32>
    %lt3A_2741 = arith.cmpf olt, %sub3A_2740, %select_n3A_2725 : vector<32x256xf32>
    %select_n3A_2742 = arith.select %lt3A_2741, %sub3A_2740, %select_n3A_2725 : vector<32x256xi1>, vector<32x256xf32>
    %jit3A_2743 = arith.constant 157 : i32
    %broadcast_in_dim3A_2744 = vector.broadcast %jit3A_2743 : i32 to vector<32x256xi32>
    %select_n3A_2745 = arith.select %lt3A_2741, %broadcast_in_dim3A_2744, %select_n3A_2728 : vector<32x256xi1>, vector<32x256xi32>
    %get3A_2746 = arith.constant 5056 : index
    %get3A_2747 = arith.constant 0 : index
    %get3A_2748 = vector.load %arg4[%get3A_2746, %get3A_2747] : memref<8192x32xbf16, #tpu.memory_space<vmem>>, vector<32x32xbf16>
    %dot_general3A_2749 = arith.constant dense<0.000000e+00> : vector<32x256xf32>
    %dot_general3A_2750 = tpu.matmul %get3A_2748, %get3A_4, %dot_general3A_2749 {dimension_numbers = #tpu.dot_dimension_numbers<[1], [0], [0], [1], [0, 0, 1, 1], [], []>, transpose_lhs_hint = false} : vector<32x32xbf16>, vector<32x256xbf16>, vector<32x256xf32> -> vector<32x256xf32>
    %get3A_2751 = arith.constant 5056 : index
    %get3A_2752 = arith.constant 0 : index
    %get3A_2753 = vector.load %arg2[%get3A_2751, %get3A_2752] : memref<8192x1xf32, #tpu.memory_space<vmem>>, vector<32x1xf32>
    %add3A_2754 = vector.broadcast %get3A_1 : vector<1x256xf32> to vector<32x256xf32>
    %add3A_2755 = vector.broadcast %get3A_2753 : vector<32x1xf32> to vector<32x256xf32>
    %add3A_2756 = arith.addf %add3A_2754, %add3A_2755 : vector<32x256xf32>
    %sub3A_2757 = arith.subf %add3A_2756, %dot_general3A_2750 : vector<32x256xf32>
    %lt3A_2758 = arith.cmpf olt, %sub3A_2757, %select_n3A_2742 : vector<32x256xf32>
    %select_n3A_2759 = arith.select %lt3A_2758, %sub3A_2757, %select_n3A_2742 : vector<32x256xi1>, vector<32x256xf32>
    %jit3A_2760 = arith.constant 158 : i32
    %broadcast_in_dim3A_2761 = vector.broadcast %jit3A_2760 : i32 to vector<32x256xi32>
    %select_n3A_2762 = arith.select %lt3A_2758, %broadcast_in_dim3A_2761, %select_n3A_2745 : vector<32x256xi1>, vector<32x256xi32>
    %get3A_2763 = arith.constant 5088 : index
    %get3A_2764 = arith.constant 0 : index
    %get3A_2765 = vector.load %arg4[%get3A_2763, %get3A_2764] : memref<8192x32xbf16, #tpu.memory_space<vmem>>, vector<32x32xbf16>
    %dot_general3A_2766 = arith.constant dense<0.000000e+00> : vector<32x256xf32>
    %dot_general3A_2767 = tpu.matmul %get3A_2765, %get3A_4, %dot_general3A_2766 {dimension_numbers = #tpu.dot_dimension_numbers<[1], [0], [0], [1], [0, 0, 1, 1], [], []>, transpose_lhs_hint = false} : vector<32x32xbf16>, vector<32x256xbf16>, vector<32x256xf32> -> vector<32x256xf32>
    %get3A_2768 = arith.constant 5088 : index
    %get3A_2769 = arith.constant 0 : index
    %get3A_2770 = vector.load %arg2[%get3A_2768, %get3A_2769] : memref<8192x1xf32, #tpu.memory_space<vmem>>, vector<32x1xf32>
    %add3A_2771 = vector.broadcast %get3A_1 : vector<1x256xf32> to vector<32x256xf32>
    %add3A_2772 = vector.broadcast %get3A_2770 : vector<32x1xf32> to vector<32x256xf32>
    %add3A_2773 = arith.addf %add3A_2771, %add3A_2772 : vector<32x256xf32>
    %sub3A_2774 = arith.subf %add3A_2773, %dot_general3A_2767 : vector<32x256xf32>
    %lt3A_2775 = arith.cmpf olt, %sub3A_2774, %select_n3A_2759 : vector<32x256xf32>
    %select_n3A_2776 = arith.select %lt3A_2775, %sub3A_2774, %select_n3A_2759 : vector<32x256xi1>, vector<32x256xf32>
    %jit3A_2777 = arith.constant 159 : i32
    %broadcast_in_dim3A_2778 = vector.broadcast %jit3A_2777 : i32 to vector<32x256xi32>
    %select_n3A_2779 = arith.select %lt3A_2775, %broadcast_in_dim3A_2778, %select_n3A_2762 : vector<32x256xi1>, vector<32x256xi32>
    %get3A_2780 = arith.constant 5120 : index
    %get3A_2781 = arith.constant 0 : index
    %get3A_2782 = vector.load %arg4[%get3A_2780, %get3A_2781] : memref<8192x32xbf16, #tpu.memory_space<vmem>>, vector<32x32xbf16>
    %dot_general3A_2783 = arith.constant dense<0.000000e+00> : vector<32x256xf32>
    %dot_general3A_2784 = tpu.matmul %get3A_2782, %get3A_4, %dot_general3A_2783 {dimension_numbers = #tpu.dot_dimension_numbers<[1], [0], [0], [1], [0, 0, 1, 1], [], []>, transpose_lhs_hint = false} : vector<32x32xbf16>, vector<32x256xbf16>, vector<32x256xf32> -> vector<32x256xf32>
    %get3A_2785 = arith.constant 5120 : index
    %get3A_2786 = arith.constant 0 : index
    %get3A_2787 = vector.load %arg2[%get3A_2785, %get3A_2786] : memref<8192x1xf32, #tpu.memory_space<vmem>>, vector<32x1xf32>
    %add3A_2788 = vector.broadcast %get3A_1 : vector<1x256xf32> to vector<32x256xf32>
    %add3A_2789 = vector.broadcast %get3A_2787 : vector<32x1xf32> to vector<32x256xf32>
    %add3A_2790 = arith.addf %add3A_2788, %add3A_2789 : vector<32x256xf32>
    %sub3A_2791 = arith.subf %add3A_2790, %dot_general3A_2784 : vector<32x256xf32>
    %lt3A_2792 = arith.cmpf olt, %sub3A_2791, %select_n3A_2776 : vector<32x256xf32>
    %select_n3A_2793 = arith.select %lt3A_2792, %sub3A_2791, %select_n3A_2776 : vector<32x256xi1>, vector<32x256xf32>
    %jit3A_2794 = arith.constant 160 : i32
    %broadcast_in_dim3A_2795 = vector.broadcast %jit3A_2794 : i32 to vector<32x256xi32>
    %select_n3A_2796 = arith.select %lt3A_2792, %broadcast_in_dim3A_2795, %select_n3A_2779 : vector<32x256xi1>, vector<32x256xi32>
    %get3A_2797 = arith.constant 5152 : index
    %get3A_2798 = arith.constant 0 : index
    %get3A_2799 = vector.load %arg4[%get3A_2797, %get3A_2798] : memref<8192x32xbf16, #tpu.memory_space<vmem>>, vector<32x32xbf16>
    %dot_general3A_2800 = arith.constant dense<0.000000e+00> : vector<32x256xf32>
    %dot_general3A_2801 = tpu.matmul %get3A_2799, %get3A_4, %dot_general3A_2800 {dimension_numbers = #tpu.dot_dimension_numbers<[1], [0], [0], [1], [0, 0, 1, 1], [], []>, transpose_lhs_hint = false} : vector<32x32xbf16>, vector<32x256xbf16>, vector<32x256xf32> -> vector<32x256xf32>
    %get3A_2802 = arith.constant 5152 : index
    %get3A_2803 = arith.constant 0 : index
    %get3A_2804 = vector.load %arg2[%get3A_2802, %get3A_2803] : memref<8192x1xf32, #tpu.memory_space<vmem>>, vector<32x1xf32>
    %add3A_2805 = vector.broadcast %get3A_1 : vector<1x256xf32> to vector<32x256xf32>
    %add3A_2806 = vector.broadcast %get3A_2804 : vector<32x1xf32> to vector<32x256xf32>
    %add3A_2807 = arith.addf %add3A_2805, %add3A_2806 : vector<32x256xf32>
    %sub3A_2808 = arith.subf %add3A_2807, %dot_general3A_2801 : vector<32x256xf32>
    %lt3A_2809 = arith.cmpf olt, %sub3A_2808, %select_n3A_2793 : vector<32x256xf32>
    %select_n3A_2810 = arith.select %lt3A_2809, %sub3A_2808, %select_n3A_2793 : vector<32x256xi1>, vector<32x256xf32>
    %jit3A_2811 = arith.constant 161 : i32
    %broadcast_in_dim3A_2812 = vector.broadcast %jit3A_2811 : i32 to vector<32x256xi32>
    %select_n3A_2813 = arith.select %lt3A_2809, %broadcast_in_dim3A_2812, %select_n3A_2796 : vector<32x256xi1>, vector<32x256xi32>
    %get3A_2814 = arith.constant 5184 : index
    %get3A_2815 = arith.constant 0 : index
    %get3A_2816 = vector.load %arg4[%get3A_2814, %get3A_2815] : memref<8192x32xbf16, #tpu.memory_space<vmem>>, vector<32x32xbf16>
    %dot_general3A_2817 = arith.constant dense<0.000000e+00> : vector<32x256xf32>
    %dot_general3A_2818 = tpu.matmul %get3A_2816, %get3A_4, %dot_general3A_2817 {dimension_numbers = #tpu.dot_dimension_numbers<[1], [0], [0], [1], [0, 0, 1, 1], [], []>, transpose_lhs_hint = false} : vector<32x32xbf16>, vector<32x256xbf16>, vector<32x256xf32> -> vector<32x256xf32>
    %get3A_2819 = arith.constant 5184 : index
    %get3A_2820 = arith.constant 0 : index
    %get3A_2821 = vector.load %arg2[%get3A_2819, %get3A_2820] : memref<8192x1xf32, #tpu.memory_space<vmem>>, vector<32x1xf32>
    %add3A_2822 = vector.broadcast %get3A_1 : vector<1x256xf32> to vector<32x256xf32>
    %add3A_2823 = vector.broadcast %get3A_2821 : vector<32x1xf32> to vector<32x256xf32>
    %add3A_2824 = arith.addf %add3A_2822, %add3A_2823 : vector<32x256xf32>
    %sub3A_2825 = arith.subf %add3A_2824, %dot_general3A_2818 : vector<32x256xf32>
    %lt3A_2826 = arith.cmpf olt, %sub3A_2825, %select_n3A_2810 : vector<32x256xf32>
    %select_n3A_2827 = arith.select %lt3A_2826, %sub3A_2825, %select_n3A_2810 : vector<32x256xi1>, vector<32x256xf32>
    %jit3A_2828 = arith.constant 162 : i32
    %broadcast_in_dim3A_2829 = vector.broadcast %jit3A_2828 : i32 to vector<32x256xi32>
    %select_n3A_2830 = arith.select %lt3A_2826, %broadcast_in_dim3A_2829, %select_n3A_2813 : vector<32x256xi1>, vector<32x256xi32>
    %get3A_2831 = arith.constant 5216 : index
    %get3A_2832 = arith.constant 0 : index
    %get3A_2833 = vector.load %arg4[%get3A_2831, %get3A_2832] : memref<8192x32xbf16, #tpu.memory_space<vmem>>, vector<32x32xbf16>
    %dot_general3A_2834 = arith.constant dense<0.000000e+00> : vector<32x256xf32>
    %dot_general3A_2835 = tpu.matmul %get3A_2833, %get3A_4, %dot_general3A_2834 {dimension_numbers = #tpu.dot_dimension_numbers<[1], [0], [0], [1], [0, 0, 1, 1], [], []>, transpose_lhs_hint = false} : vector<32x32xbf16>, vector<32x256xbf16>, vector<32x256xf32> -> vector<32x256xf32>
    %get3A_2836 = arith.constant 5216 : index
    %get3A_2837 = arith.constant 0 : index
    %get3A_2838 = vector.load %arg2[%get3A_2836, %get3A_2837] : memref<8192x1xf32, #tpu.memory_space<vmem>>, vector<32x1xf32>
    %add3A_2839 = vector.broadcast %get3A_1 : vector<1x256xf32> to vector<32x256xf32>
    %add3A_2840 = vector.broadcast %get3A_2838 : vector<32x1xf32> to vector<32x256xf32>
    %add3A_2841 = arith.addf %add3A_2839, %add3A_2840 : vector<32x256xf32>
    %sub3A_2842 = arith.subf %add3A_2841, %dot_general3A_2835 : vector<32x256xf32>
    %lt3A_2843 = arith.cmpf olt, %sub3A_2842, %select_n3A_2827 : vector<32x256xf32>
    %select_n3A_2844 = arith.select %lt3A_2843, %sub3A_2842, %select_n3A_2827 : vector<32x256xi1>, vector<32x256xf32>
    %jit3A_2845 = arith.constant 163 : i32
    %broadcast_in_dim3A_2846 = vector.broadcast %jit3A_2845 : i32 to vector<32x256xi32>
    %select_n3A_2847 = arith.select %lt3A_2843, %broadcast_in_dim3A_2846, %select_n3A_2830 : vector<32x256xi1>, vector<32x256xi32>
    %get3A_2848 = arith.constant 5248 : index
    %get3A_2849 = arith.constant 0 : index
    %get3A_2850 = vector.load %arg4[%get3A_2848, %get3A_2849] : memref<8192x32xbf16, #tpu.memory_space<vmem>>, vector<32x32xbf16>
    %dot_general3A_2851 = arith.constant dense<0.000000e+00> : vector<32x256xf32>
    %dot_general3A_2852 = tpu.matmul %get3A_2850, %get3A_4, %dot_general3A_2851 {dimension_numbers = #tpu.dot_dimension_numbers<[1], [0], [0], [1], [0, 0, 1, 1], [], []>, transpose_lhs_hint = false} : vector<32x32xbf16>, vector<32x256xbf16>, vector<32x256xf32> -> vector<32x256xf32>
    %get3A_2853 = arith.constant 5248 : index
    %get3A_2854 = arith.constant 0 : index
    %get3A_2855 = vector.load %arg2[%get3A_2853, %get3A_2854] : memref<8192x1xf32, #tpu.memory_space<vmem>>, vector<32x1xf32>
    %add3A_2856 = vector.broadcast %get3A_1 : vector<1x256xf32> to vector<32x256xf32>
    %add3A_2857 = vector.broadcast %get3A_2855 : vector<32x1xf32> to vector<32x256xf32>
    %add3A_2858 = arith.addf %add3A_2856, %add3A_2857 : vector<32x256xf32>
    %sub3A_2859 = arith.subf %add3A_2858, %dot_general3A_2852 : vector<32x256xf32>
    %lt3A_2860 = arith.cmpf olt, %sub3A_2859, %select_n3A_2844 : vector<32x256xf32>
    %select_n3A_2861 = arith.select %lt3A_2860, %sub3A_2859, %select_n3A_2844 : vector<32x256xi1>, vector<32x256xf32>
    %jit3A_2862 = arith.constant 164 : i32
    %broadcast_in_dim3A_2863 = vector.broadcast %jit3A_2862 : i32 to vector<32x256xi32>
    %select_n3A_2864 = arith.select %lt3A_2860, %broadcast_in_dim3A_2863, %select_n3A_2847 : vector<32x256xi1>, vector<32x256xi32>
    %get3A_2865 = arith.constant 5280 : index
    %get3A_2866 = arith.constant 0 : index
    %get3A_2867 = vector.load %arg4[%get3A_2865, %get3A_2866] : memref<8192x32xbf16, #tpu.memory_space<vmem>>, vector<32x32xbf16>
    %dot_general3A_2868 = arith.constant dense<0.000000e+00> : vector<32x256xf32>
    %dot_general3A_2869 = tpu.matmul %get3A_2867, %get3A_4, %dot_general3A_2868 {dimension_numbers = #tpu.dot_dimension_numbers<[1], [0], [0], [1], [0, 0, 1, 1], [], []>, transpose_lhs_hint = false} : vector<32x32xbf16>, vector<32x256xbf16>, vector<32x256xf32> -> vector<32x256xf32>
    %get3A_2870 = arith.constant 5280 : index
    %get3A_2871 = arith.constant 0 : index
    %get3A_2872 = vector.load %arg2[%get3A_2870, %get3A_2871] : memref<8192x1xf32, #tpu.memory_space<vmem>>, vector<32x1xf32>
    %add3A_2873 = vector.broadcast %get3A_1 : vector<1x256xf32> to vector<32x256xf32>
    %add3A_2874 = vector.broadcast %get3A_2872 : vector<32x1xf32> to vector<32x256xf32>
    %add3A_2875 = arith.addf %add3A_2873, %add3A_2874 : vector<32x256xf32>
    %sub3A_2876 = arith.subf %add3A_2875, %dot_general3A_2869 : vector<32x256xf32>
    %lt3A_2877 = arith.cmpf olt, %sub3A_2876, %select_n3A_2861 : vector<32x256xf32>
    %select_n3A_2878 = arith.select %lt3A_2877, %sub3A_2876, %select_n3A_2861 : vector<32x256xi1>, vector<32x256xf32>
    %jit3A_2879 = arith.constant 165 : i32
    %broadcast_in_dim3A_2880 = vector.broadcast %jit3A_2879 : i32 to vector<32x256xi32>
    %select_n3A_2881 = arith.select %lt3A_2877, %broadcast_in_dim3A_2880, %select_n3A_2864 : vector<32x256xi1>, vector<32x256xi32>
    %get3A_2882 = arith.constant 5312 : index
    %get3A_2883 = arith.constant 0 : index
    %get3A_2884 = vector.load %arg4[%get3A_2882, %get3A_2883] : memref<8192x32xbf16, #tpu.memory_space<vmem>>, vector<32x32xbf16>
    %dot_general3A_2885 = arith.constant dense<0.000000e+00> : vector<32x256xf32>
    %dot_general3A_2886 = tpu.matmul %get3A_2884, %get3A_4, %dot_general3A_2885 {dimension_numbers = #tpu.dot_dimension_numbers<[1], [0], [0], [1], [0, 0, 1, 1], [], []>, transpose_lhs_hint = false} : vector<32x32xbf16>, vector<32x256xbf16>, vector<32x256xf32> -> vector<32x256xf32>
    %get3A_2887 = arith.constant 5312 : index
    %get3A_2888 = arith.constant 0 : index
    %get3A_2889 = vector.load %arg2[%get3A_2887, %get3A_2888] : memref<8192x1xf32, #tpu.memory_space<vmem>>, vector<32x1xf32>
    %add3A_2890 = vector.broadcast %get3A_1 : vector<1x256xf32> to vector<32x256xf32>
    %add3A_2891 = vector.broadcast %get3A_2889 : vector<32x1xf32> to vector<32x256xf32>
    %add3A_2892 = arith.addf %add3A_2890, %add3A_2891 : vector<32x256xf32>
    %sub3A_2893 = arith.subf %add3A_2892, %dot_general3A_2886 : vector<32x256xf32>
    %lt3A_2894 = arith.cmpf olt, %sub3A_2893, %select_n3A_2878 : vector<32x256xf32>
    %select_n3A_2895 = arith.select %lt3A_2894, %sub3A_2893, %select_n3A_2878 : vector<32x256xi1>, vector<32x256xf32>
    %jit3A_2896 = arith.constant 166 : i32
    %broadcast_in_dim3A_2897 = vector.broadcast %jit3A_2896 : i32 to vector<32x256xi32>
    %select_n3A_2898 = arith.select %lt3A_2894, %broadcast_in_dim3A_2897, %select_n3A_2881 : vector<32x256xi1>, vector<32x256xi32>
    %get3A_2899 = arith.constant 5344 : index
    %get3A_2900 = arith.constant 0 : index
    %get3A_2901 = vector.load %arg4[%get3A_2899, %get3A_2900] : memref<8192x32xbf16, #tpu.memory_space<vmem>>, vector<32x32xbf16>
    %dot_general3A_2902 = arith.constant dense<0.000000e+00> : vector<32x256xf32>
    %dot_general3A_2903 = tpu.matmul %get3A_2901, %get3A_4, %dot_general3A_2902 {dimension_numbers = #tpu.dot_dimension_numbers<[1], [0], [0], [1], [0, 0, 1, 1], [], []>, transpose_lhs_hint = false} : vector<32x32xbf16>, vector<32x256xbf16>, vector<32x256xf32> -> vector<32x256xf32>
    %get3A_2904 = arith.constant 5344 : index
    %get3A_2905 = arith.constant 0 : index
    %get3A_2906 = vector.load %arg2[%get3A_2904, %get3A_2905] : memref<8192x1xf32, #tpu.memory_space<vmem>>, vector<32x1xf32>
    %add3A_2907 = vector.broadcast %get3A_1 : vector<1x256xf32> to vector<32x256xf32>
    %add3A_2908 = vector.broadcast %get3A_2906 : vector<32x1xf32> to vector<32x256xf32>
    %add3A_2909 = arith.addf %add3A_2907, %add3A_2908 : vector<32x256xf32>
    %sub3A_2910 = arith.subf %add3A_2909, %dot_general3A_2903 : vector<32x256xf32>
    %lt3A_2911 = arith.cmpf olt, %sub3A_2910, %select_n3A_2895 : vector<32x256xf32>
    %select_n3A_2912 = arith.select %lt3A_2911, %sub3A_2910, %select_n3A_2895 : vector<32x256xi1>, vector<32x256xf32>
    %jit3A_2913 = arith.constant 167 : i32
    %broadcast_in_dim3A_2914 = vector.broadcast %jit3A_2913 : i32 to vector<32x256xi32>
    %select_n3A_2915 = arith.select %lt3A_2911, %broadcast_in_dim3A_2914, %select_n3A_2898 : vector<32x256xi1>, vector<32x256xi32>
    %get3A_2916 = arith.constant 5376 : index
    %get3A_2917 = arith.constant 0 : index
    %get3A_2918 = vector.load %arg4[%get3A_2916, %get3A_2917] : memref<8192x32xbf16, #tpu.memory_space<vmem>>, vector<32x32xbf16>
    %dot_general3A_2919 = arith.constant dense<0.000000e+00> : vector<32x256xf32>
    %dot_general3A_2920 = tpu.matmul %get3A_2918, %get3A_4, %dot_general3A_2919 {dimension_numbers = #tpu.dot_dimension_numbers<[1], [0], [0], [1], [0, 0, 1, 1], [], []>, transpose_lhs_hint = false} : vector<32x32xbf16>, vector<32x256xbf16>, vector<32x256xf32> -> vector<32x256xf32>
    %get3A_2921 = arith.constant 5376 : index
    %get3A_2922 = arith.constant 0 : index
    %get3A_2923 = vector.load %arg2[%get3A_2921, %get3A_2922] : memref<8192x1xf32, #tpu.memory_space<vmem>>, vector<32x1xf32>
    %add3A_2924 = vector.broadcast %get3A_1 : vector<1x256xf32> to vector<32x256xf32>
    %add3A_2925 = vector.broadcast %get3A_2923 : vector<32x1xf32> to vector<32x256xf32>
    %add3A_2926 = arith.addf %add3A_2924, %add3A_2925 : vector<32x256xf32>
    %sub3A_2927 = arith.subf %add3A_2926, %dot_general3A_2920 : vector<32x256xf32>
    %lt3A_2928 = arith.cmpf olt, %sub3A_2927, %select_n3A_2912 : vector<32x256xf32>
    %select_n3A_2929 = arith.select %lt3A_2928, %sub3A_2927, %select_n3A_2912 : vector<32x256xi1>, vector<32x256xf32>
    %jit3A_2930 = arith.constant 168 : i32
    %broadcast_in_dim3A_2931 = vector.broadcast %jit3A_2930 : i32 to vector<32x256xi32>
    %select_n3A_2932 = arith.select %lt3A_2928, %broadcast_in_dim3A_2931, %select_n3A_2915 : vector<32x256xi1>, vector<32x256xi32>
    %get3A_2933 = arith.constant 5408 : index
    %get3A_2934 = arith.constant 0 : index
    %get3A_2935 = vector.load %arg4[%get3A_2933, %get3A_2934] : memref<8192x32xbf16, #tpu.memory_space<vmem>>, vector<32x32xbf16>
    %dot_general3A_2936 = arith.constant dense<0.000000e+00> : vector<32x256xf32>
    %dot_general3A_2937 = tpu.matmul %get3A_2935, %get3A_4, %dot_general3A_2936 {dimension_numbers = #tpu.dot_dimension_numbers<[1], [0], [0], [1], [0, 0, 1, 1], [], []>, transpose_lhs_hint = false} : vector<32x32xbf16>, vector<32x256xbf16>, vector<32x256xf32> -> vector<32x256xf32>
    %get3A_2938 = arith.constant 5408 : index
    %get3A_2939 = arith.constant 0 : index
    %get3A_2940 = vector.load %arg2[%get3A_2938, %get3A_2939] : memref<8192x1xf32, #tpu.memory_space<vmem>>, vector<32x1xf32>
    %add3A_2941 = vector.broadcast %get3A_1 : vector<1x256xf32> to vector<32x256xf32>
    %add3A_2942 = vector.broadcast %get3A_2940 : vector<32x1xf32> to vector<32x256xf32>
    %add3A_2943 = arith.addf %add3A_2941, %add3A_2942 : vector<32x256xf32>
    %sub3A_2944 = arith.subf %add3A_2943, %dot_general3A_2937 : vector<32x256xf32>
    %lt3A_2945 = arith.cmpf olt, %sub3A_2944, %select_n3A_2929 : vector<32x256xf32>
    %select_n3A_2946 = arith.select %lt3A_2945, %sub3A_2944, %select_n3A_2929 : vector<32x256xi1>, vector<32x256xf32>
    %jit3A_2947 = arith.constant 169 : i32
    %broadcast_in_dim3A_2948 = vector.broadcast %jit3A_2947 : i32 to vector<32x256xi32>
    %select_n3A_2949 = arith.select %lt3A_2945, %broadcast_in_dim3A_2948, %select_n3A_2932 : vector<32x256xi1>, vector<32x256xi32>
    %get3A_2950 = arith.constant 5440 : index
    %get3A_2951 = arith.constant 0 : index
    %get3A_2952 = vector.load %arg4[%get3A_2950, %get3A_2951] : memref<8192x32xbf16, #tpu.memory_space<vmem>>, vector<32x32xbf16>
    %dot_general3A_2953 = arith.constant dense<0.000000e+00> : vector<32x256xf32>
    %dot_general3A_2954 = tpu.matmul %get3A_2952, %get3A_4, %dot_general3A_2953 {dimension_numbers = #tpu.dot_dimension_numbers<[1], [0], [0], [1], [0, 0, 1, 1], [], []>, transpose_lhs_hint = false} : vector<32x32xbf16>, vector<32x256xbf16>, vector<32x256xf32> -> vector<32x256xf32>
    %get3A_2955 = arith.constant 5440 : index
    %get3A_2956 = arith.constant 0 : index
    %get3A_2957 = vector.load %arg2[%get3A_2955, %get3A_2956] : memref<8192x1xf32, #tpu.memory_space<vmem>>, vector<32x1xf32>
    %add3A_2958 = vector.broadcast %get3A_1 : vector<1x256xf32> to vector<32x256xf32>
    %add3A_2959 = vector.broadcast %get3A_2957 : vector<32x1xf32> to vector<32x256xf32>
    %add3A_2960 = arith.addf %add3A_2958, %add3A_2959 : vector<32x256xf32>
    %sub3A_2961 = arith.subf %add3A_2960, %dot_general3A_2954 : vector<32x256xf32>
    %lt3A_2962 = arith.cmpf olt, %sub3A_2961, %select_n3A_2946 : vector<32x256xf32>
    %select_n3A_2963 = arith.select %lt3A_2962, %sub3A_2961, %select_n3A_2946 : vector<32x256xi1>, vector<32x256xf32>
    %jit3A_2964 = arith.constant 170 : i32
    %broadcast_in_dim3A_2965 = vector.broadcast %jit3A_2964 : i32 to vector<32x256xi32>
    %select_n3A_2966 = arith.select %lt3A_2962, %broadcast_in_dim3A_2965, %select_n3A_2949 : vector<32x256xi1>, vector<32x256xi32>
    %get3A_2967 = arith.constant 5472 : index
    %get3A_2968 = arith.constant 0 : index
    %get3A_2969 = vector.load %arg4[%get3A_2967, %get3A_2968] : memref<8192x32xbf16, #tpu.memory_space<vmem>>, vector<32x32xbf16>
    %dot_general3A_2970 = arith.constant dense<0.000000e+00> : vector<32x256xf32>
    %dot_general3A_2971 = tpu.matmul %get3A_2969, %get3A_4, %dot_general3A_2970 {dimension_numbers = #tpu.dot_dimension_numbers<[1], [0], [0], [1], [0, 0, 1, 1], [], []>, transpose_lhs_hint = false} : vector<32x32xbf16>, vector<32x256xbf16>, vector<32x256xf32> -> vector<32x256xf32>
    %get3A_2972 = arith.constant 5472 : index
    %get3A_2973 = arith.constant 0 : index
    %get3A_2974 = vector.load %arg2[%get3A_2972, %get3A_2973] : memref<8192x1xf32, #tpu.memory_space<vmem>>, vector<32x1xf32>
    %add3A_2975 = vector.broadcast %get3A_1 : vector<1x256xf32> to vector<32x256xf32>
    %add3A_2976 = vector.broadcast %get3A_2974 : vector<32x1xf32> to vector<32x256xf32>
    %add3A_2977 = arith.addf %add3A_2975, %add3A_2976 : vector<32x256xf32>
    %sub3A_2978 = arith.subf %add3A_2977, %dot_general3A_2971 : vector<32x256xf32>
    %lt3A_2979 = arith.cmpf olt, %sub3A_2978, %select_n3A_2963 : vector<32x256xf32>
    %select_n3A_2980 = arith.select %lt3A_2979, %sub3A_2978, %select_n3A_2963 : vector<32x256xi1>, vector<32x256xf32>
    %jit3A_2981 = arith.constant 171 : i32
    %broadcast_in_dim3A_2982 = vector.broadcast %jit3A_2981 : i32 to vector<32x256xi32>
    %select_n3A_2983 = arith.select %lt3A_2979, %broadcast_in_dim3A_2982, %select_n3A_2966 : vector<32x256xi1>, vector<32x256xi32>
    %get3A_2984 = arith.constant 5504 : index
    %get3A_2985 = arith.constant 0 : index
    %get3A_2986 = vector.load %arg4[%get3A_2984, %get3A_2985] : memref<8192x32xbf16, #tpu.memory_space<vmem>>, vector<32x32xbf16>
    %dot_general3A_2987 = arith.constant dense<0.000000e+00> : vector<32x256xf32>
    %dot_general3A_2988 = tpu.matmul %get3A_2986, %get3A_4, %dot_general3A_2987 {dimension_numbers = #tpu.dot_dimension_numbers<[1], [0], [0], [1], [0, 0, 1, 1], [], []>, transpose_lhs_hint = false} : vector<32x32xbf16>, vector<32x256xbf16>, vector<32x256xf32> -> vector<32x256xf32>
    %get3A_2989 = arith.constant 5504 : index
    %get3A_2990 = arith.constant 0 : index
    %get3A_2991 = vector.load %arg2[%get3A_2989, %get3A_2990] : memref<8192x1xf32, #tpu.memory_space<vmem>>, vector<32x1xf32>
    %add3A_2992 = vector.broadcast %get3A_1 : vector<1x256xf32> to vector<32x256xf32>
    %add3A_2993 = vector.broadcast %get3A_2991 : vector<32x1xf32> to vector<32x256xf32>
    %add3A_2994 = arith.addf %add3A_2992, %add3A_2993 : vector<32x256xf32>
    %sub3A_2995 = arith.subf %add3A_2994, %dot_general3A_2988 : vector<32x256xf32>
    %lt3A_2996 = arith.cmpf olt, %sub3A_2995, %select_n3A_2980 : vector<32x256xf32>
    %select_n3A_2997 = arith.select %lt3A_2996, %sub3A_2995, %select_n3A_2980 : vector<32x256xi1>, vector<32x256xf32>
    %jit3A_2998 = arith.constant 172 : i32
    %broadcast_in_dim3A_2999 = vector.broadcast %jit3A_2998 : i32 to vector<32x256xi32>
    %select_n3A_3000 = arith.select %lt3A_2996, %broadcast_in_dim3A_2999, %select_n3A_2983 : vector<32x256xi1>, vector<32x256xi32>
    %get3A_3001 = arith.constant 5536 : index
    %get3A_3002 = arith.constant 0 : index
    %get3A_3003 = vector.load %arg4[%get3A_3001, %get3A_3002] : memref<8192x32xbf16, #tpu.memory_space<vmem>>, vector<32x32xbf16>
    %dot_general3A_3004 = arith.constant dense<0.000000e+00> : vector<32x256xf32>
    %dot_general3A_3005 = tpu.matmul %get3A_3003, %get3A_4, %dot_general3A_3004 {dimension_numbers = #tpu.dot_dimension_numbers<[1], [0], [0], [1], [0, 0, 1, 1], [], []>, transpose_lhs_hint = false} : vector<32x32xbf16>, vector<32x256xbf16>, vector<32x256xf32> -> vector<32x256xf32>
    %get3A_3006 = arith.constant 5536 : index
    %get3A_3007 = arith.constant 0 : index
    %get3A_3008 = vector.load %arg2[%get3A_3006, %get3A_3007] : memref<8192x1xf32, #tpu.memory_space<vmem>>, vector<32x1xf32>
    %add3A_3009 = vector.broadcast %get3A_1 : vector<1x256xf32> to vector<32x256xf32>
    %add3A_3010 = vector.broadcast %get3A_3008 : vector<32x1xf32> to vector<32x256xf32>
    %add3A_3011 = arith.addf %add3A_3009, %add3A_3010 : vector<32x256xf32>
    %sub3A_3012 = arith.subf %add3A_3011, %dot_general3A_3005 : vector<32x256xf32>
    %lt3A_3013 = arith.cmpf olt, %sub3A_3012, %select_n3A_2997 : vector<32x256xf32>
    %select_n3A_3014 = arith.select %lt3A_3013, %sub3A_3012, %select_n3A_2997 : vector<32x256xi1>, vector<32x256xf32>
    %jit3A_3015 = arith.constant 173 : i32
    %broadcast_in_dim3A_3016 = vector.broadcast %jit3A_3015 : i32 to vector<32x256xi32>
    %select_n3A_3017 = arith.select %lt3A_3013, %broadcast_in_dim3A_3016, %select_n3A_3000 : vector<32x256xi1>, vector<32x256xi32>
    %get3A_3018 = arith.constant 5568 : index
    %get3A_3019 = arith.constant 0 : index
    %get3A_3020 = vector.load %arg4[%get3A_3018, %get3A_3019] : memref<8192x32xbf16, #tpu.memory_space<vmem>>, vector<32x32xbf16>
    %dot_general3A_3021 = arith.constant dense<0.000000e+00> : vector<32x256xf32>
    %dot_general3A_3022 = tpu.matmul %get3A_3020, %get3A_4, %dot_general3A_3021 {dimension_numbers = #tpu.dot_dimension_numbers<[1], [0], [0], [1], [0, 0, 1, 1], [], []>, transpose_lhs_hint = false} : vector<32x32xbf16>, vector<32x256xbf16>, vector<32x256xf32> -> vector<32x256xf32>
    %get3A_3023 = arith.constant 5568 : index
    %get3A_3024 = arith.constant 0 : index
    %get3A_3025 = vector.load %arg2[%get3A_3023, %get3A_3024] : memref<8192x1xf32, #tpu.memory_space<vmem>>, vector<32x1xf32>
    %add3A_3026 = vector.broadcast %get3A_1 : vector<1x256xf32> to vector<32x256xf32>
    %add3A_3027 = vector.broadcast %get3A_3025 : vector<32x1xf32> to vector<32x256xf32>
    %add3A_3028 = arith.addf %add3A_3026, %add3A_3027 : vector<32x256xf32>
    %sub3A_3029 = arith.subf %add3A_3028, %dot_general3A_3022 : vector<32x256xf32>
    %lt3A_3030 = arith.cmpf olt, %sub3A_3029, %select_n3A_3014 : vector<32x256xf32>
    %select_n3A_3031 = arith.select %lt3A_3030, %sub3A_3029, %select_n3A_3014 : vector<32x256xi1>, vector<32x256xf32>
    %jit3A_3032 = arith.constant 174 : i32
    %broadcast_in_dim3A_3033 = vector.broadcast %jit3A_3032 : i32 to vector<32x256xi32>
    %select_n3A_3034 = arith.select %lt3A_3030, %broadcast_in_dim3A_3033, %select_n3A_3017 : vector<32x256xi1>, vector<32x256xi32>
    %get3A_3035 = arith.constant 5600 : index
    %get3A_3036 = arith.constant 0 : index
    %get3A_3037 = vector.load %arg4[%get3A_3035, %get3A_3036] : memref<8192x32xbf16, #tpu.memory_space<vmem>>, vector<32x32xbf16>
    %dot_general3A_3038 = arith.constant dense<0.000000e+00> : vector<32x256xf32>
    %dot_general3A_3039 = tpu.matmul %get3A_3037, %get3A_4, %dot_general3A_3038 {dimension_numbers = #tpu.dot_dimension_numbers<[1], [0], [0], [1], [0, 0, 1, 1], [], []>, transpose_lhs_hint = false} : vector<32x32xbf16>, vector<32x256xbf16>, vector<32x256xf32> -> vector<32x256xf32>
    %get3A_3040 = arith.constant 5600 : index
    %get3A_3041 = arith.constant 0 : index
    %get3A_3042 = vector.load %arg2[%get3A_3040, %get3A_3041] : memref<8192x1xf32, #tpu.memory_space<vmem>>, vector<32x1xf32>
    %add3A_3043 = vector.broadcast %get3A_1 : vector<1x256xf32> to vector<32x256xf32>
    %add3A_3044 = vector.broadcast %get3A_3042 : vector<32x1xf32> to vector<32x256xf32>
    %add3A_3045 = arith.addf %add3A_3043, %add3A_3044 : vector<32x256xf32>
    %sub3A_3046 = arith.subf %add3A_3045, %dot_general3A_3039 : vector<32x256xf32>
    %lt3A_3047 = arith.cmpf olt, %sub3A_3046, %select_n3A_3031 : vector<32x256xf32>
    %select_n3A_3048 = arith.select %lt3A_3047, %sub3A_3046, %select_n3A_3031 : vector<32x256xi1>, vector<32x256xf32>
    %jit3A_3049 = arith.constant 175 : i32
    %broadcast_in_dim3A_3050 = vector.broadcast %jit3A_3049 : i32 to vector<32x256xi32>
    %select_n3A_3051 = arith.select %lt3A_3047, %broadcast_in_dim3A_3050, %select_n3A_3034 : vector<32x256xi1>, vector<32x256xi32>
    %get3A_3052 = arith.constant 5632 : index
    %get3A_3053 = arith.constant 0 : index
    %get3A_3054 = vector.load %arg4[%get3A_3052, %get3A_3053] : memref<8192x32xbf16, #tpu.memory_space<vmem>>, vector<32x32xbf16>
    %dot_general3A_3055 = arith.constant dense<0.000000e+00> : vector<32x256xf32>
    %dot_general3A_3056 = tpu.matmul %get3A_3054, %get3A_4, %dot_general3A_3055 {dimension_numbers = #tpu.dot_dimension_numbers<[1], [0], [0], [1], [0, 0, 1, 1], [], []>, transpose_lhs_hint = false} : vector<32x32xbf16>, vector<32x256xbf16>, vector<32x256xf32> -> vector<32x256xf32>
    %get3A_3057 = arith.constant 5632 : index
    %get3A_3058 = arith.constant 0 : index
    %get3A_3059 = vector.load %arg2[%get3A_3057, %get3A_3058] : memref<8192x1xf32, #tpu.memory_space<vmem>>, vector<32x1xf32>
    %add3A_3060 = vector.broadcast %get3A_1 : vector<1x256xf32> to vector<32x256xf32>
    %add3A_3061 = vector.broadcast %get3A_3059 : vector<32x1xf32> to vector<32x256xf32>
    %add3A_3062 = arith.addf %add3A_3060, %add3A_3061 : vector<32x256xf32>
    %sub3A_3063 = arith.subf %add3A_3062, %dot_general3A_3056 : vector<32x256xf32>
    %lt3A_3064 = arith.cmpf olt, %sub3A_3063, %select_n3A_3048 : vector<32x256xf32>
    %select_n3A_3065 = arith.select %lt3A_3064, %sub3A_3063, %select_n3A_3048 : vector<32x256xi1>, vector<32x256xf32>
    %jit3A_3066 = arith.constant 176 : i32
    %broadcast_in_dim3A_3067 = vector.broadcast %jit3A_3066 : i32 to vector<32x256xi32>
    %select_n3A_3068 = arith.select %lt3A_3064, %broadcast_in_dim3A_3067, %select_n3A_3051 : vector<32x256xi1>, vector<32x256xi32>
    %get3A_3069 = arith.constant 5664 : index
    %get3A_3070 = arith.constant 0 : index
    %get3A_3071 = vector.load %arg4[%get3A_3069, %get3A_3070] : memref<8192x32xbf16, #tpu.memory_space<vmem>>, vector<32x32xbf16>
    %dot_general3A_3072 = arith.constant dense<0.000000e+00> : vector<32x256xf32>
    %dot_general3A_3073 = tpu.matmul %get3A_3071, %get3A_4, %dot_general3A_3072 {dimension_numbers = #tpu.dot_dimension_numbers<[1], [0], [0], [1], [0, 0, 1, 1], [], []>, transpose_lhs_hint = false} : vector<32x32xbf16>, vector<32x256xbf16>, vector<32x256xf32> -> vector<32x256xf32>
    %get3A_3074 = arith.constant 5664 : index
    %get3A_3075 = arith.constant 0 : index
    %get3A_3076 = vector.load %arg2[%get3A_3074, %get3A_3075] : memref<8192x1xf32, #tpu.memory_space<vmem>>, vector<32x1xf32>
    %add3A_3077 = vector.broadcast %get3A_1 : vector<1x256xf32> to vector<32x256xf32>
    %add3A_3078 = vector.broadcast %get3A_3076 : vector<32x1xf32> to vector<32x256xf32>
    %add3A_3079 = arith.addf %add3A_3077, %add3A_3078 : vector<32x256xf32>
    %sub3A_3080 = arith.subf %add3A_3079, %dot_general3A_3073 : vector<32x256xf32>
    %lt3A_3081 = arith.cmpf olt, %sub3A_3080, %select_n3A_3065 : vector<32x256xf32>
    %select_n3A_3082 = arith.select %lt3A_3081, %sub3A_3080, %select_n3A_3065 : vector<32x256xi1>, vector<32x256xf32>
    %jit3A_3083 = arith.constant 177 : i32
    %broadcast_in_dim3A_3084 = vector.broadcast %jit3A_3083 : i32 to vector<32x256xi32>
    %select_n3A_3085 = arith.select %lt3A_3081, %broadcast_in_dim3A_3084, %select_n3A_3068 : vector<32x256xi1>, vector<32x256xi32>
    %get3A_3086 = arith.constant 5696 : index
    %get3A_3087 = arith.constant 0 : index
    %get3A_3088 = vector.load %arg4[%get3A_3086, %get3A_3087] : memref<8192x32xbf16, #tpu.memory_space<vmem>>, vector<32x32xbf16>
    %dot_general3A_3089 = arith.constant dense<0.000000e+00> : vector<32x256xf32>
    %dot_general3A_3090 = tpu.matmul %get3A_3088, %get3A_4, %dot_general3A_3089 {dimension_numbers = #tpu.dot_dimension_numbers<[1], [0], [0], [1], [0, 0, 1, 1], [], []>, transpose_lhs_hint = false} : vector<32x32xbf16>, vector<32x256xbf16>, vector<32x256xf32> -> vector<32x256xf32>
    %get3A_3091 = arith.constant 5696 : index
    %get3A_3092 = arith.constant 0 : index
    %get3A_3093 = vector.load %arg2[%get3A_3091, %get3A_3092] : memref<8192x1xf32, #tpu.memory_space<vmem>>, vector<32x1xf32>
    %add3A_3094 = vector.broadcast %get3A_1 : vector<1x256xf32> to vector<32x256xf32>
    %add3A_3095 = vector.broadcast %get3A_3093 : vector<32x1xf32> to vector<32x256xf32>
    %add3A_3096 = arith.addf %add3A_3094, %add3A_3095 : vector<32x256xf32>
    %sub3A_3097 = arith.subf %add3A_3096, %dot_general3A_3090 : vector<32x256xf32>
    %lt3A_3098 = arith.cmpf olt, %sub3A_3097, %select_n3A_3082 : vector<32x256xf32>
    %select_n3A_3099 = arith.select %lt3A_3098, %sub3A_3097, %select_n3A_3082 : vector<32x256xi1>, vector<32x256xf32>
    %jit3A_3100 = arith.constant 178 : i32
    %broadcast_in_dim3A_3101 = vector.broadcast %jit3A_3100 : i32 to vector<32x256xi32>
    %select_n3A_3102 = arith.select %lt3A_3098, %broadcast_in_dim3A_3101, %select_n3A_3085 : vector<32x256xi1>, vector<32x256xi32>
    %get3A_3103 = arith.constant 5728 : index
    %get3A_3104 = arith.constant 0 : index
    %get3A_3105 = vector.load %arg4[%get3A_3103, %get3A_3104] : memref<8192x32xbf16, #tpu.memory_space<vmem>>, vector<32x32xbf16>
    %dot_general3A_3106 = arith.constant dense<0.000000e+00> : vector<32x256xf32>
    %dot_general3A_3107 = tpu.matmul %get3A_3105, %get3A_4, %dot_general3A_3106 {dimension_numbers = #tpu.dot_dimension_numbers<[1], [0], [0], [1], [0, 0, 1, 1], [], []>, transpose_lhs_hint = false} : vector<32x32xbf16>, vector<32x256xbf16>, vector<32x256xf32> -> vector<32x256xf32>
    %get3A_3108 = arith.constant 5728 : index
    %get3A_3109 = arith.constant 0 : index
    %get3A_3110 = vector.load %arg2[%get3A_3108, %get3A_3109] : memref<8192x1xf32, #tpu.memory_space<vmem>>, vector<32x1xf32>
    %add3A_3111 = vector.broadcast %get3A_1 : vector<1x256xf32> to vector<32x256xf32>
    %add3A_3112 = vector.broadcast %get3A_3110 : vector<32x1xf32> to vector<32x256xf32>
    %add3A_3113 = arith.addf %add3A_3111, %add3A_3112 : vector<32x256xf32>
    %sub3A_3114 = arith.subf %add3A_3113, %dot_general3A_3107 : vector<32x256xf32>
    %lt3A_3115 = arith.cmpf olt, %sub3A_3114, %select_n3A_3099 : vector<32x256xf32>
    %select_n3A_3116 = arith.select %lt3A_3115, %sub3A_3114, %select_n3A_3099 : vector<32x256xi1>, vector<32x256xf32>
    %jit3A_3117 = arith.constant 179 : i32
    %broadcast_in_dim3A_3118 = vector.broadcast %jit3A_3117 : i32 to vector<32x256xi32>
    %select_n3A_3119 = arith.select %lt3A_3115, %broadcast_in_dim3A_3118, %select_n3A_3102 : vector<32x256xi1>, vector<32x256xi32>
    %get3A_3120 = arith.constant 5760 : index
    %get3A_3121 = arith.constant 0 : index
    %get3A_3122 = vector.load %arg4[%get3A_3120, %get3A_3121] : memref<8192x32xbf16, #tpu.memory_space<vmem>>, vector<32x32xbf16>
    %dot_general3A_3123 = arith.constant dense<0.000000e+00> : vector<32x256xf32>
    %dot_general3A_3124 = tpu.matmul %get3A_3122, %get3A_4, %dot_general3A_3123 {dimension_numbers = #tpu.dot_dimension_numbers<[1], [0], [0], [1], [0, 0, 1, 1], [], []>, transpose_lhs_hint = false} : vector<32x32xbf16>, vector<32x256xbf16>, vector<32x256xf32> -> vector<32x256xf32>
    %get3A_3125 = arith.constant 5760 : index
    %get3A_3126 = arith.constant 0 : index
    %get3A_3127 = vector.load %arg2[%get3A_3125, %get3A_3126] : memref<8192x1xf32, #tpu.memory_space<vmem>>, vector<32x1xf32>
    %add3A_3128 = vector.broadcast %get3A_1 : vector<1x256xf32> to vector<32x256xf32>
    %add3A_3129 = vector.broadcast %get3A_3127 : vector<32x1xf32> to vector<32x256xf32>
    %add3A_3130 = arith.addf %add3A_3128, %add3A_3129 : vector<32x256xf32>
    %sub3A_3131 = arith.subf %add3A_3130, %dot_general3A_3124 : vector<32x256xf32>
    %lt3A_3132 = arith.cmpf olt, %sub3A_3131, %select_n3A_3116 : vector<32x256xf32>
    %select_n3A_3133 = arith.select %lt3A_3132, %sub3A_3131, %select_n3A_3116 : vector<32x256xi1>, vector<32x256xf32>
    %jit3A_3134 = arith.constant 180 : i32
    %broadcast_in_dim3A_3135 = vector.broadcast %jit3A_3134 : i32 to vector<32x256xi32>
    %select_n3A_3136 = arith.select %lt3A_3132, %broadcast_in_dim3A_3135, %select_n3A_3119 : vector<32x256xi1>, vector<32x256xi32>
    %get3A_3137 = arith.constant 5792 : index
    %get3A_3138 = arith.constant 0 : index
    %get3A_3139 = vector.load %arg4[%get3A_3137, %get3A_3138] : memref<8192x32xbf16, #tpu.memory_space<vmem>>, vector<32x32xbf16>
    %dot_general3A_3140 = arith.constant dense<0.000000e+00> : vector<32x256xf32>
    %dot_general3A_3141 = tpu.matmul %get3A_3139, %get3A_4, %dot_general3A_3140 {dimension_numbers = #tpu.dot_dimension_numbers<[1], [0], [0], [1], [0, 0, 1, 1], [], []>, transpose_lhs_hint = false} : vector<32x32xbf16>, vector<32x256xbf16>, vector<32x256xf32> -> vector<32x256xf32>
    %get3A_3142 = arith.constant 5792 : index
    %get3A_3143 = arith.constant 0 : index
    %get3A_3144 = vector.load %arg2[%get3A_3142, %get3A_3143] : memref<8192x1xf32, #tpu.memory_space<vmem>>, vector<32x1xf32>
    %add3A_3145 = vector.broadcast %get3A_1 : vector<1x256xf32> to vector<32x256xf32>
    %add3A_3146 = vector.broadcast %get3A_3144 : vector<32x1xf32> to vector<32x256xf32>
    %add3A_3147 = arith.addf %add3A_3145, %add3A_3146 : vector<32x256xf32>
    %sub3A_3148 = arith.subf %add3A_3147, %dot_general3A_3141 : vector<32x256xf32>
    %lt3A_3149 = arith.cmpf olt, %sub3A_3148, %select_n3A_3133 : vector<32x256xf32>
    %select_n3A_3150 = arith.select %lt3A_3149, %sub3A_3148, %select_n3A_3133 : vector<32x256xi1>, vector<32x256xf32>
    %jit3A_3151 = arith.constant 181 : i32
    %broadcast_in_dim3A_3152 = vector.broadcast %jit3A_3151 : i32 to vector<32x256xi32>
    %select_n3A_3153 = arith.select %lt3A_3149, %broadcast_in_dim3A_3152, %select_n3A_3136 : vector<32x256xi1>, vector<32x256xi32>
    %get3A_3154 = arith.constant 5824 : index
    %get3A_3155 = arith.constant 0 : index
    %get3A_3156 = vector.load %arg4[%get3A_3154, %get3A_3155] : memref<8192x32xbf16, #tpu.memory_space<vmem>>, vector<32x32xbf16>
    %dot_general3A_3157 = arith.constant dense<0.000000e+00> : vector<32x256xf32>
    %dot_general3A_3158 = tpu.matmul %get3A_3156, %get3A_4, %dot_general3A_3157 {dimension_numbers = #tpu.dot_dimension_numbers<[1], [0], [0], [1], [0, 0, 1, 1], [], []>, transpose_lhs_hint = false} : vector<32x32xbf16>, vector<32x256xbf16>, vector<32x256xf32> -> vector<32x256xf32>
    %get3A_3159 = arith.constant 5824 : index
    %get3A_3160 = arith.constant 0 : index
    %get3A_3161 = vector.load %arg2[%get3A_3159, %get3A_3160] : memref<8192x1xf32, #tpu.memory_space<vmem>>, vector<32x1xf32>
    %add3A_3162 = vector.broadcast %get3A_1 : vector<1x256xf32> to vector<32x256xf32>
    %add3A_3163 = vector.broadcast %get3A_3161 : vector<32x1xf32> to vector<32x256xf32>
    %add3A_3164 = arith.addf %add3A_3162, %add3A_3163 : vector<32x256xf32>
    %sub3A_3165 = arith.subf %add3A_3164, %dot_general3A_3158 : vector<32x256xf32>
    %lt3A_3166 = arith.cmpf olt, %sub3A_3165, %select_n3A_3150 : vector<32x256xf32>
    %select_n3A_3167 = arith.select %lt3A_3166, %sub3A_3165, %select_n3A_3150 : vector<32x256xi1>, vector<32x256xf32>
    %jit3A_3168 = arith.constant 182 : i32
    %broadcast_in_dim3A_3169 = vector.broadcast %jit3A_3168 : i32 to vector<32x256xi32>
    %select_n3A_3170 = arith.select %lt3A_3166, %broadcast_in_dim3A_3169, %select_n3A_3153 : vector<32x256xi1>, vector<32x256xi32>
    %get3A_3171 = arith.constant 5856 : index
    %get3A_3172 = arith.constant 0 : index
    %get3A_3173 = vector.load %arg4[%get3A_3171, %get3A_3172] : memref<8192x32xbf16, #tpu.memory_space<vmem>>, vector<32x32xbf16>
    %dot_general3A_3174 = arith.constant dense<0.000000e+00> : vector<32x256xf32>
    %dot_general3A_3175 = tpu.matmul %get3A_3173, %get3A_4, %dot_general3A_3174 {dimension_numbers = #tpu.dot_dimension_numbers<[1], [0], [0], [1], [0, 0, 1, 1], [], []>, transpose_lhs_hint = false} : vector<32x32xbf16>, vector<32x256xbf16>, vector<32x256xf32> -> vector<32x256xf32>
    %get3A_3176 = arith.constant 5856 : index
    %get3A_3177 = arith.constant 0 : index
    %get3A_3178 = vector.load %arg2[%get3A_3176, %get3A_3177] : memref<8192x1xf32, #tpu.memory_space<vmem>>, vector<32x1xf32>
    %add3A_3179 = vector.broadcast %get3A_1 : vector<1x256xf32> to vector<32x256xf32>
    %add3A_3180 = vector.broadcast %get3A_3178 : vector<32x1xf32> to vector<32x256xf32>
    %add3A_3181 = arith.addf %add3A_3179, %add3A_3180 : vector<32x256xf32>
    %sub3A_3182 = arith.subf %add3A_3181, %dot_general3A_3175 : vector<32x256xf32>
    %lt3A_3183 = arith.cmpf olt, %sub3A_3182, %select_n3A_3167 : vector<32x256xf32>
    %select_n3A_3184 = arith.select %lt3A_3183, %sub3A_3182, %select_n3A_3167 : vector<32x256xi1>, vector<32x256xf32>
    %jit3A_3185 = arith.constant 183 : i32
    %broadcast_in_dim3A_3186 = vector.broadcast %jit3A_3185 : i32 to vector<32x256xi32>
    %select_n3A_3187 = arith.select %lt3A_3183, %broadcast_in_dim3A_3186, %select_n3A_3170 : vector<32x256xi1>, vector<32x256xi32>
    %get3A_3188 = arith.constant 5888 : index
    %get3A_3189 = arith.constant 0 : index
    %get3A_3190 = vector.load %arg4[%get3A_3188, %get3A_3189] : memref<8192x32xbf16, #tpu.memory_space<vmem>>, vector<32x32xbf16>
    %dot_general3A_3191 = arith.constant dense<0.000000e+00> : vector<32x256xf32>
    %dot_general3A_3192 = tpu.matmul %get3A_3190, %get3A_4, %dot_general3A_3191 {dimension_numbers = #tpu.dot_dimension_numbers<[1], [0], [0], [1], [0, 0, 1, 1], [], []>, transpose_lhs_hint = false} : vector<32x32xbf16>, vector<32x256xbf16>, vector<32x256xf32> -> vector<32x256xf32>
    %get3A_3193 = arith.constant 5888 : index
    %get3A_3194 = arith.constant 0 : index
    %get3A_3195 = vector.load %arg2[%get3A_3193, %get3A_3194] : memref<8192x1xf32, #tpu.memory_space<vmem>>, vector<32x1xf32>
    %add3A_3196 = vector.broadcast %get3A_1 : vector<1x256xf32> to vector<32x256xf32>
    %add3A_3197 = vector.broadcast %get3A_3195 : vector<32x1xf32> to vector<32x256xf32>
    %add3A_3198 = arith.addf %add3A_3196, %add3A_3197 : vector<32x256xf32>
    %sub3A_3199 = arith.subf %add3A_3198, %dot_general3A_3192 : vector<32x256xf32>
    %lt3A_3200 = arith.cmpf olt, %sub3A_3199, %select_n3A_3184 : vector<32x256xf32>
    %select_n3A_3201 = arith.select %lt3A_3200, %sub3A_3199, %select_n3A_3184 : vector<32x256xi1>, vector<32x256xf32>
    %jit3A_3202 = arith.constant 184 : i32
    %broadcast_in_dim3A_3203 = vector.broadcast %jit3A_3202 : i32 to vector<32x256xi32>
    %select_n3A_3204 = arith.select %lt3A_3200, %broadcast_in_dim3A_3203, %select_n3A_3187 : vector<32x256xi1>, vector<32x256xi32>
    %get3A_3205 = arith.constant 5920 : index
    %get3A_3206 = arith.constant 0 : index
    %get3A_3207 = vector.load %arg4[%get3A_3205, %get3A_3206] : memref<8192x32xbf16, #tpu.memory_space<vmem>>, vector<32x32xbf16>
    %dot_general3A_3208 = arith.constant dense<0.000000e+00> : vector<32x256xf32>
    %dot_general3A_3209 = tpu.matmul %get3A_3207, %get3A_4, %dot_general3A_3208 {dimension_numbers = #tpu.dot_dimension_numbers<[1], [0], [0], [1], [0, 0, 1, 1], [], []>, transpose_lhs_hint = false} : vector<32x32xbf16>, vector<32x256xbf16>, vector<32x256xf32> -> vector<32x256xf32>
    %get3A_3210 = arith.constant 5920 : index
    %get3A_3211 = arith.constant 0 : index
    %get3A_3212 = vector.load %arg2[%get3A_3210, %get3A_3211] : memref<8192x1xf32, #tpu.memory_space<vmem>>, vector<32x1xf32>
    %add3A_3213 = vector.broadcast %get3A_1 : vector<1x256xf32> to vector<32x256xf32>
    %add3A_3214 = vector.broadcast %get3A_3212 : vector<32x1xf32> to vector<32x256xf32>
    %add3A_3215 = arith.addf %add3A_3213, %add3A_3214 : vector<32x256xf32>
    %sub3A_3216 = arith.subf %add3A_3215, %dot_general3A_3209 : vector<32x256xf32>
    %lt3A_3217 = arith.cmpf olt, %sub3A_3216, %select_n3A_3201 : vector<32x256xf32>
    %select_n3A_3218 = arith.select %lt3A_3217, %sub3A_3216, %select_n3A_3201 : vector<32x256xi1>, vector<32x256xf32>
    %jit3A_3219 = arith.constant 185 : i32
    %broadcast_in_dim3A_3220 = vector.broadcast %jit3A_3219 : i32 to vector<32x256xi32>
    %select_n3A_3221 = arith.select %lt3A_3217, %broadcast_in_dim3A_3220, %select_n3A_3204 : vector<32x256xi1>, vector<32x256xi32>
    %get3A_3222 = arith.constant 5952 : index
    %get3A_3223 = arith.constant 0 : index
    %get3A_3224 = vector.load %arg4[%get3A_3222, %get3A_3223] : memref<8192x32xbf16, #tpu.memory_space<vmem>>, vector<32x32xbf16>
    %dot_general3A_3225 = arith.constant dense<0.000000e+00> : vector<32x256xf32>
    %dot_general3A_3226 = tpu.matmul %get3A_3224, %get3A_4, %dot_general3A_3225 {dimension_numbers = #tpu.dot_dimension_numbers<[1], [0], [0], [1], [0, 0, 1, 1], [], []>, transpose_lhs_hint = false} : vector<32x32xbf16>, vector<32x256xbf16>, vector<32x256xf32> -> vector<32x256xf32>
    %get3A_3227 = arith.constant 5952 : index
    %get3A_3228 = arith.constant 0 : index
    %get3A_3229 = vector.load %arg2[%get3A_3227, %get3A_3228] : memref<8192x1xf32, #tpu.memory_space<vmem>>, vector<32x1xf32>
    %add3A_3230 = vector.broadcast %get3A_1 : vector<1x256xf32> to vector<32x256xf32>
    %add3A_3231 = vector.broadcast %get3A_3229 : vector<32x1xf32> to vector<32x256xf32>
    %add3A_3232 = arith.addf %add3A_3230, %add3A_3231 : vector<32x256xf32>
    %sub3A_3233 = arith.subf %add3A_3232, %dot_general3A_3226 : vector<32x256xf32>
    %lt3A_3234 = arith.cmpf olt, %sub3A_3233, %select_n3A_3218 : vector<32x256xf32>
    %select_n3A_3235 = arith.select %lt3A_3234, %sub3A_3233, %select_n3A_3218 : vector<32x256xi1>, vector<32x256xf32>
    %jit3A_3236 = arith.constant 186 : i32
    %broadcast_in_dim3A_3237 = vector.broadcast %jit3A_3236 : i32 to vector<32x256xi32>
    %select_n3A_3238 = arith.select %lt3A_3234, %broadcast_in_dim3A_3237, %select_n3A_3221 : vector<32x256xi1>, vector<32x256xi32>
    %get3A_3239 = arith.constant 5984 : index
    %get3A_3240 = arith.constant 0 : index
    %get3A_3241 = vector.load %arg4[%get3A_3239, %get3A_3240] : memref<8192x32xbf16, #tpu.memory_space<vmem>>, vector<32x32xbf16>
    %dot_general3A_3242 = arith.constant dense<0.000000e+00> : vector<32x256xf32>
    %dot_general3A_3243 = tpu.matmul %get3A_3241, %get3A_4, %dot_general3A_3242 {dimension_numbers = #tpu.dot_dimension_numbers<[1], [0], [0], [1], [0, 0, 1, 1], [], []>, transpose_lhs_hint = false} : vector<32x32xbf16>, vector<32x256xbf16>, vector<32x256xf32> -> vector<32x256xf32>
    %get3A_3244 = arith.constant 5984 : index
    %get3A_3245 = arith.constant 0 : index
    %get3A_3246 = vector.load %arg2[%get3A_3244, %get3A_3245] : memref<8192x1xf32, #tpu.memory_space<vmem>>, vector<32x1xf32>
    %add3A_3247 = vector.broadcast %get3A_1 : vector<1x256xf32> to vector<32x256xf32>
    %add3A_3248 = vector.broadcast %get3A_3246 : vector<32x1xf32> to vector<32x256xf32>
    %add3A_3249 = arith.addf %add3A_3247, %add3A_3248 : vector<32x256xf32>
    %sub3A_3250 = arith.subf %add3A_3249, %dot_general3A_3243 : vector<32x256xf32>
    %lt3A_3251 = arith.cmpf olt, %sub3A_3250, %select_n3A_3235 : vector<32x256xf32>
    %select_n3A_3252 = arith.select %lt3A_3251, %sub3A_3250, %select_n3A_3235 : vector<32x256xi1>, vector<32x256xf32>
    %jit3A_3253 = arith.constant 187 : i32
    %broadcast_in_dim3A_3254 = vector.broadcast %jit3A_3253 : i32 to vector<32x256xi32>
    %select_n3A_3255 = arith.select %lt3A_3251, %broadcast_in_dim3A_3254, %select_n3A_3238 : vector<32x256xi1>, vector<32x256xi32>
    %get3A_3256 = arith.constant 6016 : index
    %get3A_3257 = arith.constant 0 : index
    %get3A_3258 = vector.load %arg4[%get3A_3256, %get3A_3257] : memref<8192x32xbf16, #tpu.memory_space<vmem>>, vector<32x32xbf16>
    %dot_general3A_3259 = arith.constant dense<0.000000e+00> : vector<32x256xf32>
    %dot_general3A_3260 = tpu.matmul %get3A_3258, %get3A_4, %dot_general3A_3259 {dimension_numbers = #tpu.dot_dimension_numbers<[1], [0], [0], [1], [0, 0, 1, 1], [], []>, transpose_lhs_hint = false} : vector<32x32xbf16>, vector<32x256xbf16>, vector<32x256xf32> -> vector<32x256xf32>
    %get3A_3261 = arith.constant 6016 : index
    %get3A_3262 = arith.constant 0 : index
    %get3A_3263 = vector.load %arg2[%get3A_3261, %get3A_3262] : memref<8192x1xf32, #tpu.memory_space<vmem>>, vector<32x1xf32>
    %add3A_3264 = vector.broadcast %get3A_1 : vector<1x256xf32> to vector<32x256xf32>
    %add3A_3265 = vector.broadcast %get3A_3263 : vector<32x1xf32> to vector<32x256xf32>
    %add3A_3266 = arith.addf %add3A_3264, %add3A_3265 : vector<32x256xf32>
    %sub3A_3267 = arith.subf %add3A_3266, %dot_general3A_3260 : vector<32x256xf32>
    %lt3A_3268 = arith.cmpf olt, %sub3A_3267, %select_n3A_3252 : vector<32x256xf32>
    %select_n3A_3269 = arith.select %lt3A_3268, %sub3A_3267, %select_n3A_3252 : vector<32x256xi1>, vector<32x256xf32>
    %jit3A_3270 = arith.constant 188 : i32
    %broadcast_in_dim3A_3271 = vector.broadcast %jit3A_3270 : i32 to vector<32x256xi32>
    %select_n3A_3272 = arith.select %lt3A_3268, %broadcast_in_dim3A_3271, %select_n3A_3255 : vector<32x256xi1>, vector<32x256xi32>
    %get3A_3273 = arith.constant 6048 : index
    %get3A_3274 = arith.constant 0 : index
    %get3A_3275 = vector.load %arg4[%get3A_3273, %get3A_3274] : memref<8192x32xbf16, #tpu.memory_space<vmem>>, vector<32x32xbf16>
    %dot_general3A_3276 = arith.constant dense<0.000000e+00> : vector<32x256xf32>
    %dot_general3A_3277 = tpu.matmul %get3A_3275, %get3A_4, %dot_general3A_3276 {dimension_numbers = #tpu.dot_dimension_numbers<[1], [0], [0], [1], [0, 0, 1, 1], [], []>, transpose_lhs_hint = false} : vector<32x32xbf16>, vector<32x256xbf16>, vector<32x256xf32> -> vector<32x256xf32>
    %get3A_3278 = arith.constant 6048 : index
    %get3A_3279 = arith.constant 0 : index
    %get3A_3280 = vector.load %arg2[%get3A_3278, %get3A_3279] : memref<8192x1xf32, #tpu.memory_space<vmem>>, vector<32x1xf32>
    %add3A_3281 = vector.broadcast %get3A_1 : vector<1x256xf32> to vector<32x256xf32>
    %add3A_3282 = vector.broadcast %get3A_3280 : vector<32x1xf32> to vector<32x256xf32>
    %add3A_3283 = arith.addf %add3A_3281, %add3A_3282 : vector<32x256xf32>
    %sub3A_3284 = arith.subf %add3A_3283, %dot_general3A_3277 : vector<32x256xf32>
    %lt3A_3285 = arith.cmpf olt, %sub3A_3284, %select_n3A_3269 : vector<32x256xf32>
    %select_n3A_3286 = arith.select %lt3A_3285, %sub3A_3284, %select_n3A_3269 : vector<32x256xi1>, vector<32x256xf32>
    %jit3A_3287 = arith.constant 189 : i32
    %broadcast_in_dim3A_3288 = vector.broadcast %jit3A_3287 : i32 to vector<32x256xi32>
    %select_n3A_3289 = arith.select %lt3A_3285, %broadcast_in_dim3A_3288, %select_n3A_3272 : vector<32x256xi1>, vector<32x256xi32>
    %get3A_3290 = arith.constant 6080 : index
    %get3A_3291 = arith.constant 0 : index
    %get3A_3292 = vector.load %arg4[%get3A_3290, %get3A_3291] : memref<8192x32xbf16, #tpu.memory_space<vmem>>, vector<32x32xbf16>
    %dot_general3A_3293 = arith.constant dense<0.000000e+00> : vector<32x256xf32>
    %dot_general3A_3294 = tpu.matmul %get3A_3292, %get3A_4, %dot_general3A_3293 {dimension_numbers = #tpu.dot_dimension_numbers<[1], [0], [0], [1], [0, 0, 1, 1], [], []>, transpose_lhs_hint = false} : vector<32x32xbf16>, vector<32x256xbf16>, vector<32x256xf32> -> vector<32x256xf32>
    %get3A_3295 = arith.constant 6080 : index
    %get3A_3296 = arith.constant 0 : index
    %get3A_3297 = vector.load %arg2[%get3A_3295, %get3A_3296] : memref<8192x1xf32, #tpu.memory_space<vmem>>, vector<32x1xf32>
    %add3A_3298 = vector.broadcast %get3A_1 : vector<1x256xf32> to vector<32x256xf32>
    %add3A_3299 = vector.broadcast %get3A_3297 : vector<32x1xf32> to vector<32x256xf32>
    %add3A_3300 = arith.addf %add3A_3298, %add3A_3299 : vector<32x256xf32>
    %sub3A_3301 = arith.subf %add3A_3300, %dot_general3A_3294 : vector<32x256xf32>
    %lt3A_3302 = arith.cmpf olt, %sub3A_3301, %select_n3A_3286 : vector<32x256xf32>
    %select_n3A_3303 = arith.select %lt3A_3302, %sub3A_3301, %select_n3A_3286 : vector<32x256xi1>, vector<32x256xf32>
    %jit3A_3304 = arith.constant 190 : i32
    %broadcast_in_dim3A_3305 = vector.broadcast %jit3A_3304 : i32 to vector<32x256xi32>
    %select_n3A_3306 = arith.select %lt3A_3302, %broadcast_in_dim3A_3305, %select_n3A_3289 : vector<32x256xi1>, vector<32x256xi32>
    %get3A_3307 = arith.constant 6112 : index
    %get3A_3308 = arith.constant 0 : index
    %get3A_3309 = vector.load %arg4[%get3A_3307, %get3A_3308] : memref<8192x32xbf16, #tpu.memory_space<vmem>>, vector<32x32xbf16>
    %dot_general3A_3310 = arith.constant dense<0.000000e+00> : vector<32x256xf32>
    %dot_general3A_3311 = tpu.matmul %get3A_3309, %get3A_4, %dot_general3A_3310 {dimension_numbers = #tpu.dot_dimension_numbers<[1], [0], [0], [1], [0, 0, 1, 1], [], []>, transpose_lhs_hint = false} : vector<32x32xbf16>, vector<32x256xbf16>, vector<32x256xf32> -> vector<32x256xf32>
    %get3A_3312 = arith.constant 6112 : index
    %get3A_3313 = arith.constant 0 : index
    %get3A_3314 = vector.load %arg2[%get3A_3312, %get3A_3313] : memref<8192x1xf32, #tpu.memory_space<vmem>>, vector<32x1xf32>
    %add3A_3315 = vector.broadcast %get3A_1 : vector<1x256xf32> to vector<32x256xf32>
    %add3A_3316 = vector.broadcast %get3A_3314 : vector<32x1xf32> to vector<32x256xf32>
    %add3A_3317 = arith.addf %add3A_3315, %add3A_3316 : vector<32x256xf32>
    %sub3A_3318 = arith.subf %add3A_3317, %dot_general3A_3311 : vector<32x256xf32>
    %lt3A_3319 = arith.cmpf olt, %sub3A_3318, %select_n3A_3303 : vector<32x256xf32>
    %select_n3A_3320 = arith.select %lt3A_3319, %sub3A_3318, %select_n3A_3303 : vector<32x256xi1>, vector<32x256xf32>
    %jit3A_3321 = arith.constant 191 : i32
    %broadcast_in_dim3A_3322 = vector.broadcast %jit3A_3321 : i32 to vector<32x256xi32>
    %select_n3A_3323 = arith.select %lt3A_3319, %broadcast_in_dim3A_3322, %select_n3A_3306 : vector<32x256xi1>, vector<32x256xi32>
    %get3A_3324 = arith.constant 6144 : index
    %get3A_3325 = arith.constant 0 : index
    %get3A_3326 = vector.load %arg4[%get3A_3324, %get3A_3325] : memref<8192x32xbf16, #tpu.memory_space<vmem>>, vector<32x32xbf16>
    %dot_general3A_3327 = arith.constant dense<0.000000e+00> : vector<32x256xf32>
    %dot_general3A_3328 = tpu.matmul %get3A_3326, %get3A_4, %dot_general3A_3327 {dimension_numbers = #tpu.dot_dimension_numbers<[1], [0], [0], [1], [0, 0, 1, 1], [], []>, transpose_lhs_hint = false} : vector<32x32xbf16>, vector<32x256xbf16>, vector<32x256xf32> -> vector<32x256xf32>
    %get3A_3329 = arith.constant 6144 : index
    %get3A_3330 = arith.constant 0 : index
    %get3A_3331 = vector.load %arg2[%get3A_3329, %get3A_3330] : memref<8192x1xf32, #tpu.memory_space<vmem>>, vector<32x1xf32>
    %add3A_3332 = vector.broadcast %get3A_1 : vector<1x256xf32> to vector<32x256xf32>
    %add3A_3333 = vector.broadcast %get3A_3331 : vector<32x1xf32> to vector<32x256xf32>
    %add3A_3334 = arith.addf %add3A_3332, %add3A_3333 : vector<32x256xf32>
    %sub3A_3335 = arith.subf %add3A_3334, %dot_general3A_3328 : vector<32x256xf32>
    %lt3A_3336 = arith.cmpf olt, %sub3A_3335, %select_n3A_3320 : vector<32x256xf32>
    %select_n3A_3337 = arith.select %lt3A_3336, %sub3A_3335, %select_n3A_3320 : vector<32x256xi1>, vector<32x256xf32>
    %jit3A_3338 = arith.constant 192 : i32
    %broadcast_in_dim3A_3339 = vector.broadcast %jit3A_3338 : i32 to vector<32x256xi32>
    %select_n3A_3340 = arith.select %lt3A_3336, %broadcast_in_dim3A_3339, %select_n3A_3323 : vector<32x256xi1>, vector<32x256xi32>
    %get3A_3341 = arith.constant 6176 : index
    %get3A_3342 = arith.constant 0 : index
    %get3A_3343 = vector.load %arg4[%get3A_3341, %get3A_3342] : memref<8192x32xbf16, #tpu.memory_space<vmem>>, vector<32x32xbf16>
    %dot_general3A_3344 = arith.constant dense<0.000000e+00> : vector<32x256xf32>
    %dot_general3A_3345 = tpu.matmul %get3A_3343, %get3A_4, %dot_general3A_3344 {dimension_numbers = #tpu.dot_dimension_numbers<[1], [0], [0], [1], [0, 0, 1, 1], [], []>, transpose_lhs_hint = false} : vector<32x32xbf16>, vector<32x256xbf16>, vector<32x256xf32> -> vector<32x256xf32>
    %get3A_3346 = arith.constant 6176 : index
    %get3A_3347 = arith.constant 0 : index
    %get3A_3348 = vector.load %arg2[%get3A_3346, %get3A_3347] : memref<8192x1xf32, #tpu.memory_space<vmem>>, vector<32x1xf32>
    %add3A_3349 = vector.broadcast %get3A_1 : vector<1x256xf32> to vector<32x256xf32>
    %add3A_3350 = vector.broadcast %get3A_3348 : vector<32x1xf32> to vector<32x256xf32>
    %add3A_3351 = arith.addf %add3A_3349, %add3A_3350 : vector<32x256xf32>
    %sub3A_3352 = arith.subf %add3A_3351, %dot_general3A_3345 : vector<32x256xf32>
    %lt3A_3353 = arith.cmpf olt, %sub3A_3352, %select_n3A_3337 : vector<32x256xf32>
    %select_n3A_3354 = arith.select %lt3A_3353, %sub3A_3352, %select_n3A_3337 : vector<32x256xi1>, vector<32x256xf32>
    %jit3A_3355 = arith.constant 193 : i32
    %broadcast_in_dim3A_3356 = vector.broadcast %jit3A_3355 : i32 to vector<32x256xi32>
    %select_n3A_3357 = arith.select %lt3A_3353, %broadcast_in_dim3A_3356, %select_n3A_3340 : vector<32x256xi1>, vector<32x256xi32>
    %get3A_3358 = arith.constant 6208 : index
    %get3A_3359 = arith.constant 0 : index
    %get3A_3360 = vector.load %arg4[%get3A_3358, %get3A_3359] : memref<8192x32xbf16, #tpu.memory_space<vmem>>, vector<32x32xbf16>
    %dot_general3A_3361 = arith.constant dense<0.000000e+00> : vector<32x256xf32>
    %dot_general3A_3362 = tpu.matmul %get3A_3360, %get3A_4, %dot_general3A_3361 {dimension_numbers = #tpu.dot_dimension_numbers<[1], [0], [0], [1], [0, 0, 1, 1], [], []>, transpose_lhs_hint = false} : vector<32x32xbf16>, vector<32x256xbf16>, vector<32x256xf32> -> vector<32x256xf32>
    %get3A_3363 = arith.constant 6208 : index
    %get3A_3364 = arith.constant 0 : index
    %get3A_3365 = vector.load %arg2[%get3A_3363, %get3A_3364] : memref<8192x1xf32, #tpu.memory_space<vmem>>, vector<32x1xf32>
    %add3A_3366 = vector.broadcast %get3A_1 : vector<1x256xf32> to vector<32x256xf32>
    %add3A_3367 = vector.broadcast %get3A_3365 : vector<32x1xf32> to vector<32x256xf32>
    %add3A_3368 = arith.addf %add3A_3366, %add3A_3367 : vector<32x256xf32>
    %sub3A_3369 = arith.subf %add3A_3368, %dot_general3A_3362 : vector<32x256xf32>
    %lt3A_3370 = arith.cmpf olt, %sub3A_3369, %select_n3A_3354 : vector<32x256xf32>
    %select_n3A_3371 = arith.select %lt3A_3370, %sub3A_3369, %select_n3A_3354 : vector<32x256xi1>, vector<32x256xf32>
    %jit3A_3372 = arith.constant 194 : i32
    %broadcast_in_dim3A_3373 = vector.broadcast %jit3A_3372 : i32 to vector<32x256xi32>
    %select_n3A_3374 = arith.select %lt3A_3370, %broadcast_in_dim3A_3373, %select_n3A_3357 : vector<32x256xi1>, vector<32x256xi32>
    %get3A_3375 = arith.constant 6240 : index
    %get3A_3376 = arith.constant 0 : index
    %get3A_3377 = vector.load %arg4[%get3A_3375, %get3A_3376] : memref<8192x32xbf16, #tpu.memory_space<vmem>>, vector<32x32xbf16>
    %dot_general3A_3378 = arith.constant dense<0.000000e+00> : vector<32x256xf32>
    %dot_general3A_3379 = tpu.matmul %get3A_3377, %get3A_4, %dot_general3A_3378 {dimension_numbers = #tpu.dot_dimension_numbers<[1], [0], [0], [1], [0, 0, 1, 1], [], []>, transpose_lhs_hint = false} : vector<32x32xbf16>, vector<32x256xbf16>, vector<32x256xf32> -> vector<32x256xf32>
    %get3A_3380 = arith.constant 6240 : index
    %get3A_3381 = arith.constant 0 : index
    %get3A_3382 = vector.load %arg2[%get3A_3380, %get3A_3381] : memref<8192x1xf32, #tpu.memory_space<vmem>>, vector<32x1xf32>
    %add3A_3383 = vector.broadcast %get3A_1 : vector<1x256xf32> to vector<32x256xf32>
    %add3A_3384 = vector.broadcast %get3A_3382 : vector<32x1xf32> to vector<32x256xf32>
    %add3A_3385 = arith.addf %add3A_3383, %add3A_3384 : vector<32x256xf32>
    %sub3A_3386 = arith.subf %add3A_3385, %dot_general3A_3379 : vector<32x256xf32>
    %lt3A_3387 = arith.cmpf olt, %sub3A_3386, %select_n3A_3371 : vector<32x256xf32>
    %select_n3A_3388 = arith.select %lt3A_3387, %sub3A_3386, %select_n3A_3371 : vector<32x256xi1>, vector<32x256xf32>
    %jit3A_3389 = arith.constant 195 : i32
    %broadcast_in_dim3A_3390 = vector.broadcast %jit3A_3389 : i32 to vector<32x256xi32>
    %select_n3A_3391 = arith.select %lt3A_3387, %broadcast_in_dim3A_3390, %select_n3A_3374 : vector<32x256xi1>, vector<32x256xi32>
    %get3A_3392 = arith.constant 6272 : index
    %get3A_3393 = arith.constant 0 : index
    %get3A_3394 = vector.load %arg4[%get3A_3392, %get3A_3393] : memref<8192x32xbf16, #tpu.memory_space<vmem>>, vector<32x32xbf16>
    %dot_general3A_3395 = arith.constant dense<0.000000e+00> : vector<32x256xf32>
    %dot_general3A_3396 = tpu.matmul %get3A_3394, %get3A_4, %dot_general3A_3395 {dimension_numbers = #tpu.dot_dimension_numbers<[1], [0], [0], [1], [0, 0, 1, 1], [], []>, transpose_lhs_hint = false} : vector<32x32xbf16>, vector<32x256xbf16>, vector<32x256xf32> -> vector<32x256xf32>
    %get3A_3397 = arith.constant 6272 : index
    %get3A_3398 = arith.constant 0 : index
    %get3A_3399 = vector.load %arg2[%get3A_3397, %get3A_3398] : memref<8192x1xf32, #tpu.memory_space<vmem>>, vector<32x1xf32>
    %add3A_3400 = vector.broadcast %get3A_1 : vector<1x256xf32> to vector<32x256xf32>
    %add3A_3401 = vector.broadcast %get3A_3399 : vector<32x1xf32> to vector<32x256xf32>
    %add3A_3402 = arith.addf %add3A_3400, %add3A_3401 : vector<32x256xf32>
    %sub3A_3403 = arith.subf %add3A_3402, %dot_general3A_3396 : vector<32x256xf32>
    %lt3A_3404 = arith.cmpf olt, %sub3A_3403, %select_n3A_3388 : vector<32x256xf32>
    %select_n3A_3405 = arith.select %lt3A_3404, %sub3A_3403, %select_n3A_3388 : vector<32x256xi1>, vector<32x256xf32>
    %jit3A_3406 = arith.constant 196 : i32
    %broadcast_in_dim3A_3407 = vector.broadcast %jit3A_3406 : i32 to vector<32x256xi32>
    %select_n3A_3408 = arith.select %lt3A_3404, %broadcast_in_dim3A_3407, %select_n3A_3391 : vector<32x256xi1>, vector<32x256xi32>
    %get3A_3409 = arith.constant 6304 : index
    %get3A_3410 = arith.constant 0 : index
    %get3A_3411 = vector.load %arg4[%get3A_3409, %get3A_3410] : memref<8192x32xbf16, #tpu.memory_space<vmem>>, vector<32x32xbf16>
    %dot_general3A_3412 = arith.constant dense<0.000000e+00> : vector<32x256xf32>
    %dot_general3A_3413 = tpu.matmul %get3A_3411, %get3A_4, %dot_general3A_3412 {dimension_numbers = #tpu.dot_dimension_numbers<[1], [0], [0], [1], [0, 0, 1, 1], [], []>, transpose_lhs_hint = false} : vector<32x32xbf16>, vector<32x256xbf16>, vector<32x256xf32> -> vector<32x256xf32>
    %get3A_3414 = arith.constant 6304 : index
    %get3A_3415 = arith.constant 0 : index
    %get3A_3416 = vector.load %arg2[%get3A_3414, %get3A_3415] : memref<8192x1xf32, #tpu.memory_space<vmem>>, vector<32x1xf32>
    %add3A_3417 = vector.broadcast %get3A_1 : vector<1x256xf32> to vector<32x256xf32>
    %add3A_3418 = vector.broadcast %get3A_3416 : vector<32x1xf32> to vector<32x256xf32>
    %add3A_3419 = arith.addf %add3A_3417, %add3A_3418 : vector<32x256xf32>
    %sub3A_3420 = arith.subf %add3A_3419, %dot_general3A_3413 : vector<32x256xf32>
    %lt3A_3421 = arith.cmpf olt, %sub3A_3420, %select_n3A_3405 : vector<32x256xf32>
    %select_n3A_3422 = arith.select %lt3A_3421, %sub3A_3420, %select_n3A_3405 : vector<32x256xi1>, vector<32x256xf32>
    %jit3A_3423 = arith.constant 197 : i32
    %broadcast_in_dim3A_3424 = vector.broadcast %jit3A_3423 : i32 to vector<32x256xi32>
    %select_n3A_3425 = arith.select %lt3A_3421, %broadcast_in_dim3A_3424, %select_n3A_3408 : vector<32x256xi1>, vector<32x256xi32>
    %get3A_3426 = arith.constant 6336 : index
    %get3A_3427 = arith.constant 0 : index
    %get3A_3428 = vector.load %arg4[%get3A_3426, %get3A_3427] : memref<8192x32xbf16, #tpu.memory_space<vmem>>, vector<32x32xbf16>
    %dot_general3A_3429 = arith.constant dense<0.000000e+00> : vector<32x256xf32>
    %dot_general3A_3430 = tpu.matmul %get3A_3428, %get3A_4, %dot_general3A_3429 {dimension_numbers = #tpu.dot_dimension_numbers<[1], [0], [0], [1], [0, 0, 1, 1], [], []>, transpose_lhs_hint = false} : vector<32x32xbf16>, vector<32x256xbf16>, vector<32x256xf32> -> vector<32x256xf32>
    %get3A_3431 = arith.constant 6336 : index
    %get3A_3432 = arith.constant 0 : index
    %get3A_3433 = vector.load %arg2[%get3A_3431, %get3A_3432] : memref<8192x1xf32, #tpu.memory_space<vmem>>, vector<32x1xf32>
    %add3A_3434 = vector.broadcast %get3A_1 : vector<1x256xf32> to vector<32x256xf32>
    %add3A_3435 = vector.broadcast %get3A_3433 : vector<32x1xf32> to vector<32x256xf32>
    %add3A_3436 = arith.addf %add3A_3434, %add3A_3435 : vector<32x256xf32>
    %sub3A_3437 = arith.subf %add3A_3436, %dot_general3A_3430 : vector<32x256xf32>
    %lt3A_3438 = arith.cmpf olt, %sub3A_3437, %select_n3A_3422 : vector<32x256xf32>
    %select_n3A_3439 = arith.select %lt3A_3438, %sub3A_3437, %select_n3A_3422 : vector<32x256xi1>, vector<32x256xf32>
    %jit3A_3440 = arith.constant 198 : i32
    %broadcast_in_dim3A_3441 = vector.broadcast %jit3A_3440 : i32 to vector<32x256xi32>
    %select_n3A_3442 = arith.select %lt3A_3438, %broadcast_in_dim3A_3441, %select_n3A_3425 : vector<32x256xi1>, vector<32x256xi32>
    %get3A_3443 = arith.constant 6368 : index
    %get3A_3444 = arith.constant 0 : index
    %get3A_3445 = vector.load %arg4[%get3A_3443, %get3A_3444] : memref<8192x32xbf16, #tpu.memory_space<vmem>>, vector<32x32xbf16>
    %dot_general3A_3446 = arith.constant dense<0.000000e+00> : vector<32x256xf32>
    %dot_general3A_3447 = tpu.matmul %get3A_3445, %get3A_4, %dot_general3A_3446 {dimension_numbers = #tpu.dot_dimension_numbers<[1], [0], [0], [1], [0, 0, 1, 1], [], []>, transpose_lhs_hint = false} : vector<32x32xbf16>, vector<32x256xbf16>, vector<32x256xf32> -> vector<32x256xf32>
    %get3A_3448 = arith.constant 6368 : index
    %get3A_3449 = arith.constant 0 : index
    %get3A_3450 = vector.load %arg2[%get3A_3448, %get3A_3449] : memref<8192x1xf32, #tpu.memory_space<vmem>>, vector<32x1xf32>
    %add3A_3451 = vector.broadcast %get3A_1 : vector<1x256xf32> to vector<32x256xf32>
    %add3A_3452 = vector.broadcast %get3A_3450 : vector<32x1xf32> to vector<32x256xf32>
    %add3A_3453 = arith.addf %add3A_3451, %add3A_3452 : vector<32x256xf32>
    %sub3A_3454 = arith.subf %add3A_3453, %dot_general3A_3447 : vector<32x256xf32>
    %lt3A_3455 = arith.cmpf olt, %sub3A_3454, %select_n3A_3439 : vector<32x256xf32>
    %select_n3A_3456 = arith.select %lt3A_3455, %sub3A_3454, %select_n3A_3439 : vector<32x256xi1>, vector<32x256xf32>
    %jit3A_3457 = arith.constant 199 : i32
    %broadcast_in_dim3A_3458 = vector.broadcast %jit3A_3457 : i32 to vector<32x256xi32>
    %select_n3A_3459 = arith.select %lt3A_3455, %broadcast_in_dim3A_3458, %select_n3A_3442 : vector<32x256xi1>, vector<32x256xi32>
    %get3A_3460 = arith.constant 6400 : index
    %get3A_3461 = arith.constant 0 : index
    %get3A_3462 = vector.load %arg4[%get3A_3460, %get3A_3461] : memref<8192x32xbf16, #tpu.memory_space<vmem>>, vector<32x32xbf16>
    %dot_general3A_3463 = arith.constant dense<0.000000e+00> : vector<32x256xf32>
    %dot_general3A_3464 = tpu.matmul %get3A_3462, %get3A_4, %dot_general3A_3463 {dimension_numbers = #tpu.dot_dimension_numbers<[1], [0], [0], [1], [0, 0, 1, 1], [], []>, transpose_lhs_hint = false} : vector<32x32xbf16>, vector<32x256xbf16>, vector<32x256xf32> -> vector<32x256xf32>
    %get3A_3465 = arith.constant 6400 : index
    %get3A_3466 = arith.constant 0 : index
    %get3A_3467 = vector.load %arg2[%get3A_3465, %get3A_3466] : memref<8192x1xf32, #tpu.memory_space<vmem>>, vector<32x1xf32>
    %add3A_3468 = vector.broadcast %get3A_1 : vector<1x256xf32> to vector<32x256xf32>
    %add3A_3469 = vector.broadcast %get3A_3467 : vector<32x1xf32> to vector<32x256xf32>
    %add3A_3470 = arith.addf %add3A_3468, %add3A_3469 : vector<32x256xf32>
    %sub3A_3471 = arith.subf %add3A_3470, %dot_general3A_3464 : vector<32x256xf32>
    %lt3A_3472 = arith.cmpf olt, %sub3A_3471, %select_n3A_3456 : vector<32x256xf32>
    %select_n3A_3473 = arith.select %lt3A_3472, %sub3A_3471, %select_n3A_3456 : vector<32x256xi1>, vector<32x256xf32>
    %jit3A_3474 = arith.constant 200 : i32
    %broadcast_in_dim3A_3475 = vector.broadcast %jit3A_3474 : i32 to vector<32x256xi32>
    %select_n3A_3476 = arith.select %lt3A_3472, %broadcast_in_dim3A_3475, %select_n3A_3459 : vector<32x256xi1>, vector<32x256xi32>
    %get3A_3477 = arith.constant 6432 : index
    %get3A_3478 = arith.constant 0 : index
    %get3A_3479 = vector.load %arg4[%get3A_3477, %get3A_3478] : memref<8192x32xbf16, #tpu.memory_space<vmem>>, vector<32x32xbf16>
    %dot_general3A_3480 = arith.constant dense<0.000000e+00> : vector<32x256xf32>
    %dot_general3A_3481 = tpu.matmul %get3A_3479, %get3A_4, %dot_general3A_3480 {dimension_numbers = #tpu.dot_dimension_numbers<[1], [0], [0], [1], [0, 0, 1, 1], [], []>, transpose_lhs_hint = false} : vector<32x32xbf16>, vector<32x256xbf16>, vector<32x256xf32> -> vector<32x256xf32>
    %get3A_3482 = arith.constant 6432 : index
    %get3A_3483 = arith.constant 0 : index
    %get3A_3484 = vector.load %arg2[%get3A_3482, %get3A_3483] : memref<8192x1xf32, #tpu.memory_space<vmem>>, vector<32x1xf32>
    %add3A_3485 = vector.broadcast %get3A_1 : vector<1x256xf32> to vector<32x256xf32>
    %add3A_3486 = vector.broadcast %get3A_3484 : vector<32x1xf32> to vector<32x256xf32>
    %add3A_3487 = arith.addf %add3A_3485, %add3A_3486 : vector<32x256xf32>
    %sub3A_3488 = arith.subf %add3A_3487, %dot_general3A_3481 : vector<32x256xf32>
    %lt3A_3489 = arith.cmpf olt, %sub3A_3488, %select_n3A_3473 : vector<32x256xf32>
    %select_n3A_3490 = arith.select %lt3A_3489, %sub3A_3488, %select_n3A_3473 : vector<32x256xi1>, vector<32x256xf32>
    %jit3A_3491 = arith.constant 201 : i32
    %broadcast_in_dim3A_3492 = vector.broadcast %jit3A_3491 : i32 to vector<32x256xi32>
    %select_n3A_3493 = arith.select %lt3A_3489, %broadcast_in_dim3A_3492, %select_n3A_3476 : vector<32x256xi1>, vector<32x256xi32>
    %get3A_3494 = arith.constant 6464 : index
    %get3A_3495 = arith.constant 0 : index
    %get3A_3496 = vector.load %arg4[%get3A_3494, %get3A_3495] : memref<8192x32xbf16, #tpu.memory_space<vmem>>, vector<32x32xbf16>
    %dot_general3A_3497 = arith.constant dense<0.000000e+00> : vector<32x256xf32>
    %dot_general3A_3498 = tpu.matmul %get3A_3496, %get3A_4, %dot_general3A_3497 {dimension_numbers = #tpu.dot_dimension_numbers<[1], [0], [0], [1], [0, 0, 1, 1], [], []>, transpose_lhs_hint = false} : vector<32x32xbf16>, vector<32x256xbf16>, vector<32x256xf32> -> vector<32x256xf32>
    %get3A_3499 = arith.constant 6464 : index
    %get3A_3500 = arith.constant 0 : index
    %get3A_3501 = vector.load %arg2[%get3A_3499, %get3A_3500] : memref<8192x1xf32, #tpu.memory_space<vmem>>, vector<32x1xf32>
    %add3A_3502 = vector.broadcast %get3A_1 : vector<1x256xf32> to vector<32x256xf32>
    %add3A_3503 = vector.broadcast %get3A_3501 : vector<32x1xf32> to vector<32x256xf32>
    %add3A_3504 = arith.addf %add3A_3502, %add3A_3503 : vector<32x256xf32>
    %sub3A_3505 = arith.subf %add3A_3504, %dot_general3A_3498 : vector<32x256xf32>
    %lt3A_3506 = arith.cmpf olt, %sub3A_3505, %select_n3A_3490 : vector<32x256xf32>
    %select_n3A_3507 = arith.select %lt3A_3506, %sub3A_3505, %select_n3A_3490 : vector<32x256xi1>, vector<32x256xf32>
    %jit3A_3508 = arith.constant 202 : i32
    %broadcast_in_dim3A_3509 = vector.broadcast %jit3A_3508 : i32 to vector<32x256xi32>
    %select_n3A_3510 = arith.select %lt3A_3506, %broadcast_in_dim3A_3509, %select_n3A_3493 : vector<32x256xi1>, vector<32x256xi32>
    %get3A_3511 = arith.constant 6496 : index
    %get3A_3512 = arith.constant 0 : index
    %get3A_3513 = vector.load %arg4[%get3A_3511, %get3A_3512] : memref<8192x32xbf16, #tpu.memory_space<vmem>>, vector<32x32xbf16>
    %dot_general3A_3514 = arith.constant dense<0.000000e+00> : vector<32x256xf32>
    %dot_general3A_3515 = tpu.matmul %get3A_3513, %get3A_4, %dot_general3A_3514 {dimension_numbers = #tpu.dot_dimension_numbers<[1], [0], [0], [1], [0, 0, 1, 1], [], []>, transpose_lhs_hint = false} : vector<32x32xbf16>, vector<32x256xbf16>, vector<32x256xf32> -> vector<32x256xf32>
    %get3A_3516 = arith.constant 6496 : index
    %get3A_3517 = arith.constant 0 : index
    %get3A_3518 = vector.load %arg2[%get3A_3516, %get3A_3517] : memref<8192x1xf32, #tpu.memory_space<vmem>>, vector<32x1xf32>
    %add3A_3519 = vector.broadcast %get3A_1 : vector<1x256xf32> to vector<32x256xf32>
    %add3A_3520 = vector.broadcast %get3A_3518 : vector<32x1xf32> to vector<32x256xf32>
    %add3A_3521 = arith.addf %add3A_3519, %add3A_3520 : vector<32x256xf32>
    %sub3A_3522 = arith.subf %add3A_3521, %dot_general3A_3515 : vector<32x256xf32>
    %lt3A_3523 = arith.cmpf olt, %sub3A_3522, %select_n3A_3507 : vector<32x256xf32>
    %select_n3A_3524 = arith.select %lt3A_3523, %sub3A_3522, %select_n3A_3507 : vector<32x256xi1>, vector<32x256xf32>
    %jit3A_3525 = arith.constant 203 : i32
    %broadcast_in_dim3A_3526 = vector.broadcast %jit3A_3525 : i32 to vector<32x256xi32>
    %select_n3A_3527 = arith.select %lt3A_3523, %broadcast_in_dim3A_3526, %select_n3A_3510 : vector<32x256xi1>, vector<32x256xi32>
    %get3A_3528 = arith.constant 6528 : index
    %get3A_3529 = arith.constant 0 : index
    %get3A_3530 = vector.load %arg4[%get3A_3528, %get3A_3529] : memref<8192x32xbf16, #tpu.memory_space<vmem>>, vector<32x32xbf16>
    %dot_general3A_3531 = arith.constant dense<0.000000e+00> : vector<32x256xf32>
    %dot_general3A_3532 = tpu.matmul %get3A_3530, %get3A_4, %dot_general3A_3531 {dimension_numbers = #tpu.dot_dimension_numbers<[1], [0], [0], [1], [0, 0, 1, 1], [], []>, transpose_lhs_hint = false} : vector<32x32xbf16>, vector<32x256xbf16>, vector<32x256xf32> -> vector<32x256xf32>
    %get3A_3533 = arith.constant 6528 : index
    %get3A_3534 = arith.constant 0 : index
    %get3A_3535 = vector.load %arg2[%get3A_3533, %get3A_3534] : memref<8192x1xf32, #tpu.memory_space<vmem>>, vector<32x1xf32>
    %add3A_3536 = vector.broadcast %get3A_1 : vector<1x256xf32> to vector<32x256xf32>
    %add3A_3537 = vector.broadcast %get3A_3535 : vector<32x1xf32> to vector<32x256xf32>
    %add3A_3538 = arith.addf %add3A_3536, %add3A_3537 : vector<32x256xf32>
    %sub3A_3539 = arith.subf %add3A_3538, %dot_general3A_3532 : vector<32x256xf32>
    %lt3A_3540 = arith.cmpf olt, %sub3A_3539, %select_n3A_3524 : vector<32x256xf32>
    %select_n3A_3541 = arith.select %lt3A_3540, %sub3A_3539, %select_n3A_3524 : vector<32x256xi1>, vector<32x256xf32>
    %jit3A_3542 = arith.constant 204 : i32
    %broadcast_in_dim3A_3543 = vector.broadcast %jit3A_3542 : i32 to vector<32x256xi32>
    %select_n3A_3544 = arith.select %lt3A_3540, %broadcast_in_dim3A_3543, %select_n3A_3527 : vector<32x256xi1>, vector<32x256xi32>
    %get3A_3545 = arith.constant 6560 : index
    %get3A_3546 = arith.constant 0 : index
    %get3A_3547 = vector.load %arg4[%get3A_3545, %get3A_3546] : memref<8192x32xbf16, #tpu.memory_space<vmem>>, vector<32x32xbf16>
    %dot_general3A_3548 = arith.constant dense<0.000000e+00> : vector<32x256xf32>
    %dot_general3A_3549 = tpu.matmul %get3A_3547, %get3A_4, %dot_general3A_3548 {dimension_numbers = #tpu.dot_dimension_numbers<[1], [0], [0], [1], [0, 0, 1, 1], [], []>, transpose_lhs_hint = false} : vector<32x32xbf16>, vector<32x256xbf16>, vector<32x256xf32> -> vector<32x256xf32>
    %get3A_3550 = arith.constant 6560 : index
    %get3A_3551 = arith.constant 0 : index
    %get3A_3552 = vector.load %arg2[%get3A_3550, %get3A_3551] : memref<8192x1xf32, #tpu.memory_space<vmem>>, vector<32x1xf32>
    %add3A_3553 = vector.broadcast %get3A_1 : vector<1x256xf32> to vector<32x256xf32>
    %add3A_3554 = vector.broadcast %get3A_3552 : vector<32x1xf32> to vector<32x256xf32>
    %add3A_3555 = arith.addf %add3A_3553, %add3A_3554 : vector<32x256xf32>
    %sub3A_3556 = arith.subf %add3A_3555, %dot_general3A_3549 : vector<32x256xf32>
    %lt3A_3557 = arith.cmpf olt, %sub3A_3556, %select_n3A_3541 : vector<32x256xf32>
    %select_n3A_3558 = arith.select %lt3A_3557, %sub3A_3556, %select_n3A_3541 : vector<32x256xi1>, vector<32x256xf32>
    %jit3A_3559 = arith.constant 205 : i32
    %broadcast_in_dim3A_3560 = vector.broadcast %jit3A_3559 : i32 to vector<32x256xi32>
    %select_n3A_3561 = arith.select %lt3A_3557, %broadcast_in_dim3A_3560, %select_n3A_3544 : vector<32x256xi1>, vector<32x256xi32>
    %get3A_3562 = arith.constant 6592 : index
    %get3A_3563 = arith.constant 0 : index
    %get3A_3564 = vector.load %arg4[%get3A_3562, %get3A_3563] : memref<8192x32xbf16, #tpu.memory_space<vmem>>, vector<32x32xbf16>
    %dot_general3A_3565 = arith.constant dense<0.000000e+00> : vector<32x256xf32>
    %dot_general3A_3566 = tpu.matmul %get3A_3564, %get3A_4, %dot_general3A_3565 {dimension_numbers = #tpu.dot_dimension_numbers<[1], [0], [0], [1], [0, 0, 1, 1], [], []>, transpose_lhs_hint = false} : vector<32x32xbf16>, vector<32x256xbf16>, vector<32x256xf32> -> vector<32x256xf32>
    %get3A_3567 = arith.constant 6592 : index
    %get3A_3568 = arith.constant 0 : index
    %get3A_3569 = vector.load %arg2[%get3A_3567, %get3A_3568] : memref<8192x1xf32, #tpu.memory_space<vmem>>, vector<32x1xf32>
    %add3A_3570 = vector.broadcast %get3A_1 : vector<1x256xf32> to vector<32x256xf32>
    %add3A_3571 = vector.broadcast %get3A_3569 : vector<32x1xf32> to vector<32x256xf32>
    %add3A_3572 = arith.addf %add3A_3570, %add3A_3571 : vector<32x256xf32>
    %sub3A_3573 = arith.subf %add3A_3572, %dot_general3A_3566 : vector<32x256xf32>
    %lt3A_3574 = arith.cmpf olt, %sub3A_3573, %select_n3A_3558 : vector<32x256xf32>
    %select_n3A_3575 = arith.select %lt3A_3574, %sub3A_3573, %select_n3A_3558 : vector<32x256xi1>, vector<32x256xf32>
    %jit3A_3576 = arith.constant 206 : i32
    %broadcast_in_dim3A_3577 = vector.broadcast %jit3A_3576 : i32 to vector<32x256xi32>
    %select_n3A_3578 = arith.select %lt3A_3574, %broadcast_in_dim3A_3577, %select_n3A_3561 : vector<32x256xi1>, vector<32x256xi32>
    %get3A_3579 = arith.constant 6624 : index
    %get3A_3580 = arith.constant 0 : index
    %get3A_3581 = vector.load %arg4[%get3A_3579, %get3A_3580] : memref<8192x32xbf16, #tpu.memory_space<vmem>>, vector<32x32xbf16>
    %dot_general3A_3582 = arith.constant dense<0.000000e+00> : vector<32x256xf32>
    %dot_general3A_3583 = tpu.matmul %get3A_3581, %get3A_4, %dot_general3A_3582 {dimension_numbers = #tpu.dot_dimension_numbers<[1], [0], [0], [1], [0, 0, 1, 1], [], []>, transpose_lhs_hint = false} : vector<32x32xbf16>, vector<32x256xbf16>, vector<32x256xf32> -> vector<32x256xf32>
    %get3A_3584 = arith.constant 6624 : index
    %get3A_3585 = arith.constant 0 : index
    %get3A_3586 = vector.load %arg2[%get3A_3584, %get3A_3585] : memref<8192x1xf32, #tpu.memory_space<vmem>>, vector<32x1xf32>
    %add3A_3587 = vector.broadcast %get3A_1 : vector<1x256xf32> to vector<32x256xf32>
    %add3A_3588 = vector.broadcast %get3A_3586 : vector<32x1xf32> to vector<32x256xf32>
    %add3A_3589 = arith.addf %add3A_3587, %add3A_3588 : vector<32x256xf32>
    %sub3A_3590 = arith.subf %add3A_3589, %dot_general3A_3583 : vector<32x256xf32>
    %lt3A_3591 = arith.cmpf olt, %sub3A_3590, %select_n3A_3575 : vector<32x256xf32>
    %select_n3A_3592 = arith.select %lt3A_3591, %sub3A_3590, %select_n3A_3575 : vector<32x256xi1>, vector<32x256xf32>
    %jit3A_3593 = arith.constant 207 : i32
    %broadcast_in_dim3A_3594 = vector.broadcast %jit3A_3593 : i32 to vector<32x256xi32>
    %select_n3A_3595 = arith.select %lt3A_3591, %broadcast_in_dim3A_3594, %select_n3A_3578 : vector<32x256xi1>, vector<32x256xi32>
    %get3A_3596 = arith.constant 6656 : index
    %get3A_3597 = arith.constant 0 : index
    %get3A_3598 = vector.load %arg4[%get3A_3596, %get3A_3597] : memref<8192x32xbf16, #tpu.memory_space<vmem>>, vector<32x32xbf16>
    %dot_general3A_3599 = arith.constant dense<0.000000e+00> : vector<32x256xf32>
    %dot_general3A_3600 = tpu.matmul %get3A_3598, %get3A_4, %dot_general3A_3599 {dimension_numbers = #tpu.dot_dimension_numbers<[1], [0], [0], [1], [0, 0, 1, 1], [], []>, transpose_lhs_hint = false} : vector<32x32xbf16>, vector<32x256xbf16>, vector<32x256xf32> -> vector<32x256xf32>
    %get3A_3601 = arith.constant 6656 : index
    %get3A_3602 = arith.constant 0 : index
    %get3A_3603 = vector.load %arg2[%get3A_3601, %get3A_3602] : memref<8192x1xf32, #tpu.memory_space<vmem>>, vector<32x1xf32>
    %add3A_3604 = vector.broadcast %get3A_1 : vector<1x256xf32> to vector<32x256xf32>
    %add3A_3605 = vector.broadcast %get3A_3603 : vector<32x1xf32> to vector<32x256xf32>
    %add3A_3606 = arith.addf %add3A_3604, %add3A_3605 : vector<32x256xf32>
    %sub3A_3607 = arith.subf %add3A_3606, %dot_general3A_3600 : vector<32x256xf32>
    %lt3A_3608 = arith.cmpf olt, %sub3A_3607, %select_n3A_3592 : vector<32x256xf32>
    %select_n3A_3609 = arith.select %lt3A_3608, %sub3A_3607, %select_n3A_3592 : vector<32x256xi1>, vector<32x256xf32>
    %jit3A_3610 = arith.constant 208 : i32
    %broadcast_in_dim3A_3611 = vector.broadcast %jit3A_3610 : i32 to vector<32x256xi32>
    %select_n3A_3612 = arith.select %lt3A_3608, %broadcast_in_dim3A_3611, %select_n3A_3595 : vector<32x256xi1>, vector<32x256xi32>
    %get3A_3613 = arith.constant 6688 : index
    %get3A_3614 = arith.constant 0 : index
    %get3A_3615 = vector.load %arg4[%get3A_3613, %get3A_3614] : memref<8192x32xbf16, #tpu.memory_space<vmem>>, vector<32x32xbf16>
    %dot_general3A_3616 = arith.constant dense<0.000000e+00> : vector<32x256xf32>
    %dot_general3A_3617 = tpu.matmul %get3A_3615, %get3A_4, %dot_general3A_3616 {dimension_numbers = #tpu.dot_dimension_numbers<[1], [0], [0], [1], [0, 0, 1, 1], [], []>, transpose_lhs_hint = false} : vector<32x32xbf16>, vector<32x256xbf16>, vector<32x256xf32> -> vector<32x256xf32>
    %get3A_3618 = arith.constant 6688 : index
    %get3A_3619 = arith.constant 0 : index
    %get3A_3620 = vector.load %arg2[%get3A_3618, %get3A_3619] : memref<8192x1xf32, #tpu.memory_space<vmem>>, vector<32x1xf32>
    %add3A_3621 = vector.broadcast %get3A_1 : vector<1x256xf32> to vector<32x256xf32>
    %add3A_3622 = vector.broadcast %get3A_3620 : vector<32x1xf32> to vector<32x256xf32>
    %add3A_3623 = arith.addf %add3A_3621, %add3A_3622 : vector<32x256xf32>
    %sub3A_3624 = arith.subf %add3A_3623, %dot_general3A_3617 : vector<32x256xf32>
    %lt3A_3625 = arith.cmpf olt, %sub3A_3624, %select_n3A_3609 : vector<32x256xf32>
    %select_n3A_3626 = arith.select %lt3A_3625, %sub3A_3624, %select_n3A_3609 : vector<32x256xi1>, vector<32x256xf32>
    %jit3A_3627 = arith.constant 209 : i32
    %broadcast_in_dim3A_3628 = vector.broadcast %jit3A_3627 : i32 to vector<32x256xi32>
    %select_n3A_3629 = arith.select %lt3A_3625, %broadcast_in_dim3A_3628, %select_n3A_3612 : vector<32x256xi1>, vector<32x256xi32>
    %get3A_3630 = arith.constant 6720 : index
    %get3A_3631 = arith.constant 0 : index
    %get3A_3632 = vector.load %arg4[%get3A_3630, %get3A_3631] : memref<8192x32xbf16, #tpu.memory_space<vmem>>, vector<32x32xbf16>
    %dot_general3A_3633 = arith.constant dense<0.000000e+00> : vector<32x256xf32>
    %dot_general3A_3634 = tpu.matmul %get3A_3632, %get3A_4, %dot_general3A_3633 {dimension_numbers = #tpu.dot_dimension_numbers<[1], [0], [0], [1], [0, 0, 1, 1], [], []>, transpose_lhs_hint = false} : vector<32x32xbf16>, vector<32x256xbf16>, vector<32x256xf32> -> vector<32x256xf32>
    %get3A_3635 = arith.constant 6720 : index
    %get3A_3636 = arith.constant 0 : index
    %get3A_3637 = vector.load %arg2[%get3A_3635, %get3A_3636] : memref<8192x1xf32, #tpu.memory_space<vmem>>, vector<32x1xf32>
    %add3A_3638 = vector.broadcast %get3A_1 : vector<1x256xf32> to vector<32x256xf32>
    %add3A_3639 = vector.broadcast %get3A_3637 : vector<32x1xf32> to vector<32x256xf32>
    %add3A_3640 = arith.addf %add3A_3638, %add3A_3639 : vector<32x256xf32>
    %sub3A_3641 = arith.subf %add3A_3640, %dot_general3A_3634 : vector<32x256xf32>
    %lt3A_3642 = arith.cmpf olt, %sub3A_3641, %select_n3A_3626 : vector<32x256xf32>
    %select_n3A_3643 = arith.select %lt3A_3642, %sub3A_3641, %select_n3A_3626 : vector<32x256xi1>, vector<32x256xf32>
    %jit3A_3644 = arith.constant 210 : i32
    %broadcast_in_dim3A_3645 = vector.broadcast %jit3A_3644 : i32 to vector<32x256xi32>
    %select_n3A_3646 = arith.select %lt3A_3642, %broadcast_in_dim3A_3645, %select_n3A_3629 : vector<32x256xi1>, vector<32x256xi32>
    %get3A_3647 = arith.constant 6752 : index
    %get3A_3648 = arith.constant 0 : index
    %get3A_3649 = vector.load %arg4[%get3A_3647, %get3A_3648] : memref<8192x32xbf16, #tpu.memory_space<vmem>>, vector<32x32xbf16>
    %dot_general3A_3650 = arith.constant dense<0.000000e+00> : vector<32x256xf32>
    %dot_general3A_3651 = tpu.matmul %get3A_3649, %get3A_4, %dot_general3A_3650 {dimension_numbers = #tpu.dot_dimension_numbers<[1], [0], [0], [1], [0, 0, 1, 1], [], []>, transpose_lhs_hint = false} : vector<32x32xbf16>, vector<32x256xbf16>, vector<32x256xf32> -> vector<32x256xf32>
    %get3A_3652 = arith.constant 6752 : index
    %get3A_3653 = arith.constant 0 : index
    %get3A_3654 = vector.load %arg2[%get3A_3652, %get3A_3653] : memref<8192x1xf32, #tpu.memory_space<vmem>>, vector<32x1xf32>
    %add3A_3655 = vector.broadcast %get3A_1 : vector<1x256xf32> to vector<32x256xf32>
    %add3A_3656 = vector.broadcast %get3A_3654 : vector<32x1xf32> to vector<32x256xf32>
    %add3A_3657 = arith.addf %add3A_3655, %add3A_3656 : vector<32x256xf32>
    %sub3A_3658 = arith.subf %add3A_3657, %dot_general3A_3651 : vector<32x256xf32>
    %lt3A_3659 = arith.cmpf olt, %sub3A_3658, %select_n3A_3643 : vector<32x256xf32>
    %select_n3A_3660 = arith.select %lt3A_3659, %sub3A_3658, %select_n3A_3643 : vector<32x256xi1>, vector<32x256xf32>
    %jit3A_3661 = arith.constant 211 : i32
    %broadcast_in_dim3A_3662 = vector.broadcast %jit3A_3661 : i32 to vector<32x256xi32>
    %select_n3A_3663 = arith.select %lt3A_3659, %broadcast_in_dim3A_3662, %select_n3A_3646 : vector<32x256xi1>, vector<32x256xi32>
    %get3A_3664 = arith.constant 6784 : index
    %get3A_3665 = arith.constant 0 : index
    %get3A_3666 = vector.load %arg4[%get3A_3664, %get3A_3665] : memref<8192x32xbf16, #tpu.memory_space<vmem>>, vector<32x32xbf16>
    %dot_general3A_3667 = arith.constant dense<0.000000e+00> : vector<32x256xf32>
    %dot_general3A_3668 = tpu.matmul %get3A_3666, %get3A_4, %dot_general3A_3667 {dimension_numbers = #tpu.dot_dimension_numbers<[1], [0], [0], [1], [0, 0, 1, 1], [], []>, transpose_lhs_hint = false} : vector<32x32xbf16>, vector<32x256xbf16>, vector<32x256xf32> -> vector<32x256xf32>
    %get3A_3669 = arith.constant 6784 : index
    %get3A_3670 = arith.constant 0 : index
    %get3A_3671 = vector.load %arg2[%get3A_3669, %get3A_3670] : memref<8192x1xf32, #tpu.memory_space<vmem>>, vector<32x1xf32>
    %add3A_3672 = vector.broadcast %get3A_1 : vector<1x256xf32> to vector<32x256xf32>
    %add3A_3673 = vector.broadcast %get3A_3671 : vector<32x1xf32> to vector<32x256xf32>
    %add3A_3674 = arith.addf %add3A_3672, %add3A_3673 : vector<32x256xf32>
    %sub3A_3675 = arith.subf %add3A_3674, %dot_general3A_3668 : vector<32x256xf32>
    %lt3A_3676 = arith.cmpf olt, %sub3A_3675, %select_n3A_3660 : vector<32x256xf32>
    %select_n3A_3677 = arith.select %lt3A_3676, %sub3A_3675, %select_n3A_3660 : vector<32x256xi1>, vector<32x256xf32>
    %jit3A_3678 = arith.constant 212 : i32
    %broadcast_in_dim3A_3679 = vector.broadcast %jit3A_3678 : i32 to vector<32x256xi32>
    %select_n3A_3680 = arith.select %lt3A_3676, %broadcast_in_dim3A_3679, %select_n3A_3663 : vector<32x256xi1>, vector<32x256xi32>
    %get3A_3681 = arith.constant 6816 : index
    %get3A_3682 = arith.constant 0 : index
    %get3A_3683 = vector.load %arg4[%get3A_3681, %get3A_3682] : memref<8192x32xbf16, #tpu.memory_space<vmem>>, vector<32x32xbf16>
    %dot_general3A_3684 = arith.constant dense<0.000000e+00> : vector<32x256xf32>
    %dot_general3A_3685 = tpu.matmul %get3A_3683, %get3A_4, %dot_general3A_3684 {dimension_numbers = #tpu.dot_dimension_numbers<[1], [0], [0], [1], [0, 0, 1, 1], [], []>, transpose_lhs_hint = false} : vector<32x32xbf16>, vector<32x256xbf16>, vector<32x256xf32> -> vector<32x256xf32>
    %get3A_3686 = arith.constant 6816 : index
    %get3A_3687 = arith.constant 0 : index
    %get3A_3688 = vector.load %arg2[%get3A_3686, %get3A_3687] : memref<8192x1xf32, #tpu.memory_space<vmem>>, vector<32x1xf32>
    %add3A_3689 = vector.broadcast %get3A_1 : vector<1x256xf32> to vector<32x256xf32>
    %add3A_3690 = vector.broadcast %get3A_3688 : vector<32x1xf32> to vector<32x256xf32>
    %add3A_3691 = arith.addf %add3A_3689, %add3A_3690 : vector<32x256xf32>
    %sub3A_3692 = arith.subf %add3A_3691, %dot_general3A_3685 : vector<32x256xf32>
    %lt3A_3693 = arith.cmpf olt, %sub3A_3692, %select_n3A_3677 : vector<32x256xf32>
    %select_n3A_3694 = arith.select %lt3A_3693, %sub3A_3692, %select_n3A_3677 : vector<32x256xi1>, vector<32x256xf32>
    %jit3A_3695 = arith.constant 213 : i32
    %broadcast_in_dim3A_3696 = vector.broadcast %jit3A_3695 : i32 to vector<32x256xi32>
    %select_n3A_3697 = arith.select %lt3A_3693, %broadcast_in_dim3A_3696, %select_n3A_3680 : vector<32x256xi1>, vector<32x256xi32>
    %get3A_3698 = arith.constant 6848 : index
    %get3A_3699 = arith.constant 0 : index
    %get3A_3700 = vector.load %arg4[%get3A_3698, %get3A_3699] : memref<8192x32xbf16, #tpu.memory_space<vmem>>, vector<32x32xbf16>
    %dot_general3A_3701 = arith.constant dense<0.000000e+00> : vector<32x256xf32>
    %dot_general3A_3702 = tpu.matmul %get3A_3700, %get3A_4, %dot_general3A_3701 {dimension_numbers = #tpu.dot_dimension_numbers<[1], [0], [0], [1], [0, 0, 1, 1], [], []>, transpose_lhs_hint = false} : vector<32x32xbf16>, vector<32x256xbf16>, vector<32x256xf32> -> vector<32x256xf32>
    %get3A_3703 = arith.constant 6848 : index
    %get3A_3704 = arith.constant 0 : index
    %get3A_3705 = vector.load %arg2[%get3A_3703, %get3A_3704] : memref<8192x1xf32, #tpu.memory_space<vmem>>, vector<32x1xf32>
    %add3A_3706 = vector.broadcast %get3A_1 : vector<1x256xf32> to vector<32x256xf32>
    %add3A_3707 = vector.broadcast %get3A_3705 : vector<32x1xf32> to vector<32x256xf32>
    %add3A_3708 = arith.addf %add3A_3706, %add3A_3707 : vector<32x256xf32>
    %sub3A_3709 = arith.subf %add3A_3708, %dot_general3A_3702 : vector<32x256xf32>
    %lt3A_3710 = arith.cmpf olt, %sub3A_3709, %select_n3A_3694 : vector<32x256xf32>
    %select_n3A_3711 = arith.select %lt3A_3710, %sub3A_3709, %select_n3A_3694 : vector<32x256xi1>, vector<32x256xf32>
    %jit3A_3712 = arith.constant 214 : i32
    %broadcast_in_dim3A_3713 = vector.broadcast %jit3A_3712 : i32 to vector<32x256xi32>
    %select_n3A_3714 = arith.select %lt3A_3710, %broadcast_in_dim3A_3713, %select_n3A_3697 : vector<32x256xi1>, vector<32x256xi32>
    %get3A_3715 = arith.constant 6880 : index
    %get3A_3716 = arith.constant 0 : index
    %get3A_3717 = vector.load %arg4[%get3A_3715, %get3A_3716] : memref<8192x32xbf16, #tpu.memory_space<vmem>>, vector<32x32xbf16>
    %dot_general3A_3718 = arith.constant dense<0.000000e+00> : vector<32x256xf32>
    %dot_general3A_3719 = tpu.matmul %get3A_3717, %get3A_4, %dot_general3A_3718 {dimension_numbers = #tpu.dot_dimension_numbers<[1], [0], [0], [1], [0, 0, 1, 1], [], []>, transpose_lhs_hint = false} : vector<32x32xbf16>, vector<32x256xbf16>, vector<32x256xf32> -> vector<32x256xf32>
    %get3A_3720 = arith.constant 6880 : index
    %get3A_3721 = arith.constant 0 : index
    %get3A_3722 = vector.load %arg2[%get3A_3720, %get3A_3721] : memref<8192x1xf32, #tpu.memory_space<vmem>>, vector<32x1xf32>
    %add3A_3723 = vector.broadcast %get3A_1 : vector<1x256xf32> to vector<32x256xf32>
    %add3A_3724 = vector.broadcast %get3A_3722 : vector<32x1xf32> to vector<32x256xf32>
    %add3A_3725 = arith.addf %add3A_3723, %add3A_3724 : vector<32x256xf32>
    %sub3A_3726 = arith.subf %add3A_3725, %dot_general3A_3719 : vector<32x256xf32>
    %lt3A_3727 = arith.cmpf olt, %sub3A_3726, %select_n3A_3711 : vector<32x256xf32>
    %select_n3A_3728 = arith.select %lt3A_3727, %sub3A_3726, %select_n3A_3711 : vector<32x256xi1>, vector<32x256xf32>
    %jit3A_3729 = arith.constant 215 : i32
    %broadcast_in_dim3A_3730 = vector.broadcast %jit3A_3729 : i32 to vector<32x256xi32>
    %select_n3A_3731 = arith.select %lt3A_3727, %broadcast_in_dim3A_3730, %select_n3A_3714 : vector<32x256xi1>, vector<32x256xi32>
    %get3A_3732 = arith.constant 6912 : index
    %get3A_3733 = arith.constant 0 : index
    %get3A_3734 = vector.load %arg4[%get3A_3732, %get3A_3733] : memref<8192x32xbf16, #tpu.memory_space<vmem>>, vector<32x32xbf16>
    %dot_general3A_3735 = arith.constant dense<0.000000e+00> : vector<32x256xf32>
    %dot_general3A_3736 = tpu.matmul %get3A_3734, %get3A_4, %dot_general3A_3735 {dimension_numbers = #tpu.dot_dimension_numbers<[1], [0], [0], [1], [0, 0, 1, 1], [], []>, transpose_lhs_hint = false} : vector<32x32xbf16>, vector<32x256xbf16>, vector<32x256xf32> -> vector<32x256xf32>
    %get3A_3737 = arith.constant 6912 : index
    %get3A_3738 = arith.constant 0 : index
    %get3A_3739 = vector.load %arg2[%get3A_3737, %get3A_3738] : memref<8192x1xf32, #tpu.memory_space<vmem>>, vector<32x1xf32>
    %add3A_3740 = vector.broadcast %get3A_1 : vector<1x256xf32> to vector<32x256xf32>
    %add3A_3741 = vector.broadcast %get3A_3739 : vector<32x1xf32> to vector<32x256xf32>
    %add3A_3742 = arith.addf %add3A_3740, %add3A_3741 : vector<32x256xf32>
    %sub3A_3743 = arith.subf %add3A_3742, %dot_general3A_3736 : vector<32x256xf32>
    %lt3A_3744 = arith.cmpf olt, %sub3A_3743, %select_n3A_3728 : vector<32x256xf32>
    %select_n3A_3745 = arith.select %lt3A_3744, %sub3A_3743, %select_n3A_3728 : vector<32x256xi1>, vector<32x256xf32>
    %jit3A_3746 = arith.constant 216 : i32
    %broadcast_in_dim3A_3747 = vector.broadcast %jit3A_3746 : i32 to vector<32x256xi32>
    %select_n3A_3748 = arith.select %lt3A_3744, %broadcast_in_dim3A_3747, %select_n3A_3731 : vector<32x256xi1>, vector<32x256xi32>
    %get3A_3749 = arith.constant 6944 : index
    %get3A_3750 = arith.constant 0 : index
    %get3A_3751 = vector.load %arg4[%get3A_3749, %get3A_3750] : memref<8192x32xbf16, #tpu.memory_space<vmem>>, vector<32x32xbf16>
    %dot_general3A_3752 = arith.constant dense<0.000000e+00> : vector<32x256xf32>
    %dot_general3A_3753 = tpu.matmul %get3A_3751, %get3A_4, %dot_general3A_3752 {dimension_numbers = #tpu.dot_dimension_numbers<[1], [0], [0], [1], [0, 0, 1, 1], [], []>, transpose_lhs_hint = false} : vector<32x32xbf16>, vector<32x256xbf16>, vector<32x256xf32> -> vector<32x256xf32>
    %get3A_3754 = arith.constant 6944 : index
    %get3A_3755 = arith.constant 0 : index
    %get3A_3756 = vector.load %arg2[%get3A_3754, %get3A_3755] : memref<8192x1xf32, #tpu.memory_space<vmem>>, vector<32x1xf32>
    %add3A_3757 = vector.broadcast %get3A_1 : vector<1x256xf32> to vector<32x256xf32>
    %add3A_3758 = vector.broadcast %get3A_3756 : vector<32x1xf32> to vector<32x256xf32>
    %add3A_3759 = arith.addf %add3A_3757, %add3A_3758 : vector<32x256xf32>
    %sub3A_3760 = arith.subf %add3A_3759, %dot_general3A_3753 : vector<32x256xf32>
    %lt3A_3761 = arith.cmpf olt, %sub3A_3760, %select_n3A_3745 : vector<32x256xf32>
    %select_n3A_3762 = arith.select %lt3A_3761, %sub3A_3760, %select_n3A_3745 : vector<32x256xi1>, vector<32x256xf32>
    %jit3A_3763 = arith.constant 217 : i32
    %broadcast_in_dim3A_3764 = vector.broadcast %jit3A_3763 : i32 to vector<32x256xi32>
    %select_n3A_3765 = arith.select %lt3A_3761, %broadcast_in_dim3A_3764, %select_n3A_3748 : vector<32x256xi1>, vector<32x256xi32>
    %get3A_3766 = arith.constant 6976 : index
    %get3A_3767 = arith.constant 0 : index
    %get3A_3768 = vector.load %arg4[%get3A_3766, %get3A_3767] : memref<8192x32xbf16, #tpu.memory_space<vmem>>, vector<32x32xbf16>
    %dot_general3A_3769 = arith.constant dense<0.000000e+00> : vector<32x256xf32>
    %dot_general3A_3770 = tpu.matmul %get3A_3768, %get3A_4, %dot_general3A_3769 {dimension_numbers = #tpu.dot_dimension_numbers<[1], [0], [0], [1], [0, 0, 1, 1], [], []>, transpose_lhs_hint = false} : vector<32x32xbf16>, vector<32x256xbf16>, vector<32x256xf32> -> vector<32x256xf32>
    %get3A_3771 = arith.constant 6976 : index
    %get3A_3772 = arith.constant 0 : index
    %get3A_3773 = vector.load %arg2[%get3A_3771, %get3A_3772] : memref<8192x1xf32, #tpu.memory_space<vmem>>, vector<32x1xf32>
    %add3A_3774 = vector.broadcast %get3A_1 : vector<1x256xf32> to vector<32x256xf32>
    %add3A_3775 = vector.broadcast %get3A_3773 : vector<32x1xf32> to vector<32x256xf32>
    %add3A_3776 = arith.addf %add3A_3774, %add3A_3775 : vector<32x256xf32>
    %sub3A_3777 = arith.subf %add3A_3776, %dot_general3A_3770 : vector<32x256xf32>
    %lt3A_3778 = arith.cmpf olt, %sub3A_3777, %select_n3A_3762 : vector<32x256xf32>
    %select_n3A_3779 = arith.select %lt3A_3778, %sub3A_3777, %select_n3A_3762 : vector<32x256xi1>, vector<32x256xf32>
    %jit3A_3780 = arith.constant 218 : i32
    %broadcast_in_dim3A_3781 = vector.broadcast %jit3A_3780 : i32 to vector<32x256xi32>
    %select_n3A_3782 = arith.select %lt3A_3778, %broadcast_in_dim3A_3781, %select_n3A_3765 : vector<32x256xi1>, vector<32x256xi32>
    %get3A_3783 = arith.constant 7008 : index
    %get3A_3784 = arith.constant 0 : index
    %get3A_3785 = vector.load %arg4[%get3A_3783, %get3A_3784] : memref<8192x32xbf16, #tpu.memory_space<vmem>>, vector<32x32xbf16>
    %dot_general3A_3786 = arith.constant dense<0.000000e+00> : vector<32x256xf32>
    %dot_general3A_3787 = tpu.matmul %get3A_3785, %get3A_4, %dot_general3A_3786 {dimension_numbers = #tpu.dot_dimension_numbers<[1], [0], [0], [1], [0, 0, 1, 1], [], []>, transpose_lhs_hint = false} : vector<32x32xbf16>, vector<32x256xbf16>, vector<32x256xf32> -> vector<32x256xf32>
    %get3A_3788 = arith.constant 7008 : index
    %get3A_3789 = arith.constant 0 : index
    %get3A_3790 = vector.load %arg2[%get3A_3788, %get3A_3789] : memref<8192x1xf32, #tpu.memory_space<vmem>>, vector<32x1xf32>
    %add3A_3791 = vector.broadcast %get3A_1 : vector<1x256xf32> to vector<32x256xf32>
    %add3A_3792 = vector.broadcast %get3A_3790 : vector<32x1xf32> to vector<32x256xf32>
    %add3A_3793 = arith.addf %add3A_3791, %add3A_3792 : vector<32x256xf32>
    %sub3A_3794 = arith.subf %add3A_3793, %dot_general3A_3787 : vector<32x256xf32>
    %lt3A_3795 = arith.cmpf olt, %sub3A_3794, %select_n3A_3779 : vector<32x256xf32>
    %select_n3A_3796 = arith.select %lt3A_3795, %sub3A_3794, %select_n3A_3779 : vector<32x256xi1>, vector<32x256xf32>
    %jit3A_3797 = arith.constant 219 : i32
    %broadcast_in_dim3A_3798 = vector.broadcast %jit3A_3797 : i32 to vector<32x256xi32>
    %select_n3A_3799 = arith.select %lt3A_3795, %broadcast_in_dim3A_3798, %select_n3A_3782 : vector<32x256xi1>, vector<32x256xi32>
    %get3A_3800 = arith.constant 7040 : index
    %get3A_3801 = arith.constant 0 : index
    %get3A_3802 = vector.load %arg4[%get3A_3800, %get3A_3801] : memref<8192x32xbf16, #tpu.memory_space<vmem>>, vector<32x32xbf16>
    %dot_general3A_3803 = arith.constant dense<0.000000e+00> : vector<32x256xf32>
    %dot_general3A_3804 = tpu.matmul %get3A_3802, %get3A_4, %dot_general3A_3803 {dimension_numbers = #tpu.dot_dimension_numbers<[1], [0], [0], [1], [0, 0, 1, 1], [], []>, transpose_lhs_hint = false} : vector<32x32xbf16>, vector<32x256xbf16>, vector<32x256xf32> -> vector<32x256xf32>
    %get3A_3805 = arith.constant 7040 : index
    %get3A_3806 = arith.constant 0 : index
    %get3A_3807 = vector.load %arg2[%get3A_3805, %get3A_3806] : memref<8192x1xf32, #tpu.memory_space<vmem>>, vector<32x1xf32>
    %add3A_3808 = vector.broadcast %get3A_1 : vector<1x256xf32> to vector<32x256xf32>
    %add3A_3809 = vector.broadcast %get3A_3807 : vector<32x1xf32> to vector<32x256xf32>
    %add3A_3810 = arith.addf %add3A_3808, %add3A_3809 : vector<32x256xf32>
    %sub3A_3811 = arith.subf %add3A_3810, %dot_general3A_3804 : vector<32x256xf32>
    %lt3A_3812 = arith.cmpf olt, %sub3A_3811, %select_n3A_3796 : vector<32x256xf32>
    %select_n3A_3813 = arith.select %lt3A_3812, %sub3A_3811, %select_n3A_3796 : vector<32x256xi1>, vector<32x256xf32>
    %jit3A_3814 = arith.constant 220 : i32
    %broadcast_in_dim3A_3815 = vector.broadcast %jit3A_3814 : i32 to vector<32x256xi32>
    %select_n3A_3816 = arith.select %lt3A_3812, %broadcast_in_dim3A_3815, %select_n3A_3799 : vector<32x256xi1>, vector<32x256xi32>
    %get3A_3817 = arith.constant 7072 : index
    %get3A_3818 = arith.constant 0 : index
    %get3A_3819 = vector.load %arg4[%get3A_3817, %get3A_3818] : memref<8192x32xbf16, #tpu.memory_space<vmem>>, vector<32x32xbf16>
    %dot_general3A_3820 = arith.constant dense<0.000000e+00> : vector<32x256xf32>
    %dot_general3A_3821 = tpu.matmul %get3A_3819, %get3A_4, %dot_general3A_3820 {dimension_numbers = #tpu.dot_dimension_numbers<[1], [0], [0], [1], [0, 0, 1, 1], [], []>, transpose_lhs_hint = false} : vector<32x32xbf16>, vector<32x256xbf16>, vector<32x256xf32> -> vector<32x256xf32>
    %get3A_3822 = arith.constant 7072 : index
    %get3A_3823 = arith.constant 0 : index
    %get3A_3824 = vector.load %arg2[%get3A_3822, %get3A_3823] : memref<8192x1xf32, #tpu.memory_space<vmem>>, vector<32x1xf32>
    %add3A_3825 = vector.broadcast %get3A_1 : vector<1x256xf32> to vector<32x256xf32>
    %add3A_3826 = vector.broadcast %get3A_3824 : vector<32x1xf32> to vector<32x256xf32>
    %add3A_3827 = arith.addf %add3A_3825, %add3A_3826 : vector<32x256xf32>
    %sub3A_3828 = arith.subf %add3A_3827, %dot_general3A_3821 : vector<32x256xf32>
    %lt3A_3829 = arith.cmpf olt, %sub3A_3828, %select_n3A_3813 : vector<32x256xf32>
    %select_n3A_3830 = arith.select %lt3A_3829, %sub3A_3828, %select_n3A_3813 : vector<32x256xi1>, vector<32x256xf32>
    %jit3A_3831 = arith.constant 221 : i32
    %broadcast_in_dim3A_3832 = vector.broadcast %jit3A_3831 : i32 to vector<32x256xi32>
    %select_n3A_3833 = arith.select %lt3A_3829, %broadcast_in_dim3A_3832, %select_n3A_3816 : vector<32x256xi1>, vector<32x256xi32>
    %get3A_3834 = arith.constant 7104 : index
    %get3A_3835 = arith.constant 0 : index
    %get3A_3836 = vector.load %arg4[%get3A_3834, %get3A_3835] : memref<8192x32xbf16, #tpu.memory_space<vmem>>, vector<32x32xbf16>
    %dot_general3A_3837 = arith.constant dense<0.000000e+00> : vector<32x256xf32>
    %dot_general3A_3838 = tpu.matmul %get3A_3836, %get3A_4, %dot_general3A_3837 {dimension_numbers = #tpu.dot_dimension_numbers<[1], [0], [0], [1], [0, 0, 1, 1], [], []>, transpose_lhs_hint = false} : vector<32x32xbf16>, vector<32x256xbf16>, vector<32x256xf32> -> vector<32x256xf32>
    %get3A_3839 = arith.constant 7104 : index
    %get3A_3840 = arith.constant 0 : index
    %get3A_3841 = vector.load %arg2[%get3A_3839, %get3A_3840] : memref<8192x1xf32, #tpu.memory_space<vmem>>, vector<32x1xf32>
    %add3A_3842 = vector.broadcast %get3A_1 : vector<1x256xf32> to vector<32x256xf32>
    %add3A_3843 = vector.broadcast %get3A_3841 : vector<32x1xf32> to vector<32x256xf32>
    %add3A_3844 = arith.addf %add3A_3842, %add3A_3843 : vector<32x256xf32>
    %sub3A_3845 = arith.subf %add3A_3844, %dot_general3A_3838 : vector<32x256xf32>
    %lt3A_3846 = arith.cmpf olt, %sub3A_3845, %select_n3A_3830 : vector<32x256xf32>
    %select_n3A_3847 = arith.select %lt3A_3846, %sub3A_3845, %select_n3A_3830 : vector<32x256xi1>, vector<32x256xf32>
    %jit3A_3848 = arith.constant 222 : i32
    %broadcast_in_dim3A_3849 = vector.broadcast %jit3A_3848 : i32 to vector<32x256xi32>
    %select_n3A_3850 = arith.select %lt3A_3846, %broadcast_in_dim3A_3849, %select_n3A_3833 : vector<32x256xi1>, vector<32x256xi32>
    %get3A_3851 = arith.constant 7136 : index
    %get3A_3852 = arith.constant 0 : index
    %get3A_3853 = vector.load %arg4[%get3A_3851, %get3A_3852] : memref<8192x32xbf16, #tpu.memory_space<vmem>>, vector<32x32xbf16>
    %dot_general3A_3854 = arith.constant dense<0.000000e+00> : vector<32x256xf32>
    %dot_general3A_3855 = tpu.matmul %get3A_3853, %get3A_4, %dot_general3A_3854 {dimension_numbers = #tpu.dot_dimension_numbers<[1], [0], [0], [1], [0, 0, 1, 1], [], []>, transpose_lhs_hint = false} : vector<32x32xbf16>, vector<32x256xbf16>, vector<32x256xf32> -> vector<32x256xf32>
    %get3A_3856 = arith.constant 7136 : index
    %get3A_3857 = arith.constant 0 : index
    %get3A_3858 = vector.load %arg2[%get3A_3856, %get3A_3857] : memref<8192x1xf32, #tpu.memory_space<vmem>>, vector<32x1xf32>
    %add3A_3859 = vector.broadcast %get3A_1 : vector<1x256xf32> to vector<32x256xf32>
    %add3A_3860 = vector.broadcast %get3A_3858 : vector<32x1xf32> to vector<32x256xf32>
    %add3A_3861 = arith.addf %add3A_3859, %add3A_3860 : vector<32x256xf32>
    %sub3A_3862 = arith.subf %add3A_3861, %dot_general3A_3855 : vector<32x256xf32>
    %lt3A_3863 = arith.cmpf olt, %sub3A_3862, %select_n3A_3847 : vector<32x256xf32>
    %select_n3A_3864 = arith.select %lt3A_3863, %sub3A_3862, %select_n3A_3847 : vector<32x256xi1>, vector<32x256xf32>
    %jit3A_3865 = arith.constant 223 : i32
    %broadcast_in_dim3A_3866 = vector.broadcast %jit3A_3865 : i32 to vector<32x256xi32>
    %select_n3A_3867 = arith.select %lt3A_3863, %broadcast_in_dim3A_3866, %select_n3A_3850 : vector<32x256xi1>, vector<32x256xi32>
    %get3A_3868 = arith.constant 7168 : index
    %get3A_3869 = arith.constant 0 : index
    %get3A_3870 = vector.load %arg4[%get3A_3868, %get3A_3869] : memref<8192x32xbf16, #tpu.memory_space<vmem>>, vector<32x32xbf16>
    %dot_general3A_3871 = arith.constant dense<0.000000e+00> : vector<32x256xf32>
    %dot_general3A_3872 = tpu.matmul %get3A_3870, %get3A_4, %dot_general3A_3871 {dimension_numbers = #tpu.dot_dimension_numbers<[1], [0], [0], [1], [0, 0, 1, 1], [], []>, transpose_lhs_hint = false} : vector<32x32xbf16>, vector<32x256xbf16>, vector<32x256xf32> -> vector<32x256xf32>
    %get3A_3873 = arith.constant 7168 : index
    %get3A_3874 = arith.constant 0 : index
    %get3A_3875 = vector.load %arg2[%get3A_3873, %get3A_3874] : memref<8192x1xf32, #tpu.memory_space<vmem>>, vector<32x1xf32>
    %add3A_3876 = vector.broadcast %get3A_1 : vector<1x256xf32> to vector<32x256xf32>
    %add3A_3877 = vector.broadcast %get3A_3875 : vector<32x1xf32> to vector<32x256xf32>
    %add3A_3878 = arith.addf %add3A_3876, %add3A_3877 : vector<32x256xf32>
    %sub3A_3879 = arith.subf %add3A_3878, %dot_general3A_3872 : vector<32x256xf32>
    %lt3A_3880 = arith.cmpf olt, %sub3A_3879, %select_n3A_3864 : vector<32x256xf32>
    %select_n3A_3881 = arith.select %lt3A_3880, %sub3A_3879, %select_n3A_3864 : vector<32x256xi1>, vector<32x256xf32>
    %jit3A_3882 = arith.constant 224 : i32
    %broadcast_in_dim3A_3883 = vector.broadcast %jit3A_3882 : i32 to vector<32x256xi32>
    %select_n3A_3884 = arith.select %lt3A_3880, %broadcast_in_dim3A_3883, %select_n3A_3867 : vector<32x256xi1>, vector<32x256xi32>
    %get3A_3885 = arith.constant 7200 : index
    %get3A_3886 = arith.constant 0 : index
    %get3A_3887 = vector.load %arg4[%get3A_3885, %get3A_3886] : memref<8192x32xbf16, #tpu.memory_space<vmem>>, vector<32x32xbf16>
    %dot_general3A_3888 = arith.constant dense<0.000000e+00> : vector<32x256xf32>
    %dot_general3A_3889 = tpu.matmul %get3A_3887, %get3A_4, %dot_general3A_3888 {dimension_numbers = #tpu.dot_dimension_numbers<[1], [0], [0], [1], [0, 0, 1, 1], [], []>, transpose_lhs_hint = false} : vector<32x32xbf16>, vector<32x256xbf16>, vector<32x256xf32> -> vector<32x256xf32>
    %get3A_3890 = arith.constant 7200 : index
    %get3A_3891 = arith.constant 0 : index
    %get3A_3892 = vector.load %arg2[%get3A_3890, %get3A_3891] : memref<8192x1xf32, #tpu.memory_space<vmem>>, vector<32x1xf32>
    %add3A_3893 = vector.broadcast %get3A_1 : vector<1x256xf32> to vector<32x256xf32>
    %add3A_3894 = vector.broadcast %get3A_3892 : vector<32x1xf32> to vector<32x256xf32>
    %add3A_3895 = arith.addf %add3A_3893, %add3A_3894 : vector<32x256xf32>
    %sub3A_3896 = arith.subf %add3A_3895, %dot_general3A_3889 : vector<32x256xf32>
    %lt3A_3897 = arith.cmpf olt, %sub3A_3896, %select_n3A_3881 : vector<32x256xf32>
    %select_n3A_3898 = arith.select %lt3A_3897, %sub3A_3896, %select_n3A_3881 : vector<32x256xi1>, vector<32x256xf32>
    %jit3A_3899 = arith.constant 225 : i32
    %broadcast_in_dim3A_3900 = vector.broadcast %jit3A_3899 : i32 to vector<32x256xi32>
    %select_n3A_3901 = arith.select %lt3A_3897, %broadcast_in_dim3A_3900, %select_n3A_3884 : vector<32x256xi1>, vector<32x256xi32>
    %get3A_3902 = arith.constant 7232 : index
    %get3A_3903 = arith.constant 0 : index
    %get3A_3904 = vector.load %arg4[%get3A_3902, %get3A_3903] : memref<8192x32xbf16, #tpu.memory_space<vmem>>, vector<32x32xbf16>
    %dot_general3A_3905 = arith.constant dense<0.000000e+00> : vector<32x256xf32>
    %dot_general3A_3906 = tpu.matmul %get3A_3904, %get3A_4, %dot_general3A_3905 {dimension_numbers = #tpu.dot_dimension_numbers<[1], [0], [0], [1], [0, 0, 1, 1], [], []>, transpose_lhs_hint = false} : vector<32x32xbf16>, vector<32x256xbf16>, vector<32x256xf32> -> vector<32x256xf32>
    %get3A_3907 = arith.constant 7232 : index
    %get3A_3908 = arith.constant 0 : index
    %get3A_3909 = vector.load %arg2[%get3A_3907, %get3A_3908] : memref<8192x1xf32, #tpu.memory_space<vmem>>, vector<32x1xf32>
    %add3A_3910 = vector.broadcast %get3A_1 : vector<1x256xf32> to vector<32x256xf32>
    %add3A_3911 = vector.broadcast %get3A_3909 : vector<32x1xf32> to vector<32x256xf32>
    %add3A_3912 = arith.addf %add3A_3910, %add3A_3911 : vector<32x256xf32>
    %sub3A_3913 = arith.subf %add3A_3912, %dot_general3A_3906 : vector<32x256xf32>
    %lt3A_3914 = arith.cmpf olt, %sub3A_3913, %select_n3A_3898 : vector<32x256xf32>
    %select_n3A_3915 = arith.select %lt3A_3914, %sub3A_3913, %select_n3A_3898 : vector<32x256xi1>, vector<32x256xf32>
    %jit3A_3916 = arith.constant 226 : i32
    %broadcast_in_dim3A_3917 = vector.broadcast %jit3A_3916 : i32 to vector<32x256xi32>
    %select_n3A_3918 = arith.select %lt3A_3914, %broadcast_in_dim3A_3917, %select_n3A_3901 : vector<32x256xi1>, vector<32x256xi32>
    %get3A_3919 = arith.constant 7264 : index
    %get3A_3920 = arith.constant 0 : index
    %get3A_3921 = vector.load %arg4[%get3A_3919, %get3A_3920] : memref<8192x32xbf16, #tpu.memory_space<vmem>>, vector<32x32xbf16>
    %dot_general3A_3922 = arith.constant dense<0.000000e+00> : vector<32x256xf32>
    %dot_general3A_3923 = tpu.matmul %get3A_3921, %get3A_4, %dot_general3A_3922 {dimension_numbers = #tpu.dot_dimension_numbers<[1], [0], [0], [1], [0, 0, 1, 1], [], []>, transpose_lhs_hint = false} : vector<32x32xbf16>, vector<32x256xbf16>, vector<32x256xf32> -> vector<32x256xf32>
    %get3A_3924 = arith.constant 7264 : index
    %get3A_3925 = arith.constant 0 : index
    %get3A_3926 = vector.load %arg2[%get3A_3924, %get3A_3925] : memref<8192x1xf32, #tpu.memory_space<vmem>>, vector<32x1xf32>
    %add3A_3927 = vector.broadcast %get3A_1 : vector<1x256xf32> to vector<32x256xf32>
    %add3A_3928 = vector.broadcast %get3A_3926 : vector<32x1xf32> to vector<32x256xf32>
    %add3A_3929 = arith.addf %add3A_3927, %add3A_3928 : vector<32x256xf32>
    %sub3A_3930 = arith.subf %add3A_3929, %dot_general3A_3923 : vector<32x256xf32>
    %lt3A_3931 = arith.cmpf olt, %sub3A_3930, %select_n3A_3915 : vector<32x256xf32>
    %select_n3A_3932 = arith.select %lt3A_3931, %sub3A_3930, %select_n3A_3915 : vector<32x256xi1>, vector<32x256xf32>
    %jit3A_3933 = arith.constant 227 : i32
    %broadcast_in_dim3A_3934 = vector.broadcast %jit3A_3933 : i32 to vector<32x256xi32>
    %select_n3A_3935 = arith.select %lt3A_3931, %broadcast_in_dim3A_3934, %select_n3A_3918 : vector<32x256xi1>, vector<32x256xi32>
    %get3A_3936 = arith.constant 7296 : index
    %get3A_3937 = arith.constant 0 : index
    %get3A_3938 = vector.load %arg4[%get3A_3936, %get3A_3937] : memref<8192x32xbf16, #tpu.memory_space<vmem>>, vector<32x32xbf16>
    %dot_general3A_3939 = arith.constant dense<0.000000e+00> : vector<32x256xf32>
    %dot_general3A_3940 = tpu.matmul %get3A_3938, %get3A_4, %dot_general3A_3939 {dimension_numbers = #tpu.dot_dimension_numbers<[1], [0], [0], [1], [0, 0, 1, 1], [], []>, transpose_lhs_hint = false} : vector<32x32xbf16>, vector<32x256xbf16>, vector<32x256xf32> -> vector<32x256xf32>
    %get3A_3941 = arith.constant 7296 : index
    %get3A_3942 = arith.constant 0 : index
    %get3A_3943 = vector.load %arg2[%get3A_3941, %get3A_3942] : memref<8192x1xf32, #tpu.memory_space<vmem>>, vector<32x1xf32>
    %add3A_3944 = vector.broadcast %get3A_1 : vector<1x256xf32> to vector<32x256xf32>
    %add3A_3945 = vector.broadcast %get3A_3943 : vector<32x1xf32> to vector<32x256xf32>
    %add3A_3946 = arith.addf %add3A_3944, %add3A_3945 : vector<32x256xf32>
    %sub3A_3947 = arith.subf %add3A_3946, %dot_general3A_3940 : vector<32x256xf32>
    %lt3A_3948 = arith.cmpf olt, %sub3A_3947, %select_n3A_3932 : vector<32x256xf32>
    %select_n3A_3949 = arith.select %lt3A_3948, %sub3A_3947, %select_n3A_3932 : vector<32x256xi1>, vector<32x256xf32>
    %jit3A_3950 = arith.constant 228 : i32
    %broadcast_in_dim3A_3951 = vector.broadcast %jit3A_3950 : i32 to vector<32x256xi32>
    %select_n3A_3952 = arith.select %lt3A_3948, %broadcast_in_dim3A_3951, %select_n3A_3935 : vector<32x256xi1>, vector<32x256xi32>
    %get3A_3953 = arith.constant 7328 : index
    %get3A_3954 = arith.constant 0 : index
    %get3A_3955 = vector.load %arg4[%get3A_3953, %get3A_3954] : memref<8192x32xbf16, #tpu.memory_space<vmem>>, vector<32x32xbf16>
    %dot_general3A_3956 = arith.constant dense<0.000000e+00> : vector<32x256xf32>
    %dot_general3A_3957 = tpu.matmul %get3A_3955, %get3A_4, %dot_general3A_3956 {dimension_numbers = #tpu.dot_dimension_numbers<[1], [0], [0], [1], [0, 0, 1, 1], [], []>, transpose_lhs_hint = false} : vector<32x32xbf16>, vector<32x256xbf16>, vector<32x256xf32> -> vector<32x256xf32>
    %get3A_3958 = arith.constant 7328 : index
    %get3A_3959 = arith.constant 0 : index
    %get3A_3960 = vector.load %arg2[%get3A_3958, %get3A_3959] : memref<8192x1xf32, #tpu.memory_space<vmem>>, vector<32x1xf32>
    %add3A_3961 = vector.broadcast %get3A_1 : vector<1x256xf32> to vector<32x256xf32>
    %add3A_3962 = vector.broadcast %get3A_3960 : vector<32x1xf32> to vector<32x256xf32>
    %add3A_3963 = arith.addf %add3A_3961, %add3A_3962 : vector<32x256xf32>
    %sub3A_3964 = arith.subf %add3A_3963, %dot_general3A_3957 : vector<32x256xf32>
    %lt3A_3965 = arith.cmpf olt, %sub3A_3964, %select_n3A_3949 : vector<32x256xf32>
    %select_n3A_3966 = arith.select %lt3A_3965, %sub3A_3964, %select_n3A_3949 : vector<32x256xi1>, vector<32x256xf32>
    %jit3A_3967 = arith.constant 229 : i32
    %broadcast_in_dim3A_3968 = vector.broadcast %jit3A_3967 : i32 to vector<32x256xi32>
    %select_n3A_3969 = arith.select %lt3A_3965, %broadcast_in_dim3A_3968, %select_n3A_3952 : vector<32x256xi1>, vector<32x256xi32>
    %get3A_3970 = arith.constant 7360 : index
    %get3A_3971 = arith.constant 0 : index
    %get3A_3972 = vector.load %arg4[%get3A_3970, %get3A_3971] : memref<8192x32xbf16, #tpu.memory_space<vmem>>, vector<32x32xbf16>
    %dot_general3A_3973 = arith.constant dense<0.000000e+00> : vector<32x256xf32>
    %dot_general3A_3974 = tpu.matmul %get3A_3972, %get3A_4, %dot_general3A_3973 {dimension_numbers = #tpu.dot_dimension_numbers<[1], [0], [0], [1], [0, 0, 1, 1], [], []>, transpose_lhs_hint = false} : vector<32x32xbf16>, vector<32x256xbf16>, vector<32x256xf32> -> vector<32x256xf32>
    %get3A_3975 = arith.constant 7360 : index
    %get3A_3976 = arith.constant 0 : index
    %get3A_3977 = vector.load %arg2[%get3A_3975, %get3A_3976] : memref<8192x1xf32, #tpu.memory_space<vmem>>, vector<32x1xf32>
    %add3A_3978 = vector.broadcast %get3A_1 : vector<1x256xf32> to vector<32x256xf32>
    %add3A_3979 = vector.broadcast %get3A_3977 : vector<32x1xf32> to vector<32x256xf32>
    %add3A_3980 = arith.addf %add3A_3978, %add3A_3979 : vector<32x256xf32>
    %sub3A_3981 = arith.subf %add3A_3980, %dot_general3A_3974 : vector<32x256xf32>
    %lt3A_3982 = arith.cmpf olt, %sub3A_3981, %select_n3A_3966 : vector<32x256xf32>
    %select_n3A_3983 = arith.select %lt3A_3982, %sub3A_3981, %select_n3A_3966 : vector<32x256xi1>, vector<32x256xf32>
    %jit3A_3984 = arith.constant 230 : i32
    %broadcast_in_dim3A_3985 = vector.broadcast %jit3A_3984 : i32 to vector<32x256xi32>
    %select_n3A_3986 = arith.select %lt3A_3982, %broadcast_in_dim3A_3985, %select_n3A_3969 : vector<32x256xi1>, vector<32x256xi32>
    %get3A_3987 = arith.constant 7392 : index
    %get3A_3988 = arith.constant 0 : index
    %get3A_3989 = vector.load %arg4[%get3A_3987, %get3A_3988] : memref<8192x32xbf16, #tpu.memory_space<vmem>>, vector<32x32xbf16>
    %dot_general3A_3990 = arith.constant dense<0.000000e+00> : vector<32x256xf32>
    %dot_general3A_3991 = tpu.matmul %get3A_3989, %get3A_4, %dot_general3A_3990 {dimension_numbers = #tpu.dot_dimension_numbers<[1], [0], [0], [1], [0, 0, 1, 1], [], []>, transpose_lhs_hint = false} : vector<32x32xbf16>, vector<32x256xbf16>, vector<32x256xf32> -> vector<32x256xf32>
    %get3A_3992 = arith.constant 7392 : index
    %get3A_3993 = arith.constant 0 : index
    %get3A_3994 = vector.load %arg2[%get3A_3992, %get3A_3993] : memref<8192x1xf32, #tpu.memory_space<vmem>>, vector<32x1xf32>
    %add3A_3995 = vector.broadcast %get3A_1 : vector<1x256xf32> to vector<32x256xf32>
    %add3A_3996 = vector.broadcast %get3A_3994 : vector<32x1xf32> to vector<32x256xf32>
    %add3A_3997 = arith.addf %add3A_3995, %add3A_3996 : vector<32x256xf32>
    %sub3A_3998 = arith.subf %add3A_3997, %dot_general3A_3991 : vector<32x256xf32>
    %lt3A_3999 = arith.cmpf olt, %sub3A_3998, %select_n3A_3983 : vector<32x256xf32>
    %select_n3A_4000 = arith.select %lt3A_3999, %sub3A_3998, %select_n3A_3983 : vector<32x256xi1>, vector<32x256xf32>
    %jit3A_4001 = arith.constant 231 : i32
    %broadcast_in_dim3A_4002 = vector.broadcast %jit3A_4001 : i32 to vector<32x256xi32>
    %select_n3A_4003 = arith.select %lt3A_3999, %broadcast_in_dim3A_4002, %select_n3A_3986 : vector<32x256xi1>, vector<32x256xi32>
    %get3A_4004 = arith.constant 7424 : index
    %get3A_4005 = arith.constant 0 : index
    %get3A_4006 = vector.load %arg4[%get3A_4004, %get3A_4005] : memref<8192x32xbf16, #tpu.memory_space<vmem>>, vector<32x32xbf16>
    %dot_general3A_4007 = arith.constant dense<0.000000e+00> : vector<32x256xf32>
    %dot_general3A_4008 = tpu.matmul %get3A_4006, %get3A_4, %dot_general3A_4007 {dimension_numbers = #tpu.dot_dimension_numbers<[1], [0], [0], [1], [0, 0, 1, 1], [], []>, transpose_lhs_hint = false} : vector<32x32xbf16>, vector<32x256xbf16>, vector<32x256xf32> -> vector<32x256xf32>
    %get3A_4009 = arith.constant 7424 : index
    %get3A_4010 = arith.constant 0 : index
    %get3A_4011 = vector.load %arg2[%get3A_4009, %get3A_4010] : memref<8192x1xf32, #tpu.memory_space<vmem>>, vector<32x1xf32>
    %add3A_4012 = vector.broadcast %get3A_1 : vector<1x256xf32> to vector<32x256xf32>
    %add3A_4013 = vector.broadcast %get3A_4011 : vector<32x1xf32> to vector<32x256xf32>
    %add3A_4014 = arith.addf %add3A_4012, %add3A_4013 : vector<32x256xf32>
    %sub3A_4015 = arith.subf %add3A_4014, %dot_general3A_4008 : vector<32x256xf32>
    %lt3A_4016 = arith.cmpf olt, %sub3A_4015, %select_n3A_4000 : vector<32x256xf32>
    %select_n3A_4017 = arith.select %lt3A_4016, %sub3A_4015, %select_n3A_4000 : vector<32x256xi1>, vector<32x256xf32>
    %jit3A_4018 = arith.constant 232 : i32
    %broadcast_in_dim3A_4019 = vector.broadcast %jit3A_4018 : i32 to vector<32x256xi32>
    %select_n3A_4020 = arith.select %lt3A_4016, %broadcast_in_dim3A_4019, %select_n3A_4003 : vector<32x256xi1>, vector<32x256xi32>
    %get3A_4021 = arith.constant 7456 : index
    %get3A_4022 = arith.constant 0 : index
    %get3A_4023 = vector.load %arg4[%get3A_4021, %get3A_4022] : memref<8192x32xbf16, #tpu.memory_space<vmem>>, vector<32x32xbf16>
    %dot_general3A_4024 = arith.constant dense<0.000000e+00> : vector<32x256xf32>
    %dot_general3A_4025 = tpu.matmul %get3A_4023, %get3A_4, %dot_general3A_4024 {dimension_numbers = #tpu.dot_dimension_numbers<[1], [0], [0], [1], [0, 0, 1, 1], [], []>, transpose_lhs_hint = false} : vector<32x32xbf16>, vector<32x256xbf16>, vector<32x256xf32> -> vector<32x256xf32>
    %get3A_4026 = arith.constant 7456 : index
    %get3A_4027 = arith.constant 0 : index
    %get3A_4028 = vector.load %arg2[%get3A_4026, %get3A_4027] : memref<8192x1xf32, #tpu.memory_space<vmem>>, vector<32x1xf32>
    %add3A_4029 = vector.broadcast %get3A_1 : vector<1x256xf32> to vector<32x256xf32>
    %add3A_4030 = vector.broadcast %get3A_4028 : vector<32x1xf32> to vector<32x256xf32>
    %add3A_4031 = arith.addf %add3A_4029, %add3A_4030 : vector<32x256xf32>
    %sub3A_4032 = arith.subf %add3A_4031, %dot_general3A_4025 : vector<32x256xf32>
    %lt3A_4033 = arith.cmpf olt, %sub3A_4032, %select_n3A_4017 : vector<32x256xf32>
    %select_n3A_4034 = arith.select %lt3A_4033, %sub3A_4032, %select_n3A_4017 : vector<32x256xi1>, vector<32x256xf32>
    %jit3A_4035 = arith.constant 233 : i32
    %broadcast_in_dim3A_4036 = vector.broadcast %jit3A_4035 : i32 to vector<32x256xi32>
    %select_n3A_4037 = arith.select %lt3A_4033, %broadcast_in_dim3A_4036, %select_n3A_4020 : vector<32x256xi1>, vector<32x256xi32>
    %get3A_4038 = arith.constant 7488 : index
    %get3A_4039 = arith.constant 0 : index
    %get3A_4040 = vector.load %arg4[%get3A_4038, %get3A_4039] : memref<8192x32xbf16, #tpu.memory_space<vmem>>, vector<32x32xbf16>
    %dot_general3A_4041 = arith.constant dense<0.000000e+00> : vector<32x256xf32>
    %dot_general3A_4042 = tpu.matmul %get3A_4040, %get3A_4, %dot_general3A_4041 {dimension_numbers = #tpu.dot_dimension_numbers<[1], [0], [0], [1], [0, 0, 1, 1], [], []>, transpose_lhs_hint = false} : vector<32x32xbf16>, vector<32x256xbf16>, vector<32x256xf32> -> vector<32x256xf32>
    %get3A_4043 = arith.constant 7488 : index
    %get3A_4044 = arith.constant 0 : index
    %get3A_4045 = vector.load %arg2[%get3A_4043, %get3A_4044] : memref<8192x1xf32, #tpu.memory_space<vmem>>, vector<32x1xf32>
    %add3A_4046 = vector.broadcast %get3A_1 : vector<1x256xf32> to vector<32x256xf32>
    %add3A_4047 = vector.broadcast %get3A_4045 : vector<32x1xf32> to vector<32x256xf32>
    %add3A_4048 = arith.addf %add3A_4046, %add3A_4047 : vector<32x256xf32>
    %sub3A_4049 = arith.subf %add3A_4048, %dot_general3A_4042 : vector<32x256xf32>
    %lt3A_4050 = arith.cmpf olt, %sub3A_4049, %select_n3A_4034 : vector<32x256xf32>
    %select_n3A_4051 = arith.select %lt3A_4050, %sub3A_4049, %select_n3A_4034 : vector<32x256xi1>, vector<32x256xf32>
    %jit3A_4052 = arith.constant 234 : i32
    %broadcast_in_dim3A_4053 = vector.broadcast %jit3A_4052 : i32 to vector<32x256xi32>
    %select_n3A_4054 = arith.select %lt3A_4050, %broadcast_in_dim3A_4053, %select_n3A_4037 : vector<32x256xi1>, vector<32x256xi32>
    %get3A_4055 = arith.constant 7520 : index
    %get3A_4056 = arith.constant 0 : index
    %get3A_4057 = vector.load %arg4[%get3A_4055, %get3A_4056] : memref<8192x32xbf16, #tpu.memory_space<vmem>>, vector<32x32xbf16>
    %dot_general3A_4058 = arith.constant dense<0.000000e+00> : vector<32x256xf32>
    %dot_general3A_4059 = tpu.matmul %get3A_4057, %get3A_4, %dot_general3A_4058 {dimension_numbers = #tpu.dot_dimension_numbers<[1], [0], [0], [1], [0, 0, 1, 1], [], []>, transpose_lhs_hint = false} : vector<32x32xbf16>, vector<32x256xbf16>, vector<32x256xf32> -> vector<32x256xf32>
    %get3A_4060 = arith.constant 7520 : index
    %get3A_4061 = arith.constant 0 : index
    %get3A_4062 = vector.load %arg2[%get3A_4060, %get3A_4061] : memref<8192x1xf32, #tpu.memory_space<vmem>>, vector<32x1xf32>
    %add3A_4063 = vector.broadcast %get3A_1 : vector<1x256xf32> to vector<32x256xf32>
    %add3A_4064 = vector.broadcast %get3A_4062 : vector<32x1xf32> to vector<32x256xf32>
    %add3A_4065 = arith.addf %add3A_4063, %add3A_4064 : vector<32x256xf32>
    %sub3A_4066 = arith.subf %add3A_4065, %dot_general3A_4059 : vector<32x256xf32>
    %lt3A_4067 = arith.cmpf olt, %sub3A_4066, %select_n3A_4051 : vector<32x256xf32>
    %select_n3A_4068 = arith.select %lt3A_4067, %sub3A_4066, %select_n3A_4051 : vector<32x256xi1>, vector<32x256xf32>
    %jit3A_4069 = arith.constant 235 : i32
    %broadcast_in_dim3A_4070 = vector.broadcast %jit3A_4069 : i32 to vector<32x256xi32>
    %select_n3A_4071 = arith.select %lt3A_4067, %broadcast_in_dim3A_4070, %select_n3A_4054 : vector<32x256xi1>, vector<32x256xi32>
    %get3A_4072 = arith.constant 7552 : index
    %get3A_4073 = arith.constant 0 : index
    %get3A_4074 = vector.load %arg4[%get3A_4072, %get3A_4073] : memref<8192x32xbf16, #tpu.memory_space<vmem>>, vector<32x32xbf16>
    %dot_general3A_4075 = arith.constant dense<0.000000e+00> : vector<32x256xf32>
    %dot_general3A_4076 = tpu.matmul %get3A_4074, %get3A_4, %dot_general3A_4075 {dimension_numbers = #tpu.dot_dimension_numbers<[1], [0], [0], [1], [0, 0, 1, 1], [], []>, transpose_lhs_hint = false} : vector<32x32xbf16>, vector<32x256xbf16>, vector<32x256xf32> -> vector<32x256xf32>
    %get3A_4077 = arith.constant 7552 : index
    %get3A_4078 = arith.constant 0 : index
    %get3A_4079 = vector.load %arg2[%get3A_4077, %get3A_4078] : memref<8192x1xf32, #tpu.memory_space<vmem>>, vector<32x1xf32>
    %add3A_4080 = vector.broadcast %get3A_1 : vector<1x256xf32> to vector<32x256xf32>
    %add3A_4081 = vector.broadcast %get3A_4079 : vector<32x1xf32> to vector<32x256xf32>
    %add3A_4082 = arith.addf %add3A_4080, %add3A_4081 : vector<32x256xf32>
    %sub3A_4083 = arith.subf %add3A_4082, %dot_general3A_4076 : vector<32x256xf32>
    %lt3A_4084 = arith.cmpf olt, %sub3A_4083, %select_n3A_4068 : vector<32x256xf32>
    %select_n3A_4085 = arith.select %lt3A_4084, %sub3A_4083, %select_n3A_4068 : vector<32x256xi1>, vector<32x256xf32>
    %jit3A_4086 = arith.constant 236 : i32
    %broadcast_in_dim3A_4087 = vector.broadcast %jit3A_4086 : i32 to vector<32x256xi32>
    %select_n3A_4088 = arith.select %lt3A_4084, %broadcast_in_dim3A_4087, %select_n3A_4071 : vector<32x256xi1>, vector<32x256xi32>
    %get3A_4089 = arith.constant 7584 : index
    %get3A_4090 = arith.constant 0 : index
    %get3A_4091 = vector.load %arg4[%get3A_4089, %get3A_4090] : memref<8192x32xbf16, #tpu.memory_space<vmem>>, vector<32x32xbf16>
    %dot_general3A_4092 = arith.constant dense<0.000000e+00> : vector<32x256xf32>
    %dot_general3A_4093 = tpu.matmul %get3A_4091, %get3A_4, %dot_general3A_4092 {dimension_numbers = #tpu.dot_dimension_numbers<[1], [0], [0], [1], [0, 0, 1, 1], [], []>, transpose_lhs_hint = false} : vector<32x32xbf16>, vector<32x256xbf16>, vector<32x256xf32> -> vector<32x256xf32>
    %get3A_4094 = arith.constant 7584 : index
    %get3A_4095 = arith.constant 0 : index
    %get3A_4096 = vector.load %arg2[%get3A_4094, %get3A_4095] : memref<8192x1xf32, #tpu.memory_space<vmem>>, vector<32x1xf32>
    %add3A_4097 = vector.broadcast %get3A_1 : vector<1x256xf32> to vector<32x256xf32>
    %add3A_4098 = vector.broadcast %get3A_4096 : vector<32x1xf32> to vector<32x256xf32>
    %add3A_4099 = arith.addf %add3A_4097, %add3A_4098 : vector<32x256xf32>
    %sub3A_4100 = arith.subf %add3A_4099, %dot_general3A_4093 : vector<32x256xf32>
    %lt3A_4101 = arith.cmpf olt, %sub3A_4100, %select_n3A_4085 : vector<32x256xf32>
    %select_n3A_4102 = arith.select %lt3A_4101, %sub3A_4100, %select_n3A_4085 : vector<32x256xi1>, vector<32x256xf32>
    %jit3A_4103 = arith.constant 237 : i32
    %broadcast_in_dim3A_4104 = vector.broadcast %jit3A_4103 : i32 to vector<32x256xi32>
    %select_n3A_4105 = arith.select %lt3A_4101, %broadcast_in_dim3A_4104, %select_n3A_4088 : vector<32x256xi1>, vector<32x256xi32>
    %get3A_4106 = arith.constant 7616 : index
    %get3A_4107 = arith.constant 0 : index
    %get3A_4108 = vector.load %arg4[%get3A_4106, %get3A_4107] : memref<8192x32xbf16, #tpu.memory_space<vmem>>, vector<32x32xbf16>
    %dot_general3A_4109 = arith.constant dense<0.000000e+00> : vector<32x256xf32>
    %dot_general3A_4110 = tpu.matmul %get3A_4108, %get3A_4, %dot_general3A_4109 {dimension_numbers = #tpu.dot_dimension_numbers<[1], [0], [0], [1], [0, 0, 1, 1], [], []>, transpose_lhs_hint = false} : vector<32x32xbf16>, vector<32x256xbf16>, vector<32x256xf32> -> vector<32x256xf32>
    %get3A_4111 = arith.constant 7616 : index
    %get3A_4112 = arith.constant 0 : index
    %get3A_4113 = vector.load %arg2[%get3A_4111, %get3A_4112] : memref<8192x1xf32, #tpu.memory_space<vmem>>, vector<32x1xf32>
    %add3A_4114 = vector.broadcast %get3A_1 : vector<1x256xf32> to vector<32x256xf32>
    %add3A_4115 = vector.broadcast %get3A_4113 : vector<32x1xf32> to vector<32x256xf32>
    %add3A_4116 = arith.addf %add3A_4114, %add3A_4115 : vector<32x256xf32>
    %sub3A_4117 = arith.subf %add3A_4116, %dot_general3A_4110 : vector<32x256xf32>
    %lt3A_4118 = arith.cmpf olt, %sub3A_4117, %select_n3A_4102 : vector<32x256xf32>
    %select_n3A_4119 = arith.select %lt3A_4118, %sub3A_4117, %select_n3A_4102 : vector<32x256xi1>, vector<32x256xf32>
    %jit3A_4120 = arith.constant 238 : i32
    %broadcast_in_dim3A_4121 = vector.broadcast %jit3A_4120 : i32 to vector<32x256xi32>
    %select_n3A_4122 = arith.select %lt3A_4118, %broadcast_in_dim3A_4121, %select_n3A_4105 : vector<32x256xi1>, vector<32x256xi32>
    %get3A_4123 = arith.constant 7648 : index
    %get3A_4124 = arith.constant 0 : index
    %get3A_4125 = vector.load %arg4[%get3A_4123, %get3A_4124] : memref<8192x32xbf16, #tpu.memory_space<vmem>>, vector<32x32xbf16>
    %dot_general3A_4126 = arith.constant dense<0.000000e+00> : vector<32x256xf32>
    %dot_general3A_4127 = tpu.matmul %get3A_4125, %get3A_4, %dot_general3A_4126 {dimension_numbers = #tpu.dot_dimension_numbers<[1], [0], [0], [1], [0, 0, 1, 1], [], []>, transpose_lhs_hint = false} : vector<32x32xbf16>, vector<32x256xbf16>, vector<32x256xf32> -> vector<32x256xf32>
    %get3A_4128 = arith.constant 7648 : index
    %get3A_4129 = arith.constant 0 : index
    %get3A_4130 = vector.load %arg2[%get3A_4128, %get3A_4129] : memref<8192x1xf32, #tpu.memory_space<vmem>>, vector<32x1xf32>
    %add3A_4131 = vector.broadcast %get3A_1 : vector<1x256xf32> to vector<32x256xf32>
    %add3A_4132 = vector.broadcast %get3A_4130 : vector<32x1xf32> to vector<32x256xf32>
    %add3A_4133 = arith.addf %add3A_4131, %add3A_4132 : vector<32x256xf32>
    %sub3A_4134 = arith.subf %add3A_4133, %dot_general3A_4127 : vector<32x256xf32>
    %lt3A_4135 = arith.cmpf olt, %sub3A_4134, %select_n3A_4119 : vector<32x256xf32>
    %select_n3A_4136 = arith.select %lt3A_4135, %sub3A_4134, %select_n3A_4119 : vector<32x256xi1>, vector<32x256xf32>
    %jit3A_4137 = arith.constant 239 : i32
    %broadcast_in_dim3A_4138 = vector.broadcast %jit3A_4137 : i32 to vector<32x256xi32>
    %select_n3A_4139 = arith.select %lt3A_4135, %broadcast_in_dim3A_4138, %select_n3A_4122 : vector<32x256xi1>, vector<32x256xi32>
    %get3A_4140 = arith.constant 7680 : index
    %get3A_4141 = arith.constant 0 : index
    %get3A_4142 = vector.load %arg4[%get3A_4140, %get3A_4141] : memref<8192x32xbf16, #tpu.memory_space<vmem>>, vector<32x32xbf16>
    %dot_general3A_4143 = arith.constant dense<0.000000e+00> : vector<32x256xf32>
    %dot_general3A_4144 = tpu.matmul %get3A_4142, %get3A_4, %dot_general3A_4143 {dimension_numbers = #tpu.dot_dimension_numbers<[1], [0], [0], [1], [0, 0, 1, 1], [], []>, transpose_lhs_hint = false} : vector<32x32xbf16>, vector<32x256xbf16>, vector<32x256xf32> -> vector<32x256xf32>
    %get3A_4145 = arith.constant 7680 : index
    %get3A_4146 = arith.constant 0 : index
    %get3A_4147 = vector.load %arg2[%get3A_4145, %get3A_4146] : memref<8192x1xf32, #tpu.memory_space<vmem>>, vector<32x1xf32>
    %add3A_4148 = vector.broadcast %get3A_1 : vector<1x256xf32> to vector<32x256xf32>
    %add3A_4149 = vector.broadcast %get3A_4147 : vector<32x1xf32> to vector<32x256xf32>
    %add3A_4150 = arith.addf %add3A_4148, %add3A_4149 : vector<32x256xf32>
    %sub3A_4151 = arith.subf %add3A_4150, %dot_general3A_4144 : vector<32x256xf32>
    %lt3A_4152 = arith.cmpf olt, %sub3A_4151, %select_n3A_4136 : vector<32x256xf32>
    %select_n3A_4153 = arith.select %lt3A_4152, %sub3A_4151, %select_n3A_4136 : vector<32x256xi1>, vector<32x256xf32>
    %jit3A_4154 = arith.constant 240 : i32
    %broadcast_in_dim3A_4155 = vector.broadcast %jit3A_4154 : i32 to vector<32x256xi32>
    %select_n3A_4156 = arith.select %lt3A_4152, %broadcast_in_dim3A_4155, %select_n3A_4139 : vector<32x256xi1>, vector<32x256xi32>
    %get3A_4157 = arith.constant 7712 : index
    %get3A_4158 = arith.constant 0 : index
    %get3A_4159 = vector.load %arg4[%get3A_4157, %get3A_4158] : memref<8192x32xbf16, #tpu.memory_space<vmem>>, vector<32x32xbf16>
    %dot_general3A_4160 = arith.constant dense<0.000000e+00> : vector<32x256xf32>
    %dot_general3A_4161 = tpu.matmul %get3A_4159, %get3A_4, %dot_general3A_4160 {dimension_numbers = #tpu.dot_dimension_numbers<[1], [0], [0], [1], [0, 0, 1, 1], [], []>, transpose_lhs_hint = false} : vector<32x32xbf16>, vector<32x256xbf16>, vector<32x256xf32> -> vector<32x256xf32>
    %get3A_4162 = arith.constant 7712 : index
    %get3A_4163 = arith.constant 0 : index
    %get3A_4164 = vector.load %arg2[%get3A_4162, %get3A_4163] : memref<8192x1xf32, #tpu.memory_space<vmem>>, vector<32x1xf32>
    %add3A_4165 = vector.broadcast %get3A_1 : vector<1x256xf32> to vector<32x256xf32>
    %add3A_4166 = vector.broadcast %get3A_4164 : vector<32x1xf32> to vector<32x256xf32>
    %add3A_4167 = arith.addf %add3A_4165, %add3A_4166 : vector<32x256xf32>
    %sub3A_4168 = arith.subf %add3A_4167, %dot_general3A_4161 : vector<32x256xf32>
    %lt3A_4169 = arith.cmpf olt, %sub3A_4168, %select_n3A_4153 : vector<32x256xf32>
    %select_n3A_4170 = arith.select %lt3A_4169, %sub3A_4168, %select_n3A_4153 : vector<32x256xi1>, vector<32x256xf32>
    %jit3A_4171 = arith.constant 241 : i32
    %broadcast_in_dim3A_4172 = vector.broadcast %jit3A_4171 : i32 to vector<32x256xi32>
    %select_n3A_4173 = arith.select %lt3A_4169, %broadcast_in_dim3A_4172, %select_n3A_4156 : vector<32x256xi1>, vector<32x256xi32>
    %get3A_4174 = arith.constant 7744 : index
    %get3A_4175 = arith.constant 0 : index
    %get3A_4176 = vector.load %arg4[%get3A_4174, %get3A_4175] : memref<8192x32xbf16, #tpu.memory_space<vmem>>, vector<32x32xbf16>
    %dot_general3A_4177 = arith.constant dense<0.000000e+00> : vector<32x256xf32>
    %dot_general3A_4178 = tpu.matmul %get3A_4176, %get3A_4, %dot_general3A_4177 {dimension_numbers = #tpu.dot_dimension_numbers<[1], [0], [0], [1], [0, 0, 1, 1], [], []>, transpose_lhs_hint = false} : vector<32x32xbf16>, vector<32x256xbf16>, vector<32x256xf32> -> vector<32x256xf32>
    %get3A_4179 = arith.constant 7744 : index
    %get3A_4180 = arith.constant 0 : index
    %get3A_4181 = vector.load %arg2[%get3A_4179, %get3A_4180] : memref<8192x1xf32, #tpu.memory_space<vmem>>, vector<32x1xf32>
    %add3A_4182 = vector.broadcast %get3A_1 : vector<1x256xf32> to vector<32x256xf32>
    %add3A_4183 = vector.broadcast %get3A_4181 : vector<32x1xf32> to vector<32x256xf32>
    %add3A_4184 = arith.addf %add3A_4182, %add3A_4183 : vector<32x256xf32>
    %sub3A_4185 = arith.subf %add3A_4184, %dot_general3A_4178 : vector<32x256xf32>
    %lt3A_4186 = arith.cmpf olt, %sub3A_4185, %select_n3A_4170 : vector<32x256xf32>
    %select_n3A_4187 = arith.select %lt3A_4186, %sub3A_4185, %select_n3A_4170 : vector<32x256xi1>, vector<32x256xf32>
    %jit3A_4188 = arith.constant 242 : i32
    %broadcast_in_dim3A_4189 = vector.broadcast %jit3A_4188 : i32 to vector<32x256xi32>
    %select_n3A_4190 = arith.select %lt3A_4186, %broadcast_in_dim3A_4189, %select_n3A_4173 : vector<32x256xi1>, vector<32x256xi32>
    %get3A_4191 = arith.constant 7776 : index
    %get3A_4192 = arith.constant 0 : index
    %get3A_4193 = vector.load %arg4[%get3A_4191, %get3A_4192] : memref<8192x32xbf16, #tpu.memory_space<vmem>>, vector<32x32xbf16>
    %dot_general3A_4194 = arith.constant dense<0.000000e+00> : vector<32x256xf32>
    %dot_general3A_4195 = tpu.matmul %get3A_4193, %get3A_4, %dot_general3A_4194 {dimension_numbers = #tpu.dot_dimension_numbers<[1], [0], [0], [1], [0, 0, 1, 1], [], []>, transpose_lhs_hint = false} : vector<32x32xbf16>, vector<32x256xbf16>, vector<32x256xf32> -> vector<32x256xf32>
    %get3A_4196 = arith.constant 7776 : index
    %get3A_4197 = arith.constant 0 : index
    %get3A_4198 = vector.load %arg2[%get3A_4196, %get3A_4197] : memref<8192x1xf32, #tpu.memory_space<vmem>>, vector<32x1xf32>
    %add3A_4199 = vector.broadcast %get3A_1 : vector<1x256xf32> to vector<32x256xf32>
    %add3A_4200 = vector.broadcast %get3A_4198 : vector<32x1xf32> to vector<32x256xf32>
    %add3A_4201 = arith.addf %add3A_4199, %add3A_4200 : vector<32x256xf32>
    %sub3A_4202 = arith.subf %add3A_4201, %dot_general3A_4195 : vector<32x256xf32>
    %lt3A_4203 = arith.cmpf olt, %sub3A_4202, %select_n3A_4187 : vector<32x256xf32>
    %select_n3A_4204 = arith.select %lt3A_4203, %sub3A_4202, %select_n3A_4187 : vector<32x256xi1>, vector<32x256xf32>
    %jit3A_4205 = arith.constant 243 : i32
    %broadcast_in_dim3A_4206 = vector.broadcast %jit3A_4205 : i32 to vector<32x256xi32>
    %select_n3A_4207 = arith.select %lt3A_4203, %broadcast_in_dim3A_4206, %select_n3A_4190 : vector<32x256xi1>, vector<32x256xi32>
    %get3A_4208 = arith.constant 7808 : index
    %get3A_4209 = arith.constant 0 : index
    %get3A_4210 = vector.load %arg4[%get3A_4208, %get3A_4209] : memref<8192x32xbf16, #tpu.memory_space<vmem>>, vector<32x32xbf16>
    %dot_general3A_4211 = arith.constant dense<0.000000e+00> : vector<32x256xf32>
    %dot_general3A_4212 = tpu.matmul %get3A_4210, %get3A_4, %dot_general3A_4211 {dimension_numbers = #tpu.dot_dimension_numbers<[1], [0], [0], [1], [0, 0, 1, 1], [], []>, transpose_lhs_hint = false} : vector<32x32xbf16>, vector<32x256xbf16>, vector<32x256xf32> -> vector<32x256xf32>
    %get3A_4213 = arith.constant 7808 : index
    %get3A_4214 = arith.constant 0 : index
    %get3A_4215 = vector.load %arg2[%get3A_4213, %get3A_4214] : memref<8192x1xf32, #tpu.memory_space<vmem>>, vector<32x1xf32>
    %add3A_4216 = vector.broadcast %get3A_1 : vector<1x256xf32> to vector<32x256xf32>
    %add3A_4217 = vector.broadcast %get3A_4215 : vector<32x1xf32> to vector<32x256xf32>
    %add3A_4218 = arith.addf %add3A_4216, %add3A_4217 : vector<32x256xf32>
    %sub3A_4219 = arith.subf %add3A_4218, %dot_general3A_4212 : vector<32x256xf32>
    %lt3A_4220 = arith.cmpf olt, %sub3A_4219, %select_n3A_4204 : vector<32x256xf32>
    %select_n3A_4221 = arith.select %lt3A_4220, %sub3A_4219, %select_n3A_4204 : vector<32x256xi1>, vector<32x256xf32>
    %jit3A_4222 = arith.constant 244 : i32
    %broadcast_in_dim3A_4223 = vector.broadcast %jit3A_4222 : i32 to vector<32x256xi32>
    %select_n3A_4224 = arith.select %lt3A_4220, %broadcast_in_dim3A_4223, %select_n3A_4207 : vector<32x256xi1>, vector<32x256xi32>
    %get3A_4225 = arith.constant 7840 : index
    %get3A_4226 = arith.constant 0 : index
    %get3A_4227 = vector.load %arg4[%get3A_4225, %get3A_4226] : memref<8192x32xbf16, #tpu.memory_space<vmem>>, vector<32x32xbf16>
    %dot_general3A_4228 = arith.constant dense<0.000000e+00> : vector<32x256xf32>
    %dot_general3A_4229 = tpu.matmul %get3A_4227, %get3A_4, %dot_general3A_4228 {dimension_numbers = #tpu.dot_dimension_numbers<[1], [0], [0], [1], [0, 0, 1, 1], [], []>, transpose_lhs_hint = false} : vector<32x32xbf16>, vector<32x256xbf16>, vector<32x256xf32> -> vector<32x256xf32>
    %get3A_4230 = arith.constant 7840 : index
    %get3A_4231 = arith.constant 0 : index
    %get3A_4232 = vector.load %arg2[%get3A_4230, %get3A_4231] : memref<8192x1xf32, #tpu.memory_space<vmem>>, vector<32x1xf32>
    %add3A_4233 = vector.broadcast %get3A_1 : vector<1x256xf32> to vector<32x256xf32>
    %add3A_4234 = vector.broadcast %get3A_4232 : vector<32x1xf32> to vector<32x256xf32>
    %add3A_4235 = arith.addf %add3A_4233, %add3A_4234 : vector<32x256xf32>
    %sub3A_4236 = arith.subf %add3A_4235, %dot_general3A_4229 : vector<32x256xf32>
    %lt3A_4237 = arith.cmpf olt, %sub3A_4236, %select_n3A_4221 : vector<32x256xf32>
    %select_n3A_4238 = arith.select %lt3A_4237, %sub3A_4236, %select_n3A_4221 : vector<32x256xi1>, vector<32x256xf32>
    %jit3A_4239 = arith.constant 245 : i32
    %broadcast_in_dim3A_4240 = vector.broadcast %jit3A_4239 : i32 to vector<32x256xi32>
    %select_n3A_4241 = arith.select %lt3A_4237, %broadcast_in_dim3A_4240, %select_n3A_4224 : vector<32x256xi1>, vector<32x256xi32>
    %get3A_4242 = arith.constant 7872 : index
    %get3A_4243 = arith.constant 0 : index
    %get3A_4244 = vector.load %arg4[%get3A_4242, %get3A_4243] : memref<8192x32xbf16, #tpu.memory_space<vmem>>, vector<32x32xbf16>
    %dot_general3A_4245 = arith.constant dense<0.000000e+00> : vector<32x256xf32>
    %dot_general3A_4246 = tpu.matmul %get3A_4244, %get3A_4, %dot_general3A_4245 {dimension_numbers = #tpu.dot_dimension_numbers<[1], [0], [0], [1], [0, 0, 1, 1], [], []>, transpose_lhs_hint = false} : vector<32x32xbf16>, vector<32x256xbf16>, vector<32x256xf32> -> vector<32x256xf32>
    %get3A_4247 = arith.constant 7872 : index
    %get3A_4248 = arith.constant 0 : index
    %get3A_4249 = vector.load %arg2[%get3A_4247, %get3A_4248] : memref<8192x1xf32, #tpu.memory_space<vmem>>, vector<32x1xf32>
    %add3A_4250 = vector.broadcast %get3A_1 : vector<1x256xf32> to vector<32x256xf32>
    %add3A_4251 = vector.broadcast %get3A_4249 : vector<32x1xf32> to vector<32x256xf32>
    %add3A_4252 = arith.addf %add3A_4250, %add3A_4251 : vector<32x256xf32>
    %sub3A_4253 = arith.subf %add3A_4252, %dot_general3A_4246 : vector<32x256xf32>
    %lt3A_4254 = arith.cmpf olt, %sub3A_4253, %select_n3A_4238 : vector<32x256xf32>
    %select_n3A_4255 = arith.select %lt3A_4254, %sub3A_4253, %select_n3A_4238 : vector<32x256xi1>, vector<32x256xf32>
    %jit3A_4256 = arith.constant 246 : i32
    %broadcast_in_dim3A_4257 = vector.broadcast %jit3A_4256 : i32 to vector<32x256xi32>
    %select_n3A_4258 = arith.select %lt3A_4254, %broadcast_in_dim3A_4257, %select_n3A_4241 : vector<32x256xi1>, vector<32x256xi32>
    %get3A_4259 = arith.constant 7904 : index
    %get3A_4260 = arith.constant 0 : index
    %get3A_4261 = vector.load %arg4[%get3A_4259, %get3A_4260] : memref<8192x32xbf16, #tpu.memory_space<vmem>>, vector<32x32xbf16>
    %dot_general3A_4262 = arith.constant dense<0.000000e+00> : vector<32x256xf32>
    %dot_general3A_4263 = tpu.matmul %get3A_4261, %get3A_4, %dot_general3A_4262 {dimension_numbers = #tpu.dot_dimension_numbers<[1], [0], [0], [1], [0, 0, 1, 1], [], []>, transpose_lhs_hint = false} : vector<32x32xbf16>, vector<32x256xbf16>, vector<32x256xf32> -> vector<32x256xf32>
    %get3A_4264 = arith.constant 7904 : index
    %get3A_4265 = arith.constant 0 : index
    %get3A_4266 = vector.load %arg2[%get3A_4264, %get3A_4265] : memref<8192x1xf32, #tpu.memory_space<vmem>>, vector<32x1xf32>
    %add3A_4267 = vector.broadcast %get3A_1 : vector<1x256xf32> to vector<32x256xf32>
    %add3A_4268 = vector.broadcast %get3A_4266 : vector<32x1xf32> to vector<32x256xf32>
    %add3A_4269 = arith.addf %add3A_4267, %add3A_4268 : vector<32x256xf32>
    %sub3A_4270 = arith.subf %add3A_4269, %dot_general3A_4263 : vector<32x256xf32>
    %lt3A_4271 = arith.cmpf olt, %sub3A_4270, %select_n3A_4255 : vector<32x256xf32>
    %select_n3A_4272 = arith.select %lt3A_4271, %sub3A_4270, %select_n3A_4255 : vector<32x256xi1>, vector<32x256xf32>
    %jit3A_4273 = arith.constant 247 : i32
    %broadcast_in_dim3A_4274 = vector.broadcast %jit3A_4273 : i32 to vector<32x256xi32>
    %select_n3A_4275 = arith.select %lt3A_4271, %broadcast_in_dim3A_4274, %select_n3A_4258 : vector<32x256xi1>, vector<32x256xi32>
    %get3A_4276 = arith.constant 7936 : index
    %get3A_4277 = arith.constant 0 : index
    %get3A_4278 = vector.load %arg4[%get3A_4276, %get3A_4277] : memref<8192x32xbf16, #tpu.memory_space<vmem>>, vector<32x32xbf16>
    %dot_general3A_4279 = arith.constant dense<0.000000e+00> : vector<32x256xf32>
    %dot_general3A_4280 = tpu.matmul %get3A_4278, %get3A_4, %dot_general3A_4279 {dimension_numbers = #tpu.dot_dimension_numbers<[1], [0], [0], [1], [0, 0, 1, 1], [], []>, transpose_lhs_hint = false} : vector<32x32xbf16>, vector<32x256xbf16>, vector<32x256xf32> -> vector<32x256xf32>
    %get3A_4281 = arith.constant 7936 : index
    %get3A_4282 = arith.constant 0 : index
    %get3A_4283 = vector.load %arg2[%get3A_4281, %get3A_4282] : memref<8192x1xf32, #tpu.memory_space<vmem>>, vector<32x1xf32>
    %add3A_4284 = vector.broadcast %get3A_1 : vector<1x256xf32> to vector<32x256xf32>
    %add3A_4285 = vector.broadcast %get3A_4283 : vector<32x1xf32> to vector<32x256xf32>
    %add3A_4286 = arith.addf %add3A_4284, %add3A_4285 : vector<32x256xf32>
    %sub3A_4287 = arith.subf %add3A_4286, %dot_general3A_4280 : vector<32x256xf32>
    %lt3A_4288 = arith.cmpf olt, %sub3A_4287, %select_n3A_4272 : vector<32x256xf32>
    %select_n3A_4289 = arith.select %lt3A_4288, %sub3A_4287, %select_n3A_4272 : vector<32x256xi1>, vector<32x256xf32>
    %jit3A_4290 = arith.constant 248 : i32
    %broadcast_in_dim3A_4291 = vector.broadcast %jit3A_4290 : i32 to vector<32x256xi32>
    %select_n3A_4292 = arith.select %lt3A_4288, %broadcast_in_dim3A_4291, %select_n3A_4275 : vector<32x256xi1>, vector<32x256xi32>
    %get3A_4293 = arith.constant 7968 : index
    %get3A_4294 = arith.constant 0 : index
    %get3A_4295 = vector.load %arg4[%get3A_4293, %get3A_4294] : memref<8192x32xbf16, #tpu.memory_space<vmem>>, vector<32x32xbf16>
    %dot_general3A_4296 = arith.constant dense<0.000000e+00> : vector<32x256xf32>
    %dot_general3A_4297 = tpu.matmul %get3A_4295, %get3A_4, %dot_general3A_4296 {dimension_numbers = #tpu.dot_dimension_numbers<[1], [0], [0], [1], [0, 0, 1, 1], [], []>, transpose_lhs_hint = false} : vector<32x32xbf16>, vector<32x256xbf16>, vector<32x256xf32> -> vector<32x256xf32>
    %get3A_4298 = arith.constant 7968 : index
    %get3A_4299 = arith.constant 0 : index
    %get3A_4300 = vector.load %arg2[%get3A_4298, %get3A_4299] : memref<8192x1xf32, #tpu.memory_space<vmem>>, vector<32x1xf32>
    %add3A_4301 = vector.broadcast %get3A_1 : vector<1x256xf32> to vector<32x256xf32>
    %add3A_4302 = vector.broadcast %get3A_4300 : vector<32x1xf32> to vector<32x256xf32>
    %add3A_4303 = arith.addf %add3A_4301, %add3A_4302 : vector<32x256xf32>
    %sub3A_4304 = arith.subf %add3A_4303, %dot_general3A_4297 : vector<32x256xf32>
    %lt3A_4305 = arith.cmpf olt, %sub3A_4304, %select_n3A_4289 : vector<32x256xf32>
    %select_n3A_4306 = arith.select %lt3A_4305, %sub3A_4304, %select_n3A_4289 : vector<32x256xi1>, vector<32x256xf32>
    %jit3A_4307 = arith.constant 249 : i32
    %broadcast_in_dim3A_4308 = vector.broadcast %jit3A_4307 : i32 to vector<32x256xi32>
    %select_n3A_4309 = arith.select %lt3A_4305, %broadcast_in_dim3A_4308, %select_n3A_4292 : vector<32x256xi1>, vector<32x256xi32>
    %get3A_4310 = arith.constant 8000 : index
    %get3A_4311 = arith.constant 0 : index
    %get3A_4312 = vector.load %arg4[%get3A_4310, %get3A_4311] : memref<8192x32xbf16, #tpu.memory_space<vmem>>, vector<32x32xbf16>
    %dot_general3A_4313 = arith.constant dense<0.000000e+00> : vector<32x256xf32>
    %dot_general3A_4314 = tpu.matmul %get3A_4312, %get3A_4, %dot_general3A_4313 {dimension_numbers = #tpu.dot_dimension_numbers<[1], [0], [0], [1], [0, 0, 1, 1], [], []>, transpose_lhs_hint = false} : vector<32x32xbf16>, vector<32x256xbf16>, vector<32x256xf32> -> vector<32x256xf32>
    %get3A_4315 = arith.constant 8000 : index
    %get3A_4316 = arith.constant 0 : index
    %get3A_4317 = vector.load %arg2[%get3A_4315, %get3A_4316] : memref<8192x1xf32, #tpu.memory_space<vmem>>, vector<32x1xf32>
    %add3A_4318 = vector.broadcast %get3A_1 : vector<1x256xf32> to vector<32x256xf32>
    %add3A_4319 = vector.broadcast %get3A_4317 : vector<32x1xf32> to vector<32x256xf32>
    %add3A_4320 = arith.addf %add3A_4318, %add3A_4319 : vector<32x256xf32>
    %sub3A_4321 = arith.subf %add3A_4320, %dot_general3A_4314 : vector<32x256xf32>
    %lt3A_4322 = arith.cmpf olt, %sub3A_4321, %select_n3A_4306 : vector<32x256xf32>
    %select_n3A_4323 = arith.select %lt3A_4322, %sub3A_4321, %select_n3A_4306 : vector<32x256xi1>, vector<32x256xf32>
    %jit3A_4324 = arith.constant 250 : i32
    %broadcast_in_dim3A_4325 = vector.broadcast %jit3A_4324 : i32 to vector<32x256xi32>
    %select_n3A_4326 = arith.select %lt3A_4322, %broadcast_in_dim3A_4325, %select_n3A_4309 : vector<32x256xi1>, vector<32x256xi32>
    %get3A_4327 = arith.constant 8032 : index
    %get3A_4328 = arith.constant 0 : index
    %get3A_4329 = vector.load %arg4[%get3A_4327, %get3A_4328] : memref<8192x32xbf16, #tpu.memory_space<vmem>>, vector<32x32xbf16>
    %dot_general3A_4330 = arith.constant dense<0.000000e+00> : vector<32x256xf32>
    %dot_general3A_4331 = tpu.matmul %get3A_4329, %get3A_4, %dot_general3A_4330 {dimension_numbers = #tpu.dot_dimension_numbers<[1], [0], [0], [1], [0, 0, 1, 1], [], []>, transpose_lhs_hint = false} : vector<32x32xbf16>, vector<32x256xbf16>, vector<32x256xf32> -> vector<32x256xf32>
    %get3A_4332 = arith.constant 8032 : index
    %get3A_4333 = arith.constant 0 : index
    %get3A_4334 = vector.load %arg2[%get3A_4332, %get3A_4333] : memref<8192x1xf32, #tpu.memory_space<vmem>>, vector<32x1xf32>
    %add3A_4335 = vector.broadcast %get3A_1 : vector<1x256xf32> to vector<32x256xf32>
    %add3A_4336 = vector.broadcast %get3A_4334 : vector<32x1xf32> to vector<32x256xf32>
    %add3A_4337 = arith.addf %add3A_4335, %add3A_4336 : vector<32x256xf32>
    %sub3A_4338 = arith.subf %add3A_4337, %dot_general3A_4331 : vector<32x256xf32>
    %lt3A_4339 = arith.cmpf olt, %sub3A_4338, %select_n3A_4323 : vector<32x256xf32>
    %select_n3A_4340 = arith.select %lt3A_4339, %sub3A_4338, %select_n3A_4323 : vector<32x256xi1>, vector<32x256xf32>
    %jit3A_4341 = arith.constant 251 : i32
    %broadcast_in_dim3A_4342 = vector.broadcast %jit3A_4341 : i32 to vector<32x256xi32>
    %select_n3A_4343 = arith.select %lt3A_4339, %broadcast_in_dim3A_4342, %select_n3A_4326 : vector<32x256xi1>, vector<32x256xi32>
    %get3A_4344 = arith.constant 8064 : index
    %get3A_4345 = arith.constant 0 : index
    %get3A_4346 = vector.load %arg4[%get3A_4344, %get3A_4345] : memref<8192x32xbf16, #tpu.memory_space<vmem>>, vector<32x32xbf16>
    %dot_general3A_4347 = arith.constant dense<0.000000e+00> : vector<32x256xf32>
    %dot_general3A_4348 = tpu.matmul %get3A_4346, %get3A_4, %dot_general3A_4347 {dimension_numbers = #tpu.dot_dimension_numbers<[1], [0], [0], [1], [0, 0, 1, 1], [], []>, transpose_lhs_hint = false} : vector<32x32xbf16>, vector<32x256xbf16>, vector<32x256xf32> -> vector<32x256xf32>
    %get3A_4349 = arith.constant 8064 : index
    %get3A_4350 = arith.constant 0 : index
    %get3A_4351 = vector.load %arg2[%get3A_4349, %get3A_4350] : memref<8192x1xf32, #tpu.memory_space<vmem>>, vector<32x1xf32>
    %add3A_4352 = vector.broadcast %get3A_1 : vector<1x256xf32> to vector<32x256xf32>
    %add3A_4353 = vector.broadcast %get3A_4351 : vector<32x1xf32> to vector<32x256xf32>
    %add3A_4354 = arith.addf %add3A_4352, %add3A_4353 : vector<32x256xf32>
    %sub3A_4355 = arith.subf %add3A_4354, %dot_general3A_4348 : vector<32x256xf32>
    %lt3A_4356 = arith.cmpf olt, %sub3A_4355, %select_n3A_4340 : vector<32x256xf32>
    %select_n3A_4357 = arith.select %lt3A_4356, %sub3A_4355, %select_n3A_4340 : vector<32x256xi1>, vector<32x256xf32>
    %jit3A_4358 = arith.constant 252 : i32
    %broadcast_in_dim3A_4359 = vector.broadcast %jit3A_4358 : i32 to vector<32x256xi32>
    %select_n3A_4360 = arith.select %lt3A_4356, %broadcast_in_dim3A_4359, %select_n3A_4343 : vector<32x256xi1>, vector<32x256xi32>
    %get3A_4361 = arith.constant 8096 : index
    %get3A_4362 = arith.constant 0 : index
    %get3A_4363 = vector.load %arg4[%get3A_4361, %get3A_4362] : memref<8192x32xbf16, #tpu.memory_space<vmem>>, vector<32x32xbf16>
    %dot_general3A_4364 = arith.constant dense<0.000000e+00> : vector<32x256xf32>
    %dot_general3A_4365 = tpu.matmul %get3A_4363, %get3A_4, %dot_general3A_4364 {dimension_numbers = #tpu.dot_dimension_numbers<[1], [0], [0], [1], [0, 0, 1, 1], [], []>, transpose_lhs_hint = false} : vector<32x32xbf16>, vector<32x256xbf16>, vector<32x256xf32> -> vector<32x256xf32>
    %get3A_4366 = arith.constant 8096 : index
    %get3A_4367 = arith.constant 0 : index
    %get3A_4368 = vector.load %arg2[%get3A_4366, %get3A_4367] : memref<8192x1xf32, #tpu.memory_space<vmem>>, vector<32x1xf32>
    %add3A_4369 = vector.broadcast %get3A_1 : vector<1x256xf32> to vector<32x256xf32>
    %add3A_4370 = vector.broadcast %get3A_4368 : vector<32x1xf32> to vector<32x256xf32>
    %add3A_4371 = arith.addf %add3A_4369, %add3A_4370 : vector<32x256xf32>
    %sub3A_4372 = arith.subf %add3A_4371, %dot_general3A_4365 : vector<32x256xf32>
    %lt3A_4373 = arith.cmpf olt, %sub3A_4372, %select_n3A_4357 : vector<32x256xf32>
    %select_n3A_4374 = arith.select %lt3A_4373, %sub3A_4372, %select_n3A_4357 : vector<32x256xi1>, vector<32x256xf32>
    %jit3A_4375 = arith.constant 253 : i32
    %broadcast_in_dim3A_4376 = vector.broadcast %jit3A_4375 : i32 to vector<32x256xi32>
    %select_n3A_4377 = arith.select %lt3A_4373, %broadcast_in_dim3A_4376, %select_n3A_4360 : vector<32x256xi1>, vector<32x256xi32>
    %get3A_4378 = arith.constant 8128 : index
    %get3A_4379 = arith.constant 0 : index
    %get3A_4380 = vector.load %arg4[%get3A_4378, %get3A_4379] : memref<8192x32xbf16, #tpu.memory_space<vmem>>, vector<32x32xbf16>
    %dot_general3A_4381 = arith.constant dense<0.000000e+00> : vector<32x256xf32>
    %dot_general3A_4382 = tpu.matmul %get3A_4380, %get3A_4, %dot_general3A_4381 {dimension_numbers = #tpu.dot_dimension_numbers<[1], [0], [0], [1], [0, 0, 1, 1], [], []>, transpose_lhs_hint = false} : vector<32x32xbf16>, vector<32x256xbf16>, vector<32x256xf32> -> vector<32x256xf32>
    %get3A_4383 = arith.constant 8128 : index
    %get3A_4384 = arith.constant 0 : index
    %get3A_4385 = vector.load %arg2[%get3A_4383, %get3A_4384] : memref<8192x1xf32, #tpu.memory_space<vmem>>, vector<32x1xf32>
    %add3A_4386 = vector.broadcast %get3A_1 : vector<1x256xf32> to vector<32x256xf32>
    %add3A_4387 = vector.broadcast %get3A_4385 : vector<32x1xf32> to vector<32x256xf32>
    %add3A_4388 = arith.addf %add3A_4386, %add3A_4387 : vector<32x256xf32>
    %sub3A_4389 = arith.subf %add3A_4388, %dot_general3A_4382 : vector<32x256xf32>
    %lt3A_4390 = arith.cmpf olt, %sub3A_4389, %select_n3A_4374 : vector<32x256xf32>
    %select_n3A_4391 = arith.select %lt3A_4390, %sub3A_4389, %select_n3A_4374 : vector<32x256xi1>, vector<32x256xf32>
    %jit3A_4392 = arith.constant 254 : i32
    %broadcast_in_dim3A_4393 = vector.broadcast %jit3A_4392 : i32 to vector<32x256xi32>
    %select_n3A_4394 = arith.select %lt3A_4390, %broadcast_in_dim3A_4393, %select_n3A_4377 : vector<32x256xi1>, vector<32x256xi32>
    %get3A_4395 = arith.constant 8160 : index
    %get3A_4396 = arith.constant 0 : index
    %get3A_4397 = vector.load %arg4[%get3A_4395, %get3A_4396] : memref<8192x32xbf16, #tpu.memory_space<vmem>>, vector<32x32xbf16>
    %dot_general3A_4398 = arith.constant dense<0.000000e+00> : vector<32x256xf32>
    %dot_general3A_4399 = tpu.matmul %get3A_4397, %get3A_4, %dot_general3A_4398 {dimension_numbers = #tpu.dot_dimension_numbers<[1], [0], [0], [1], [0, 0, 1, 1], [], []>, transpose_lhs_hint = false} : vector<32x32xbf16>, vector<32x256xbf16>, vector<32x256xf32> -> vector<32x256xf32>
    %get3A_4400 = arith.constant 8160 : index
    %get3A_4401 = arith.constant 0 : index
    %get3A_4402 = vector.load %arg2[%get3A_4400, %get3A_4401] : memref<8192x1xf32, #tpu.memory_space<vmem>>, vector<32x1xf32>
    %add3A_4403 = vector.broadcast %get3A_1 : vector<1x256xf32> to vector<32x256xf32>
    %add3A_4404 = vector.broadcast %get3A_4402 : vector<32x1xf32> to vector<32x256xf32>
    %add3A_4405 = arith.addf %add3A_4403, %add3A_4404 : vector<32x256xf32>
    %sub3A_4406 = arith.subf %add3A_4405, %dot_general3A_4399 : vector<32x256xf32>
    %lt3A_4407 = arith.cmpf olt, %sub3A_4406, %select_n3A_4391 : vector<32x256xf32>
    %select_n3A_4408 = arith.select %lt3A_4407, %sub3A_4406, %select_n3A_4391 : vector<32x256xi1>, vector<32x256xf32>
    %jit3A_4409 = arith.constant 255 : i32
    %broadcast_in_dim3A_4410 = vector.broadcast %jit3A_4409 : i32 to vector<32x256xi32>
    %select_n3A_4411 = arith.select %lt3A_4407, %broadcast_in_dim3A_4410, %select_n3A_4394 : vector<32x256xi1>, vector<32x256xi32>
    %mul3A_4412 = arith.constant 32 : i32
    %mul3A_4413 = vector.broadcast %mul3A_4412 : i32 to vector<32x256xi32>
    %mul3A_4414 = arith.muli %mul3A_4413, %select_n3A_4411 : vector<32x256xi32>
    %add3A_4415 = arith.addi %mul3A_4414, %iota3A : vector<32x256xi32>
    %slice3A_4416 = vector.extract_strided_slice %select_n3A_4408 {offsets = [0, 0], sizes = [16, 256], strides = [1, 1]} : vector<32x256xf32> to vector<16x256xf32>
    %slice3A_4417 = vector.extract_strided_slice %select_n3A_4408 {offsets = [16, 0], sizes = [16, 256], strides = [1, 1]} : vector<32x256xf32> to vector<16x256xf32>
    %slice3A_4418 = vector.extract_strided_slice %add3A_4415 {offsets = [0, 0], sizes = [16, 256], strides = [1, 1]} : vector<32x256xi32> to vector<16x256xi32>
    %slice3A_4419 = vector.extract_strided_slice %add3A_4415 {offsets = [16, 0], sizes = [16, 256], strides = [1, 1]} : vector<32x256xi32> to vector<16x256xi32>
    %lt3A_4420 = arith.cmpf olt, %slice3A_4416, %slice3A_4417 : vector<16x256xf32>
    %eq3A_4421 = arith.cmpf oeq, %slice3A_4416, %slice3A_4417 : vector<16x256xf32>
    %lt3A_4422 = arith.cmpi slt, %slice3A_4418, %slice3A_4419 : vector<16x256xi32>
    %and3A_4423 = arith.andi %eq3A_4421, %lt3A_4422 : vector<16x256xi1>
    %or3A_4424 = arith.ori %lt3A_4420, %and3A_4423 : vector<16x256xi1>
    %select_n3A_4425 = arith.select %or3A_4424, %slice3A_4416, %slice3A_4417 : vector<16x256xi1>, vector<16x256xf32>
    %select_n3A_4426 = arith.select %or3A_4424, %slice3A_4418, %slice3A_4419 : vector<16x256xi1>, vector<16x256xi32>
    %slice3A_4427 = vector.extract_strided_slice %select_n3A_4425 {offsets = [0, 0], sizes = [8, 256], strides = [1, 1]} : vector<16x256xf32> to vector<8x256xf32>
    %slice3A_4428 = vector.extract_strided_slice %select_n3A_4425 {offsets = [8, 0], sizes = [8, 256], strides = [1, 1]} : vector<16x256xf32> to vector<8x256xf32>
    %slice3A_4429 = vector.extract_strided_slice %select_n3A_4426 {offsets = [0, 0], sizes = [8, 256], strides = [1, 1]} : vector<16x256xi32> to vector<8x256xi32>
    %slice3A_4430 = vector.extract_strided_slice %select_n3A_4426 {offsets = [8, 0], sizes = [8, 256], strides = [1, 1]} : vector<16x256xi32> to vector<8x256xi32>
    %lt3A_4431 = arith.cmpf olt, %slice3A_4427, %slice3A_4428 : vector<8x256xf32>
    %eq3A_4432 = arith.cmpf oeq, %slice3A_4427, %slice3A_4428 : vector<8x256xf32>
    %lt3A_4433 = arith.cmpi slt, %slice3A_4429, %slice3A_4430 : vector<8x256xi32>
    %and3A_4434 = arith.andi %eq3A_4432, %lt3A_4433 : vector<8x256xi1>
    %or3A_4435 = arith.ori %lt3A_4431, %and3A_4434 : vector<8x256xi1>
    %select_n3A_4436 = arith.select %or3A_4435, %slice3A_4427, %slice3A_4428 : vector<8x256xi1>, vector<8x256xf32>
    %select_n3A_4437 = arith.select %or3A_4435, %slice3A_4429, %slice3A_4430 : vector<8x256xi1>, vector<8x256xi32>
    %slice3A_4438 = vector.extract_strided_slice %select_n3A_4436 {offsets = [0, 0], sizes = [4, 256], strides = [1, 1]} : vector<8x256xf32> to vector<4x256xf32>
    %slice3A_4439 = vector.extract_strided_slice %select_n3A_4436 {offsets = [4, 0], sizes = [4, 256], strides = [1, 1]} : vector<8x256xf32> to vector<4x256xf32>
    %slice3A_4440 = vector.extract_strided_slice %select_n3A_4437 {offsets = [0, 0], sizes = [4, 256], strides = [1, 1]} : vector<8x256xi32> to vector<4x256xi32>
    %slice3A_4441 = vector.extract_strided_slice %select_n3A_4437 {offsets = [4, 0], sizes = [4, 256], strides = [1, 1]} : vector<8x256xi32> to vector<4x256xi32>
    %lt3A_4442 = arith.cmpf olt, %slice3A_4438, %slice3A_4439 : vector<4x256xf32>
    %eq3A_4443 = arith.cmpf oeq, %slice3A_4438, %slice3A_4439 : vector<4x256xf32>
    %lt3A_4444 = arith.cmpi slt, %slice3A_4440, %slice3A_4441 : vector<4x256xi32>
    %and3A_4445 = arith.andi %eq3A_4443, %lt3A_4444 : vector<4x256xi1>
    %or3A_4446 = arith.ori %lt3A_4442, %and3A_4445 : vector<4x256xi1>
    %select_n3A_4447 = arith.select %or3A_4446, %slice3A_4438, %slice3A_4439 : vector<4x256xi1>, vector<4x256xf32>
    %select_n3A_4448 = arith.select %or3A_4446, %slice3A_4440, %slice3A_4441 : vector<4x256xi1>, vector<4x256xi32>
    %slice3A_4449 = vector.extract_strided_slice %select_n3A_4447 {offsets = [0, 0], sizes = [2, 256], strides = [1, 1]} : vector<4x256xf32> to vector<2x256xf32>
    %slice3A_4450 = vector.extract_strided_slice %select_n3A_4447 {offsets = [2, 0], sizes = [2, 256], strides = [1, 1]} : vector<4x256xf32> to vector<2x256xf32>
    %slice3A_4451 = vector.extract_strided_slice %select_n3A_4448 {offsets = [0, 0], sizes = [2, 256], strides = [1, 1]} : vector<4x256xi32> to vector<2x256xi32>
    %slice3A_4452 = vector.extract_strided_slice %select_n3A_4448 {offsets = [2, 0], sizes = [2, 256], strides = [1, 1]} : vector<4x256xi32> to vector<2x256xi32>
    %lt3A_4453 = arith.cmpf olt, %slice3A_4449, %slice3A_4450 : vector<2x256xf32>
    %eq3A_4454 = arith.cmpf oeq, %slice3A_4449, %slice3A_4450 : vector<2x256xf32>
    %lt3A_4455 = arith.cmpi slt, %slice3A_4451, %slice3A_4452 : vector<2x256xi32>
    %and3A_4456 = arith.andi %eq3A_4454, %lt3A_4455 : vector<2x256xi1>
    %or3A_4457 = arith.ori %lt3A_4453, %and3A_4456 : vector<2x256xi1>
    %select_n3A_4458 = arith.select %or3A_4457, %slice3A_4449, %slice3A_4450 : vector<2x256xi1>, vector<2x256xf32>
    %select_n3A_4459 = arith.select %or3A_4457, %slice3A_4451, %slice3A_4452 : vector<2x256xi1>, vector<2x256xi32>
    %slice3A_4460 = vector.extract_strided_slice %select_n3A_4458 {offsets = [0, 0], sizes = [1, 256], strides = [1, 1]} : vector<2x256xf32> to vector<1x256xf32>
    %slice3A_4461 = vector.extract_strided_slice %select_n3A_4458 {offsets = [1, 0], sizes = [1, 256], strides = [1, 1]} : vector<2x256xf32> to vector<1x256xf32>
    %slice3A_4462 = vector.extract_strided_slice %select_n3A_4459 {offsets = [0, 0], sizes = [1, 256], strides = [1, 1]} : vector<2x256xi32> to vector<1x256xi32>
    %slice3A_4463 = vector.extract_strided_slice %select_n3A_4459 {offsets = [1, 0], sizes = [1, 256], strides = [1, 1]} : vector<2x256xi32> to vector<1x256xi32>
    %lt3A_4464 = arith.cmpf olt, %slice3A_4460, %slice3A_4461 : vector<1x256xf32>
    %eq3A_4465 = arith.cmpf oeq, %slice3A_4460, %slice3A_4461 : vector<1x256xf32>
    %lt3A_4466 = arith.cmpi slt, %slice3A_4462, %slice3A_4463 : vector<1x256xi32>
    %and3A_4467 = arith.andi %eq3A_4465, %lt3A_4466 : vector<1x256xi1>
    %or3A_4468 = arith.ori %lt3A_4464, %and3A_4467 : vector<1x256xi1>
    %select_n3A_4469 = arith.select %or3A_4468, %slice3A_4460, %slice3A_4461 : vector<1x256xi1>, vector<1x256xf32>
    %select_n3A_4470 = arith.select %or3A_4468, %slice3A_4462, %slice3A_4463 : vector<1x256xi1>, vector<1x256xi32>
    %convert_element_type3A = arith.truncf %select_n3A_2230 : vector<1x256xf32> to vector<1x256xbf16>
    %convert_element_type3A_4471 = arith.extf %convert_element_type3A : vector<1x256xbf16> to vector<1x256xf32>
    %le3A = arith.cmpf ole, %convert_element_type3A_4471, %select_n3A_4469 : vector<1x256xf32>
    %select_n3A_4472 = arith.select %le3A, %select_n3A_2231, %select_n3A_4470 : vector<1x256xi1>, vector<1x256xi32>
    %reshape3A = vector.shape_cast %select_n3A_4472 : vector<1x256xi32> to vector<256xi32>
    %swap3A = arith.constant 0 : index
    %swap3A_4473 = vector.load %arg5[%swap3A] : memref<256xi32, #tpu.memory_space<vmem>>, vector<256xi32>
    tpu.vector_store %arg5[%swap3A], %reshape3A {strides = array<i32>} : memref<256xi32, #tpu.memory_space<vmem>>, vector<256xi32>,
    return
  }
  func.func @transform_0(%arg0: i32) -> (i32, i32) {
    %c0_i32 = arith.constant 0 : i32
    %c0_i32_0 = arith.constant 0 : i32
    return %c0_i32, %arg0 : i32, i32
  }
  func.func @transform_1(%arg0: i32) -> (i32, i32) {
    %c0_i32 = arith.constant 0 : i32
    %c0_i32_0 = arith.constant 0 : i32
    %c0_i32_1 = arith.constant 0 : i32
    return %c0_i32, %c0_i32_0 : i32, i32
  }
  func.func @transform_2(%arg0: i32) -> (i32, i32) {
    %c0_i32 = arith.constant 0 : i32
    %c0_i32_0 = arith.constant 0 : i32
    return %c0_i32, %arg0 : i32, i32
  }
  func.func @transform_3(%arg0: i32) -> (i32, i32) {
    %c0_i32 = arith.constant 0 : i32
    %c0_i32_0 = arith.constant 0 : i32
    %c0_i32_1 = arith.constant 0 : i32
    return %c0_i32, %c0_i32_0 : i32, i32
  }
  func.func @transform_4(%arg0: i32) -> i32 {
    %c0_i32 = arith.constant 0 : i32
    return %arg0 : i32
  }
}

</mosaic_0001>

<sc_bundles>
// kernel: kernel.4.cloned.1.call-start
scs
__scs_entry_jumppad:
0x0: {  	(pc) =	sbr.rel $0x88, $3  }
0x1: {  	(tag) =	ssettag $0x0;
	lr =	simm.s32 $0x1  }
0x2: {  	[smem:$0x3F9F] =	sst lr;
	_ =	strace $0xD0000000  }
0x3: {  	_ = 	snop  }
0x4: {  	_ = 	snop  }
0x5: {  	_ = 	snop  }
0x6: {  	_ = 	snop  }
0x7: {  	_ = 	snop  }
__scs_overlays_trampoline_lowered:
0x8: {  	[smem:$0x3FAE] =	sst s0  }
0x9: {  	[smem:$0x3FAF] =	sst s1  }
0xa: {  	[smem:$0x3FB0] =	sst s2  }
0xb: {  	[smem:$0x3FB1] =	sst s3  }
0xc: {  	[smem:$0x3FB2] =	sst s4  }
0xd: {  	[smem:$0x3FB3] =	sst s5  }
0xe: {  	[smem:$0x3FB4] =	sst s6  }
0xf: {  	[smem:$0x3FB5] =	sst s7  }
0x10: {  	[smem:$0x3FB6] =	sst s8  }
0x11: {  	[smem:$0x3FB7] =	sst s9;
	s0 =	simm.s32 @!p0 $0x0  }
0x12: {  	s1 =	sld [smem:$0x3F9D];
	s0 =	simm.s32 @p0 $0x1  }
0x13: {  	[smem:$0x3FB8] =	sst s0;
	s0 =	simm.s32 @!p1 $0x0  }
0x14: {  	s2 =	sld [smem:$0x3F9C];
	s0 =	simm.s32 @p1 $0x1  }
0x15: {  	[smem:$0x3FB9] =	sst s0;
	s0 =	simm.s32 @!p2 $0x0  }
0x16: {  	s3 =	sld [smem:$0x3FDB];
	s0 =	simm.s32 @p2 $0x1  }
0x17: {  	s4 =	simm.s32 $0x1BF5;
	[smem:$0x3FBB] =	sst s0  }
0x18: {  	s0 =	sld [smem:$0x3F9E];
	_ =	swait.ge [sflag:s4], $0x0  }
0x19: {  	s7 =	sld [smem:$0x3F9F]  }
0x1a: {  	s8 =	sadd.s32 $0xFFFFE003, lr  }
0x1b: {  	s9 =	sadd.s32 $0xFFFFFEF7, lr;
	s5 =	simm.s32 $0xFFFFFFFF;
	p2 =	slt.u32 s8, $0xFFFFF086  }
0x1c: {  	p1 =	slt.u32 s9, $0xF7A;
	s5 =	simm.s32 @!p2 $0x0  }
0x1d: {  	s5 =	simm.s32 @p1 $0x1;
	p0 =	seq.s32 s7, s2  }
0x1e: {  	s7 =	smul.u32 @!p0 $0xF7A, s2;
	p2 =	seq.s32 @!p0 s5, $0x0  }
0x1f: {  	s9 =	smul.u32 $0xF7A, s1;
	s8 =	simm.s32 @!p0 $0x1BF5;
	p2 =	por !p2, p0  }
0x20: {  	[sflag:s8] =	ssyncset.s32 @!p0 $0xFFFFF086;
	s6 =	sadd.s32 @!p0 s3, s7;
	s7 =	simm.s32 @!p0 $0x108  }
0x21: {  	s3 =	sadd.s32 s3, s9;
	s6 =	sadd.s32 @!p0 $0x88, s6;
	s7 =	simm.s32 @p2 $0x1082  }
0x22: {  	[simem:s7], [sflag:s8] =	dma.local @!p0 [hbm:s6], $0xF7A  }
0x23: {  	s9 =	sor.u32 $0xD0000000, s2;
	s6 =	simm.s32 $0x108;
	_ =	swait.ge @!p0 [sflag:s8], $0x0  }
0x24: {  	s3 =	sadd.s32 $0x88, s3;
	s6 =	simm.s32 @!p1 $0x1082;
	[sflag:s4] =	ssyncset.s32 $0xFFFFF086  }
0x25: {  	[simem:s6], [sflag:s4] =	dma.local [hbm:s3], $0xF7A  }
0x26: {  	[smem:$0x3F9F] =	sst s1;
	(tag) =	ssettag s2;
	_ =	strace s9  }
0x27: {  	s1 =	sld [smem:$0x3FAF]  }
0x28: {  	s2 =	sld [smem:$0x3FB0]  }
0x29: {  	s4 =	sld [smem:$0x3FB2]  }
0x2a: {  	p0 =	seq.s32 s5, $0x0;
	s5 =	sld [smem:$0x3FB3]  }
0x2b: {  	s6 =	sld [smem:$0x3FB4]  }
0x2c: {  	s7 =	sld [smem:$0x3FB5]  }
0x2d: {  	s3 =	simm.s32 $0x108;
	s8 =	sld [smem:$0x3FB6]  }
0x2e: {  	s3 =	simm.s32 @!p0 $0x1082;
	s9 =	sld [smem:$0x3FB7]  }
0x2f: {  	lr =	sadd.s32 s0, s3;
	s0 =	sld [smem:$0x3FAE]  }
0x30: {  	s3 =	sld [smem:$0x3FB1]  }
0x31: {  	[smem:$0x3FBA] =	sst s10  }
0x32: {  	s10 =	sld [smem:$0x3FB8];
	_ =	sdelay $0x3  }
0x33: {  	p0 =	seq.s32 s10, $0x1;
	s10 =	sld [smem:$0x3FBA];
	_ =	sdelay $0x3  }
0x34: {  	[smem:$0x3FBA] =	sst s10  }
0x35: {  	s10 =	sld [smem:$0x3FB9];
	_ =	sdelay $0x3  }
0x36: {  	p1 =	seq.s32 s10, $0x1;
	s10 =	sld [smem:$0x3FBA];
	_ =	sdelay $0x3  }
0x37: {  	[smem:$0x3FBA] =	sst s10  }
0x38: {  	s10 =	sld [smem:$0x3FBB]  }
0x39: {  	_ = 	snop;
	(pc) =	sbr.ind lr, $3  }
0x3a: {  	_ = 	snop  }
0x3b: {  	_ = 	snop  }
0x3c: {  	p2 =	seq.s32 s10, $0x1;
	s10 =	sld [smem:$0x3FBA]  }
0x3d: {  	_ =	shalt  }
0x3e: {  	_ =	shalt  }
0x3f: {  	_ =	shalt  }
0x40: {  	_ =	shalt  }
0x41: {  	_ =	shalt  }
0x42: {  	_ =	shalt  }
0x43: {  	_ =	shalt  }
0x44: {  	_ =	shalt  }
0x45: {  	_ =	shalt  }
0x46: {  	_ =	shalt  }
0x47: {  	_ =	shalt  }
0x48: {  	_ =	shalt  }
0x49: {  	_ =	shalt  }
0x4a: {  	_ =	shalt  }
0x4b: {  	_ =	shalt  }
0x4c: {  	_ =	shalt  }
0x4d: {  	_ =	shalt  }
0x4e: {  	_ =	shalt  }
0x4f: {  	_ =	shalt  }
0x50: {  	_ =	shalt  }
0x51: {  	_ =	shalt  }
0x52: {  	_ =	shalt  }
0x53: {  	_ =	shalt  }
0x54: {  	_ =	shalt  }
0x55: {  	_ =	shalt  }
0x56: {  	_ =	shalt  }
0x57: {  	_ =	shalt  }
0x58: {  	_ =	shalt  }
0x59: {  	_ =	shalt  }
0x5a: {  	_ =	shalt  }
0x5b: {  	_ =	shalt  }
0x5c: {  	_ =	shalt  }
0x5d: {  	_ =	shalt  }
0x5e: {  	_ =	shalt  }
0x5f: {  	_ =	shalt  }
0x60: {  	_ =	shalt  }
0x61: {  	_ =	shalt  }
0x62: {  	_ =	shalt  }
0x63: {  	_ =	shalt  }
0x64: {  	_ =	shalt  }
0x65: {  	_ =	shalt  }
0x66: {  	_ =	shalt  }
0x67: {  	_ =	shalt  }
0x68: {  	_ =	shalt  }
0x69: {  	_ =	shalt  }
0x6a: {  	_ =	shalt  }
0x6b: {  	_ =	shalt  }
0x6c: {  	_ =	shalt  }
0x6d: {  	_ =	shalt  }
0x6e: {  	_ =	shalt  }
0x6f: {  	_ =	shalt  }
0x70: {  	_ =	shalt  }
0x71: {  	_ =	shalt  }
0x72: {  	_ =	shalt  }
0x73: {  	_ =	shalt  }
0x74: {  	_ =	shalt  }
0x75: {  	_ =	shalt  }
0x76: {  	_ =	shalt  }
0x77: {  	_ =	shalt  }
0x78: {  	_ =	shalt  }
0x79: {  	_ =	shalt  }
0x7a: {  	_ =	shalt  }
0x7b: {  	_ =	shalt  }
0x7c: {  	_ =	shalt  }
0x7d: {  	_ =	shalt  }
0x7e: {  	_ =	shalt  }
0x7f: {  	_ =	shalt  }
0x80: {  	_ =	shalt  }
0x81: {  	_ =	shalt  }
0x82: {  	_ =	shalt  }
0x83: {  	_ =	shalt  }
0x84: {  	_ =	shalt  }
0x85: {  	_ =	shalt  }
0x86: {  	_ =	shalt  }
0x87: {  	_ =	shalt  }
.Lfunc_end0:
.L_simem_size_0:
called_computation_lowered:
.L_overlay_start_0:
0x88: {  	s2 =	sld [smem:$0x3FD9]  }
0x89: {  	s3 =	sld [smem:$0x3FFE];
	_ =	sdelay $0x1  }
0x8a: {  	s1 =	srdreg.scid  }
0x8b: {  	s0 =	sand.u32 $0x1, s1  }
0x8c: {  	s14 =	sshll.u32 s0, $0xA;
	s2 =	sadd.s32 s3, s2  }
0x8d: {  	s2 =	sadd.s32 s2, s14  }
0x8e: {  	[smem:$0x3FC6] =	sst s2  }
0x8f: {  	_ = 	snop  }
0x90: {  	s2 =	sld [smem:$0x3FD0];
	_ =	sdelay $0x2  }
0x91: {  	s15 =	simm.s32 $0xA;
	s4 =	simm.s32 $0x10  }
0x92: {  	[smem:s4], [sflag:s15] =	dma.local [hbm:s2], $0x1  }
0x93: {  	_ =	swait.eq [sflag:s15], $0x1  }
0x94: {  	[sflag:s15] =	ssyncset.done $0x0  }
0x95: {  	s16 =	sld [smem:$0x10];
	[sflag:s15] =	ssyncadd.s32 $0xFFFFFFFF  }
0x96: {  	s17 =	sld [smem:$0x11];
	(tm) =	ssettm $0x1  }
0x97: {  	s18 =	sld [smem:$0x3FFB];
	_ =	sdelay $0x3  }
0x98: {  	_ =	strace s18  }
0x99: {  	s4 =	sld [smem:$0x3FFC];
	_ =	sdelay $0x3  }
0x9a: {  	_ =	strace s4  }
0x9b: {  	s4 =	sld [smem:$0x3FFD];
	_ =	sdelay $0x3  }
0x9c: {  	_ =	strace s4  }
0x9d: {  	_ =	strace $0x8FFFFFFF  }
0x9e: {  	s19 =	sld [smem:$0x3FDB];
	_ =	sdelay $0x1  }
0x9f: {  	s5 =	simm.s32 $_scs_section_size  }
0xa0: {  	s6 =	simm.s32 $_size__tile_overlayer_lowered;
	s7 =	simm.s32 $_tile_overlayer_lowered  }
0xa1: {  	s22 =	simm.s32 $0x1BFF;
	s21 =	sshll.u32 s7, $0x1;
	s4 =	sadd.s32 s5, s19  }
0xa2: {  	s8 =	simm.s32 $0x0;
	s20 =	sshll.u32 s6, $0x1;
	s6 =	sadd.s32 s21, s4  }
0xa3: {  	[timem:s8], [sflag:s22] =	dma.local [hbm:s6], s20  }
0xa4: {  	_ =	swait.ge [sflag:s22], s20  }
0xa5: {  	s5 =	ssub.s32 $0x0, s20;
	[sflag:s22] =	ssyncset.done $0x0  }
0xa6: {  	[sflag:s22] =	ssyncadd.s32 s5;
	_ =	sdelay $0x1  }
0xa7: {  	s23 =	simm.s32 $0x1B8B  }
0xa8: {  	_ =	swait.ge [sflag:s23], $0x1  }
0xa9: {  	[sflag:s23] =	ssyncset.done $0x0  }
0xaa: {  	s25 =	simm.s32 $0x1B8E;
	s24 =	sld [smem:$0x3FFE];
	[sflag:s23] =	ssyncadd.s32 $0xFFFFFFFF  }
0xab: {  	s26 =	simm.s32 $execute0_lowered;
	[smem:$0x3FD2] =	sst s25  }
0xac: {  	s6 =	sshll.u32 s26, $0x1;
	_ =	strace $0x80000046;
	[dreg:$0x1] =	wrdreg $0xFFFFFFFF  }
0xad: {  	s28 =	simm.s32 $_size_execute0_lowered;
	s4 =	sadd.s32 s4, s6;
	[dreg:$0x0] =	wrdreg $0x0  }
0xae: {  	s6 =	sshll.u32 s28, $0x1;
	[dreg:$0x2] =	wrdreg s4  }
0xaf: {  	[dreg:$0x3] =	wrdreg s6  }
0xb0: {  	[dreg:$0x4] =	wrdreg $0xC0  }
0xb1: {  	_ =	task [dreg:s8], $0x5FFFF  }
0xb2: {  	[dreg:$0x1] =	wrdreg $0xFFFFFFFF  }
0xb3: {  	[dreg:$0x0] =	wrdreg $0x60  }
0xb4: {  	[dreg:$0x2] =	wrdreg s24  }
0xb5: {  	[dreg:$0x3] =	wrdreg s17  }
0xb6: {  	[dreg:$0x4] =	wrdreg s16  }
0xb7: {  	[dreg:$0x5] =	wrdreg $0x9  }
0xb8: {  	_ =	task.clear_ibuf [dreg:s8], $0x6FFFF;
	_ =	strace $0x90000046  }
0xb9: {  	s29 =	simm.s32 $0x9;
	_ =	strace $0x80000048  }
0xba: {  	_ =	swait.ge [sflag:s29], $0x1  }
0xbb: {  	[sflag:s29] =	ssyncadd.s32 $0xFFFFFFFF  }
0xbc: {  	_ =	strace $0x90000048  }
0xbd: {  	_ =	sfence  }
0xbe: {  	s30 =	sld [smem:$0x0];
	_ =	sdelay $0x2  }
0xbf: {  	s31 =	sshll.u32 s1, $0xD;
	s1 =	sshrl.u32 s1, $0x2  }
0xc0: {  	s3 =	sand.u32 $0x4000, s31;
	s1 =	sadd.s32 s1, s30  }
0xc1: {  	s0 =	sor.u32 s3, s0;
	s1 =	sshll.u32 s1, $0x11  }
0xc2: {  	s0 =	sor.u32 s1, s0  }
0xc3: {  	s0 =	sadd.s32 $0x8F2B, s0  }
0xc4: {  	[sflag:s0] =	ssyncadd.remote.s32 $0x1  }
0xc5: {  	_ =	sfence.sel $0xFFFF  }
0xc6: {  	[dreg:$0x0] =	wrdreg $0xFFFFFFFF;
	(pc) =	sbr.abs _section_cstart, $3  }
0xc7: {  	[dreg:$0x1] =	wrdreg $0xFFFFFFFF  }
0xc8: {  	_ =	task.clear_ibuf [dreg:s8], $0x2FFFF;
	_ =	strace $0x9FFFFFFF  }
0xc9: {  	(tm) =	ssettm $0x7FFFFFFF  }
tec
execute0_lowered:
.L_overlay_start_1:
0x0: {  	(tag) =	ssettag $0x1  }
0x1: {  	s1 =	rddreg [dreg:$0x0];
	s2 =	srdreg.scid  }
0x2: {  	s4 =	rddreg [dreg:$0x1];
	s0 =	stileid.u32;
	s14 =	sand.u32 $0x1, s2  }
0x3: {  	s15 =	rddreg [dreg:$0x2];
	s5 =	sshll.u32 s0, $0xA;
	s6 =	sshll.u32 s14, $0x9  }
0x4: {  	s3 =	simm.s32 $0x0;
	s2 =	rddreg [dreg:$0x3];
	s16 =	sor.u32 s6, s5  }
0x5: {  	[smem:$0x7FF] =	sst s3;
	s5 =	sshrl.u32 s16, $0x3  }
0x6: {  	_ =	strace $0x80000047;
	s5 =	sadd.s32 s4, s5;
	s4 =	simm.s32 $0x2  }
0x7: {  	[tilespmem:s3], [sflag:$0x2] =	stream.linear.gather [hbm4b:s5+s3], $0x200, $0x38;
	[tilespmem:$0x4200] =	vst v63  }
0x8: {  	_ =	swait.ge [sflag:s4], $0x200  }
0x9: {  	[sflag:s4] =	ssyncset.done $0x0  }
0xa: {  	s7 =	simm.s32 $0x200;
	s6 =	simm.s32 $0x80;
	[sflag:s4] =	ssyncadd.s32 $0xFFFFFE00  }
0xb: {  	[tilespmem:s7], [sflag:$0x1] =	stream.indirect.gather [hbm4b:s1+s6], $0x20, s3, s6, $0xb8;
	[tilespmem:$0x4200] =	vst v63  }
0xc: {  	s8 =	simm.s32 $0x1200  }
0xd: {  	[tilespmem:s8], [sflag:$0x1] =	stream.indirect.gather [hbm4b:s1+s6], $0x20, s6, s6, $0xb8;
	[tilespmem:$0x4200] =	vst v63  }
0xe: {  	s9 =	simm.s32 $0x100;
	s10 =	simm.s32 $0x2200  }
0xf: {  	[tilespmem:s10], [sflag:$0x1] =	stream.indirect.gather [hbm4b:s1+s6], $0x20, s9, s6, $0xb8;
	[tilespmem:$0x4200] =	vst v63  }
0x10: {  	s11 =	simm.s32 $0x180;
	s12 =	simm.s32 $0x3200;
	s13 =	simm.s32 $0x1  }
0x11: {  	[tilespmem:s12], [sflag:$0x1] =	stream.indirect.gather [hbm4b:s1+s6], $0x20, s11, s6, $0xb8;
	[tilespmem:$0x4200] =	vst v63  }
0x12: {  	_ =	swait.ge [sflag:s13], $0x1000  }
0x13: {  	[sflag:s13] =	ssyncset.done $0x0  }
0x14: {  	[sflag:s13] =	ssyncadd.s32 $0xFFFFF000  }
0x15: {  	_ =	swait.ge [sflag:s13], $0x1000  }
0x16: {  	[sflag:s13] =	ssyncset.done $0x0  }
0x17: {  	s14 =	ssub.s32 $0x2, s14;
	[sflag:s13] =	ssyncadd.s32 $0xFFFFF000  }
0x18: {  	s17 =	sshrl.u32 s14, $0x1;
	_ =	swait.ge [sflag:s13], $0x1000  }
0x19: {  	s17 =	ssub.s32 s14, s17;
	[sflag:s13] =	ssyncset.done $0x0  }
0x1a: {  	s31 =	smax.u32 s17, $0x1;
	[sflag:s13] =	ssyncadd.s32 $0xFFFFF000  }
0x1b: {  	p0 =	sne.s32 s31, $0x1;
	_ =	swait.ge [sflag:s13], $0x1000  }
.Ltmp0:
0x1c: {  	s30 =	sshll.u32 s16, $0x2;
	[sflag:s13] =	ssyncset.done $0x0;
	(pc) =	sbr.rel @!p0 .LBB2_2-.Ltmp0, $4  }
0x1d: {  	s14 =	sadd.s32 s15, s30;
	[sflag:s13] =	ssyncadd.s32 $0xFFFFF000  }
0x1e: {  	[hbm4b:s14+s3] =	stream.linear.scatter [tilespmem:s7], [sflag:$0x2], $0x4000, $0x38;
	[tilespmem:$0x4200] =	vst v63  }
0x1f: {  	_ =	swait.ge [sflag:s4], $0x4000  }
0x20: {  	s15 =	sadd.s32 $0xFFFFFFFF, s31;
	[sflag:s4] =	ssyncset.done $0x0  }
.LBB2_1:
0x21: {  	p0 =	sne.s32 s15, $0x1;
	s15 =	sadd.s32 $0xFFFFFFFF, s15;
	[sflag:s4] =	ssyncadd.s32 $0xFFFFC000  }
0x22: {  	[tilespmem:s3], [sflag:$0x2] =	stream.linear.gather [hbm4b:s5+s3], $0x200, $0x38;
	[tilespmem:$0x4200] =	vst v63  }
0x23: {  	_ =	swait.ge [sflag:s4], $0x200  }
0x24: {  	[sflag:s4] =	ssyncset.done $0x0  }
0x25: {  	[sflag:s4] =	ssyncadd.s32 $0xFFFFFE00  }
0x26: {  	[tilespmem:s7], [sflag:$0x1] =	stream.indirect.gather [hbm4b:s1+s6], $0x20, s3, s6, $0xb8;
	[tilespmem:$0x4200] =	vst v63  }
0x27: {  	_ = 	snop  }
0x28: {  	[tilespmem:s8], [sflag:$0x1] =	stream.indirect.gather [hbm4b:s1+s6], $0x20, s6, s6, $0xb8;
	[tilespmem:$0x4200] =	vst v63  }
0x29: {  	_ = 	snop  }
0x2a: {  	[tilespmem:s10], [sflag:$0x1] =	stream.indirect.gather [hbm4b:s1+s6], $0x20, s9, s6, $0xb8;
	[tilespmem:$0x4200] =	vst v63  }
0x2b: {  	_ = 	snop  }
0x2c: {  	[tilespmem:s12], [sflag:$0x1] =	stream.indirect.gather [hbm4b:s1+s6], $0x20, s11, s6, $0xb8;
	[tilespmem:$0x4200] =	vst v63  }
0x2d: {  	_ =	swait.ge [sflag:s13], $0x1000  }
0x2e: {  	[sflag:s13] =	ssyncset.done $0x0  }
0x2f: {  	[sflag:s13] =	ssyncadd.s32 $0xFFFFF000  }
0x30: {  	_ =	swait.ge [sflag:s13], $0x1000  }
0x31: {  	[sflag:s13] =	ssyncset.done $0x0  }
0x32: {  	[sflag:s13] =	ssyncadd.s32 $0xFFFFF000  }
0x33: {  	_ =	swait.ge [sflag:s13], $0x1000  }
0x34: {  	[sflag:s13] =	ssyncset.done $0x0  }
0x35: {  	[sflag:s13] =	ssyncadd.s32 $0xFFFFF000  }
0x36: {  	_ =	swait.ge [sflag:s13], $0x1000  }
.Ltmp1:
0x37: {  	[sflag:s13] =	ssyncset.done $0x0;
	(pc) =	sbr.rel @p0 .LBB2_1-.Ltmp1, $4  }
0x38: {  	[sflag:s13] =	ssyncadd.s32 $0xFFFFF000  }
0x39: {  	[hbm4b:s14+s3] =	stream.linear.scatter [tilespmem:s7], [sflag:$0x2], $0x4000, $0x38;
	[tilespmem:$0x4200] =	vst v63  }
0x3a: {  	_ =	swait.ge [sflag:s4], $0x4000  }
0x3b: {  	[sflag:s4] =	ssyncset.done $0x0  }
.LBB2_2:
0x3c: {  	[sflag:s4] =	ssyncadd.s32 $0xFFFFC000  }
0x3d: {  	_ =	sfence.sel $0x180000  }
0x3e: {  	[bflag:$0x0] =	sbarrier.arrive $0xFFFF  }
0x3f: {  	p0 =	sne.s32 s0, $0x0;
	_ =	strace $0x90000047  }
0x40: {  	s0 =	sadd.s32 @!p0 $0x100000, s2;
	[bflag:$0x2] =	sbarrier.arrive $0xFFFF  }
0x41: {  	[sflag:s0] =	ssyncadd.tile.s32 @!p0 $0x1;
	_ =	shalt  }
.Lfunc_end2:
_tile_overlayer_lowered:
.L_overlay_start_2:
0x42: {  	(tag) =	ssettag $0x2  }
0x43: {  	s0 =	rddreg [dreg:$0x0];
	s2 =	stileid.u32  }
0x44: {  	s1 =	rddreg [dreg:$0x1];
	p0 =	sne.s32 s2, $0x0  }
0x45: {  	s3 =	rddreg [dreg:$0x2];
	[bflag:$0x3] =	sbarrier.arrive $0xFFFF;
	s2 =	simm.s32 @!p0 $0x1C02  }
0x46: {  	[timem:s3], [sflag:s2] =	dma.local @!p0 [hbm:s0], s1  }
0x47: {  	s0 =	simm.s32 @!p0 $0x2  }
0x48: {  	_ =	swait.ge @!p0 [sflag:s0], s1  }
0x49: {  	s1 =	ssub.s32 @!p0 $0x0, s1;
	[sflag:s0] =	ssyncset.done @!p0 $0x0  }
0x4a: {  	[sflag:s0] =	ssyncadd.s32 @!p0 s1  }
0x4b: {  	[bflag:$0x3] =	sbarrier.arrive $0xFFFF  }
0x4c: {  	_ =	shalt  }

</sc_bundles>
